<compile_context>
chip_gen: v7x
topology: tpu7x:2x2x1
jax: 0.10.2.dev20260603
libtpu: 0.0.44.dev20260713+nightly
codegen_flags: <defaults>
</compile_context>

<pallas_src>
import jax
import jax.numpy as jnp
from jax import lax
from jax.experimental import pallas as pl
from jax.experimental.pallas import tpu as pltpu
from jax.experimental.pallas import tpu_sc as plsc

N = 10000
D = 128
CD = 64
E = 320000
LANES = 128
CHUNK = 16
NSC = 2
NTILE = 16
NACC = 10240
RPT = NACC // NTILE
OPT = 624
TAIL = N - OPT * NTILE

_MESH = plsc.VectorSubcoreMesh(core_axis_name="c", subcore_axis_name="s",
                               num_cores=NSC, num_subcores=NTILE)


def _make_seg(nsteps):
    def body(tbl, gidx_h, sidx_h, out, gidx, sidx, rows, acc, gsem, ssem):
        c = lax.axis_index("c")
        s = lax.axis_index("s")
        wid = c * NTILE + s

        def zrow(i, _):
            r = i // (D // 16)
            k = (i % (D // 16)) * 16
            rows[0, r, pl.ds(k, 16)] = jnp.zeros((16,), jnp.float32)
            return 0
        lax.fori_loop(0, LANES * (D // 16), zrow, 0)
        base = s * RPT
        for j in range(RPT // LANES):
            pltpu.sync_copy(rows.at[0], acc.at[pl.ds(base + j * LANES, LANES)])
        plsc.subcore_barrier()

        pltpu.sync_copy(gidx_h.at[wid, pl.ds(0, CHUNK)], gidx.at[0])
        pltpu.sync_copy(sidx_h.at[wid, pl.ds(0, CHUNK)], sidx.at[0])
        pltpu.async_copy(tbl.at[gidx.at[0, 0]], rows.at[0], gsem)

        def step(j, _):
            pj = j % 2
            jn = j + 1
            bn = jn // CHUNK

            @pl.when((jn % CHUNK == 0) & (jn < nsteps))
            def _stage():
                bb = bn % 2
                pltpu.sync_copy(gidx_h.at[wid, pl.ds(bn * CHUNK, CHUNK)],
                                gidx.at[bb])
                pltpu.sync_copy(sidx_h.at[wid, pl.ds(bn * CHUNK, CHUNK)],
                                sidx.at[bb])

            bj = (j // CHUNK) % 2

            @pl.when(jn < nsteps)
            def _next():
                @pl.when(j >= 1)
                def _ws():
                    pltpu.make_async_copy(rows.at[1 - pj],
                                          acc.at[sidx.at[0, 0]], ssem).wait()
                pltpu.async_copy(tbl.at[gidx.at[(jn // CHUNK) % 2,
                                                jn % CHUNK]],
                                 rows.at[1 - pj], gsem)

            pltpu.make_async_copy(tbl.at[gidx.at[bj, j % CHUNK]],
                                  rows.at[pj], gsem).wait()
            pltpu.async_copy(rows.at[pj], acc.at[sidx.at[bj, j % CHUNK]],
                             ssem, add=True)
            return 0
        lax.fori_loop(0, nsteps, step, 0)
        pltpu.make_async_copy(rows.at[(nsteps - 1) % 2],
                              acc.at[sidx.at[0, 0]], ssem).wait()
        plsc.subcore_barrier()

        ob = s * OPT
        pltpu.sync_copy(acc.at[pl.ds(ob, OPT)], out.at[c, pl.ds(ob, OPT)])
        tb = OPT * NTILE

        @pl.when(s == 0)
        def _tail():
            pltpu.sync_copy(acc.at[pl.ds(tb, TAIL)], out.at[c, pl.ds(tb, TAIL)])

    return pl.kernel(
        body,
        out_type=jax.ShapeDtypeStruct((NSC, N, D), jnp.float32),
        mesh=_MESH,
        scratch_types=[
            pltpu.VMEM((2, CHUNK, LANES), jnp.int32),
            pltpu.VMEM((2, CHUNK, LANES), jnp.int32),
            pltpu.VMEM((2, LANES, D), jnp.float32),
            pltpu.VMEM_SHARED((NACC, D), jnp.float32),
            pltpu.SemaphoreType.DMA,
            pltpu.SemaphoreType.DMA,
        ])


def _make_cnt(nsteps):
    nblk = nsteps // CHUNK

    def body(sidx_h, out, sidx, ones_v, cacc):
        c = lax.axis_index("c")
        s = lax.axis_index("s")
        wid = c * NTILE + s

        def zrow(i, _):
            r = i // (D // 16)
            k = (i % (D // 16)) * 16
            ones_v[r, pl.ds(k, 16)] = jnp.zeros((16,), jnp.float32)
            return 0
        lax.fori_loop(0, LANES * (D // 16), zrow, 0)
        base = s * RPT
        for j in range(RPT // LANES):
            pltpu.sync_copy(ones_v, cacc.at[pl.ds(base + j * LANES, LANES)])

        def onerow(i, _):
            r = i // (D // 16)
            k = (i % (D // 16)) * 16
            ones_v[r, pl.ds(k, 16)] = jnp.ones((16,), jnp.float32)
            return 0
        lax.fori_loop(0, LANES * (D // 16), onerow, 0)
        plsc.subcore_barrier()

        def blk_body(b, _):
            pltpu.sync_copy(sidx_h.at[wid, pl.ds(b * CHUNK, CHUNK)], sidx)

            def step(j, _):
                pltpu.sync_copy(ones_v, cacc.at[sidx.at[j]], add=True)
                return 0
            lax.fori_loop(0, CHUNK, step, 0)
            return 0
        lax.fori_loop(0, nblk, blk_body, 0)
        plsc.subcore_barrier()

        ob = s * OPT
        pltpu.sync_copy(cacc.at[pl.ds(ob, OPT)], out.at[c, pl.ds(ob, OPT)])
        tb = OPT * NTILE

        @pl.when(s == 0)
        def _tail():
            pltpu.sync_copy(cacc.at[pl.ds(tb, TAIL)],
                            out.at[c, pl.ds(tb, TAIL)])

    return pl.kernel(
        body,
        out_type=jax.ShapeDtypeStruct((NSC, N, D), jnp.float32),
        mesh=_MESH,
        scratch_types=[
            pltpu.VMEM((CHUNK, LANES), jnp.int32),
            pltpu.VMEM((LANES, D), jnp.float32),
            pltpu.VMEM_SHARED((NACC, D), jnp.float32),
        ])


_seg_a = _make_seg(80)
_seg_c = _make_seg(160)
_cnt_k = _make_cnt(160)



BN = 2000


def _dotT(a, w):
    return lax.dot_general(a, w, (((1,), (1,)), ((), ())),
                           preferred_element_type=jnp.float32)


def _enc_body(x, w, b, o):
    v = jnp.maximum(_dotT(x[...], w[...]) + b[...], 0.0)
    o[0] = v
    o[1] = v


_enc = pl.pallas_call(
    _enc_body,
    grid=(N // BN,),
    in_specs=[pl.BlockSpec((BN, D), lambda i: (i, 0)),
              pl.BlockSpec((D, D), lambda i: (0, 0)),
              pl.BlockSpec((1, D), lambda i: (0, 0))],
    out_specs=pl.BlockSpec((2, BN, D), lambda i: (0, i, 0)),
    out_shape=jax.ShapeDtypeStruct((2, N, D), jnp.float32),
)


def _b_body(sums, cnt, x, wl, bl, wr, gwl, gbl, gwr, xo, gout):
    sm = sums[...]
    denom = jnp.maximum(cnt[0, :, 0:1], 1.0)
    agg = (sm[0] + sm[1]) / denom
    xx = x[0]
    xo[...] = jnp.maximum(_dotT(agg, wl[...]) + bl[...] + _dotT(xx, wr[...]),
                          0.0)
    g = jnp.maximum(_dotT(agg, gwl[...]) + gbl[...] + _dotT(xx, gwr[...]),
                    0.0)
    gout[0] = g
    gout[1] = g * g


_bk = pl.pallas_call(
    _b_body,
    grid=(N // BN,),
    in_specs=[pl.BlockSpec((2, BN, D), lambda i: (0, i, 0)),
              pl.BlockSpec((2, BN, D), lambda i: (0, i, 0)),
              pl.BlockSpec((1, BN, D), lambda i: (0, i, 0)),
              pl.BlockSpec((D, D), lambda i: (0, 0)),
              pl.BlockSpec((1, D), lambda i: (0, 0)),
              pl.BlockSpec((D, D), lambda i: (0, 0)),
              pl.BlockSpec((D, D), lambda i: (0, 0)),
              pl.BlockSpec((1, D), lambda i: (0, 0)),
              pl.BlockSpec((D, D), lambda i: (0, 0))],
    out_specs=[pl.BlockSpec((BN, D), lambda i: (i, 0)),
               pl.BlockSpec((2, BN, D), lambda i: (0, i, 0))],
    out_shape=[jax.ShapeDtypeStruct((N, D), jnp.float32),
               jax.ShapeDtypeStruct((2, N, D), jnp.float32)],
)


def _d_body(x, xn, xg, s12, cnt, o):
    c0 = cnt[1, :, 0:1]
    g = xg[0]
    sm = s12[...]
    dsum = c0 * g * g - 2.0 * g * sm[0] + sm[1]
    tau = jnp.tanh(dsum / jnp.maximum(c0, 1.0))
    xx = x[0]
    v = xx + tau * (xn[...] - xx)
    o[0] = v
    o[1] = v


_dk = pl.pallas_call(
    _d_body,
    grid=(N // BN,),
    in_specs=[pl.BlockSpec((1, BN, D), lambda i: (0, i, 0)),
              pl.BlockSpec((BN, D), lambda i: (i, 0)),
              pl.BlockSpec((1, BN, D), lambda i: (0, i, 0)),
              pl.BlockSpec((2, BN, D), lambda i: (0, i, 0)),
              pl.BlockSpec((2, BN, D), lambda i: (0, i, 0))],
    out_specs=pl.BlockSpec((2, BN, D), lambda i: (0, i, 0)),
    out_shape=jax.ShapeDtypeStruct((2, N, D), jnp.float32),
)


def _dec_body(x, w, b, o):
    o[...] = _dotT(x[0], w[...]) + b[...]


_dec = pl.pallas_call(
    _dec_body,
    grid=(N // BN,),
    in_specs=[pl.BlockSpec((1, BN, D), lambda i: (0, i, 0)),
              pl.BlockSpec((CD, D), lambda i: (0, 0)),
              pl.BlockSpec((1, CD), lambda i: (0, 0))],
    out_specs=pl.BlockSpec((BN, CD), lambda i: (i, 0)),
    out_shape=jax.ShapeDtypeStruct((N, CD), jnp.float32),
)


def kernel(x, edge_index, enc_W, enc_b, conv_Wl, conv_bl, conv_Wr,
           gg_Wl, gg_bl, gg_Wr, dec_W, dec_b):
    EPAD = 32 * 80 * LANES
    PAD = EPAD - E
    src = edge_index[0]
    dst = edge_index[1]
    pz = jnp.zeros((PAD,), jnp.int32)
    pt = N + (jnp.arange(PAD, dtype=jnp.int32) % (NACC - N))
    src_g = jnp.concatenate([src, pz])
    dst_t = jnp.concatenate([dst, pt])
    src_g32 = src_g.reshape(32, 80, LANES)
    gA = jnp.concatenate([src_g32[:16], src_g32[16:] + N], axis=0)
    sA = dst_t.reshape(32, 80, LANES)
    dst_g16 = jnp.concatenate([dst, pz]).reshape(16, 160, LANES)
    gC = jnp.concatenate([dst_g16, dst_g16 + N], axis=0)
    src_s16 = jnp.concatenate([src, pt]).reshape(16, 160, LANES)
    sC = jnp.concatenate([src_s16, src_s16], axis=0)
    sCnt = jnp.concatenate([dst_t.reshape(16, 160, LANES),
                            src_s16], axis=0)

    eb = enc_b.reshape(1, D)
    cbl = conv_bl.reshape(1, D)
    gbl = gg_bl.reshape(1, D)
    db = dec_b.reshape(1, CD)

    cnt2 = _cnt_k(sCnt)
    X = _enc(x, enc_W, eb)

    for _ in range(2):
        sumsA = _seg_a(X.reshape(2 * N, D), gA, sA)
        X_, G = _bk(sumsA, cnt2, X, conv_Wl, cbl, conv_Wr,
                    gg_Wl, gbl, gg_Wr)
        s12 = _seg_c(G.reshape(2 * N, D), gC, sC)
        X = _dk(X, X_, G, s12, cnt2)

    return _dec(X, dec_W, db)

# --- scband reference (transcript-rebuilt; emitter-appended) ---
"""Pipeline reference for scband-g2-gnn-24601572672051 (READ-ONLY COPY).

The authoritative reference and input builder live on the scoring server;
editing this copy changes nothing except your own understanding.
"""

import jax, jax.numpy as jnp
import numpy as np

N = 10000
E = 320000
D = 128
C = 64
P = 2.0
NUM_LAYERS = 2


def setup_inputs(seed: int = 0) -> dict:
    key = jax.random.key(seed)
    ks = jax.random.split(key, 14)
    s = 1.0 / np.sqrt(D)
    x = jax.random.normal(ks[0], (N, D), dtype=jnp.float32)
    edge_index = jax.random.randint(ks[1], (2, E), 0, N, dtype=jnp.int32)
    enc_W = jax.random.normal(ks[2], (D, D), dtype=jnp.float32) * s
    enc_b = jnp.zeros((D,), dtype=jnp.float32)
    conv_Wl = jax.random.normal(ks[3], (D, D), dtype=jnp.float32) * s
    conv_bl = jnp.zeros((D,), dtype=jnp.float32)
    conv_Wr = jax.random.normal(ks[4], (D, D), dtype=jnp.float32) * s
    gg_Wl = jax.random.normal(ks[5], (D, D), dtype=jnp.float32) * s
    gg_bl = jnp.zeros((D,), dtype=jnp.float32)
    gg_Wr = jax.random.normal(ks[6], (D, D), dtype=jnp.float32) * s
    dec_W = jax.random.normal(ks[7], (C, D), dtype=jnp.float32) * s
    dec_b = jnp.zeros((C,), dtype=jnp.float32)
    return {"x": x, "edge_index": edge_index, "enc_W": enc_W, "enc_b": enc_b,
            "conv_Wl": conv_Wl, "conv_bl": conv_bl, "conv_Wr": conv_Wr,
            "gg_Wl": gg_Wl, "gg_bl": gg_bl, "gg_Wr": gg_Wr,
            "dec_W": dec_W, "dec_b": dec_b}


def _segment_mean(vals, idx, n):
    s = jax.ops.segment_sum(vals, idx, num_segments=n)
    cnt = jax.ops.segment_sum(jnp.ones((idx.shape[0], 1), vals.dtype), idx, num_segments=n)
    return s / jnp.maximum(cnt, 1.0)


def _sage(x, src, dst, Wl, bl, Wr):
    # PyG SAGEConv: lin_l(mean_{j->i} x_j) + lin_r(x_i); lin_r has no bias
    agg = _segment_mean(x[src], dst, x.shape[0])
    return agg @ Wl.T + bl + x @ Wr.T


def reference(x, edge_index, enc_W, enc_b, conv_Wl, conv_bl, conv_Wr, gg_Wl, gg_bl, gg_Wr, dec_W, dec_b):
    src = edge_index[0]
    dst = edge_index[1]
    X = jax.nn.relu(x @ enc_W.T + enc_b)
    for _ in range(NUM_LAYERS):
        X_ = jax.nn.relu(_sage(X, src, dst, conv_Wl, conv_bl, conv_Wr))
        # G2 gating with conv_gg
        Xg = jax.nn.relu(_sage(X, src, dst, gg_Wl, gg_bl, gg_Wr))
        diff = jnp.abs(Xg[src] - Xg[dst]) ** P
        tau = jnp.tanh(_segment_mean(diff, src, X.shape[0]))
        X = (1.0 - tau) * X + tau * X_
    return X @ dec_W.T + dec_b

if __name__ == "__main__":
    import jax
    _d = setup_inputs()
    print(jax.jit(kernel)(*tuple(_d.values())))

</pallas_src>

<mosaic_0001>
#map = affine_map<(d0, d1) -> (0, 0)>
#map1 = affine_map<(d0, d1) -> (0, 0, 0)>
module attributes {stable_mosaic.version = 14 : i64} {
  func.func @body(%arg0: i32, %arg1: i32, %arg2: memref<20000x128xf32, #tpu.memory_space<hbm>>, %arg3: memref<32x80x128xi32, #tpu.memory_space<hbm>>, %arg4: memref<32x80x128xi32, #tpu.memory_space<hbm>>, %arg5: memref<2x10000x128xf32, #tpu.memory_space<hbm>>, %arg6: memref<2x16x128xi32, #tpu.memory_space<vmem>>, %arg7: memref<2x16x128xi32, #tpu.memory_space<vmem>>, %arg8: memref<2x128x128xf32, #tpu.memory_space<vmem>>, %arg9: memref<10240x128xf32, #tpu.memory_space<vmem_shared>>, %arg10: memref<!tpu.dma_semaphore, #tpu.memory_space<semaphore_mem>>, %arg11: memref<!tpu.dma_semaphore, #tpu.memory_space<semaphore_mem>>) attributes {dimension_semantics = [#tpu.dimension_semantics<core_parallel>, #tpu.dimension_semantics<subcore_parallel>], iteration_bounds = array<i64: 2, 16>, scalar_prefetch = 0 : i64, scratch_operands = 6 : i64, tpu.core_type = #tpu.core_type<sc_vector_subcore>, window_params = [{transform_indices = #map}, {transform_indices = #map1}, {transform_indices = #map1}, {transform_indices = #map1}]} {
    %mul3A = arith.constant 16 : i32
    %mul3A_0 = arith.muli %arg0, %mul3A : i32
    %add3A = arith.addi %mul3A_0, %arg1 : i32
    %scan3A = arith.constant 0 : i32
    %scan3A_1 = arith.constant 0 : i32
    %scan3A_2 = arith.constant 1024 : i32
    %scan3A_3 = arith.addi %scan3A_1, %scan3A_2 : i32
    %scan3A_4 = arith.constant 1 : i32
    %scan3A_5 = scf.for %scan3A_61 = %scan3A_1 to %scan3A_3 step %scan3A_4 iter_args(%scan3A_62 = %scan3A) -> (i32)  : i32 {
      %jit3A = arith.constant 8 : i32
      %div3A = arith.divsi %scan3A_61, %jit3A : i32
      %sign3A = arith.constant 0 : i32
      %sign3A_63 = arith.cmpi sgt, %scan3A_61, %sign3A : i32
      %sign3A_64 = arith.extui %sign3A_63 : i1 to i32
      %sign3A_65 = arith.constant 0 : i32
      %sign3A_66 = arith.cmpi slt, %scan3A_61, %sign3A_65 : i32
      %sign3A_67 = arith.extui %sign3A_66 : i1 to i32
      %sign3A_68 = arith.subi %sign3A_64, %sign3A_67 : i32
      %sign3A_69 = arith.constant 0 : i32
      %sign3A_70 = arith.cmpi sgt, %jit3A, %sign3A_69 : i32
      %sign3A_71 = arith.extui %sign3A_70 : i1 to i32
      %sign3A_72 = arith.constant 0 : i32
      %sign3A_73 = arith.cmpi slt, %jit3A, %sign3A_72 : i32
      %sign3A_74 = arith.extui %sign3A_73 : i1 to i32
      %sign3A_75 = arith.subi %sign3A_71, %sign3A_74 : i32
      %ne3A = arith.cmpi ne, %sign3A_68, %sign3A_75 : i32
      %rem3A = arith.remsi %scan3A_61, %jit3A : i32
      %ne3A_76 = arith.constant 0 : i32
      %ne3A_77 = arith.cmpi ne, %rem3A, %ne3A_76 : i32
      %and3A = arith.andi %ne3A, %ne3A_77 : i1
      %sub3A = arith.constant 1 : i32
      %sub3A_78 = arith.subi %div3A, %sub3A : i32
      %select_n3A = arith.select %and3A, %sub3A_78, %div3A : i32
      %jit3A_79 = arith.constant 8 : i32
      %eq3A_80 = arith.constant 0 : i32
      %eq3A_81 = arith.cmpi eq, %jit3A_79, %eq3A_80 : i32
      %jit3A_82 = arith.constant 1 : i32
      %select_n3A_83 = arith.select %eq3A_81, %jit3A_82, %jit3A_79 : i32
      %rem3A_84 = arith.remsi %scan3A_61, %select_n3A_83 : i32
      %ne3A_85 = arith.constant 0 : i32
      %ne3A_86 = arith.cmpi ne, %rem3A_84, %ne3A_85 : i32
      %lt3A = arith.constant 0 : i32
      %lt3A_87 = arith.cmpi slt, %rem3A_84, %lt3A : i32
      %lt3A_88 = arith.constant 0 : i32
      %lt3A_89 = arith.cmpi slt, %select_n3A_83, %lt3A_88 : i32
      %ne3A_90 = arith.xori %lt3A_87, %lt3A_89 : i1
      %and3A_91 = arith.andi %ne3A_90, %ne3A_86 : i1
      %add3A_92 = arith.addi %rem3A_84, %select_n3A_83 : i32
      %select_n3A_93 = arith.select %and3A_91, %add3A_92, %rem3A_84 : i32
      %mul3A_94 = arith.constant 16 : i32
      %mul3A_95 = arith.muli %select_n3A_93, %mul3A_94 : i32
      %broadcast_in_dim3A = arith.constant 0.000000e+00 : f32
      %broadcast_in_dim3A_96 = vector.broadcast %broadcast_in_dim3A : f32 to vector<16xf32>
      %swap3A = arith.constant 0 : i32
      %swap3A_97 = arith.index_cast %swap3A : i32 to index
      %swap3A_98 = arith.index_cast %select_n3A : i32 to index
      %swap3A_99 = arith.index_cast %mul3A_95 : i32 to index
      %swap3A_100 = tpu.vector_load %arg8[%swap3A_97, %swap3A_98, %swap3A_99] {strides = array<i32>} : memref<2x128x128xf32, #tpu.memory_space<vmem>>, vector<1x1x16xf32>,
      %swap3A_101 = vector.shape_cast %swap3A_100 : vector<1x1x16xf32> to vector<16xf32>
      %swap3A_102 = vector.shape_cast %broadcast_in_dim3A_96 : vector<16xf32> to vector<1x1x16xf32>
      tpu.vector_store %arg8[%swap3A_97, %swap3A_98, %swap3A_99], %swap3A_102 {strides = array<i32>} : memref<2x128x128xf32, #tpu.memory_space<vmem>>, vector<1x1x16xf32>,
      %scan3A_103 = arith.constant 0 : i32
      scf.yield %scan3A_103 : i32
    }
    %scan3A_6 = arith.constant 1024 : i32
    %mul3A_7 = arith.constant 640 : i32
    %mul3A_8 = arith.muli %arg1, %mul3A_7 : i32
    %add3A_9 = arith.constant 0 : i32
    %add3A_10 = arith.addi %mul3A_8, %add3A_9 : i32
    %run_scoped3A = arith.constant 0 : i32
    "tpu.region"() ({
      %run_scoped3A_61 = tpu.sem_alloc : memref<!tpu.dma_semaphore, #tpu.memory_space<semaphore_mem>>
      %dma_start3A_62 = arith.constant 0 : i32
      %dma_start3A_63 = arith.constant 0 : i32
      %dma_start3A_64 = tpu.memref_slice %arg8[%run_scoped3A, %dma_start3A_62, %dma_start3A_63] : memref<2x128x128xf32, #tpu.memory_space<vmem>> -> memref<1x128x128xf32, #tpu.memory_space<vmem>>
      %dma_start3A_65 = tpu.memref_squeeze %dma_start3A_64 : memref<1x128x128xf32, #tpu.memory_space<vmem>> -> memref<128x128xf32, #tpu.memory_space<vmem>>
      %dma_start3A_66 = arith.constant 0 : i32
      %dma_start3A_67 = tpu.memref_slice %arg9[%add3A_10, %dma_start3A_66] : memref<10240x128xf32, #tpu.memory_space<vmem_shared>> -> memref<128x128xf32, #tpu.memory_space<vmem_shared>>
      %dma_start3A_68 = arith.constant 0 : i32
      %dma_start3A_69 = tpu.memref_slice %arg9[%add3A_10, %dma_start3A_68] : memref<10240x128xf32, #tpu.memory_space<vmem_shared>> -> memref<128x128xf32, #tpu.memory_space<vmem_shared>>
      %dma_start3A_70 = arith.constant 0 : i32
      %dma_start3A_71 = arith.constant 0 : i32
      %dma_start3A_72 = tpu.memref_slice %arg8[%run_scoped3A, %dma_start3A_70, %dma_start3A_71] : memref<2x128x128xf32, #tpu.memory_space<vmem>> -> memref<1x128x128xf32, #tpu.memory_space<vmem>>
      %dma_start3A_73 = tpu.memref_squeeze %dma_start3A_72 : memref<1x128x128xf32, #tpu.memory_space<vmem>> -> memref<128x128xf32, #tpu.memory_space<vmem>>
      tpu.enqueue_dma source(%dma_start3A_73 : memref<128x128xf32, #tpu.memory_space<vmem>>) target(%dma_start3A_69 : memref<128x128xf32, #tpu.memory_space<vmem_shared>>) target_semaphore(%run_scoped3A_61 : memref<!tpu.dma_semaphore, #tpu.memory_space<semaphore_mem>>)
      %dma_wait3A_74 = arith.constant 0 : i32
      %dma_wait3A_75 = arith.constant 0 : i32
      %dma_wait3A_76 = tpu.memref_slice %arg8[%run_scoped3A, %dma_wait3A_74, %dma_wait3A_75] : memref<2x128x128xf32, #tpu.memory_space<vmem>> -> memref<1x128x128xf32, #tpu.memory_space<vmem>>
      %dma_wait3A_77 = tpu.memref_squeeze %dma_wait3A_76 : memref<1x128x128xf32, #tpu.memory_space<vmem>> -> memref<128x128xf32, #tpu.memory_space<vmem>>
      %dma_wait3A_78 = arith.constant 0 : i32
      %dma_wait3A_79 = tpu.memref_slice %arg9[%add3A_10, %dma_wait3A_78] : memref<10240x128xf32, #tpu.memory_space<vmem_shared>> -> memref<128x128xf32, #tpu.memory_space<vmem_shared>>
      %dma_wait3A_80 = arith.constant 0 : i32
      %dma_wait3A_81 = tpu.memref_slice %arg9[%add3A_10, %dma_wait3A_80] : memref<10240x128xf32, #tpu.memory_space<vmem_shared>> -> memref<128x128xf32, #tpu.memory_space<vmem_shared>>
      %dma_wait3A_82 = arith.constant 0 : i32
      %dma_wait3A_83 = arith.constant 0 : i32
      %dma_wait3A_84 = tpu.memref_slice %arg8[%run_scoped3A, %dma_wait3A_82, %dma_wait3A_83] : memref<2x128x128xf32, #tpu.memory_space<vmem>> -> memref<1x128x128xf32, #tpu.memory_space<vmem>>
      %dma_wait3A_85 = tpu.memref_squeeze %dma_wait3A_84 : memref<1x128x128xf32, #tpu.memory_space<vmem>> -> memref<128x128xf32, #tpu.memory_space<vmem>>
      tpu.wait_dma2 semaphore(%run_scoped3A_61 : memref<!tpu.dma_semaphore, #tpu.memory_space<semaphore_mem>>) src(%dma_wait3A_85 : memref<128x128xf32, #tpu.memory_space<vmem>>) dst(%dma_wait3A_81 : memref<128x128xf32, #tpu.memory_space<vmem_shared>>)
      tpu.yield
    }) : () -> ()
    %add3A_11 = arith.constant 128 : i32
    %add3A_12 = arith.addi %mul3A_8, %add3A_11 : i32
    %run_scoped3A_13 = arith.constant 0 : i32
    "tpu.region"() ({
      %run_scoped3A_61 = tpu.sem_alloc : memref<!tpu.dma_semaphore, #tpu.memory_space<semaphore_mem>>
      %dma_start3A_62 = arith.constant 0 : i32
      %dma_start3A_63 = arith.constant 0 : i32
      %dma_start3A_64 = tpu.memref_slice %arg8[%run_scoped3A_13, %dma_start3A_62, %dma_start3A_63] : memref<2x128x128xf32, #tpu.memory_space<vmem>> -> memref<1x128x128xf32, #tpu.memory_space<vmem>>
      %dma_start3A_65 = tpu.memref_squeeze %dma_start3A_64 : memref<1x128x128xf32, #tpu.memory_space<vmem>> -> memref<128x128xf32, #tpu.memory_space<vmem>>
      %dma_start3A_66 = arith.constant 0 : i32
      %dma_start3A_67 = tpu.memref_slice %arg9[%add3A_12, %dma_start3A_66] : memref<10240x128xf32, #tpu.memory_space<vmem_shared>> -> memref<128x128xf32, #tpu.memory_space<vmem_shared>>
      %dma_start3A_68 = arith.constant 0 : i32
      %dma_start3A_69 = tpu.memref_slice %arg9[%add3A_12, %dma_start3A_68] : memref<10240x128xf32, #tpu.memory_space<vmem_shared>> -> memref<128x128xf32, #tpu.memory_space<vmem_shared>>
      %dma_start3A_70 = arith.constant 0 : i32
      %dma_start3A_71 = arith.constant 0 : i32
      %dma_start3A_72 = tpu.memref_slice %arg8[%run_scoped3A_13, %dma_start3A_70, %dma_start3A_71] : memref<2x128x128xf32, #tpu.memory_space<vmem>> -> memref<1x128x128xf32, #tpu.memory_space<vmem>>
      %dma_start3A_73 = tpu.memref_squeeze %dma_start3A_72 : memref<1x128x128xf32, #tpu.memory_space<vmem>> -> memref<128x128xf32, #tpu.memory_space<vmem>>
      tpu.enqueue_dma source(%dma_start3A_73 : memref<128x128xf32, #tpu.memory_space<vmem>>) target(%dma_start3A_69 : memref<128x128xf32, #tpu.memory_space<vmem_shared>>) target_semaphore(%run_scoped3A_61 : memref<!tpu.dma_semaphore, #tpu.memory_space<semaphore_mem>>)
      %dma_wait3A_74 = arith.constant 0 : i32
      %dma_wait3A_75 = arith.constant 0 : i32
      %dma_wait3A_76 = tpu.memref_slice %arg8[%run_scoped3A_13, %dma_wait3A_74, %dma_wait3A_75] : memref<2x128x128xf32, #tpu.memory_space<vmem>> -> memref<1x128x128xf32, #tpu.memory_space<vmem>>
      %dma_wait3A_77 = tpu.memref_squeeze %dma_wait3A_76 : memref<1x128x128xf32, #tpu.memory_space<vmem>> -> memref<128x128xf32, #tpu.memory_space<vmem>>
      %dma_wait3A_78 = arith.constant 0 : i32
      %dma_wait3A_79 = tpu.memref_slice %arg9[%add3A_12, %dma_wait3A_78] : memref<10240x128xf32, #tpu.memory_space<vmem_shared>> -> memref<128x128xf32, #tpu.memory_space<vmem_shared>>
      %dma_wait3A_80 = arith.constant 0 : i32
      %dma_wait3A_81 = tpu.memref_slice %arg9[%add3A_12, %dma_wait3A_80] : memref<10240x128xf32, #tpu.memory_space<vmem_shared>> -> memref<128x128xf32, #tpu.memory_space<vmem_shared>>
      %dma_wait3A_82 = arith.constant 0 : i32
      %dma_wait3A_83 = arith.constant 0 : i32
      %dma_wait3A_84 = tpu.memref_slice %arg8[%run_scoped3A_13, %dma_wait3A_82, %dma_wait3A_83] : memref<2x128x128xf32, #tpu.memory_space<vmem>> -> memref<1x128x128xf32, #tpu.memory_space<vmem>>
      %dma_wait3A_85 = tpu.memref_squeeze %dma_wait3A_84 : memref<1x128x128xf32, #tpu.memory_space<vmem>> -> memref<128x128xf32, #tpu.memory_space<vmem>>
      tpu.wait_dma2 semaphore(%run_scoped3A_61 : memref<!tpu.dma_semaphore, #tpu.memory_space<semaphore_mem>>) src(%dma_wait3A_85 : memref<128x128xf32, #tpu.memory_space<vmem>>) dst(%dma_wait3A_81 : memref<128x128xf32, #tpu.memory_space<vmem_shared>>)
      tpu.yield
    }) : () -> ()
    %add3A_14 = arith.constant 256 : i32
    %add3A_15 = arith.addi %mul3A_8, %add3A_14 : i32
    %run_scoped3A_16 = arith.constant 0 : i32
    "tpu.region"() ({
      %run_scoped3A_61 = tpu.sem_alloc : memref<!tpu.dma_semaphore, #tpu.memory_space<semaphore_mem>>
      %dma_start3A_62 = arith.constant 0 : i32
      %dma_start3A_63 = arith.constant 0 : i32
      %dma_start3A_64 = tpu.memref_slice %arg8[%run_scoped3A_16, %dma_start3A_62, %dma_start3A_63] : memref<2x128x128xf32, #tpu.memory_space<vmem>> -> memref<1x128x128xf32, #tpu.memory_space<vmem>>
      %dma_start3A_65 = tpu.memref_squeeze %dma_start3A_64 : memref<1x128x128xf32, #tpu.memory_space<vmem>> -> memref<128x128xf32, #tpu.memory_space<vmem>>
      %dma_start3A_66 = arith.constant 0 : i32
      %dma_start3A_67 = tpu.memref_slice %arg9[%add3A_15, %dma_start3A_66] : memref<10240x128xf32, #tpu.memory_space<vmem_shared>> -> memref<128x128xf32, #tpu.memory_space<vmem_shared>>
      %dma_start3A_68 = arith.constant 0 : i32
      %dma_start3A_69 = tpu.memref_slice %arg9[%add3A_15, %dma_start3A_68] : memref<10240x128xf32, #tpu.memory_space<vmem_shared>> -> memref<128x128xf32, #tpu.memory_space<vmem_shared>>
      %dma_start3A_70 = arith.constant 0 : i32
      %dma_start3A_71 = arith.constant 0 : i32
      %dma_start3A_72 = tpu.memref_slice %arg8[%run_scoped3A_16, %dma_start3A_70, %dma_start3A_71] : memref<2x128x128xf32, #tpu.memory_space<vmem>> -> memref<1x128x128xf32, #tpu.memory_space<vmem>>
      %dma_start3A_73 = tpu.memref_squeeze %dma_start3A_72 : memref<1x128x128xf32, #tpu.memory_space<vmem>> -> memref<128x128xf32, #tpu.memory_space<vmem>>
      tpu.enqueue_dma source(%dma_start3A_73 : memref<128x128xf32, #tpu.memory_space<vmem>>) target(%dma_start3A_69 : memref<128x128xf32, #tpu.memory_space<vmem_shared>>) target_semaphore(%run_scoped3A_61 : memref<!tpu.dma_semaphore, #tpu.memory_space<semaphore_mem>>)
      %dma_wait3A_74 = arith.constant 0 : i32
      %dma_wait3A_75 = arith.constant 0 : i32
      %dma_wait3A_76 = tpu.memref_slice %arg8[%run_scoped3A_16, %dma_wait3A_74, %dma_wait3A_75] : memref<2x128x128xf32, #tpu.memory_space<vmem>> -> memref<1x128x128xf32, #tpu.memory_space<vmem>>
      %dma_wait3A_77 = tpu.memref_squeeze %dma_wait3A_76 : memref<1x128x128xf32, #tpu.memory_space<vmem>> -> memref<128x128xf32, #tpu.memory_space<vmem>>
      %dma_wait3A_78 = arith.constant 0 : i32
      %dma_wait3A_79 = tpu.memref_slice %arg9[%add3A_15, %dma_wait3A_78] : memref<10240x128xf32, #tpu.memory_space<vmem_shared>> -> memref<128x128xf32, #tpu.memory_space<vmem_shared>>
      %dma_wait3A_80 = arith.constant 0 : i32
      %dma_wait3A_81 = tpu.memref_slice %arg9[%add3A_15, %dma_wait3A_80] : memref<10240x128xf32, #tpu.memory_space<vmem_shared>> -> memref<128x128xf32, #tpu.memory_space<vmem_shared>>
      %dma_wait3A_82 = arith.constant 0 : i32
      %dma_wait3A_83 = arith.constant 0 : i32
      %dma_wait3A_84 = tpu.memref_slice %arg8[%run_scoped3A_16, %dma_wait3A_82, %dma_wait3A_83] : memref<2x128x128xf32, #tpu.memory_space<vmem>> -> memref<1x128x128xf32, #tpu.memory_space<vmem>>
      %dma_wait3A_85 = tpu.memref_squeeze %dma_wait3A_84 : memref<1x128x128xf32, #tpu.memory_space<vmem>> -> memref<128x128xf32, #tpu.memory_space<vmem>>
      tpu.wait_dma2 semaphore(%run_scoped3A_61 : memref<!tpu.dma_semaphore, #tpu.memory_space<semaphore_mem>>) src(%dma_wait3A_85 : memref<128x128xf32, #tpu.memory_space<vmem>>) dst(%dma_wait3A_81 : memref<128x128xf32, #tpu.memory_space<vmem_shared>>)
      tpu.yield
    }) : () -> ()
    %add3A_17 = arith.constant 384 : i32
    %add3A_18 = arith.addi %mul3A_8, %add3A_17 : i32
    %run_scoped3A_19 = arith.constant 0 : i32
    "tpu.region"() ({
      %run_scoped3A_61 = tpu.sem_alloc : memref<!tpu.dma_semaphore, #tpu.memory_space<semaphore_mem>>
      %dma_start3A_62 = arith.constant 0 : i32
      %dma_start3A_63 = arith.constant 0 : i32
      %dma_start3A_64 = tpu.memref_slice %arg8[%run_scoped3A_19, %dma_start3A_62, %dma_start3A_63] : memref<2x128x128xf32, #tpu.memory_space<vmem>> -> memref<1x128x128xf32, #tpu.memory_space<vmem>>
      %dma_start3A_65 = tpu.memref_squeeze %dma_start3A_64 : memref<1x128x128xf32, #tpu.memory_space<vmem>> -> memref<128x128xf32, #tpu.memory_space<vmem>>
      %dma_start3A_66 = arith.constant 0 : i32
      %dma_start3A_67 = tpu.memref_slice %arg9[%add3A_18, %dma_start3A_66] : memref<10240x128xf32, #tpu.memory_space<vmem_shared>> -> memref<128x128xf32, #tpu.memory_space<vmem_shared>>
      %dma_start3A_68 = arith.constant 0 : i32
      %dma_start3A_69 = tpu.memref_slice %arg9[%add3A_18, %dma_start3A_68] : memref<10240x128xf32, #tpu.memory_space<vmem_shared>> -> memref<128x128xf32, #tpu.memory_space<vmem_shared>>
      %dma_start3A_70 = arith.constant 0 : i32
      %dma_start3A_71 = arith.constant 0 : i32
      %dma_start3A_72 = tpu.memref_slice %arg8[%run_scoped3A_19, %dma_start3A_70, %dma_start3A_71] : memref<2x128x128xf32, #tpu.memory_space<vmem>> -> memref<1x128x128xf32, #tpu.memory_space<vmem>>
      %dma_start3A_73 = tpu.memref_squeeze %dma_start3A_72 : memref<1x128x128xf32, #tpu.memory_space<vmem>> -> memref<128x128xf32, #tpu.memory_space<vmem>>
      tpu.enqueue_dma source(%dma_start3A_73 : memref<128x128xf32, #tpu.memory_space<vmem>>) target(%dma_start3A_69 : memref<128x128xf32, #tpu.memory_space<vmem_shared>>) target_semaphore(%run_scoped3A_61 : memref<!tpu.dma_semaphore, #tpu.memory_space<semaphore_mem>>)
      %dma_wait3A_74 = arith.constant 0 : i32
      %dma_wait3A_75 = arith.constant 0 : i32
      %dma_wait3A_76 = tpu.memref_slice %arg8[%run_scoped3A_19, %dma_wait3A_74, %dma_wait3A_75] : memref<2x128x128xf32, #tpu.memory_space<vmem>> -> memref<1x128x128xf32, #tpu.memory_space<vmem>>
      %dma_wait3A_77 = tpu.memref_squeeze %dma_wait3A_76 : memref<1x128x128xf32, #tpu.memory_space<vmem>> -> memref<128x128xf32, #tpu.memory_space<vmem>>
      %dma_wait3A_78 = arith.constant 0 : i32
      %dma_wait3A_79 = tpu.memref_slice %arg9[%add3A_18, %dma_wait3A_78] : memref<10240x128xf32, #tpu.memory_space<vmem_shared>> -> memref<128x128xf32, #tpu.memory_space<vmem_shared>>
      %dma_wait3A_80 = arith.constant 0 : i32
      %dma_wait3A_81 = tpu.memref_slice %arg9[%add3A_18, %dma_wait3A_80] : memref<10240x128xf32, #tpu.memory_space<vmem_shared>> -> memref<128x128xf32, #tpu.memory_space<vmem_shared>>
      %dma_wait3A_82 = arith.constant 0 : i32
      %dma_wait3A_83 = arith.constant 0 : i32
      %dma_wait3A_84 = tpu.memref_slice %arg8[%run_scoped3A_19, %dma_wait3A_82, %dma_wait3A_83] : memref<2x128x128xf32, #tpu.memory_space<vmem>> -> memref<1x128x128xf32, #tpu.memory_space<vmem>>
      %dma_wait3A_85 = tpu.memref_squeeze %dma_wait3A_84 : memref<1x128x128xf32, #tpu.memory_space<vmem>> -> memref<128x128xf32, #tpu.memory_space<vmem>>
      tpu.wait_dma2 semaphore(%run_scoped3A_61 : memref<!tpu.dma_semaphore, #tpu.memory_space<semaphore_mem>>) src(%dma_wait3A_85 : memref<128x128xf32, #tpu.memory_space<vmem>>) dst(%dma_wait3A_81 : memref<128x128xf32, #tpu.memory_space<vmem_shared>>)
      tpu.yield
    }) : () -> ()
    %add3A_20 = arith.constant 512 : i32
    %add3A_21 = arith.addi %mul3A_8, %add3A_20 : i32
    %run_scoped3A_22 = arith.constant 0 : i32
    "tpu.region"() ({
      %run_scoped3A_61 = tpu.sem_alloc : memref<!tpu.dma_semaphore, #tpu.memory_space<semaphore_mem>>
      %dma_start3A_62 = arith.constant 0 : i32
      %dma_start3A_63 = arith.constant 0 : i32
      %dma_start3A_64 = tpu.memref_slice %arg8[%run_scoped3A_22, %dma_start3A_62, %dma_start3A_63] : memref<2x128x128xf32, #tpu.memory_space<vmem>> -> memref<1x128x128xf32, #tpu.memory_space<vmem>>
      %dma_start3A_65 = tpu.memref_squeeze %dma_start3A_64 : memref<1x128x128xf32, #tpu.memory_space<vmem>> -> memref<128x128xf32, #tpu.memory_space<vmem>>
      %dma_start3A_66 = arith.constant 0 : i32
      %dma_start3A_67 = tpu.memref_slice %arg9[%add3A_21, %dma_start3A_66] : memref<10240x128xf32, #tpu.memory_space<vmem_shared>> -> memref<128x128xf32, #tpu.memory_space<vmem_shared>>
      %dma_start3A_68 = arith.constant 0 : i32
      %dma_start3A_69 = tpu.memref_slice %arg9[%add3A_21, %dma_start3A_68] : memref<10240x128xf32, #tpu.memory_space<vmem_shared>> -> memref<128x128xf32, #tpu.memory_space<vmem_shared>>
      %dma_start3A_70 = arith.constant 0 : i32
      %dma_start3A_71 = arith.constant 0 : i32
      %dma_start3A_72 = tpu.memref_slice %arg8[%run_scoped3A_22, %dma_start3A_70, %dma_start3A_71] : memref<2x128x128xf32, #tpu.memory_space<vmem>> -> memref<1x128x128xf32, #tpu.memory_space<vmem>>
      %dma_start3A_73 = tpu.memref_squeeze %dma_start3A_72 : memref<1x128x128xf32, #tpu.memory_space<vmem>> -> memref<128x128xf32, #tpu.memory_space<vmem>>
      tpu.enqueue_dma source(%dma_start3A_73 : memref<128x128xf32, #tpu.memory_space<vmem>>) target(%dma_start3A_69 : memref<128x128xf32, #tpu.memory_space<vmem_shared>>) target_semaphore(%run_scoped3A_61 : memref<!tpu.dma_semaphore, #tpu.memory_space<semaphore_mem>>)
      %dma_wait3A_74 = arith.constant 0 : i32
      %dma_wait3A_75 = arith.constant 0 : i32
      %dma_wait3A_76 = tpu.memref_slice %arg8[%run_scoped3A_22, %dma_wait3A_74, %dma_wait3A_75] : memref<2x128x128xf32, #tpu.memory_space<vmem>> -> memref<1x128x128xf32, #tpu.memory_space<vmem>>
      %dma_wait3A_77 = tpu.memref_squeeze %dma_wait3A_76 : memref<1x128x128xf32, #tpu.memory_space<vmem>> -> memref<128x128xf32, #tpu.memory_space<vmem>>
      %dma_wait3A_78 = arith.constant 0 : i32
      %dma_wait3A_79 = tpu.memref_slice %arg9[%add3A_21, %dma_wait3A_78] : memref<10240x128xf32, #tpu.memory_space<vmem_shared>> -> memref<128x128xf32, #tpu.memory_space<vmem_shared>>
      %dma_wait3A_80 = arith.constant 0 : i32
      %dma_wait3A_81 = tpu.memref_slice %arg9[%add3A_21, %dma_wait3A_80] : memref<10240x128xf32, #tpu.memory_space<vmem_shared>> -> memref<128x128xf32, #tpu.memory_space<vmem_shared>>
      %dma_wait3A_82 = arith.constant 0 : i32
      %dma_wait3A_83 = arith.constant 0 : i32
      %dma_wait3A_84 = tpu.memref_slice %arg8[%run_scoped3A_22, %dma_wait3A_82, %dma_wait3A_83] : memref<2x128x128xf32, #tpu.memory_space<vmem>> -> memref<1x128x128xf32, #tpu.memory_space<vmem>>
      %dma_wait3A_85 = tpu.memref_squeeze %dma_wait3A_84 : memref<1x128x128xf32, #tpu.memory_space<vmem>> -> memref<128x128xf32, #tpu.memory_space<vmem>>
      tpu.wait_dma2 semaphore(%run_scoped3A_61 : memref<!tpu.dma_semaphore, #tpu.memory_space<semaphore_mem>>) src(%dma_wait3A_85 : memref<128x128xf32, #tpu.memory_space<vmem>>) dst(%dma_wait3A_81 : memref<128x128xf32, #tpu.memory_space<vmem_shared>>)
      tpu.yield
    }) : () -> ()
    %barrier3A = arith.constant 0 : index
    tpu.barrier barrier_id(%barrier3A)
    %run_scoped3A_23 = arith.constant 0 : i32
    "tpu.region"() ({
      %run_scoped3A_61 = tpu.sem_alloc : memref<!tpu.dma_semaphore, #tpu.memory_space<semaphore_mem>>
      %dma_start3A_62 = arith.constant 0 : i32
      %dma_start3A_63 = arith.constant 0 : i32
      %dma_start3A_64 = tpu.memref_slice %arg6[%run_scoped3A_23, %dma_start3A_62, %dma_start3A_63] : memref<2x16x128xi32, #tpu.memory_space<vmem>> -> memref<1x16x128xi32, #tpu.memory_space<vmem>>
      %dma_start3A_65 = tpu.memref_squeeze %dma_start3A_64 : memref<1x16x128xi32, #tpu.memory_space<vmem>> -> memref<16x128xi32, #tpu.memory_space<vmem>>
      %dma_start3A_66 = arith.constant 0 : i32
      %dma_start3A_67 = arith.constant 0 : i32
      %dma_start3A_68 = tpu.memref_slice %arg3[%add3A, %dma_start3A_66, %dma_start3A_67] : memref<32x80x128xi32, #tpu.memory_space<hbm>> -> memref<1x16x128xi32, #tpu.memory_space<hbm>>
      %dma_start3A_69 = tpu.memref_squeeze %dma_start3A_68 : memref<1x16x128xi32, #tpu.memory_space<hbm>> -> memref<16x128xi32, #tpu.memory_space<hbm>>
      %dma_start3A_70 = arith.constant 0 : i32
      %dma_start3A_71 = arith.constant 0 : i32
      %dma_start3A_72 = tpu.memref_slice %arg6[%run_scoped3A_23, %dma_start3A_70, %dma_start3A_71] : memref<2x16x128xi32, #tpu.memory_space<vmem>> -> memref<1x16x128xi32, #tpu.memory_space<vmem>>
      %dma_start3A_73 = tpu.memref_squeeze %dma_start3A_72 : memref<1x16x128xi32, #tpu.memory_space<vmem>> -> memref<16x128xi32, #tpu.memory_space<vmem>>
      %dma_start3A_74 = arith.constant 0 : i32
      %dma_start3A_75 = arith.constant 0 : i32
      %dma_start3A_76 = tpu.memref_slice %arg3[%add3A, %dma_start3A_74, %dma_start3A_75] : memref<32x80x128xi32, #tpu.memory_space<hbm>> -> memref<1x16x128xi32, #tpu.memory_space<hbm>>
      %dma_start3A_77 = tpu.memref_squeeze %dma_start3A_76 : memref<1x16x128xi32, #tpu.memory_space<hbm>> -> memref<16x128xi32, #tpu.memory_space<hbm>>
      tpu.enqueue_dma source(%dma_start3A_77 : memref<16x128xi32, #tpu.memory_space<hbm>>) target(%dma_start3A_73 : memref<16x128xi32, #tpu.memory_space<vmem>>) target_semaphore(%run_scoped3A_61 : memref<!tpu.dma_semaphore, #tpu.memory_space<semaphore_mem>>)
      %dma_wait3A_78 = arith.constant 0 : i32
      %dma_wait3A_79 = arith.constant 0 : i32
      %dma_wait3A_80 = tpu.memref_slice %arg6[%run_scoped3A_23, %dma_wait3A_78, %dma_wait3A_79] : memref<2x16x128xi32, #tpu.memory_space<vmem>> -> memref<1x16x128xi32, #tpu.memory_space<vmem>>
      %dma_wait3A_81 = tpu.memref_squeeze %dma_wait3A_80 : memref<1x16x128xi32, #tpu.memory_space<vmem>> -> memref<16x128xi32, #tpu.memory_space<vmem>>
      %dma_wait3A_82 = arith.constant 0 : i32
      %dma_wait3A_83 = arith.constant 0 : i32
      %dma_wait3A_84 = tpu.memref_slice %arg3[%add3A, %dma_wait3A_82, %dma_wait3A_83] : memref<32x80x128xi32, #tpu.memory_space<hbm>> -> memref<1x16x128xi32, #tpu.memory_space<hbm>>
      %dma_wait3A_85 = tpu.memref_squeeze %dma_wait3A_84 : memref<1x16x128xi32, #tpu.memory_space<hbm>> -> memref<16x128xi32, #tpu.memory_space<hbm>>
      %dma_wait3A_86 = arith.constant 0 : i32
      %dma_wait3A_87 = arith.constant 0 : i32
      %dma_wait3A_88 = tpu.memref_slice %arg6[%run_scoped3A_23, %dma_wait3A_86, %dma_wait3A_87] : memref<2x16x128xi32, #tpu.memory_space<vmem>> -> memref<1x16x128xi32, #tpu.memory_space<vmem>>
      %dma_wait3A_89 = tpu.memref_squeeze %dma_wait3A_88 : memref<1x16x128xi32, #tpu.memory_space<vmem>> -> memref<16x128xi32, #tpu.memory_space<vmem>>
      %dma_wait3A_90 = arith.constant 0 : i32
      %dma_wait3A_91 = arith.constant 0 : i32
      %dma_wait3A_92 = tpu.memref_slice %arg3[%add3A, %dma_wait3A_90, %dma_wait3A_91] : memref<32x80x128xi32, #tpu.memory_space<hbm>> -> memref<1x16x128xi32, #tpu.memory_space<hbm>>
      %dma_wait3A_93 = tpu.memref_squeeze %dma_wait3A_92 : memref<1x16x128xi32, #tpu.memory_space<hbm>> -> memref<16x128xi32, #tpu.memory_space<hbm>>
      tpu.wait_dma2 semaphore(%run_scoped3A_61 : memref<!tpu.dma_semaphore, #tpu.memory_space<semaphore_mem>>) src(%dma_wait3A_93 : memref<16x128xi32, #tpu.memory_space<hbm>>) dst(%dma_wait3A_89 : memref<16x128xi32, #tpu.memory_space<vmem>>)
      tpu.yield
    }) : () -> ()
    %run_scoped3A_24 = arith.constant 0 : i32
    "tpu.region"() ({
      %run_scoped3A_61 = tpu.sem_alloc : memref<!tpu.dma_semaphore, #tpu.memory_space<semaphore_mem>>
      %dma_start3A_62 = arith.constant 0 : i32
      %dma_start3A_63 = arith.constant 0 : i32
      %dma_start3A_64 = tpu.memref_slice %arg7[%run_scoped3A_24, %dma_start3A_62, %dma_start3A_63] : memref<2x16x128xi32, #tpu.memory_space<vmem>> -> memref<1x16x128xi32, #tpu.memory_space<vmem>>
      %dma_start3A_65 = tpu.memref_squeeze %dma_start3A_64 : memref<1x16x128xi32, #tpu.memory_space<vmem>> -> memref<16x128xi32, #tpu.memory_space<vmem>>
      %dma_start3A_66 = arith.constant 0 : i32
      %dma_start3A_67 = arith.constant 0 : i32
      %dma_start3A_68 = tpu.memref_slice %arg4[%add3A, %dma_start3A_66, %dma_start3A_67] : memref<32x80x128xi32, #tpu.memory_space<hbm>> -> memref<1x16x128xi32, #tpu.memory_space<hbm>>
      %dma_start3A_69 = tpu.memref_squeeze %dma_start3A_68 : memref<1x16x128xi32, #tpu.memory_space<hbm>> -> memref<16x128xi32, #tpu.memory_space<hbm>>
      %dma_start3A_70 = arith.constant 0 : i32
      %dma_start3A_71 = arith.constant 0 : i32
      %dma_start3A_72 = tpu.memref_slice %arg7[%run_scoped3A_24, %dma_start3A_70, %dma_start3A_71] : memref<2x16x128xi32, #tpu.memory_space<vmem>> -> memref<1x16x128xi32, #tpu.memory_space<vmem>>
      %dma_start3A_73 = tpu.memref_squeeze %dma_start3A_72 : memref<1x16x128xi32, #tpu.memory_space<vmem>> -> memref<16x128xi32, #tpu.memory_space<vmem>>
      %dma_start3A_74 = arith.constant 0 : i32
      %dma_start3A_75 = arith.constant 0 : i32
      %dma_start3A_76 = tpu.memref_slice %arg4[%add3A, %dma_start3A_74, %dma_start3A_75] : memref<32x80x128xi32, #tpu.memory_space<hbm>> -> memref<1x16x128xi32, #tpu.memory_space<hbm>>
      %dma_start3A_77 = tpu.memref_squeeze %dma_start3A_76 : memref<1x16x128xi32, #tpu.memory_space<hbm>> -> memref<16x128xi32, #tpu.memory_space<hbm>>
      tpu.enqueue_dma source(%dma_start3A_77 : memref<16x128xi32, #tpu.memory_space<hbm>>) target(%dma_start3A_73 : memref<16x128xi32, #tpu.memory_space<vmem>>) target_semaphore(%run_scoped3A_61 : memref<!tpu.dma_semaphore, #tpu.memory_space<semaphore_mem>>)
      %dma_wait3A_78 = arith.constant 0 : i32
      %dma_wait3A_79 = arith.constant 0 : i32
      %dma_wait3A_80 = tpu.memref_slice %arg7[%run_scoped3A_24, %dma_wait3A_78, %dma_wait3A_79] : memref<2x16x128xi32, #tpu.memory_space<vmem>> -> memref<1x16x128xi32, #tpu.memory_space<vmem>>
      %dma_wait3A_81 = tpu.memref_squeeze %dma_wait3A_80 : memref<1x16x128xi32, #tpu.memory_space<vmem>> -> memref<16x128xi32, #tpu.memory_space<vmem>>
      %dma_wait3A_82 = arith.constant 0 : i32
      %dma_wait3A_83 = arith.constant 0 : i32
      %dma_wait3A_84 = tpu.memref_slice %arg4[%add3A, %dma_wait3A_82, %dma_wait3A_83] : memref<32x80x128xi32, #tpu.memory_space<hbm>> -> memref<1x16x128xi32, #tpu.memory_space<hbm>>
      %dma_wait3A_85 = tpu.memref_squeeze %dma_wait3A_84 : memref<1x16x128xi32, #tpu.memory_space<hbm>> -> memref<16x128xi32, #tpu.memory_space<hbm>>
      %dma_wait3A_86 = arith.constant 0 : i32
      %dma_wait3A_87 = arith.constant 0 : i32
      %dma_wait3A_88 = tpu.memref_slice %arg7[%run_scoped3A_24, %dma_wait3A_86, %dma_wait3A_87] : memref<2x16x128xi32, #tpu.memory_space<vmem>> -> memref<1x16x128xi32, #tpu.memory_space<vmem>>
      %dma_wait3A_89 = tpu.memref_squeeze %dma_wait3A_88 : memref<1x16x128xi32, #tpu.memory_space<vmem>> -> memref<16x128xi32, #tpu.memory_space<vmem>>
      %dma_wait3A_90 = arith.constant 0 : i32
      %dma_wait3A_91 = arith.constant 0 : i32
      %dma_wait3A_92 = tpu.memref_slice %arg4[%add3A, %dma_wait3A_90, %dma_wait3A_91] : memref<32x80x128xi32, #tpu.memory_space<hbm>> -> memref<1x16x128xi32, #tpu.memory_space<hbm>>
      %dma_wait3A_93 = tpu.memref_squeeze %dma_wait3A_92 : memref<1x16x128xi32, #tpu.memory_space<hbm>> -> memref<16x128xi32, #tpu.memory_space<hbm>>
      tpu.wait_dma2 semaphore(%run_scoped3A_61 : memref<!tpu.dma_semaphore, #tpu.memory_space<semaphore_mem>>) src(%dma_wait3A_93 : memref<16x128xi32, #tpu.memory_space<hbm>>) dst(%dma_wait3A_89 : memref<16x128xi32, #tpu.memory_space<vmem>>)
      tpu.yield
    }) : () -> ()
    %dma_start3A = arith.constant 0 : i32
    %dma_start3A_25 = arith.constant 0 : i32
    %dma_start3A_26 = arith.constant 0 : i32
    %dma_start3A_27 = arith.constant 0 : i32
    %dma_start3A_28 = arith.constant 0 : i32
    %dma_start3A_29 = tpu.memref_slice %arg8[%dma_start3A_26, %dma_start3A_27, %dma_start3A_28] : memref<2x128x128xf32, #tpu.memory_space<vmem>> -> memref<1x128x128xf32, #tpu.memory_space<vmem>>
    %dma_start3A_30 = tpu.memref_squeeze %dma_start3A_29 : memref<1x128x128xf32, #tpu.memory_space<vmem>> -> memref<128x128xf32, #tpu.memory_space<vmem>>
    %dma_start3A_31 = arith.constant 0 : i32
    %dma_start3A_32 = tpu.memref_slice %arg6[%dma_start3A, %dma_start3A_25, %dma_start3A_31] : memref<2x16x128xi32, #tpu.memory_space<vmem>> -> memref<1x1x128xi32, #tpu.memory_space<vmem>>
    %dma_start3A_33 = tpu.memref_squeeze %dma_start3A_32 : memref<1x1x128xi32, #tpu.memory_space<vmem>> -> memref<128xi32, #tpu.memory_space<vmem>>
    %dma_start3A_34 = arith.constant 0 : i32
    %dma_start3A_35 = arith.constant 0 : i32
    %dma_start3A_36 = tpu.memref_slice %arg2[%dma_start3A_34, %dma_start3A_35] : memref<20000x128xf32, #tpu.memory_space<hbm>> -> memref<20000x128xf32, #tpu.memory_space<hbm>>
    tpu.enqueue_indirect_dma source(%dma_start3A_36 : memref<20000x128xf32, #tpu.memory_space<hbm>>) target(%dma_start3A_30 : memref<128x128xf32, #tpu.memory_space<vmem>>) offsets(%dma_start3A_33 : memref<128xi32, #tpu.memory_space<vmem>>) semaphore(%arg10 : memref<!tpu.dma_semaphore, #tpu.memory_space<semaphore_mem>>)
    %scan3A_37 = arith.constant 0 : i32
    %scan3A_38 = arith.constant 0 : i32
    %scan3A_39 = arith.constant 80 : i32
    %scan3A_40 = arith.addi %scan3A_38, %scan3A_39 : i32
    %scan3A_41 = arith.constant 1 : i32
    %scan3A_42 = scf.for %scan3A_61 = %scan3A_38 to %scan3A_40 step %scan3A_41 iter_args(%scan3A_62 = %scan3A_37) -> (i32)  : i32 {
      %jit3A = arith.constant 2 : i32
      %eq3A_63 = arith.constant 0 : i32
      %eq3A_64 = arith.cmpi eq, %jit3A, %eq3A_63 : i32
      %jit3A_65 = arith.constant 1 : i32
      %select_n3A = arith.select %eq3A_64, %jit3A_65, %jit3A : i32
      %rem3A = arith.remsi %scan3A_61, %select_n3A : i32
      %ne3A = arith.constant 0 : i32
      %ne3A_66 = arith.cmpi ne, %rem3A, %ne3A : i32
      %lt3A = arith.constant 0 : i32
      %lt3A_67 = arith.cmpi slt, %rem3A, %lt3A : i32
      %lt3A_68 = arith.constant 0 : i32
      %lt3A_69 = arith.cmpi slt, %select_n3A, %lt3A_68 : i32
      %ne3A_70 = arith.xori %lt3A_67, %lt3A_69 : i1
      %and3A = arith.andi %ne3A_70, %ne3A_66 : i1
      %add3A_71 = arith.addi %rem3A, %select_n3A : i32
      %select_n3A_72 = arith.select %and3A, %add3A_71, %rem3A : i32
      %add3A_73 = arith.constant 1 : i32
      %add3A_74 = arith.addi %scan3A_61, %add3A_73 : i32
      %jit3A_75 = arith.constant 16 : i32
      %div3A = arith.divsi %add3A_74, %jit3A_75 : i32
      %sign3A = arith.constant 0 : i32
      %sign3A_76 = arith.cmpi sgt, %add3A_74, %sign3A : i32
      %sign3A_77 = arith.extui %sign3A_76 : i1 to i32
      %sign3A_78 = arith.constant 0 : i32
      %sign3A_79 = arith.cmpi slt, %add3A_74, %sign3A_78 : i32
      %sign3A_80 = arith.extui %sign3A_79 : i1 to i32
      %sign3A_81 = arith.subi %sign3A_77, %sign3A_80 : i32
      %sign3A_82 = arith.constant 0 : i32
      %sign3A_83 = arith.cmpi sgt, %jit3A_75, %sign3A_82 : i32
      %sign3A_84 = arith.extui %sign3A_83 : i1 to i32
      %sign3A_85 = arith.constant 0 : i32
      %sign3A_86 = arith.cmpi slt, %jit3A_75, %sign3A_85 : i32
      %sign3A_87 = arith.extui %sign3A_86 : i1 to i32
      %sign3A_88 = arith.subi %sign3A_84, %sign3A_87 : i32
      %ne3A_89 = arith.cmpi ne, %sign3A_81, %sign3A_88 : i32
      %rem3A_90 = arith.remsi %add3A_74, %jit3A_75 : i32
      %ne3A_91 = arith.constant 0 : i32
      %ne3A_92 = arith.cmpi ne, %rem3A_90, %ne3A_91 : i32
      %and3A_93 = arith.andi %ne3A_89, %ne3A_92 : i1
      %sub3A = arith.constant 1 : i32
      %sub3A_94 = arith.subi %div3A, %sub3A : i32
      %select_n3A_95 = arith.select %and3A_93, %sub3A_94, %div3A : i32
      %jit3A_96 = arith.constant 16 : i32
      %eq3A_97 = arith.constant 0 : i32
      %eq3A_98 = arith.cmpi eq, %jit3A_96, %eq3A_97 : i32
      %jit3A_99 = arith.constant 1 : i32
      %select_n3A_100 = arith.select %eq3A_98, %jit3A_99, %jit3A_96 : i32
      %rem3A_101 = arith.remsi %add3A_74, %select_n3A_100 : i32
      %ne3A_102 = arith.constant 0 : i32
      %ne3A_103 = arith.cmpi ne, %rem3A_101, %ne3A_102 : i32
      %lt3A_104 = arith.constant 0 : i32
      %lt3A_105 = arith.cmpi slt, %rem3A_101, %lt3A_104 : i32
      %lt3A_106 = arith.constant 0 : i32
      %lt3A_107 = arith.cmpi slt, %select_n3A_100, %lt3A_106 : i32
      %ne3A_108 = arith.xori %lt3A_105, %lt3A_107 : i1
      %and3A_109 = arith.andi %ne3A_108, %ne3A_103 : i1
      %add3A_110 = arith.addi %rem3A_101, %select_n3A_100 : i32
      %select_n3A_111 = arith.select %and3A_109, %add3A_110, %rem3A_101 : i32
      %eq3A_112 = arith.constant 0 : i32
      %eq3A_113 = arith.cmpi eq, %select_n3A_111, %eq3A_112 : i32
      %lt3A_114 = arith.constant 80 : i32
      %lt3A_115 = arith.cmpi slt, %add3A_74, %lt3A_114 : i32
      %and3A_116 = arith.andi %eq3A_113, %lt3A_115 : i1
      %convert_element_type3A_117 = arith.extui %and3A_116 : i1 to i32
      %cond3A_118 = arith.constant 0 : i32
      %cond3A_119 = arith.cmpi ne, %convert_element_type3A_117, %cond3A_118 : i32
      scf.if %cond3A_119 {
        %jit3A_218 = arith.constant 2 : i32
        %eq3A_219 = arith.constant 0 : i32
        %eq3A_220 = arith.cmpi eq, %jit3A_218, %eq3A_219 : i32
        %jit3A_221 = arith.constant 1 : i32
        %select_n3A_222 = arith.select %eq3A_220, %jit3A_221, %jit3A_218 : i32
        %rem3A_223 = arith.remsi %select_n3A_95, %select_n3A_222 : i32
        %ne3A_224 = arith.constant 0 : i32
        %ne3A_225 = arith.cmpi ne, %rem3A_223, %ne3A_224 : i32
        %lt3A_226 = arith.constant 0 : i32
        %lt3A_227 = arith.cmpi slt, %rem3A_223, %lt3A_226 : i32
        %lt3A_228 = arith.constant 0 : i32
        %lt3A_229 = arith.cmpi slt, %select_n3A_222, %lt3A_228 : i32
        %ne3A_230 = arith.xori %lt3A_227, %lt3A_229 : i1
        %and3A_231 = arith.andi %ne3A_230, %ne3A_225 : i1
        %add3A_232 = arith.addi %rem3A_223, %select_n3A_222 : i32
        %select_n3A_233 = arith.select %and3A_231, %add3A_232, %rem3A_223 : i32
        %mul3A_234 = arith.constant 16 : i32
        %mul3A_235 = arith.muli %select_n3A_95, %mul3A_234 : i32
        "tpu.region"() ({
          %run_scoped3A_238 = tpu.sem_alloc : memref<!tpu.dma_semaphore, #tpu.memory_space<semaphore_mem>>
          %dma_start3A_239 = arith.constant 0 : i32
          %dma_start3A_240 = arith.constant 0 : i32
          %dma_start3A_241 = tpu.memref_slice %arg6[%select_n3A_233, %dma_start3A_239, %dma_start3A_240] : memref<2x16x128xi32, #tpu.memory_space<vmem>> -> memref<1x16x128xi32, #tpu.memory_space<vmem>>
          %dma_start3A_242 = tpu.memref_squeeze %dma_start3A_241 : memref<1x16x128xi32, #tpu.memory_space<vmem>> -> memref<16x128xi32, #tpu.memory_space<vmem>>
          %dma_start3A_243 = arith.constant 0 : i32
          %dma_start3A_244 = tpu.memref_slice %arg3[%add3A, %mul3A_235, %dma_start3A_243] : memref<32x80x128xi32, #tpu.memory_space<hbm>> -> memref<1x16x128xi32, #tpu.memory_space<hbm>>
          %dma_start3A_245 = tpu.memref_squeeze %dma_start3A_244 : memref<1x16x128xi32, #tpu.memory_space<hbm>> -> memref<16x128xi32, #tpu.memory_space<hbm>>
          %dma_start3A_246 = arith.constant 0 : i32
          %dma_start3A_247 = arith.constant 0 : i32
          %dma_start3A_248 = tpu.memref_slice %arg6[%select_n3A_233, %dma_start3A_246, %dma_start3A_247] : memref<2x16x128xi32, #tpu.memory_space<vmem>> -> memref<1x16x128xi32, #tpu.memory_space<vmem>>
          %dma_start3A_249 = tpu.memref_squeeze %dma_start3A_248 : memref<1x16x128xi32, #tpu.memory_space<vmem>> -> memref<16x128xi32, #tpu.memory_space<vmem>>
          %dma_start3A_250 = arith.constant 0 : i32
          %dma_start3A_251 = tpu.memref_slice %arg3[%add3A, %mul3A_235, %dma_start3A_250] : memref<32x80x128xi32, #tpu.memory_space<hbm>> -> memref<1x16x128xi32, #tpu.memory_space<hbm>>
          %dma_start3A_252 = tpu.memref_squeeze %dma_start3A_251 : memref<1x16x128xi32, #tpu.memory_space<hbm>> -> memref<16x128xi32, #tpu.memory_space<hbm>>
          tpu.enqueue_dma source(%dma_start3A_252 : memref<16x128xi32, #tpu.memory_space<hbm>>) target(%dma_start3A_249 : memref<16x128xi32, #tpu.memory_space<vmem>>) target_semaphore(%run_scoped3A_238 : memref<!tpu.dma_semaphore, #tpu.memory_space<semaphore_mem>>)
          %dma_wait3A_253 = arith.constant 0 : i32
          %dma_wait3A_254 = arith.constant 0 : i32
          %dma_wait3A_255 = tpu.memref_slice %arg6[%select_n3A_233, %dma_wait3A_253, %dma_wait3A_254] : memref<2x16x128xi32, #tpu.memory_space<vmem>> -> memref<1x16x128xi32, #tpu.memory_space<vmem>>
          %dma_wait3A_256 = tpu.memref_squeeze %dma_wait3A_255 : memref<1x16x128xi32, #tpu.memory_space<vmem>> -> memref<16x128xi32, #tpu.memory_space<vmem>>
          %dma_wait3A_257 = arith.constant 0 : i32
          %dma_wait3A_258 = tpu.memref_slice %arg3[%add3A, %mul3A_235, %dma_wait3A_257] : memref<32x80x128xi32, #tpu.memory_space<hbm>> -> memref<1x16x128xi32, #tpu.memory_space<hbm>>
          %dma_wait3A_259 = tpu.memref_squeeze %dma_wait3A_258 : memref<1x16x128xi32, #tpu.memory_space<hbm>> -> memref<16x128xi32, #tpu.memory_space<hbm>>
          %dma_wait3A_260 = arith.constant 0 : i32
          %dma_wait3A_261 = arith.constant 0 : i32
          %dma_wait3A_262 = tpu.memref_slice %arg6[%select_n3A_233, %dma_wait3A_260, %dma_wait3A_261] : memref<2x16x128xi32, #tpu.memory_space<vmem>> -> memref<1x16x128xi32, #tpu.memory_space<vmem>>
          %dma_wait3A_263 = tpu.memref_squeeze %dma_wait3A_262 : memref<1x16x128xi32, #tpu.memory_space<vmem>> -> memref<16x128xi32, #tpu.memory_space<vmem>>
          %dma_wait3A_264 = arith.constant 0 : i32
          %dma_wait3A_265 = tpu.memref_slice %arg3[%add3A, %mul3A_235, %dma_wait3A_264] : memref<32x80x128xi32, #tpu.memory_space<hbm>> -> memref<1x16x128xi32, #tpu.memory_space<hbm>>
          %dma_wait3A_266 = tpu.memref_squeeze %dma_wait3A_265 : memref<1x16x128xi32, #tpu.memory_space<hbm>> -> memref<16x128xi32, #tpu.memory_space<hbm>>
          tpu.wait_dma2 semaphore(%run_scoped3A_238 : memref<!tpu.dma_semaphore, #tpu.memory_space<semaphore_mem>>) src(%dma_wait3A_266 : memref<16x128xi32, #tpu.memory_space<hbm>>) dst(%dma_wait3A_263 : memref<16x128xi32, #tpu.memory_space<vmem>>)
          tpu.yield
        }) : () -> ()
        %mul3A_236 = arith.constant 16 : i32
        %mul3A_237 = arith.muli %select_n3A_95, %mul3A_236 : i32
        "tpu.region"() ({
          %run_scoped3A_238 = tpu.sem_alloc : memref<!tpu.dma_semaphore, #tpu.memory_space<semaphore_mem>>
          %dma_start3A_239 = arith.constant 0 : i32
          %dma_start3A_240 = arith.constant 0 : i32
          %dma_start3A_241 = tpu.memref_slice %arg7[%select_n3A_233, %dma_start3A_239, %dma_start3A_240] : memref<2x16x128xi32, #tpu.memory_space<vmem>> -> memref<1x16x128xi32, #tpu.memory_space<vmem>>
          %dma_start3A_242 = tpu.memref_squeeze %dma_start3A_241 : memref<1x16x128xi32, #tpu.memory_space<vmem>> -> memref<16x128xi32, #tpu.memory_space<vmem>>
          %dma_start3A_243 = arith.constant 0 : i32
          %dma_start3A_244 = tpu.memref_slice %arg4[%add3A, %mul3A_237, %dma_start3A_243] : memref<32x80x128xi32, #tpu.memory_space<hbm>> -> memref<1x16x128xi32, #tpu.memory_space<hbm>>
          %dma_start3A_245 = tpu.memref_squeeze %dma_start3A_244 : memref<1x16x128xi32, #tpu.memory_space<hbm>> -> memref<16x128xi32, #tpu.memory_space<hbm>>
          %dma_start3A_246 = arith.constant 0 : i32
          %dma_start3A_247 = arith.constant 0 : i32
          %dma_start3A_248 = tpu.memref_slice %arg7[%select_n3A_233, %dma_start3A_246, %dma_start3A_247] : memref<2x16x128xi32, #tpu.memory_space<vmem>> -> memref<1x16x128xi32, #tpu.memory_space<vmem>>
          %dma_start3A_249 = tpu.memref_squeeze %dma_start3A_248 : memref<1x16x128xi32, #tpu.memory_space<vmem>> -> memref<16x128xi32, #tpu.memory_space<vmem>>
          %dma_start3A_250 = arith.constant 0 : i32
          %dma_start3A_251 = tpu.memref_slice %arg4[%add3A, %mul3A_237, %dma_start3A_250] : memref<32x80x128xi32, #tpu.memory_space<hbm>> -> memref<1x16x128xi32, #tpu.memory_space<hbm>>
          %dma_start3A_252 = tpu.memref_squeeze %dma_start3A_251 : memref<1x16x128xi32, #tpu.memory_space<hbm>> -> memref<16x128xi32, #tpu.memory_space<hbm>>
          tpu.enqueue_dma source(%dma_start3A_252 : memref<16x128xi32, #tpu.memory_space<hbm>>) target(%dma_start3A_249 : memref<16x128xi32, #tpu.memory_space<vmem>>) target_semaphore(%run_scoped3A_238 : memref<!tpu.dma_semaphore, #tpu.memory_space<semaphore_mem>>)
          %dma_wait3A_253 = arith.constant 0 : i32
          %dma_wait3A_254 = arith.constant 0 : i32
          %dma_wait3A_255 = tpu.memref_slice %arg7[%select_n3A_233, %dma_wait3A_253, %dma_wait3A_254] : memref<2x16x128xi32, #tpu.memory_space<vmem>> -> memref<1x16x128xi32, #tpu.memory_space<vmem>>
          %dma_wait3A_256 = tpu.memref_squeeze %dma_wait3A_255 : memref<1x16x128xi32, #tpu.memory_space<vmem>> -> memref<16x128xi32, #tpu.memory_space<vmem>>
          %dma_wait3A_257 = arith.constant 0 : i32
          %dma_wait3A_258 = tpu.memref_slice %arg4[%add3A, %mul3A_237, %dma_wait3A_257] : memref<32x80x128xi32, #tpu.memory_space<hbm>> -> memref<1x16x128xi32, #tpu.memory_space<hbm>>
          %dma_wait3A_259 = tpu.memref_squeeze %dma_wait3A_258 : memref<1x16x128xi32, #tpu.memory_space<hbm>> -> memref<16x128xi32, #tpu.memory_space<hbm>>
          %dma_wait3A_260 = arith.constant 0 : i32
          %dma_wait3A_261 = arith.constant 0 : i32
          %dma_wait3A_262 = tpu.memref_slice %arg7[%select_n3A_233, %dma_wait3A_260, %dma_wait3A_261] : memref<2x16x128xi32, #tpu.memory_space<vmem>> -> memref<1x16x128xi32, #tpu.memory_space<vmem>>
          %dma_wait3A_263 = tpu.memref_squeeze %dma_wait3A_262 : memref<1x16x128xi32, #tpu.memory_space<vmem>> -> memref<16x128xi32, #tpu.memory_space<vmem>>
          %dma_wait3A_264 = arith.constant 0 : i32
          %dma_wait3A_265 = tpu.memref_slice %arg4[%add3A, %mul3A_237, %dma_wait3A_264] : memref<32x80x128xi32, #tpu.memory_space<hbm>> -> memref<1x16x128xi32, #tpu.memory_space<hbm>>
          %dma_wait3A_266 = tpu.memref_squeeze %dma_wait3A_265 : memref<1x16x128xi32, #tpu.memory_space<hbm>> -> memref<16x128xi32, #tpu.memory_space<hbm>>
          tpu.wait_dma2 semaphore(%run_scoped3A_238 : memref<!tpu.dma_semaphore, #tpu.memory_space<semaphore_mem>>) src(%dma_wait3A_266 : memref<16x128xi32, #tpu.memory_space<hbm>>) dst(%dma_wait3A_263 : memref<16x128xi32, #tpu.memory_space<vmem>>)
          tpu.yield
        }) : () -> ()
      } else {
      }
      %jit3A_120 = arith.constant 16 : i32
      %div3A_121 = arith.divsi %scan3A_61, %jit3A_120 : i32
      %sign3A_122 = arith.constant 0 : i32
      %sign3A_123 = arith.cmpi sgt, %scan3A_61, %sign3A_122 : i32
      %sign3A_124 = arith.extui %sign3A_123 : i1 to i32
      %sign3A_125 = arith.constant 0 : i32
      %sign3A_126 = arith.cmpi slt, %scan3A_61, %sign3A_125 : i32
      %sign3A_127 = arith.extui %sign3A_126 : i1 to i32
      %sign3A_128 = arith.subi %sign3A_124, %sign3A_127 : i32
      %sign3A_129 = arith.constant 0 : i32
      %sign3A_130 = arith.cmpi sgt, %jit3A_120, %sign3A_129 : i32
      %sign3A_131 = arith.extui %sign3A_130 : i1 to i32
      %sign3A_132 = arith.constant 0 : i32
      %sign3A_133 = arith.cmpi slt, %jit3A_120, %sign3A_132 : i32
      %sign3A_134 = arith.extui %sign3A_133 : i1 to i32
      %sign3A_135 = arith.subi %sign3A_131, %sign3A_134 : i32
      %ne3A_136 = arith.cmpi ne, %sign3A_128, %sign3A_135 : i32
      %rem3A_137 = arith.remsi %scan3A_61, %jit3A_120 : i32
      %ne3A_138 = arith.constant 0 : i32
      %ne3A_139 = arith.cmpi ne, %rem3A_137, %ne3A_138 : i32
      %and3A_140 = arith.andi %ne3A_136, %ne3A_139 : i1
      %sub3A_141 = arith.constant 1 : i32
      %sub3A_142 = arith.subi %div3A_121, %sub3A_141 : i32
      %select_n3A_143 = arith.select %and3A_140, %sub3A_142, %div3A_121 : i32
      %jit3A_144 = arith.constant 2 : i32
      %eq3A_145 = arith.constant 0 : i32
      %eq3A_146 = arith.cmpi eq, %jit3A_144, %eq3A_145 : i32
      %jit3A_147 = arith.constant 1 : i32
      %select_n3A_148 = arith.select %eq3A_146, %jit3A_147, %jit3A_144 : i32
      %rem3A_149 = arith.remsi %select_n3A_143, %select_n3A_148 : i32
      %ne3A_150 = arith.constant 0 : i32
      %ne3A_151 = arith.cmpi ne, %rem3A_149, %ne3A_150 : i32
      %lt3A_152 = arith.constant 0 : i32
      %lt3A_153 = arith.cmpi slt, %rem3A_149, %lt3A_152 : i32
      %lt3A_154 = arith.constant 0 : i32
      %lt3A_155 = arith.cmpi slt, %select_n3A_148, %lt3A_154 : i32
      %ne3A_156 = arith.xori %lt3A_153, %lt3A_155 : i1
      %and3A_157 = arith.andi %ne3A_156, %ne3A_151 : i1
      %add3A_158 = arith.addi %rem3A_149, %select_n3A_148 : i32
      %select_n3A_159 = arith.select %and3A_157, %add3A_158, %rem3A_149 : i32
      %lt3A_160 = arith.constant 80 : i32
      %lt3A_161 = arith.cmpi slt, %add3A_74, %lt3A_160 : i32
      %convert_element_type3A_162 = arith.extui %lt3A_161 : i1 to i32
      %cond3A_163 = arith.constant 0 : i32
      %cond3A_164 = arith.cmpi ne, %convert_element_type3A_162, %cond3A_163 : i32
      scf.if %cond3A_164 {
        %ge3A = arith.constant 1 : i32
        %ge3A_218 = arith.cmpi sge, %scan3A_61, %ge3A : i32
        %convert_element_type3A_219 = arith.extui %ge3A_218 : i1 to i32
        %cond3A_220 = arith.constant 0 : i32
        %cond3A_221 = arith.cmpi ne, %convert_element_type3A_219, %cond3A_220 : i32
        scf.if %cond3A_221 {
          %sub3A_290 = arith.constant 1 : i32
          %sub3A_291 = arith.subi %sub3A_290, %select_n3A_72 : i32
          %dma_wait3A_292 = arith.constant 0 : i32
          %dma_wait3A_293 = arith.constant 0 : i32
          %dma_wait3A_294 = arith.constant 0 : i32
          %dma_wait3A_295 = arith.constant 0 : i32
          %dma_wait3A_296 = tpu.memref_slice %arg8[%sub3A_291, %dma_wait3A_294, %dma_wait3A_295] : memref<2x128x128xf32, #tpu.memory_space<vmem>> -> memref<1x128x128xf32, #tpu.memory_space<vmem>>
          %dma_wait3A_297 = tpu.memref_squeeze %dma_wait3A_296 : memref<1x128x128xf32, #tpu.memory_space<vmem>> -> memref<128x128xf32, #tpu.memory_space<vmem>>
          %dma_wait3A_298 = arith.constant 0 : i32
          %dma_wait3A_299 = tpu.memref_slice %arg7[%dma_wait3A_292, %dma_wait3A_293, %dma_wait3A_298] : memref<2x16x128xi32, #tpu.memory_space<vmem>> -> memref<1x1x128xi32, #tpu.memory_space<vmem>>
          %dma_wait3A_300 = tpu.memref_squeeze %dma_wait3A_299 : memref<1x1x128xi32, #tpu.memory_space<vmem>> -> memref<128xi32, #tpu.memory_space<vmem>>
          %dma_wait3A_301 = arith.constant 0 : i32
          %dma_wait3A_302 = arith.constant 0 : i32
          %dma_wait3A_303 = tpu.memref_slice %arg9[%dma_wait3A_301, %dma_wait3A_302] : memref<10240x128xf32, #tpu.memory_space<vmem_shared>> -> memref<10240x128xf32, #tpu.memory_space<vmem_shared>>
          tpu.wait_indirect_dma semaphore(%arg11 : memref<!tpu.dma_semaphore, #tpu.memory_space<semaphore_mem>>) src(%dma_wait3A_297 : memref<128x128xf32, #tpu.memory_space<vmem>>) dst(%dma_wait3A_303 : memref<10240x128xf32, #tpu.memory_space<vmem_shared>>)
        } else {
        }
        %jit3A_222 = arith.constant 16 : i32
        %div3A_223 = arith.divsi %add3A_74, %jit3A_222 : i32
        %sign3A_224 = arith.constant 0 : i32
        %sign3A_225 = arith.cmpi sgt, %add3A_74, %sign3A_224 : i32
        %sign3A_226 = arith.extui %sign3A_225 : i1 to i32
        %sign3A_227 = arith.constant 0 : i32
        %sign3A_228 = arith.cmpi slt, %add3A_74, %sign3A_227 : i32
        %sign3A_229 = arith.extui %sign3A_228 : i1 to i32
        %sign3A_230 = arith.subi %sign3A_226, %sign3A_229 : i32
        %sign3A_231 = arith.constant 0 : i32
        %sign3A_232 = arith.cmpi sgt, %jit3A_222, %sign3A_231 : i32
        %sign3A_233 = arith.extui %sign3A_232 : i1 to i32
        %sign3A_234 = arith.constant 0 : i32
        %sign3A_235 = arith.cmpi slt, %jit3A_222, %sign3A_234 : i32
        %sign3A_236 = arith.extui %sign3A_235 : i1 to i32
        %sign3A_237 = arith.subi %sign3A_233, %sign3A_236 : i32
        %ne3A_238 = arith.cmpi ne, %sign3A_230, %sign3A_237 : i32
        %rem3A_239 = arith.remsi %add3A_74, %jit3A_222 : i32
        %ne3A_240 = arith.constant 0 : i32
        %ne3A_241 = arith.cmpi ne, %rem3A_239, %ne3A_240 : i32
        %and3A_242 = arith.andi %ne3A_238, %ne3A_241 : i1
        %sub3A_243 = arith.constant 1 : i32
        %sub3A_244 = arith.subi %div3A_223, %sub3A_243 : i32
        %select_n3A_245 = arith.select %and3A_242, %sub3A_244, %div3A_223 : i32
        %jit3A_246 = arith.constant 2 : i32
        %eq3A_247 = arith.constant 0 : i32
        %eq3A_248 = arith.cmpi eq, %jit3A_246, %eq3A_247 : i32
        %jit3A_249 = arith.constant 1 : i32
        %select_n3A_250 = arith.select %eq3A_248, %jit3A_249, %jit3A_246 : i32
        %rem3A_251 = arith.remsi %select_n3A_245, %select_n3A_250 : i32
        %ne3A_252 = arith.constant 0 : i32
        %ne3A_253 = arith.cmpi ne, %rem3A_251, %ne3A_252 : i32
        %lt3A_254 = arith.constant 0 : i32
        %lt3A_255 = arith.cmpi slt, %rem3A_251, %lt3A_254 : i32
        %lt3A_256 = arith.constant 0 : i32
        %lt3A_257 = arith.cmpi slt, %select_n3A_250, %lt3A_256 : i32
        %ne3A_258 = arith.xori %lt3A_255, %lt3A_257 : i1
        %and3A_259 = arith.andi %ne3A_258, %ne3A_253 : i1
        %add3A_260 = arith.addi %rem3A_251, %select_n3A_250 : i32
        %select_n3A_261 = arith.select %and3A_259, %add3A_260, %rem3A_251 : i32
        %jit3A_262 = arith.constant 16 : i32
        %eq3A_263 = arith.constant 0 : i32
        %eq3A_264 = arith.cmpi eq, %jit3A_262, %eq3A_263 : i32
        %jit3A_265 = arith.constant 1 : i32
        %select_n3A_266 = arith.select %eq3A_264, %jit3A_265, %jit3A_262 : i32
        %rem3A_267 = arith.remsi %add3A_74, %select_n3A_266 : i32
        %ne3A_268 = arith.constant 0 : i32
        %ne3A_269 = arith.cmpi ne, %rem3A_267, %ne3A_268 : i32
        %lt3A_270 = arith.constant 0 : i32
        %lt3A_271 = arith.cmpi slt, %rem3A_267, %lt3A_270 : i32
        %lt3A_272 = arith.constant 0 : i32
        %lt3A_273 = arith.cmpi slt, %select_n3A_266, %lt3A_272 : i32
        %ne3A_274 = arith.xori %lt3A_271, %lt3A_273 : i1
        %and3A_275 = arith.andi %ne3A_274, %ne3A_269 : i1
        %add3A_276 = arith.addi %rem3A_267, %select_n3A_266 : i32
        %select_n3A_277 = arith.select %and3A_275, %add3A_276, %rem3A_267 : i32
        %sub3A_278 = arith.constant 1 : i32
        %sub3A_279 = arith.subi %sub3A_278, %select_n3A_72 : i32
        %dma_start3A_280 = arith.constant 0 : i32
        %dma_start3A_281 = arith.constant 0 : i32
        %dma_start3A_282 = tpu.memref_slice %arg8[%sub3A_279, %dma_start3A_280, %dma_start3A_281] : memref<2x128x128xf32, #tpu.memory_space<vmem>> -> memref<1x128x128xf32, #tpu.memory_space<vmem>>
        %dma_start3A_283 = tpu.memref_squeeze %dma_start3A_282 : memref<1x128x128xf32, #tpu.memory_space<vmem>> -> memref<128x128xf32, #tpu.memory_space<vmem>>
        %dma_start3A_284 = arith.constant 0 : i32
        %dma_start3A_285 = tpu.memref_slice %arg6[%select_n3A_261, %select_n3A_277, %dma_start3A_284] : memref<2x16x128xi32, #tpu.memory_space<vmem>> -> memref<1x1x128xi32, #tpu.memory_space<vmem>>
        %dma_start3A_286 = tpu.memref_squeeze %dma_start3A_285 : memref<1x1x128xi32, #tpu.memory_space<vmem>> -> memref<128xi32, #tpu.memory_space<vmem>>
        %dma_start3A_287 = arith.constant 0 : i32
        %dma_start3A_288 = arith.constant 0 : i32
        %dma_start3A_289 = tpu.memref_slice %arg2[%dma_start3A_287, %dma_start3A_288] : memref<20000x128xf32, #tpu.memory_space<hbm>> -> memref<20000x128xf32, #tpu.memory_space<hbm>>
        tpu.enqueue_indirect_dma source(%dma_start3A_289 : memref<20000x128xf32, #tpu.memory_space<hbm>>) target(%dma_start3A_283 : memref<128x128xf32, #tpu.memory_space<vmem>>) offsets(%dma_start3A_286 : memref<128xi32, #tpu.memory_space<vmem>>) semaphore(%arg10 : memref<!tpu.dma_semaphore, #tpu.memory_space<semaphore_mem>>)
      } else {
      }
      %jit3A_165 = arith.constant 16 : i32
      %eq3A_166 = arith.constant 0 : i32
      %eq3A_167 = arith.cmpi eq, %jit3A_165, %eq3A_166 : i32
      %jit3A_168 = arith.constant 1 : i32
      %select_n3A_169 = arith.select %eq3A_167, %jit3A_168, %jit3A_165 : i32
      %rem3A_170 = arith.remsi %scan3A_61, %select_n3A_169 : i32
      %ne3A_171 = arith.constant 0 : i32
      %ne3A_172 = arith.cmpi ne, %rem3A_170, %ne3A_171 : i32
      %lt3A_173 = arith.constant 0 : i32
      %lt3A_174 = arith.cmpi slt, %rem3A_170, %lt3A_173 : i32
      %lt3A_175 = arith.constant 0 : i32
      %lt3A_176 = arith.cmpi slt, %select_n3A_169, %lt3A_175 : i32
      %ne3A_177 = arith.xori %lt3A_174, %lt3A_176 : i1
      %and3A_178 = arith.andi %ne3A_177, %ne3A_172 : i1
      %add3A_179 = arith.addi %rem3A_170, %select_n3A_169 : i32
      %select_n3A_180 = arith.select %and3A_178, %add3A_179, %rem3A_170 : i32
      %dma_wait3A_181 = arith.constant 0 : i32
      %dma_wait3A_182 = arith.constant 0 : i32
      %dma_wait3A_183 = tpu.memref_slice %arg8[%select_n3A_72, %dma_wait3A_181, %dma_wait3A_182] : memref<2x128x128xf32, #tpu.memory_space<vmem>> -> memref<1x128x128xf32, #tpu.memory_space<vmem>>
      %dma_wait3A_184 = tpu.memref_squeeze %dma_wait3A_183 : memref<1x128x128xf32, #tpu.memory_space<vmem>> -> memref<128x128xf32, #tpu.memory_space<vmem>>
      %dma_wait3A_185 = arith.constant 0 : i32
      %dma_wait3A_186 = tpu.memref_slice %arg6[%select_n3A_159, %select_n3A_180, %dma_wait3A_185] : memref<2x16x128xi32, #tpu.memory_space<vmem>> -> memref<1x1x128xi32, #tpu.memory_space<vmem>>
      %dma_wait3A_187 = tpu.memref_squeeze %dma_wait3A_186 : memref<1x1x128xi32, #tpu.memory_space<vmem>> -> memref<128xi32, #tpu.memory_space<vmem>>
      %dma_wait3A_188 = arith.constant 0 : i32
      %dma_wait3A_189 = arith.constant 0 : i32
      %dma_wait3A_190 = tpu.memref_slice %arg2[%dma_wait3A_188, %dma_wait3A_189] : memref<20000x128xf32, #tpu.memory_space<hbm>> -> memref<20000x128xf32, #tpu.memory_space<hbm>>
      tpu.wait_indirect_dma semaphore(%arg10 : memref<!tpu.dma_semaphore, #tpu.memory_space<semaphore_mem>>) src(%dma_wait3A_190 : memref<20000x128xf32, #tpu.memory_space<hbm>>) dst(%dma_wait3A_184 : memref<128x128xf32, #tpu.memory_space<vmem>>)
      %jit3A_191 = arith.constant 16 : i32
      %eq3A_192 = arith.constant 0 : i32
      %eq3A_193 = arith.cmpi eq, %jit3A_191, %eq3A_192 : i32
      %jit3A_194 = arith.constant 1 : i32
      %select_n3A_195 = arith.select %eq3A_193, %jit3A_194, %jit3A_191 : i32
      %rem3A_196 = arith.remsi %scan3A_61, %select_n3A_195 : i32
      %ne3A_197 = arith.constant 0 : i32
      %ne3A_198 = arith.cmpi ne, %rem3A_196, %ne3A_197 : i32
      %lt3A_199 = arith.constant 0 : i32
      %lt3A_200 = arith.cmpi slt, %rem3A_196, %lt3A_199 : i32
      %lt3A_201 = arith.constant 0 : i32
      %lt3A_202 = arith.cmpi slt, %select_n3A_195, %lt3A_201 : i32
      %ne3A_203 = arith.xori %lt3A_200, %lt3A_202 : i1
      %and3A_204 = arith.andi %ne3A_203, %ne3A_198 : i1
      %add3A_205 = arith.addi %rem3A_196, %select_n3A_195 : i32
      %select_n3A_206 = arith.select %and3A_204, %add3A_205, %rem3A_196 : i32
      %dma_start3A_207 = arith.constant 0 : i32
      %dma_start3A_208 = arith.constant 0 : i32
      %dma_start3A_209 = tpu.memref_slice %arg8[%select_n3A_72, %dma_start3A_207, %dma_start3A_208] : memref<2x128x128xf32, #tpu.memory_space<vmem>> -> memref<1x128x128xf32, #tpu.memory_space<vmem>>
      %dma_start3A_210 = tpu.memref_squeeze %dma_start3A_209 : memref<1x128x128xf32, #tpu.memory_space<vmem>> -> memref<128x128xf32, #tpu.memory_space<vmem>>
      %dma_start3A_211 = arith.constant 0 : i32
      %dma_start3A_212 = tpu.memref_slice %arg7[%select_n3A_159, %select_n3A_206, %dma_start3A_211] : memref<2x16x128xi32, #tpu.memory_space<vmem>> -> memref<1x1x128xi32, #tpu.memory_space<vmem>>
      %dma_start3A_213 = tpu.memref_squeeze %dma_start3A_212 : memref<1x1x128xi32, #tpu.memory_space<vmem>> -> memref<128xi32, #tpu.memory_space<vmem>>
      %dma_start3A_214 = arith.constant 0 : i32
      %dma_start3A_215 = arith.constant 0 : i32
      %dma_start3A_216 = tpu.memref_slice %arg9[%dma_start3A_214, %dma_start3A_215] : memref<10240x128xf32, #tpu.memory_space<vmem_shared>> -> memref<10240x128xf32, #tpu.memory_space<vmem_shared>>
      tpu.enqueue_indirect_dma source(%dma_start3A_210 : memref<128x128xf32, #tpu.memory_space<vmem>>) target(%dma_start3A_216 : memref<10240x128xf32, #tpu.memory_space<vmem_shared>>) offsets(%dma_start3A_213 : memref<128xi32, #tpu.memory_space<vmem>>) semaphore(%arg11 : memref<!tpu.dma_semaphore, #tpu.memory_space<semaphore_mem>>) {add = true}
      %scan3A_217 = arith.constant 0 : i32
      scf.yield %scan3A_217 : i32
    }
    %scan3A_43 = arith.constant 80 : i32
    %dma_wait3A = arith.constant 1 : i32
    %dma_wait3A_44 = arith.constant 0 : i32
    %dma_wait3A_45 = arith.constant 0 : i32
    %dma_wait3A_46 = arith.constant 0 : i32
    %dma_wait3A_47 = arith.constant 0 : i32
    %dma_wait3A_48 = tpu.memref_slice %arg8[%dma_wait3A, %dma_wait3A_46, %dma_wait3A_47] : memref<2x128x128xf32, #tpu.memory_space<vmem>> -> memref<1x128x128xf32, #tpu.memory_space<vmem>>
    %dma_wait3A_49 = tpu.memref_squeeze %dma_wait3A_48 : memref<1x128x128xf32, #tpu.memory_space<vmem>> -> memref<128x128xf32, #tpu.memory_space<vmem>>
    %dma_wait3A_50 = arith.constant 0 : i32
    %dma_wait3A_51 = tpu.memref_slice %arg7[%dma_wait3A_44, %dma_wait3A_45, %dma_wait3A_50] : memref<2x16x128xi32, #tpu.memory_space<vmem>> -> memref<1x1x128xi32, #tpu.memory_space<vmem>>
    %dma_wait3A_52 = tpu.memref_squeeze %dma_wait3A_51 : memref<1x1x128xi32, #tpu.memory_space<vmem>> -> memref<128xi32, #tpu.memory_space<vmem>>
    %dma_wait3A_53 = arith.constant 0 : i32
    %dma_wait3A_54 = arith.constant 0 : i32
    %dma_wait3A_55 = tpu.memref_slice %arg9[%dma_wait3A_53, %dma_wait3A_54] : memref<10240x128xf32, #tpu.memory_space<vmem_shared>> -> memref<10240x128xf32, #tpu.memory_space<vmem_shared>>
    tpu.wait_indirect_dma semaphore(%arg11 : memref<!tpu.dma_semaphore, #tpu.memory_space<semaphore_mem>>) src(%dma_wait3A_49 : memref<128x128xf32, #tpu.memory_space<vmem>>) dst(%dma_wait3A_55 : memref<10240x128xf32, #tpu.memory_space<vmem_shared>>)
    %barrier3A_56 = arith.constant 0 : index
    tpu.barrier barrier_id(%barrier3A_56)
    %mul3A_57 = arith.constant 624 : i32
    %mul3A_58 = arith.muli %arg1, %mul3A_57 : i32
    "tpu.region"() ({
      %run_scoped3A_61 = tpu.sem_alloc : memref<!tpu.dma_semaphore, #tpu.memory_space<semaphore_mem>>
      %dma_start3A_62 = arith.constant 0 : i32
      %dma_start3A_63 = tpu.memref_slice %arg5[%arg0, %mul3A_58, %dma_start3A_62] : memref<2x10000x128xf32, #tpu.memory_space<hbm>> -> memref<1x624x128xf32, #tpu.memory_space<hbm>>
      %dma_start3A_64 = tpu.memref_squeeze %dma_start3A_63 : memref<1x624x128xf32, #tpu.memory_space<hbm>> -> memref<624x128xf32, #tpu.memory_space<hbm>>
      %dma_start3A_65 = arith.constant 0 : i32
      %dma_start3A_66 = tpu.memref_slice %arg9[%mul3A_58, %dma_start3A_65] : memref<10240x128xf32, #tpu.memory_space<vmem_shared>> -> memref<624x128xf32, #tpu.memory_space<vmem_shared>>
      tpu.enqueue_dma source(%dma_start3A_66 : memref<624x128xf32, #tpu.memory_space<vmem_shared>>) target(%dma_start3A_64 : memref<624x128xf32, #tpu.memory_space<hbm>>) target_semaphore(%run_scoped3A_61 : memref<!tpu.dma_semaphore, #tpu.memory_space<semaphore_mem>>)
      %dma_wait3A_67 = arith.constant 0 : i32
      %dma_wait3A_68 = tpu.memref_slice %arg5[%arg0, %mul3A_58, %dma_wait3A_67] : memref<2x10000x128xf32, #tpu.memory_space<hbm>> -> memref<1x624x128xf32, #tpu.memory_space<hbm>>
      %dma_wait3A_69 = tpu.memref_squeeze %dma_wait3A_68 : memref<1x624x128xf32, #tpu.memory_space<hbm>> -> memref<624x128xf32, #tpu.memory_space<hbm>>
      %dma_wait3A_70 = arith.constant 0 : i32
      %dma_wait3A_71 = tpu.memref_slice %arg9[%mul3A_58, %dma_wait3A_70] : memref<10240x128xf32, #tpu.memory_space<vmem_shared>> -> memref<624x128xf32, #tpu.memory_space<vmem_shared>>
      tpu.wait_dma2 semaphore(%run_scoped3A_61 : memref<!tpu.dma_semaphore, #tpu.memory_space<semaphore_mem>>) src(%dma_wait3A_71 : memref<624x128xf32, #tpu.memory_space<vmem_shared>>) dst(%dma_wait3A_69 : memref<624x128xf32, #tpu.memory_space<hbm>>)
      tpu.yield
    }) : () -> ()
    %eq3A = arith.constant 0 : i32
    %eq3A_59 = arith.cmpi eq, %arg1, %eq3A : i32
    %convert_element_type3A = arith.extui %eq3A_59 : i1 to i32
    %cond3A = arith.constant 0 : i32
    %cond3A_60 = arith.cmpi ne, %convert_element_type3A, %cond3A : i32
    scf.if %cond3A_60 {
      "tpu.region"() ({
        %run_scoped3A_61 = tpu.sem_alloc : memref<!tpu.dma_semaphore, #tpu.memory_space<semaphore_mem>>
        %dma_start3A_62 = arith.constant 9984 : i32
        %dma_start3A_63 = arith.constant 0 : i32
        %dma_start3A_64 = tpu.memref_slice %arg5[%arg0, %dma_start3A_62, %dma_start3A_63] : memref<2x10000x128xf32, #tpu.memory_space<hbm>> -> memref<1x16x128xf32, #tpu.memory_space<hbm>>
        %dma_start3A_65 = tpu.memref_squeeze %dma_start3A_64 : memref<1x16x128xf32, #tpu.memory_space<hbm>> -> memref<16x128xf32, #tpu.memory_space<hbm>>
        %dma_start3A_66 = arith.constant 9984 : i32
        %dma_start3A_67 = arith.constant 0 : i32
        %dma_start3A_68 = tpu.memref_slice %arg9[%dma_start3A_66, %dma_start3A_67] : memref<10240x128xf32, #tpu.memory_space<vmem_shared>> -> memref<16x128xf32, #tpu.memory_space<vmem_shared>>
        tpu.enqueue_dma source(%dma_start3A_68 : memref<16x128xf32, #tpu.memory_space<vmem_shared>>) target(%dma_start3A_65 : memref<16x128xf32, #tpu.memory_space<hbm>>) target_semaphore(%run_scoped3A_61 : memref<!tpu.dma_semaphore, #tpu.memory_space<semaphore_mem>>)
        %dma_wait3A_69 = arith.constant 9984 : i32
        %dma_wait3A_70 = arith.constant 0 : i32
        %dma_wait3A_71 = tpu.memref_slice %arg5[%arg0, %dma_wait3A_69, %dma_wait3A_70] : memref<2x10000x128xf32, #tpu.memory_space<hbm>> -> memref<1x16x128xf32, #tpu.memory_space<hbm>>
        %dma_wait3A_72 = tpu.memref_squeeze %dma_wait3A_71 : memref<1x16x128xf32, #tpu.memory_space<hbm>> -> memref<16x128xf32, #tpu.memory_space<hbm>>
        %dma_wait3A_73 = arith.constant 9984 : i32
        %dma_wait3A_74 = arith.constant 0 : i32
        %dma_wait3A_75 = tpu.memref_slice %arg9[%dma_wait3A_73, %dma_wait3A_74] : memref<10240x128xf32, #tpu.memory_space<vmem_shared>> -> memref<16x128xf32, #tpu.memory_space<vmem_shared>>
        tpu.wait_dma2 semaphore(%run_scoped3A_61 : memref<!tpu.dma_semaphore, #tpu.memory_space<semaphore_mem>>) src(%dma_wait3A_75 : memref<16x128xf32, #tpu.memory_space<vmem_shared>>) dst(%dma_wait3A_72 : memref<16x128xf32, #tpu.memory_space<hbm>>)
        tpu.yield
      }) : () -> ()
    } else {
    }
    return
  }
}

#map = affine_map<(d0, d1) -> (0, 0)>
#map1 = affine_map<(d0, d1) -> (0, 0, 0)>
module attributes {stable_mosaic.version = 14 : i64} {
  func.func @body(%arg0: i32, %arg1: i32, %arg2: memref<20000x128xf32, #tpu.memory_space<hbm>>, %arg3: memref<32x80x128xi32, #tpu.memory_space<hbm>>, %arg4: memref<32x80x128xi32, #tpu.memory_space<hbm>>, %arg5: memref<2x10000x128xf32, #tpu.memory_space<hbm>>, %arg6: memref<2x16x128xi32, #tpu.memory_space<vmem>>, %arg7: memref<2x16x128xi32, #tpu.memory_space<vmem>>, %arg8: memref<2x128x128xf32, #tpu.memory_space<vmem>>, %arg9: memref<10240x128xf32, #tpu.memory_space<vmem_shared>>, %arg10: memref<!tpu.dma_semaphore, #tpu.memory_space<semaphore_mem>>, %arg11: memref<!tpu.dma_semaphore, #tpu.memory_space<semaphore_mem>>) attributes {dimension_semantics = [#tpu.dimension_semantics<core_parallel>, #tpu.dimension_semantics<subcore_parallel>], iteration_bounds = array<i64: 2, 16>, scalar_prefetch = 0 : i64, scratch_operands = 6 : i64, tpu.core_type = #tpu.core_type<sc_vector_subcore>, window_params = [{transform_indices = #map}, {transform_indices = #map1}, {transform_indices = #map1}, {transform_indices = #map1}]} {
    %mul3A = arith.constant 16 : i32
    %mul3A_0 = arith.muli %arg0, %mul3A : i32
    %add3A = arith.addi %mul3A_0, %arg1 : i32
    %scan3A = arith.constant 0 : i32
    %scan3A_1 = arith.constant 0 : i32
    %scan3A_2 = arith.constant 1024 : i32
    %scan3A_3 = arith.addi %scan3A_1, %scan3A_2 : i32
    %scan3A_4 = arith.constant 1 : i32
    %scan3A_5 = scf.for %scan3A_61 = %scan3A_1 to %scan3A_3 step %scan3A_4 iter_args(%scan3A_62 = %scan3A) -> (i32)  : i32 {
      %jit3A = arith.constant 8 : i32
      %div3A = arith.divsi %scan3A_61, %jit3A : i32
      %sign3A = arith.constant 0 : i32
      %sign3A_63 = arith.cmpi sgt, %scan3A_61, %sign3A : i32
      %sign3A_64 = arith.extui %sign3A_63 : i1 to i32
      %sign3A_65 = arith.constant 0 : i32
      %sign3A_66 = arith.cmpi slt, %scan3A_61, %sign3A_65 : i32
      %sign3A_67 = arith.extui %sign3A_66 : i1 to i32
      %sign3A_68 = arith.subi %sign3A_64, %sign3A_67 : i32
      %sign3A_69 = arith.constant 0 : i32
      %sign3A_70 = arith.cmpi sgt, %jit3A, %sign3A_69 : i32
      %sign3A_71 = arith.extui %sign3A_70 : i1 to i32
      %sign3A_72 = arith.constant 0 : i32
      %sign3A_73 = arith.cmpi slt, %jit3A, %sign3A_72 : i32
      %sign3A_74 = arith.extui %sign3A_73 : i1 to i32
      %sign3A_75 = arith.subi %sign3A_71, %sign3A_74 : i32
      %ne3A = arith.cmpi ne, %sign3A_68, %sign3A_75 : i32
      %rem3A = arith.remsi %scan3A_61, %jit3A : i32
      %ne3A_76 = arith.constant 0 : i32
      %ne3A_77 = arith.cmpi ne, %rem3A, %ne3A_76 : i32
      %and3A = arith.andi %ne3A, %ne3A_77 : i1
      %sub3A = arith.constant 1 : i32
      %sub3A_78 = arith.subi %div3A, %sub3A : i32
      %select_n3A = arith.select %and3A, %sub3A_78, %div3A : i32
      %jit3A_79 = arith.constant 8 : i32
      %eq3A_80 = arith.constant 0 : i32
      %eq3A_81 = arith.cmpi eq, %jit3A_79, %eq3A_80 : i32
      %jit3A_82 = arith.constant 1 : i32
      %select_n3A_83 = arith.select %eq3A_81, %jit3A_82, %jit3A_79 : i32
      %rem3A_84 = arith.remsi %scan3A_61, %select_n3A_83 : i32
      %ne3A_85 = arith.constant 0 : i32
      %ne3A_86 = arith.cmpi ne, %rem3A_84, %ne3A_85 : i32
      %lt3A = arith.constant 0 : i32
      %lt3A_87 = arith.cmpi slt, %rem3A_84, %lt3A : i32
      %lt3A_88 = arith.constant 0 : i32
      %lt3A_89 = arith.cmpi slt, %select_n3A_83, %lt3A_88 : i32
      %ne3A_90 = arith.xori %lt3A_87, %lt3A_89 : i1
      %and3A_91 = arith.andi %ne3A_90, %ne3A_86 : i1
      %add3A_92 = arith.addi %rem3A_84, %select_n3A_83 : i32
      %select_n3A_93 = arith.select %and3A_91, %add3A_92, %rem3A_84 : i32
      %mul3A_94 = arith.constant 16 : i32
      %mul3A_95 = arith.muli %select_n3A_93, %mul3A_94 : i32
      %broadcast_in_dim3A = arith.constant 0.000000e+00 : f32
      %broadcast_in_dim3A_96 = vector.broadcast %broadcast_in_dim3A : f32 to vector<16xf32>
      %swap3A = arith.constant 0 : i32
      %swap3A_97 = arith.index_cast %swap3A : i32 to index
      %swap3A_98 = arith.index_cast %select_n3A : i32 to index
      %swap3A_99 = arith.index_cast %mul3A_95 : i32 to index
      %swap3A_100 = tpu.vector_load %arg8[%swap3A_97, %swap3A_98, %swap3A_99] {strides = array<i32>} : memref<2x128x128xf32, #tpu.memory_space<vmem>>, vector<1x1x16xf32>,
      %swap3A_101 = vector.shape_cast %swap3A_100 : vector<1x1x16xf32> to vector<16xf32>
      %swap3A_102 = vector.shape_cast %broadcast_in_dim3A_96 : vector<16xf32> to vector<1x1x16xf32>
      tpu.vector_store %arg8[%swap3A_97, %swap3A_98, %swap3A_99], %swap3A_102 {strides = array<i32>} : memref<2x128x128xf32, #tpu.memory_space<vmem>>, vector<1x1x16xf32>,
      %scan3A_103 = arith.constant 0 : i32
      scf.yield %scan3A_103 : i32
    }
    %scan3A_6 = arith.constant 1024 : i32
    %mul3A_7 = arith.constant 640 : i32
    %mul3A_8 = arith.muli %arg1, %mul3A_7 : i32
    %add3A_9 = arith.constant 0 : i32
    %add3A_10 = arith.addi %mul3A_8, %add3A_9 : i32
    %run_scoped3A = arith.constant 0 : i32
    "tpu.region"() ({
      %run_scoped3A_61 = tpu.sem_alloc : memref<!tpu.dma_semaphore, #tpu.memory_space<semaphore_mem>>
      %dma_start3A_62 = arith.constant 0 : i32
      %dma_start3A_63 = arith.constant 0 : i32
      %dma_start3A_64 = tpu.memref_slice %arg8[%run_scoped3A, %dma_start3A_62, %dma_start3A_63] : memref<2x128x128xf32, #tpu.memory_space<vmem>> -> memref<1x128x128xf32, #tpu.memory_space<vmem>>
      %dma_start3A_65 = tpu.memref_squeeze %dma_start3A_64 : memref<1x128x128xf32, #tpu.memory_space<vmem>> -> memref<128x128xf32, #tpu.memory_space<vmem>>
      %dma_start3A_66 = arith.constant 0 : i32
      %dma_start3A_67 = tpu.memref_slice %arg9[%add3A_10, %dma_start3A_66] : memref<10240x128xf32, #tpu.memory_space<vmem_shared>> -> memref<128x128xf32, #tpu.memory_space<vmem_shared>>
      %dma_start3A_68 = arith.constant 0 : i32
      %dma_start3A_69 = tpu.memref_slice %arg9[%add3A_10, %dma_start3A_68] : memref<10240x128xf32, #tpu.memory_space<vmem_shared>> -> memref<128x128xf32, #tpu.memory_space<vmem_shared>>
      %dma_start3A_70 = arith.constant 0 : i32
      %dma_start3A_71 = arith.constant 0 : i32
      %dma_start3A_72 = tpu.memref_slice %arg8[%run_scoped3A, %dma_start3A_70, %dma_start3A_71] : memref<2x128x128xf32, #tpu.memory_space<vmem>> -> memref<1x128x128xf32, #tpu.memory_space<vmem>>
      %dma_start3A_73 = tpu.memref_squeeze %dma_start3A_72 : memref<1x128x128xf32, #tpu.memory_space<vmem>> -> memref<128x128xf32, #tpu.memory_space<vmem>>
      tpu.enqueue_dma source(%dma_start3A_73 : memref<128x128xf32, #tpu.memory_space<vmem>>) target(%dma_start3A_69 : memref<128x128xf32, #tpu.memory_space<vmem_shared>>) target_semaphore(%run_scoped3A_61 : memref<!tpu.dma_semaphore, #tpu.memory_space<semaphore_mem>>)
      %dma_wait3A_74 = arith.constant 0 : i32
      %dma_wait3A_75 = arith.constant 0 : i32
      %dma_wait3A_76 = tpu.memref_slice %arg8[%run_scoped3A, %dma_wait3A_74, %dma_wait3A_75] : memref<2x128x128xf32, #tpu.memory_space<vmem>> -> memref<1x128x128xf32, #tpu.memory_space<vmem>>
      %dma_wait3A_77 = tpu.memref_squeeze %dma_wait3A_76 : memref<1x128x128xf32, #tpu.memory_space<vmem>> -> memref<128x128xf32, #tpu.memory_space<vmem>>
      %dma_wait3A_78 = arith.constant 0 : i32
      %dma_wait3A_79 = tpu.memref_slice %arg9[%add3A_10, %dma_wait3A_78] : memref<10240x128xf32, #tpu.memory_space<vmem_shared>> -> memref<128x128xf32, #tpu.memory_space<vmem_shared>>
      %dma_wait3A_80 = arith.constant 0 : i32
      %dma_wait3A_81 = tpu.memref_slice %arg9[%add3A_10, %dma_wait3A_80] : memref<10240x128xf32, #tpu.memory_space<vmem_shared>> -> memref<128x128xf32, #tpu.memory_space<vmem_shared>>
      %dma_wait3A_82 = arith.constant 0 : i32
      %dma_wait3A_83 = arith.constant 0 : i32
      %dma_wait3A_84 = tpu.memref_slice %arg8[%run_scoped3A, %dma_wait3A_82, %dma_wait3A_83] : memref<2x128x128xf32, #tpu.memory_space<vmem>> -> memref<1x128x128xf32, #tpu.memory_space<vmem>>
      %dma_wait3A_85 = tpu.memref_squeeze %dma_wait3A_84 : memref<1x128x128xf32, #tpu.memory_space<vmem>> -> memref<128x128xf32, #tpu.memory_space<vmem>>
      tpu.wait_dma2 semaphore(%run_scoped3A_61 : memref<!tpu.dma_semaphore, #tpu.memory_space<semaphore_mem>>) src(%dma_wait3A_85 : memref<128x128xf32, #tpu.memory_space<vmem>>) dst(%dma_wait3A_81 : memref<128x128xf32, #tpu.memory_space<vmem_shared>>)
      tpu.yield
    }) : () -> ()
    %add3A_11 = arith.constant 128 : i32
    %add3A_12 = arith.addi %mul3A_8, %add3A_11 : i32
    %run_scoped3A_13 = arith.constant 0 : i32
    "tpu.region"() ({
      %run_scoped3A_61 = tpu.sem_alloc : memref<!tpu.dma_semaphore, #tpu.memory_space<semaphore_mem>>
      %dma_start3A_62 = arith.constant 0 : i32
      %dma_start3A_63 = arith.constant 0 : i32
      %dma_start3A_64 = tpu.memref_slice %arg8[%run_scoped3A_13, %dma_start3A_62, %dma_start3A_63] : memref<2x128x128xf32, #tpu.memory_space<vmem>> -> memref<1x128x128xf32, #tpu.memory_space<vmem>>
      %dma_start3A_65 = tpu.memref_squeeze %dma_start3A_64 : memref<1x128x128xf32, #tpu.memory_space<vmem>> -> memref<128x128xf32, #tpu.memory_space<vmem>>
      %dma_start3A_66 = arith.constant 0 : i32
      %dma_start3A_67 = tpu.memref_slice %arg9[%add3A_12, %dma_start3A_66] : memref<10240x128xf32, #tpu.memory_space<vmem_shared>> -> memref<128x128xf32, #tpu.memory_space<vmem_shared>>
      %dma_start3A_68 = arith.constant 0 : i32
      %dma_start3A_69 = tpu.memref_slice %arg9[%add3A_12, %dma_start3A_68] : memref<10240x128xf32, #tpu.memory_space<vmem_shared>> -> memref<128x128xf32, #tpu.memory_space<vmem_shared>>
      %dma_start3A_70 = arith.constant 0 : i32
      %dma_start3A_71 = arith.constant 0 : i32
      %dma_start3A_72 = tpu.memref_slice %arg8[%run_scoped3A_13, %dma_start3A_70, %dma_start3A_71] : memref<2x128x128xf32, #tpu.memory_space<vmem>> -> memref<1x128x128xf32, #tpu.memory_space<vmem>>
      %dma_start3A_73 = tpu.memref_squeeze %dma_start3A_72 : memref<1x128x128xf32, #tpu.memory_space<vmem>> -> memref<128x128xf32, #tpu.memory_space<vmem>>
      tpu.enqueue_dma source(%dma_start3A_73 : memref<128x128xf32, #tpu.memory_space<vmem>>) target(%dma_start3A_69 : memref<128x128xf32, #tpu.memory_space<vmem_shared>>) target_semaphore(%run_scoped3A_61 : memref<!tpu.dma_semaphore, #tpu.memory_space<semaphore_mem>>)
      %dma_wait3A_74 = arith.constant 0 : i32
      %dma_wait3A_75 = arith.constant 0 : i32
      %dma_wait3A_76 = tpu.memref_slice %arg8[%run_scoped3A_13, %dma_wait3A_74, %dma_wait3A_75] : memref<2x128x128xf32, #tpu.memory_space<vmem>> -> memref<1x128x128xf32, #tpu.memory_space<vmem>>
      %dma_wait3A_77 = tpu.memref_squeeze %dma_wait3A_76 : memref<1x128x128xf32, #tpu.memory_space<vmem>> -> memref<128x128xf32, #tpu.memory_space<vmem>>
      %dma_wait3A_78 = arith.constant 0 : i32
      %dma_wait3A_79 = tpu.memref_slice %arg9[%add3A_12, %dma_wait3A_78] : memref<10240x128xf32, #tpu.memory_space<vmem_shared>> -> memref<128x128xf32, #tpu.memory_space<vmem_shared>>
      %dma_wait3A_80 = arith.constant 0 : i32
      %dma_wait3A_81 = tpu.memref_slice %arg9[%add3A_12, %dma_wait3A_80] : memref<10240x128xf32, #tpu.memory_space<vmem_shared>> -> memref<128x128xf32, #tpu.memory_space<vmem_shared>>
      %dma_wait3A_82 = arith.constant 0 : i32
      %dma_wait3A_83 = arith.constant 0 : i32
      %dma_wait3A_84 = tpu.memref_slice %arg8[%run_scoped3A_13, %dma_wait3A_82, %dma_wait3A_83] : memref<2x128x128xf32, #tpu.memory_space<vmem>> -> memref<1x128x128xf32, #tpu.memory_space<vmem>>
      %dma_wait3A_85 = tpu.memref_squeeze %dma_wait3A_84 : memref<1x128x128xf32, #tpu.memory_space<vmem>> -> memref<128x128xf32, #tpu.memory_space<vmem>>
      tpu.wait_dma2 semaphore(%run_scoped3A_61 : memref<!tpu.dma_semaphore, #tpu.memory_space<semaphore_mem>>) src(%dma_wait3A_85 : memref<128x128xf32, #tpu.memory_space<vmem>>) dst(%dma_wait3A_81 : memref<128x128xf32, #tpu.memory_space<vmem_shared>>)
      tpu.yield
    }) : () -> ()
    %add3A_14 = arith.constant 256 : i32
    %add3A_15 = arith.addi %mul3A_8, %add3A_14 : i32
    %run_scoped3A_16 = arith.constant 0 : i32
    "tpu.region"() ({
      %run_scoped3A_61 = tpu.sem_alloc : memref<!tpu.dma_semaphore, #tpu.memory_space<semaphore_mem>>
      %dma_start3A_62 = arith.constant 0 : i32
      %dma_start3A_63 = arith.constant 0 : i32
      %dma_start3A_64 = tpu.memref_slice %arg8[%run_scoped3A_16, %dma_start3A_62, %dma_start3A_63] : memref<2x128x128xf32, #tpu.memory_space<vmem>> -> memref<1x128x128xf32, #tpu.memory_space<vmem>>
      %dma_start3A_65 = tpu.memref_squeeze %dma_start3A_64 : memref<1x128x128xf32, #tpu.memory_space<vmem>> -> memref<128x128xf32, #tpu.memory_space<vmem>>
      %dma_start3A_66 = arith.constant 0 : i32
      %dma_start3A_67 = tpu.memref_slice %arg9[%add3A_15, %dma_start3A_66] : memref<10240x128xf32, #tpu.memory_space<vmem_shared>> -> memref<128x128xf32, #tpu.memory_space<vmem_shared>>
      %dma_start3A_68 = arith.constant 0 : i32
      %dma_start3A_69 = tpu.memref_slice %arg9[%add3A_15, %dma_start3A_68] : memref<10240x128xf32, #tpu.memory_space<vmem_shared>> -> memref<128x128xf32, #tpu.memory_space<vmem_shared>>
      %dma_start3A_70 = arith.constant 0 : i32
      %dma_start3A_71 = arith.constant 0 : i32
      %dma_start3A_72 = tpu.memref_slice %arg8[%run_scoped3A_16, %dma_start3A_70, %dma_start3A_71] : memref<2x128x128xf32, #tpu.memory_space<vmem>> -> memref<1x128x128xf32, #tpu.memory_space<vmem>>
      %dma_start3A_73 = tpu.memref_squeeze %dma_start3A_72 : memref<1x128x128xf32, #tpu.memory_space<vmem>> -> memref<128x128xf32, #tpu.memory_space<vmem>>
      tpu.enqueue_dma source(%dma_start3A_73 : memref<128x128xf32, #tpu.memory_space<vmem>>) target(%dma_start3A_69 : memref<128x128xf32, #tpu.memory_space<vmem_shared>>) target_semaphore(%run_scoped3A_61 : memref<!tpu.dma_semaphore, #tpu.memory_space<semaphore_mem>>)
      %dma_wait3A_74 = arith.constant 0 : i32
      %dma_wait3A_75 = arith.constant 0 : i32
      %dma_wait3A_76 = tpu.memref_slice %arg8[%run_scoped3A_16, %dma_wait3A_74, %dma_wait3A_75] : memref<2x128x128xf32, #tpu.memory_space<vmem>> -> memref<1x128x128xf32, #tpu.memory_space<vmem>>
      %dma_wait3A_77 = tpu.memref_squeeze %dma_wait3A_76 : memref<1x128x128xf32, #tpu.memory_space<vmem>> -> memref<128x128xf32, #tpu.memory_space<vmem>>
      %dma_wait3A_78 = arith.constant 0 : i32
      %dma_wait3A_79 = tpu.memref_slice %arg9[%add3A_15, %dma_wait3A_78] : memref<10240x128xf32, #tpu.memory_space<vmem_shared>> -> memref<128x128xf32, #tpu.memory_space<vmem_shared>>
      %dma_wait3A_80 = arith.constant 0 : i32
      %dma_wait3A_81 = tpu.memref_slice %arg9[%add3A_15, %dma_wait3A_80] : memref<10240x128xf32, #tpu.memory_space<vmem_shared>> -> memref<128x128xf32, #tpu.memory_space<vmem_shared>>
      %dma_wait3A_82 = arith.constant 0 : i32
      %dma_wait3A_83 = arith.constant 0 : i32
      %dma_wait3A_84 = tpu.memref_slice %arg8[%run_scoped3A_16, %dma_wait3A_82, %dma_wait3A_83] : memref<2x128x128xf32, #tpu.memory_space<vmem>> -> memref<1x128x128xf32, #tpu.memory_space<vmem>>
      %dma_wait3A_85 = tpu.memref_squeeze %dma_wait3A_84 : memref<1x128x128xf32, #tpu.memory_space<vmem>> -> memref<128x128xf32, #tpu.memory_space<vmem>>
      tpu.wait_dma2 semaphore(%run_scoped3A_61 : memref<!tpu.dma_semaphore, #tpu.memory_space<semaphore_mem>>) src(%dma_wait3A_85 : memref<128x128xf32, #tpu.memory_space<vmem>>) dst(%dma_wait3A_81 : memref<128x128xf32, #tpu.memory_space<vmem_shared>>)
      tpu.yield
    }) : () -> ()
    %add3A_17 = arith.constant 384 : i32
    %add3A_18 = arith.addi %mul3A_8, %add3A_17 : i32
    %run_scoped3A_19 = arith.constant 0 : i32
    "tpu.region"() ({
      %run_scoped3A_61 = tpu.sem_alloc : memref<!tpu.dma_semaphore, #tpu.memory_space<semaphore_mem>>
      %dma_start3A_62 = arith.constant 0 : i32
      %dma_start3A_63 = arith.constant 0 : i32
      %dma_start3A_64 = tpu.memref_slice %arg8[%run_scoped3A_19, %dma_start3A_62, %dma_start3A_63] : memref<2x128x128xf32, #tpu.memory_space<vmem>> -> memref<1x128x128xf32, #tpu.memory_space<vmem>>
      %dma_start3A_65 = tpu.memref_squeeze %dma_start3A_64 : memref<1x128x128xf32, #tpu.memory_space<vmem>> -> memref<128x128xf32, #tpu.memory_space<vmem>>
      %dma_start3A_66 = arith.constant 0 : i32
      %dma_start3A_67 = tpu.memref_slice %arg9[%add3A_18, %dma_start3A_66] : memref<10240x128xf32, #tpu.memory_space<vmem_shared>> -> memref<128x128xf32, #tpu.memory_space<vmem_shared>>
      %dma_start3A_68 = arith.constant 0 : i32
      %dma_start3A_69 = tpu.memref_slice %arg9[%add3A_18, %dma_start3A_68] : memref<10240x128xf32, #tpu.memory_space<vmem_shared>> -> memref<128x128xf32, #tpu.memory_space<vmem_shared>>
      %dma_start3A_70 = arith.constant 0 : i32
      %dma_start3A_71 = arith.constant 0 : i32
      %dma_start3A_72 = tpu.memref_slice %arg8[%run_scoped3A_19, %dma_start3A_70, %dma_start3A_71] : memref<2x128x128xf32, #tpu.memory_space<vmem>> -> memref<1x128x128xf32, #tpu.memory_space<vmem>>
      %dma_start3A_73 = tpu.memref_squeeze %dma_start3A_72 : memref<1x128x128xf32, #tpu.memory_space<vmem>> -> memref<128x128xf32, #tpu.memory_space<vmem>>
      tpu.enqueue_dma source(%dma_start3A_73 : memref<128x128xf32, #tpu.memory_space<vmem>>) target(%dma_start3A_69 : memref<128x128xf32, #tpu.memory_space<vmem_shared>>) target_semaphore(%run_scoped3A_61 : memref<!tpu.dma_semaphore, #tpu.memory_space<semaphore_mem>>)
      %dma_wait3A_74 = arith.constant 0 : i32
      %dma_wait3A_75 = arith.constant 0 : i32
      %dma_wait3A_76 = tpu.memref_slice %arg8[%run_scoped3A_19, %dma_wait3A_74, %dma_wait3A_75] : memref<2x128x128xf32, #tpu.memory_space<vmem>> -> memref<1x128x128xf32, #tpu.memory_space<vmem>>
      %dma_wait3A_77 = tpu.memref_squeeze %dma_wait3A_76 : memref<1x128x128xf32, #tpu.memory_space<vmem>> -> memref<128x128xf32, #tpu.memory_space<vmem>>
      %dma_wait3A_78 = arith.constant 0 : i32
      %dma_wait3A_79 = tpu.memref_slice %arg9[%add3A_18, %dma_wait3A_78] : memref<10240x128xf32, #tpu.memory_space<vmem_shared>> -> memref<128x128xf32, #tpu.memory_space<vmem_shared>>
      %dma_wait3A_80 = arith.constant 0 : i32
      %dma_wait3A_81 = tpu.memref_slice %arg9[%add3A_18, %dma_wait3A_80] : memref<10240x128xf32, #tpu.memory_space<vmem_shared>> -> memref<128x128xf32, #tpu.memory_space<vmem_shared>>
      %dma_wait3A_82 = arith.constant 0 : i32
      %dma_wait3A_83 = arith.constant 0 : i32
      %dma_wait3A_84 = tpu.memref_slice %arg8[%run_scoped3A_19, %dma_wait3A_82, %dma_wait3A_83] : memref<2x128x128xf32, #tpu.memory_space<vmem>> -> memref<1x128x128xf32, #tpu.memory_space<vmem>>
      %dma_wait3A_85 = tpu.memref_squeeze %dma_wait3A_84 : memref<1x128x128xf32, #tpu.memory_space<vmem>> -> memref<128x128xf32, #tpu.memory_space<vmem>>
      tpu.wait_dma2 semaphore(%run_scoped3A_61 : memref<!tpu.dma_semaphore, #tpu.memory_space<semaphore_mem>>) src(%dma_wait3A_85 : memref<128x128xf32, #tpu.memory_space<vmem>>) dst(%dma_wait3A_81 : memref<128x128xf32, #tpu.memory_space<vmem_shared>>)
      tpu.yield
    }) : () -> ()
    %add3A_20 = arith.constant 512 : i32
    %add3A_21 = arith.addi %mul3A_8, %add3A_20 : i32
    %run_scoped3A_22 = arith.constant 0 : i32
    "tpu.region"() ({
      %run_scoped3A_61 = tpu.sem_alloc : memref<!tpu.dma_semaphore, #tpu.memory_space<semaphore_mem>>
      %dma_start3A_62 = arith.constant 0 : i32
      %dma_start3A_63 = arith.constant 0 : i32
      %dma_start3A_64 = tpu.memref_slice %arg8[%run_scoped3A_22, %dma_start3A_62, %dma_start3A_63] : memref<2x128x128xf32, #tpu.memory_space<vmem>> -> memref<1x128x128xf32, #tpu.memory_space<vmem>>
      %dma_start3A_65 = tpu.memref_squeeze %dma_start3A_64 : memref<1x128x128xf32, #tpu.memory_space<vmem>> -> memref<128x128xf32, #tpu.memory_space<vmem>>
      %dma_start3A_66 = arith.constant 0 : i32
      %dma_start3A_67 = tpu.memref_slice %arg9[%add3A_21, %dma_start3A_66] : memref<10240x128xf32, #tpu.memory_space<vmem_shared>> -> memref<128x128xf32, #tpu.memory_space<vmem_shared>>
      %dma_start3A_68 = arith.constant 0 : i32
      %dma_start3A_69 = tpu.memref_slice %arg9[%add3A_21, %dma_start3A_68] : memref<10240x128xf32, #tpu.memory_space<vmem_shared>> -> memref<128x128xf32, #tpu.memory_space<vmem_shared>>
      %dma_start3A_70 = arith.constant 0 : i32
      %dma_start3A_71 = arith.constant 0 : i32
      %dma_start3A_72 = tpu.memref_slice %arg8[%run_scoped3A_22, %dma_start3A_70, %dma_start3A_71] : memref<2x128x128xf32, #tpu.memory_space<vmem>> -> memref<1x128x128xf32, #tpu.memory_space<vmem>>
      %dma_start3A_73 = tpu.memref_squeeze %dma_start3A_72 : memref<1x128x128xf32, #tpu.memory_space<vmem>> -> memref<128x128xf32, #tpu.memory_space<vmem>>
      tpu.enqueue_dma source(%dma_start3A_73 : memref<128x128xf32, #tpu.memory_space<vmem>>) target(%dma_start3A_69 : memref<128x128xf32, #tpu.memory_space<vmem_shared>>) target_semaphore(%run_scoped3A_61 : memref<!tpu.dma_semaphore, #tpu.memory_space<semaphore_mem>>)
      %dma_wait3A_74 = arith.constant 0 : i32
      %dma_wait3A_75 = arith.constant 0 : i32
      %dma_wait3A_76 = tpu.memref_slice %arg8[%run_scoped3A_22, %dma_wait3A_74, %dma_wait3A_75] : memref<2x128x128xf32, #tpu.memory_space<vmem>> -> memref<1x128x128xf32, #tpu.memory_space<vmem>>
      %dma_wait3A_77 = tpu.memref_squeeze %dma_wait3A_76 : memref<1x128x128xf32, #tpu.memory_space<vmem>> -> memref<128x128xf32, #tpu.memory_space<vmem>>
      %dma_wait3A_78 = arith.constant 0 : i32
      %dma_wait3A_79 = tpu.memref_slice %arg9[%add3A_21, %dma_wait3A_78] : memref<10240x128xf32, #tpu.memory_space<vmem_shared>> -> memref<128x128xf32, #tpu.memory_space<vmem_shared>>
      %dma_wait3A_80 = arith.constant 0 : i32
      %dma_wait3A_81 = tpu.memref_slice %arg9[%add3A_21, %dma_wait3A_80] : memref<10240x128xf32, #tpu.memory_space<vmem_shared>> -> memref<128x128xf32, #tpu.memory_space<vmem_shared>>
      %dma_wait3A_82 = arith.constant 0 : i32
      %dma_wait3A_83 = arith.constant 0 : i32
      %dma_wait3A_84 = tpu.memref_slice %arg8[%run_scoped3A_22, %dma_wait3A_82, %dma_wait3A_83] : memref<2x128x128xf32, #tpu.memory_space<vmem>> -> memref<1x128x128xf32, #tpu.memory_space<vmem>>
      %dma_wait3A_85 = tpu.memref_squeeze %dma_wait3A_84 : memref<1x128x128xf32, #tpu.memory_space<vmem>> -> memref<128x128xf32, #tpu.memory_space<vmem>>
      tpu.wait_dma2 semaphore(%run_scoped3A_61 : memref<!tpu.dma_semaphore, #tpu.memory_space<semaphore_mem>>) src(%dma_wait3A_85 : memref<128x128xf32, #tpu.memory_space<vmem>>) dst(%dma_wait3A_81 : memref<128x128xf32, #tpu.memory_space<vmem_shared>>)
      tpu.yield
    }) : () -> ()
    %barrier3A = arith.constant 0 : index
    tpu.barrier barrier_id(%barrier3A)
    %run_scoped3A_23 = arith.constant 0 : i32
    "tpu.region"() ({
      %run_scoped3A_61 = tpu.sem_alloc : memref<!tpu.dma_semaphore, #tpu.memory_space<semaphore_mem>>
      %dma_start3A_62 = arith.constant 0 : i32
      %dma_start3A_63 = arith.constant 0 : i32
      %dma_start3A_64 = tpu.memref_slice %arg6[%run_scoped3A_23, %dma_start3A_62, %dma_start3A_63] : memref<2x16x128xi32, #tpu.memory_space<vmem>> -> memref<1x16x128xi32, #tpu.memory_space<vmem>>
      %dma_start3A_65 = tpu.memref_squeeze %dma_start3A_64 : memref<1x16x128xi32, #tpu.memory_space<vmem>> -> memref<16x128xi32, #tpu.memory_space<vmem>>
      %dma_start3A_66 = arith.constant 0 : i32
      %dma_start3A_67 = arith.constant 0 : i32
      %dma_start3A_68 = tpu.memref_slice %arg3[%add3A, %dma_start3A_66, %dma_start3A_67] : memref<32x80x128xi32, #tpu.memory_space<hbm>> -> memref<1x16x128xi32, #tpu.memory_space<hbm>>
      %dma_start3A_69 = tpu.memref_squeeze %dma_start3A_68 : memref<1x16x128xi32, #tpu.memory_space<hbm>> -> memref<16x128xi32, #tpu.memory_space<hbm>>
      %dma_start3A_70 = arith.constant 0 : i32
      %dma_start3A_71 = arith.constant 0 : i32
      %dma_start3A_72 = tpu.memref_slice %arg6[%run_scoped3A_23, %dma_start3A_70, %dma_start3A_71] : memref<2x16x128xi32, #tpu.memory_space<vmem>> -> memref<1x16x128xi32, #tpu.memory_space<vmem>>
      %dma_start3A_73 = tpu.memref_squeeze %dma_start3A_72 : memref<1x16x128xi32, #tpu.memory_space<vmem>> -> memref<16x128xi32, #tpu.memory_space<vmem>>
      %dma_start3A_74 = arith.constant 0 : i32
      %dma_start3A_75 = arith.constant 0 : i32
      %dma_start3A_76 = tpu.memref_slice %arg3[%add3A, %dma_start3A_74, %dma_start3A_75] : memref<32x80x128xi32, #tpu.memory_space<hbm>> -> memref<1x16x128xi32, #tpu.memory_space<hbm>>
      %dma_start3A_77 = tpu.memref_squeeze %dma_start3A_76 : memref<1x16x128xi32, #tpu.memory_space<hbm>> -> memref<16x128xi32, #tpu.memory_space<hbm>>
      tpu.enqueue_dma source(%dma_start3A_77 : memref<16x128xi32, #tpu.memory_space<hbm>>) target(%dma_start3A_73 : memref<16x128xi32, #tpu.memory_space<vmem>>) target_semaphore(%run_scoped3A_61 : memref<!tpu.dma_semaphore, #tpu.memory_space<semaphore_mem>>)
      %dma_wait3A_78 = arith.constant 0 : i32
      %dma_wait3A_79 = arith.constant 0 : i32
      %dma_wait3A_80 = tpu.memref_slice %arg6[%run_scoped3A_23, %dma_wait3A_78, %dma_wait3A_79] : memref<2x16x128xi32, #tpu.memory_space<vmem>> -> memref<1x16x128xi32, #tpu.memory_space<vmem>>
      %dma_wait3A_81 = tpu.memref_squeeze %dma_wait3A_80 : memref<1x16x128xi32, #tpu.memory_space<vmem>> -> memref<16x128xi32, #tpu.memory_space<vmem>>
      %dma_wait3A_82 = arith.constant 0 : i32
      %dma_wait3A_83 = arith.constant 0 : i32
      %dma_wait3A_84 = tpu.memref_slice %arg3[%add3A, %dma_wait3A_82, %dma_wait3A_83] : memref<32x80x128xi32, #tpu.memory_space<hbm>> -> memref<1x16x128xi32, #tpu.memory_space<hbm>>
      %dma_wait3A_85 = tpu.memref_squeeze %dma_wait3A_84 : memref<1x16x128xi32, #tpu.memory_space<hbm>> -> memref<16x128xi32, #tpu.memory_space<hbm>>
      %dma_wait3A_86 = arith.constant 0 : i32
      %dma_wait3A_87 = arith.constant 0 : i32
      %dma_wait3A_88 = tpu.memref_slice %arg6[%run_scoped3A_23, %dma_wait3A_86, %dma_wait3A_87] : memref<2x16x128xi32, #tpu.memory_space<vmem>> -> memref<1x16x128xi32, #tpu.memory_space<vmem>>
      %dma_wait3A_89 = tpu.memref_squeeze %dma_wait3A_88 : memref<1x16x128xi32, #tpu.memory_space<vmem>> -> memref<16x128xi32, #tpu.memory_space<vmem>>
      %dma_wait3A_90 = arith.constant 0 : i32
      %dma_wait3A_91 = arith.constant 0 : i32
      %dma_wait3A_92 = tpu.memref_slice %arg3[%add3A, %dma_wait3A_90, %dma_wait3A_91] : memref<32x80x128xi32, #tpu.memory_space<hbm>> -> memref<1x16x128xi32, #tpu.memory_space<hbm>>
      %dma_wait3A_93 = tpu.memref_squeeze %dma_wait3A_92 : memref<1x16x128xi32, #tpu.memory_space<hbm>> -> memref<16x128xi32, #tpu.memory_space<hbm>>
      tpu.wait_dma2 semaphore(%run_scoped3A_61 : memref<!tpu.dma_semaphore, #tpu.memory_space<semaphore_mem>>) src(%dma_wait3A_93 : memref<16x128xi32, #tpu.memory_space<hbm>>) dst(%dma_wait3A_89 : memref<16x128xi32, #tpu.memory_space<vmem>>)
      tpu.yield
    }) : () -> ()
    %run_scoped3A_24 = arith.constant 0 : i32
    "tpu.region"() ({
      %run_scoped3A_61 = tpu.sem_alloc : memref<!tpu.dma_semaphore, #tpu.memory_space<semaphore_mem>>
      %dma_start3A_62 = arith.constant 0 : i32
      %dma_start3A_63 = arith.constant 0 : i32
      %dma_start3A_64 = tpu.memref_slice %arg7[%run_scoped3A_24, %dma_start3A_62, %dma_start3A_63] : memref<2x16x128xi32, #tpu.memory_space<vmem>> -> memref<1x16x128xi32, #tpu.memory_space<vmem>>
      %dma_start3A_65 = tpu.memref_squeeze %dma_start3A_64 : memref<1x16x128xi32, #tpu.memory_space<vmem>> -> memref<16x128xi32, #tpu.memory_space<vmem>>
      %dma_start3A_66 = arith.constant 0 : i32
      %dma_start3A_67 = arith.constant 0 : i32
      %dma_start3A_68 = tpu.memref_slice %arg4[%add3A, %dma_start3A_66, %dma_start3A_67] : memref<32x80x128xi32, #tpu.memory_space<hbm>> -> memref<1x16x128xi32, #tpu.memory_space<hbm>>
      %dma_start3A_69 = tpu.memref_squeeze %dma_start3A_68 : memref<1x16x128xi32, #tpu.memory_space<hbm>> -> memref<16x128xi32, #tpu.memory_space<hbm>>
      %dma_start3A_70 = arith.constant 0 : i32
      %dma_start3A_71 = arith.constant 0 : i32
      %dma_start3A_72 = tpu.memref_slice %arg7[%run_scoped3A_24, %dma_start3A_70, %dma_start3A_71] : memref<2x16x128xi32, #tpu.memory_space<vmem>> -> memref<1x16x128xi32, #tpu.memory_space<vmem>>
      %dma_start3A_73 = tpu.memref_squeeze %dma_start3A_72 : memref<1x16x128xi32, #tpu.memory_space<vmem>> -> memref<16x128xi32, #tpu.memory_space<vmem>>
      %dma_start3A_74 = arith.constant 0 : i32
      %dma_start3A_75 = arith.constant 0 : i32
      %dma_start3A_76 = tpu.memref_slice %arg4[%add3A, %dma_start3A_74, %dma_start3A_75] : memref<32x80x128xi32, #tpu.memory_space<hbm>> -> memref<1x16x128xi32, #tpu.memory_space<hbm>>
      %dma_start3A_77 = tpu.memref_squeeze %dma_start3A_76 : memref<1x16x128xi32, #tpu.memory_space<hbm>> -> memref<16x128xi32, #tpu.memory_space<hbm>>
      tpu.enqueue_dma source(%dma_start3A_77 : memref<16x128xi32, #tpu.memory_space<hbm>>) target(%dma_start3A_73 : memref<16x128xi32, #tpu.memory_space<vmem>>) target_semaphore(%run_scoped3A_61 : memref<!tpu.dma_semaphore, #tpu.memory_space<semaphore_mem>>)
      %dma_wait3A_78 = arith.constant 0 : i32
      %dma_wait3A_79 = arith.constant 0 : i32
      %dma_wait3A_80 = tpu.memref_slice %arg7[%run_scoped3A_24, %dma_wait3A_78, %dma_wait3A_79] : memref<2x16x128xi32, #tpu.memory_space<vmem>> -> memref<1x16x128xi32, #tpu.memory_space<vmem>>
      %dma_wait3A_81 = tpu.memref_squeeze %dma_wait3A_80 : memref<1x16x128xi32, #tpu.memory_space<vmem>> -> memref<16x128xi32, #tpu.memory_space<vmem>>
      %dma_wait3A_82 = arith.constant 0 : i32
      %dma_wait3A_83 = arith.constant 0 : i32
      %dma_wait3A_84 = tpu.memref_slice %arg4[%add3A, %dma_wait3A_82, %dma_wait3A_83] : memref<32x80x128xi32, #tpu.memory_space<hbm>> -> memref<1x16x128xi32, #tpu.memory_space<hbm>>
      %dma_wait3A_85 = tpu.memref_squeeze %dma_wait3A_84 : memref<1x16x128xi32, #tpu.memory_space<hbm>> -> memref<16x128xi32, #tpu.memory_space<hbm>>
      %dma_wait3A_86 = arith.constant 0 : i32
      %dma_wait3A_87 = arith.constant 0 : i32
      %dma_wait3A_88 = tpu.memref_slice %arg7[%run_scoped3A_24, %dma_wait3A_86, %dma_wait3A_87] : memref<2x16x128xi32, #tpu.memory_space<vmem>> -> memref<1x16x128xi32, #tpu.memory_space<vmem>>
      %dma_wait3A_89 = tpu.memref_squeeze %dma_wait3A_88 : memref<1x16x128xi32, #tpu.memory_space<vmem>> -> memref<16x128xi32, #tpu.memory_space<vmem>>
      %dma_wait3A_90 = arith.constant 0 : i32
      %dma_wait3A_91 = arith.constant 0 : i32
      %dma_wait3A_92 = tpu.memref_slice %arg4[%add3A, %dma_wait3A_90, %dma_wait3A_91] : memref<32x80x128xi32, #tpu.memory_space<hbm>> -> memref<1x16x128xi32, #tpu.memory_space<hbm>>
      %dma_wait3A_93 = tpu.memref_squeeze %dma_wait3A_92 : memref<1x16x128xi32, #tpu.memory_space<hbm>> -> memref<16x128xi32, #tpu.memory_space<hbm>>
      tpu.wait_dma2 semaphore(%run_scoped3A_61 : memref<!tpu.dma_semaphore, #tpu.memory_space<semaphore_mem>>) src(%dma_wait3A_93 : memref<16x128xi32, #tpu.memory_space<hbm>>) dst(%dma_wait3A_89 : memref<16x128xi32, #tpu.memory_space<vmem>>)
      tpu.yield
    }) : () -> ()
    %dma_start3A = arith.constant 0 : i32
    %dma_start3A_25 = arith.constant 0 : i32
    %dma_start3A_26 = arith.constant 0 : i32
    %dma_start3A_27 = arith.constant 0 : i32
    %dma_start3A_28 = arith.constant 0 : i32
    %dma_start3A_29 = tpu.memref_slice %arg8[%dma_start3A_26, %dma_start3A_27, %dma_start3A_28] : memref<2x128x128xf32, #tpu.memory_space<vmem>> -> memref<1x128x128xf32, #tpu.memory_space<vmem>>
    %dma_start3A_30 = tpu.memref_squeeze %dma_start3A_29 : memref<1x128x128xf32, #tpu.memory_space<vmem>> -> memref<128x128xf32, #tpu.memory_space<vmem>>
    %dma_start3A_31 = arith.constant 0 : i32
    %dma_start3A_32 = tpu.memref_slice %arg6[%dma_start3A, %dma_start3A_25, %dma_start3A_31] : memref<2x16x128xi32, #tpu.memory_space<vmem>> -> memref<1x1x128xi32, #tpu.memory_space<vmem>>
    %dma_start3A_33 = tpu.memref_squeeze %dma_start3A_32 : memref<1x1x128xi32, #tpu.memory_space<vmem>> -> memref<128xi32, #tpu.memory_space<vmem>>
    %dma_start3A_34 = arith.constant 0 : i32
    %dma_start3A_35 = arith.constant 0 : i32
    %dma_start3A_36 = tpu.memref_slice %arg2[%dma_start3A_34, %dma_start3A_35] : memref<20000x128xf32, #tpu.memory_space<hbm>> -> memref<20000x128xf32, #tpu.memory_space<hbm>>
    tpu.enqueue_indirect_dma source(%dma_start3A_36 : memref<20000x128xf32, #tpu.memory_space<hbm>>) target(%dma_start3A_30 : memref<128x128xf32, #tpu.memory_space<vmem>>) offsets(%dma_start3A_33 : memref<128xi32, #tpu.memory_space<vmem>>) semaphore(%arg10 : memref<!tpu.dma_semaphore, #tpu.memory_space<semaphore_mem>>)
    %scan3A_37 = arith.constant 0 : i32
    %scan3A_38 = arith.constant 0 : i32
    %scan3A_39 = arith.constant 80 : i32
    %scan3A_40 = arith.addi %scan3A_38, %scan3A_39 : i32
    %scan3A_41 = arith.constant 1 : i32
    %scan3A_42 = scf.for %scan3A_61 = %scan3A_38 to %scan3A_40 step %scan3A_41 iter_args(%scan3A_62 = %scan3A_37) -> (i32)  : i32 {
      %jit3A = arith.constant 2 : i32
      %eq3A_63 = arith.constant 0 : i32
      %eq3A_64 = arith.cmpi eq, %jit3A, %eq3A_63 : i32
      %jit3A_65 = arith.constant 1 : i32
      %select_n3A = arith.select %eq3A_64, %jit3A_65, %jit3A : i32
      %rem3A = arith.remsi %scan3A_61, %select_n3A : i32
      %ne3A = arith.constant 0 : i32
      %ne3A_66 = arith.cmpi ne, %rem3A, %ne3A : i32
      %lt3A = arith.constant 0 : i32
      %lt3A_67 = arith.cmpi slt, %rem3A, %lt3A : i32
      %lt3A_68 = arith.constant 0 : i32
      %lt3A_69 = arith.cmpi slt, %select_n3A, %lt3A_68 : i32
      %ne3A_70 = arith.xori %lt3A_67, %lt3A_69 : i1
      %and3A = arith.andi %ne3A_70, %ne3A_66 : i1
      %add3A_71 = arith.addi %rem3A, %select_n3A : i32
      %select_n3A_72 = arith.select %and3A, %add3A_71, %rem3A : i32
      %add3A_73 = arith.constant 1 : i32
      %add3A_74 = arith.addi %scan3A_61, %add3A_73 : i32
      %jit3A_75 = arith.constant 16 : i32
      %div3A = arith.divsi %add3A_74, %jit3A_75 : i32
      %sign3A = arith.constant 0 : i32
      %sign3A_76 = arith.cmpi sgt, %add3A_74, %sign3A : i32
      %sign3A_77 = arith.extui %sign3A_76 : i1 to i32
      %sign3A_78 = arith.constant 0 : i32
      %sign3A_79 = arith.cmpi slt, %add3A_74, %sign3A_78 : i32
      %sign3A_80 = arith.extui %sign3A_79 : i1 to i32
      %sign3A_81 = arith.subi %sign3A_77, %sign3A_80 : i32
      %sign3A_82 = arith.constant 0 : i32
      %sign3A_83 = arith.cmpi sgt, %jit3A_75, %sign3A_82 : i32
      %sign3A_84 = arith.extui %sign3A_83 : i1 to i32
      %sign3A_85 = arith.constant 0 : i32
      %sign3A_86 = arith.cmpi slt, %jit3A_75, %sign3A_85 : i32
      %sign3A_87 = arith.extui %sign3A_86 : i1 to i32
      %sign3A_88 = arith.subi %sign3A_84, %sign3A_87 : i32
      %ne3A_89 = arith.cmpi ne, %sign3A_81, %sign3A_88 : i32
      %rem3A_90 = arith.remsi %add3A_74, %jit3A_75 : i32
      %ne3A_91 = arith.constant 0 : i32
      %ne3A_92 = arith.cmpi ne, %rem3A_90, %ne3A_91 : i32
      %and3A_93 = arith.andi %ne3A_89, %ne3A_92 : i1
      %sub3A = arith.constant 1 : i32
      %sub3A_94 = arith.subi %div3A, %sub3A : i32
      %select_n3A_95 = arith.select %and3A_93, %sub3A_94, %div3A : i32
      %jit3A_96 = arith.constant 16 : i32
      %eq3A_97 = arith.constant 0 : i32
      %eq3A_98 = arith.cmpi eq, %jit3A_96, %eq3A_97 : i32
      %jit3A_99 = arith.constant 1 : i32
      %select_n3A_100 = arith.select %eq3A_98, %jit3A_99, %jit3A_96 : i32
      %rem3A_101 = arith.remsi %add3A_74, %select_n3A_100 : i32
      %ne3A_102 = arith.constant 0 : i32
      %ne3A_103 = arith.cmpi ne, %rem3A_101, %ne3A_102 : i32
      %lt3A_104 = arith.constant 0 : i32
      %lt3A_105 = arith.cmpi slt, %rem3A_101, %lt3A_104 : i32
      %lt3A_106 = arith.constant 0 : i32
      %lt3A_107 = arith.cmpi slt, %select_n3A_100, %lt3A_106 : i32
      %ne3A_108 = arith.xori %lt3A_105, %lt3A_107 : i1
      %and3A_109 = arith.andi %ne3A_108, %ne3A_103 : i1
      %add3A_110 = arith.addi %rem3A_101, %select_n3A_100 : i32
      %select_n3A_111 = arith.select %and3A_109, %add3A_110, %rem3A_101 : i32
      %eq3A_112 = arith.constant 0 : i32
      %eq3A_113 = arith.cmpi eq, %select_n3A_111, %eq3A_112 : i32
      %lt3A_114 = arith.constant 80 : i32
      %lt3A_115 = arith.cmpi slt, %add3A_74, %lt3A_114 : i32
      %and3A_116 = arith.andi %eq3A_113, %lt3A_115 : i1
      %convert_element_type3A_117 = arith.extui %and3A_116 : i1 to i32
      %cond3A_118 = arith.constant 0 : i32
      %cond3A_119 = arith.cmpi ne, %convert_element_type3A_117, %cond3A_118 : i32
      scf.if %cond3A_119 {
        %jit3A_218 = arith.constant 2 : i32
        %eq3A_219 = arith.constant 0 : i32
        %eq3A_220 = arith.cmpi eq, %jit3A_218, %eq3A_219 : i32
        %jit3A_221 = arith.constant 1 : i32
        %select_n3A_222 = arith.select %eq3A_220, %jit3A_221, %jit3A_218 : i32
        %rem3A_223 = arith.remsi %select_n3A_95, %select_n3A_222 : i32
        %ne3A_224 = arith.constant 0 : i32
        %ne3A_225 = arith.cmpi ne, %rem3A_223, %ne3A_224 : i32
        %lt3A_226 = arith.constant 0 : i32
        %lt3A_227 = arith.cmpi slt, %rem3A_223, %lt3A_226 : i32
        %lt3A_228 = arith.constant 0 : i32
        %lt3A_229 = arith.cmpi slt, %select_n3A_222, %lt3A_228 : i32
        %ne3A_230 = arith.xori %lt3A_227, %lt3A_229 : i1
        %and3A_231 = arith.andi %ne3A_230, %ne3A_225 : i1
        %add3A_232 = arith.addi %rem3A_223, %select_n3A_222 : i32
        %select_n3A_233 = arith.select %and3A_231, %add3A_232, %rem3A_223 : i32
        %mul3A_234 = arith.constant 16 : i32
        %mul3A_235 = arith.muli %select_n3A_95, %mul3A_234 : i32
        "tpu.region"() ({
          %run_scoped3A_238 = tpu.sem_alloc : memref<!tpu.dma_semaphore, #tpu.memory_space<semaphore_mem>>
          %dma_start3A_239 = arith.constant 0 : i32
          %dma_start3A_240 = arith.constant 0 : i32
          %dma_start3A_241 = tpu.memref_slice %arg6[%select_n3A_233, %dma_start3A_239, %dma_start3A_240] : memref<2x16x128xi32, #tpu.memory_space<vmem>> -> memref<1x16x128xi32, #tpu.memory_space<vmem>>
          %dma_start3A_242 = tpu.memref_squeeze %dma_start3A_241 : memref<1x16x128xi32, #tpu.memory_space<vmem>> -> memref<16x128xi32, #tpu.memory_space<vmem>>
          %dma_start3A_243 = arith.constant 0 : i32
          %dma_start3A_244 = tpu.memref_slice %arg3[%add3A, %mul3A_235, %dma_start3A_243] : memref<32x80x128xi32, #tpu.memory_space<hbm>> -> memref<1x16x128xi32, #tpu.memory_space<hbm>>
          %dma_start3A_245 = tpu.memref_squeeze %dma_start3A_244 : memref<1x16x128xi32, #tpu.memory_space<hbm>> -> memref<16x128xi32, #tpu.memory_space<hbm>>
          %dma_start3A_246 = arith.constant 0 : i32
          %dma_start3A_247 = arith.constant 0 : i32
          %dma_start3A_248 = tpu.memref_slice %arg6[%select_n3A_233, %dma_start3A_246, %dma_start3A_247] : memref<2x16x128xi32, #tpu.memory_space<vmem>> -> memref<1x16x128xi32, #tpu.memory_space<vmem>>
          %dma_start3A_249 = tpu.memref_squeeze %dma_start3A_248 : memref<1x16x128xi32, #tpu.memory_space<vmem>> -> memref<16x128xi32, #tpu.memory_space<vmem>>
          %dma_start3A_250 = arith.constant 0 : i32
          %dma_start3A_251 = tpu.memref_slice %arg3[%add3A, %mul3A_235, %dma_start3A_250] : memref<32x80x128xi32, #tpu.memory_space<hbm>> -> memref<1x16x128xi32, #tpu.memory_space<hbm>>
          %dma_start3A_252 = tpu.memref_squeeze %dma_start3A_251 : memref<1x16x128xi32, #tpu.memory_space<hbm>> -> memref<16x128xi32, #tpu.memory_space<hbm>>
          tpu.enqueue_dma source(%dma_start3A_252 : memref<16x128xi32, #tpu.memory_space<hbm>>) target(%dma_start3A_249 : memref<16x128xi32, #tpu.memory_space<vmem>>) target_semaphore(%run_scoped3A_238 : memref<!tpu.dma_semaphore, #tpu.memory_space<semaphore_mem>>)
          %dma_wait3A_253 = arith.constant 0 : i32
          %dma_wait3A_254 = arith.constant 0 : i32
          %dma_wait3A_255 = tpu.memref_slice %arg6[%select_n3A_233, %dma_wait3A_253, %dma_wait3A_254] : memref<2x16x128xi32, #tpu.memory_space<vmem>> -> memref<1x16x128xi32, #tpu.memory_space<vmem>>
          %dma_wait3A_256 = tpu.memref_squeeze %dma_wait3A_255 : memref<1x16x128xi32, #tpu.memory_space<vmem>> -> memref<16x128xi32, #tpu.memory_space<vmem>>
          %dma_wait3A_257 = arith.constant 0 : i32
          %dma_wait3A_258 = tpu.memref_slice %arg3[%add3A, %mul3A_235, %dma_wait3A_257] : memref<32x80x128xi32, #tpu.memory_space<hbm>> -> memref<1x16x128xi32, #tpu.memory_space<hbm>>
          %dma_wait3A_259 = tpu.memref_squeeze %dma_wait3A_258 : memref<1x16x128xi32, #tpu.memory_space<hbm>> -> memref<16x128xi32, #tpu.memory_space<hbm>>
          %dma_wait3A_260 = arith.constant 0 : i32
          %dma_wait3A_261 = arith.constant 0 : i32
          %dma_wait3A_262 = tpu.memref_slice %arg6[%select_n3A_233, %dma_wait3A_260, %dma_wait3A_261] : memref<2x16x128xi32, #tpu.memory_space<vmem>> -> memref<1x16x128xi32, #tpu.memory_space<vmem>>
          %dma_wait3A_263 = tpu.memref_squeeze %dma_wait3A_262 : memref<1x16x128xi32, #tpu.memory_space<vmem>> -> memref<16x128xi32, #tpu.memory_space<vmem>>
          %dma_wait3A_264 = arith.constant 0 : i32
          %dma_wait3A_265 = tpu.memref_slice %arg3[%add3A, %mul3A_235, %dma_wait3A_264] : memref<32x80x128xi32, #tpu.memory_space<hbm>> -> memref<1x16x128xi32, #tpu.memory_space<hbm>>
          %dma_wait3A_266 = tpu.memref_squeeze %dma_wait3A_265 : memref<1x16x128xi32, #tpu.memory_space<hbm>> -> memref<16x128xi32, #tpu.memory_space<hbm>>
          tpu.wait_dma2 semaphore(%run_scoped3A_238 : memref<!tpu.dma_semaphore, #tpu.memory_space<semaphore_mem>>) src(%dma_wait3A_266 : memref<16x128xi32, #tpu.memory_space<hbm>>) dst(%dma_wait3A_263 : memref<16x128xi32, #tpu.memory_space<vmem>>)
          tpu.yield
        }) : () -> ()
        %mul3A_236 = arith.constant 16 : i32
        %mul3A_237 = arith.muli %select_n3A_95, %mul3A_236 : i32
        "tpu.region"() ({
          %run_scoped3A_238 = tpu.sem_alloc : memref<!tpu.dma_semaphore, #tpu.memory_space<semaphore_mem>>
          %dma_start3A_239 = arith.constant 0 : i32
          %dma_start3A_240 = arith.constant 0 : i32
          %dma_start3A_241 = tpu.memref_slice %arg7[%select_n3A_233, %dma_start3A_239, %dma_start3A_240] : memref<2x16x128xi32, #tpu.memory_space<vmem>> -> memref<1x16x128xi32, #tpu.memory_space<vmem>>
          %dma_start3A_242 = tpu.memref_squeeze %dma_start3A_241 : memref<1x16x128xi32, #tpu.memory_space<vmem>> -> memref<16x128xi32, #tpu.memory_space<vmem>>
          %dma_start3A_243 = arith.constant 0 : i32
          %dma_start3A_244 = tpu.memref_slice %arg4[%add3A, %mul3A_237, %dma_start3A_243] : memref<32x80x128xi32, #tpu.memory_space<hbm>> -> memref<1x16x128xi32, #tpu.memory_space<hbm>>
          %dma_start3A_245 = tpu.memref_squeeze %dma_start3A_244 : memref<1x16x128xi32, #tpu.memory_space<hbm>> -> memref<16x128xi32, #tpu.memory_space<hbm>>
          %dma_start3A_246 = arith.constant 0 : i32
          %dma_start3A_247 = arith.constant 0 : i32
          %dma_start3A_248 = tpu.memref_slice %arg7[%select_n3A_233, %dma_start3A_246, %dma_start3A_247] : memref<2x16x128xi32, #tpu.memory_space<vmem>> -> memref<1x16x128xi32, #tpu.memory_space<vmem>>
          %dma_start3A_249 = tpu.memref_squeeze %dma_start3A_248 : memref<1x16x128xi32, #tpu.memory_space<vmem>> -> memref<16x128xi32, #tpu.memory_space<vmem>>
          %dma_start3A_250 = arith.constant 0 : i32
          %dma_start3A_251 = tpu.memref_slice %arg4[%add3A, %mul3A_237, %dma_start3A_250] : memref<32x80x128xi32, #tpu.memory_space<hbm>> -> memref<1x16x128xi32, #tpu.memory_space<hbm>>
          %dma_start3A_252 = tpu.memref_squeeze %dma_start3A_251 : memref<1x16x128xi32, #tpu.memory_space<hbm>> -> memref<16x128xi32, #tpu.memory_space<hbm>>
          tpu.enqueue_dma source(%dma_start3A_252 : memref<16x128xi32, #tpu.memory_space<hbm>>) target(%dma_start3A_249 : memref<16x128xi32, #tpu.memory_space<vmem>>) target_semaphore(%run_scoped3A_238 : memref<!tpu.dma_semaphore, #tpu.memory_space<semaphore_mem>>)
          %dma_wait3A_253 = arith.constant 0 : i32
          %dma_wait3A_254 = arith.constant 0 : i32
          %dma_wait3A_255 = tpu.memref_slice %arg7[%select_n3A_233, %dma_wait3A_253, %dma_wait3A_254] : memref<2x16x128xi32, #tpu.memory_space<vmem>> -> memref<1x16x128xi32, #tpu.memory_space<vmem>>
          %dma_wait3A_256 = tpu.memref_squeeze %dma_wait3A_255 : memref<1x16x128xi32, #tpu.memory_space<vmem>> -> memref<16x128xi32, #tpu.memory_space<vmem>>
          %dma_wait3A_257 = arith.constant 0 : i32
          %dma_wait3A_258 = tpu.memref_slice %arg4[%add3A, %mul3A_237, %dma_wait3A_257] : memref<32x80x128xi32, #tpu.memory_space<hbm>> -> memref<1x16x128xi32, #tpu.memory_space<hbm>>
          %dma_wait3A_259 = tpu.memref_squeeze %dma_wait3A_258 : memref<1x16x128xi32, #tpu.memory_space<hbm>> -> memref<16x128xi32, #tpu.memory_space<hbm>>
          %dma_wait3A_260 = arith.constant 0 : i32
          %dma_wait3A_261 = arith.constant 0 : i32
          %dma_wait3A_262 = tpu.memref_slice %arg7[%select_n3A_233, %dma_wait3A_260, %dma_wait3A_261] : memref<2x16x128xi32, #tpu.memory_space<vmem>> -> memref<1x16x128xi32, #tpu.memory_space<vmem>>
          %dma_wait3A_263 = tpu.memref_squeeze %dma_wait3A_262 : memref<1x16x128xi32, #tpu.memory_space<vmem>> -> memref<16x128xi32, #tpu.memory_space<vmem>>
          %dma_wait3A_264 = arith.constant 0 : i32
          %dma_wait3A_265 = tpu.memref_slice %arg4[%add3A, %mul3A_237, %dma_wait3A_264] : memref<32x80x128xi32, #tpu.memory_space<hbm>> -> memref<1x16x128xi32, #tpu.memory_space<hbm>>
          %dma_wait3A_266 = tpu.memref_squeeze %dma_wait3A_265 : memref<1x16x128xi32, #tpu.memory_space<hbm>> -> memref<16x128xi32, #tpu.memory_space<hbm>>
          tpu.wait_dma2 semaphore(%run_scoped3A_238 : memref<!tpu.dma_semaphore, #tpu.memory_space<semaphore_mem>>) src(%dma_wait3A_266 : memref<16x128xi32, #tpu.memory_space<hbm>>) dst(%dma_wait3A_263 : memref<16x128xi32, #tpu.memory_space<vmem>>)
          tpu.yield
        }) : () -> ()
      } else {
      }
      %jit3A_120 = arith.constant 16 : i32
      %div3A_121 = arith.divsi %scan3A_61, %jit3A_120 : i32
      %sign3A_122 = arith.constant 0 : i32
      %sign3A_123 = arith.cmpi sgt, %scan3A_61, %sign3A_122 : i32
      %sign3A_124 = arith.extui %sign3A_123 : i1 to i32
      %sign3A_125 = arith.constant 0 : i32
      %sign3A_126 = arith.cmpi slt, %scan3A_61, %sign3A_125 : i32
      %sign3A_127 = arith.extui %sign3A_126 : i1 to i32
      %sign3A_128 = arith.subi %sign3A_124, %sign3A_127 : i32
      %sign3A_129 = arith.constant 0 : i32
      %sign3A_130 = arith.cmpi sgt, %jit3A_120, %sign3A_129 : i32
      %sign3A_131 = arith.extui %sign3A_130 : i1 to i32
      %sign3A_132 = arith.constant 0 : i32
      %sign3A_133 = arith.cmpi slt, %jit3A_120, %sign3A_132 : i32
      %sign3A_134 = arith.extui %sign3A_133 : i1 to i32
      %sign3A_135 = arith.subi %sign3A_131, %sign3A_134 : i32
      %ne3A_136 = arith.cmpi ne, %sign3A_128, %sign3A_135 : i32
      %rem3A_137 = arith.remsi %scan3A_61, %jit3A_120 : i32
      %ne3A_138 = arith.constant 0 : i32
      %ne3A_139 = arith.cmpi ne, %rem3A_137, %ne3A_138 : i32
      %and3A_140 = arith.andi %ne3A_136, %ne3A_139 : i1
      %sub3A_141 = arith.constant 1 : i32
      %sub3A_142 = arith.subi %div3A_121, %sub3A_141 : i32
      %select_n3A_143 = arith.select %and3A_140, %sub3A_142, %div3A_121 : i32
      %jit3A_144 = arith.constant 2 : i32
      %eq3A_145 = arith.constant 0 : i32
      %eq3A_146 = arith.cmpi eq, %jit3A_144, %eq3A_145 : i32
      %jit3A_147 = arith.constant 1 : i32
      %select_n3A_148 = arith.select %eq3A_146, %jit3A_147, %jit3A_144 : i32
      %rem3A_149 = arith.remsi %select_n3A_143, %select_n3A_148 : i32
      %ne3A_150 = arith.constant 0 : i32
      %ne3A_151 = arith.cmpi ne, %rem3A_149, %ne3A_150 : i32
      %lt3A_152 = arith.constant 0 : i32
      %lt3A_153 = arith.cmpi slt, %rem3A_149, %lt3A_152 : i32
      %lt3A_154 = arith.constant 0 : i32
      %lt3A_155 = arith.cmpi slt, %select_n3A_148, %lt3A_154 : i32
      %ne3A_156 = arith.xori %lt3A_153, %lt3A_155 : i1
      %and3A_157 = arith.andi %ne3A_156, %ne3A_151 : i1
      %add3A_158 = arith.addi %rem3A_149, %select_n3A_148 : i32
      %select_n3A_159 = arith.select %and3A_157, %add3A_158, %rem3A_149 : i32
      %lt3A_160 = arith.constant 80 : i32
      %lt3A_161 = arith.cmpi slt, %add3A_74, %lt3A_160 : i32
      %convert_element_type3A_162 = arith.extui %lt3A_161 : i1 to i32
      %cond3A_163 = arith.constant 0 : i32
      %cond3A_164 = arith.cmpi ne, %convert_element_type3A_162, %cond3A_163 : i32
      scf.if %cond3A_164 {
        %ge3A = arith.constant 1 : i32
        %ge3A_218 = arith.cmpi sge, %scan3A_61, %ge3A : i32
        %convert_element_type3A_219 = arith.extui %ge3A_218 : i1 to i32
        %cond3A_220 = arith.constant 0 : i32
        %cond3A_221 = arith.cmpi ne, %convert_element_type3A_219, %cond3A_220 : i32
        scf.if %cond3A_221 {
          %sub3A_290 = arith.constant 1 : i32
          %sub3A_291 = arith.subi %sub3A_290, %select_n3A_72 : i32
          %dma_wait3A_292 = arith.constant 0 : i32
          %dma_wait3A_293 = arith.constant 0 : i32
          %dma_wait3A_294 = arith.constant 0 : i32
          %dma_wait3A_295 = arith.constant 0 : i32
          %dma_wait3A_296 = tpu.memref_slice %arg8[%sub3A_291, %dma_wait3A_294, %dma_wait3A_295] : memref<2x128x128xf32, #tpu.memory_space<vmem>> -> memref<1x128x128xf32, #tpu.memory_space<vmem>>
          %dma_wait3A_297 = tpu.memref_squeeze %dma_wait3A_296 : memref<1x128x128xf32, #tpu.memory_space<vmem>> -> memref<128x128xf32, #tpu.memory_space<vmem>>
          %dma_wait3A_298 = arith.constant 0 : i32
          %dma_wait3A_299 = tpu.memref_slice %arg7[%dma_wait3A_292, %dma_wait3A_293, %dma_wait3A_298] : memref<2x16x128xi32, #tpu.memory_space<vmem>> -> memref<1x1x128xi32, #tpu.memory_space<vmem>>
          %dma_wait3A_300 = tpu.memref_squeeze %dma_wait3A_299 : memref<1x1x128xi32, #tpu.memory_space<vmem>> -> memref<128xi32, #tpu.memory_space<vmem>>
          %dma_wait3A_301 = arith.constant 0 : i32
          %dma_wait3A_302 = arith.constant 0 : i32
          %dma_wait3A_303 = tpu.memref_slice %arg9[%dma_wait3A_301, %dma_wait3A_302] : memref<10240x128xf32, #tpu.memory_space<vmem_shared>> -> memref<10240x128xf32, #tpu.memory_space<vmem_shared>>
          tpu.wait_indirect_dma semaphore(%arg11 : memref<!tpu.dma_semaphore, #tpu.memory_space<semaphore_mem>>) src(%dma_wait3A_297 : memref<128x128xf32, #tpu.memory_space<vmem>>) dst(%dma_wait3A_303 : memref<10240x128xf32, #tpu.memory_space<vmem_shared>>)
        } else {
        }
        %jit3A_222 = arith.constant 16 : i32
        %div3A_223 = arith.divsi %add3A_74, %jit3A_222 : i32
        %sign3A_224 = arith.constant 0 : i32
        %sign3A_225 = arith.cmpi sgt, %add3A_74, %sign3A_224 : i32
        %sign3A_226 = arith.extui %sign3A_225 : i1 to i32
        %sign3A_227 = arith.constant 0 : i32
        %sign3A_228 = arith.cmpi slt, %add3A_74, %sign3A_227 : i32
        %sign3A_229 = arith.extui %sign3A_228 : i1 to i32
        %sign3A_230 = arith.subi %sign3A_226, %sign3A_229 : i32
        %sign3A_231 = arith.constant 0 : i32
        %sign3A_232 = arith.cmpi sgt, %jit3A_222, %sign3A_231 : i32
        %sign3A_233 = arith.extui %sign3A_232 : i1 to i32
        %sign3A_234 = arith.constant 0 : i32
        %sign3A_235 = arith.cmpi slt, %jit3A_222, %sign3A_234 : i32
        %sign3A_236 = arith.extui %sign3A_235 : i1 to i32
        %sign3A_237 = arith.subi %sign3A_233, %sign3A_236 : i32
        %ne3A_238 = arith.cmpi ne, %sign3A_230, %sign3A_237 : i32
        %rem3A_239 = arith.remsi %add3A_74, %jit3A_222 : i32
        %ne3A_240 = arith.constant 0 : i32
        %ne3A_241 = arith.cmpi ne, %rem3A_239, %ne3A_240 : i32
        %and3A_242 = arith.andi %ne3A_238, %ne3A_241 : i1
        %sub3A_243 = arith.constant 1 : i32
        %sub3A_244 = arith.subi %div3A_223, %sub3A_243 : i32
        %select_n3A_245 = arith.select %and3A_242, %sub3A_244, %div3A_223 : i32
        %jit3A_246 = arith.constant 2 : i32
        %eq3A_247 = arith.constant 0 : i32
        %eq3A_248 = arith.cmpi eq, %jit3A_246, %eq3A_247 : i32
        %jit3A_249 = arith.constant 1 : i32
        %select_n3A_250 = arith.select %eq3A_248, %jit3A_249, %jit3A_246 : i32
        %rem3A_251 = arith.remsi %select_n3A_245, %select_n3A_250 : i32
        %ne3A_252 = arith.constant 0 : i32
        %ne3A_253 = arith.cmpi ne, %rem3A_251, %ne3A_252 : i32
        %lt3A_254 = arith.constant 0 : i32
        %lt3A_255 = arith.cmpi slt, %rem3A_251, %lt3A_254 : i32
        %lt3A_256 = arith.constant 0 : i32
        %lt3A_257 = arith.cmpi slt, %select_n3A_250, %lt3A_256 : i32
        %ne3A_258 = arith.xori %lt3A_255, %lt3A_257 : i1
        %and3A_259 = arith.andi %ne3A_258, %ne3A_253 : i1
        %add3A_260 = arith.addi %rem3A_251, %select_n3A_250 : i32
        %select_n3A_261 = arith.select %and3A_259, %add3A_260, %rem3A_251 : i32
        %jit3A_262 = arith.constant 16 : i32
        %eq3A_263 = arith.constant 0 : i32
        %eq3A_264 = arith.cmpi eq, %jit3A_262, %eq3A_263 : i32
        %jit3A_265 = arith.constant 1 : i32
        %select_n3A_266 = arith.select %eq3A_264, %jit3A_265, %jit3A_262 : i32
        %rem3A_267 = arith.remsi %add3A_74, %select_n3A_266 : i32
        %ne3A_268 = arith.constant 0 : i32
        %ne3A_269 = arith.cmpi ne, %rem3A_267, %ne3A_268 : i32
        %lt3A_270 = arith.constant 0 : i32
        %lt3A_271 = arith.cmpi slt, %rem3A_267, %lt3A_270 : i32
        %lt3A_272 = arith.constant 0 : i32
        %lt3A_273 = arith.cmpi slt, %select_n3A_266, %lt3A_272 : i32
        %ne3A_274 = arith.xori %lt3A_271, %lt3A_273 : i1
        %and3A_275 = arith.andi %ne3A_274, %ne3A_269 : i1
        %add3A_276 = arith.addi %rem3A_267, %select_n3A_266 : i32
        %select_n3A_277 = arith.select %and3A_275, %add3A_276, %rem3A_267 : i32
        %sub3A_278 = arith.constant 1 : i32
        %sub3A_279 = arith.subi %sub3A_278, %select_n3A_72 : i32
        %dma_start3A_280 = arith.constant 0 : i32
        %dma_start3A_281 = arith.constant 0 : i32
        %dma_start3A_282 = tpu.memref_slice %arg8[%sub3A_279, %dma_start3A_280, %dma_start3A_281] : memref<2x128x128xf32, #tpu.memory_space<vmem>> -> memref<1x128x128xf32, #tpu.memory_space<vmem>>
        %dma_start3A_283 = tpu.memref_squeeze %dma_start3A_282 : memref<1x128x128xf32, #tpu.memory_space<vmem>> -> memref<128x128xf32, #tpu.memory_space<vmem>>
        %dma_start3A_284 = arith.constant 0 : i32
        %dma_start3A_285 = tpu.memref_slice %arg6[%select_n3A_261, %select_n3A_277, %dma_start3A_284] : memref<2x16x128xi32, #tpu.memory_space<vmem>> -> memref<1x1x128xi32, #tpu.memory_space<vmem>>
        %dma_start3A_286 = tpu.memref_squeeze %dma_start3A_285 : memref<1x1x128xi32, #tpu.memory_space<vmem>> -> memref<128xi32, #tpu.memory_space<vmem>>
        %dma_start3A_287 = arith.constant 0 : i32
        %dma_start3A_288 = arith.constant 0 : i32
        %dma_start3A_289 = tpu.memref_slice %arg2[%dma_start3A_287, %dma_start3A_288] : memref<20000x128xf32, #tpu.memory_space<hbm>> -> memref<20000x128xf32, #tpu.memory_space<hbm>>
        tpu.enqueue_indirect_dma source(%dma_start3A_289 : memref<20000x128xf32, #tpu.memory_space<hbm>>) target(%dma_start3A_283 : memref<128x128xf32, #tpu.memory_space<vmem>>) offsets(%dma_start3A_286 : memref<128xi32, #tpu.memory_space<vmem>>) semaphore(%arg10 : memref<!tpu.dma_semaphore, #tpu.memory_space<semaphore_mem>>)
      } else {
      }
      %jit3A_165 = arith.constant 16 : i32
      %eq3A_166 = arith.constant 0 : i32
      %eq3A_167 = arith.cmpi eq, %jit3A_165, %eq3A_166 : i32
      %jit3A_168 = arith.constant 1 : i32
      %select_n3A_169 = arith.select %eq3A_167, %jit3A_168, %jit3A_165 : i32
      %rem3A_170 = arith.remsi %scan3A_61, %select_n3A_169 : i32
      %ne3A_171 = arith.constant 0 : i32
      %ne3A_172 = arith.cmpi ne, %rem3A_170, %ne3A_171 : i32
      %lt3A_173 = arith.constant 0 : i32
      %lt3A_174 = arith.cmpi slt, %rem3A_170, %lt3A_173 : i32
      %lt3A_175 = arith.constant 0 : i32
      %lt3A_176 = arith.cmpi slt, %select_n3A_169, %lt3A_175 : i32
      %ne3A_177 = arith.xori %lt3A_174, %lt3A_176 : i1
      %and3A_178 = arith.andi %ne3A_177, %ne3A_172 : i1
      %add3A_179 = arith.addi %rem3A_170, %select_n3A_169 : i32
      %select_n3A_180 = arith.select %and3A_178, %add3A_179, %rem3A_170 : i32
      %dma_wait3A_181 = arith.constant 0 : i32
      %dma_wait3A_182 = arith.constant 0 : i32
      %dma_wait3A_183 = tpu.memref_slice %arg8[%select_n3A_72, %dma_wait3A_181, %dma_wait3A_182] : memref<2x128x128xf32, #tpu.memory_space<vmem>> -> memref<1x128x128xf32, #tpu.memory_space<vmem>>
      %dma_wait3A_184 = tpu.memref_squeeze %dma_wait3A_183 : memref<1x128x128xf32, #tpu.memory_space<vmem>> -> memref<128x128xf32, #tpu.memory_space<vmem>>
      %dma_wait3A_185 = arith.constant 0 : i32
      %dma_wait3A_186 = tpu.memref_slice %arg6[%select_n3A_159, %select_n3A_180, %dma_wait3A_185] : memref<2x16x128xi32, #tpu.memory_space<vmem>> -> memref<1x1x128xi32, #tpu.memory_space<vmem>>
      %dma_wait3A_187 = tpu.memref_squeeze %dma_wait3A_186 : memref<1x1x128xi32, #tpu.memory_space<vmem>> -> memref<128xi32, #tpu.memory_space<vmem>>
      %dma_wait3A_188 = arith.constant 0 : i32
      %dma_wait3A_189 = arith.constant 0 : i32
      %dma_wait3A_190 = tpu.memref_slice %arg2[%dma_wait3A_188, %dma_wait3A_189] : memref<20000x128xf32, #tpu.memory_space<hbm>> -> memref<20000x128xf32, #tpu.memory_space<hbm>>
      tpu.wait_indirect_dma semaphore(%arg10 : memref<!tpu.dma_semaphore, #tpu.memory_space<semaphore_mem>>) src(%dma_wait3A_190 : memref<20000x128xf32, #tpu.memory_space<hbm>>) dst(%dma_wait3A_184 : memref<128x128xf32, #tpu.memory_space<vmem>>)
      %jit3A_191 = arith.constant 16 : i32
      %eq3A_192 = arith.constant 0 : i32
      %eq3A_193 = arith.cmpi eq, %jit3A_191, %eq3A_192 : i32
      %jit3A_194 = arith.constant 1 : i32
      %select_n3A_195 = arith.select %eq3A_193, %jit3A_194, %jit3A_191 : i32
      %rem3A_196 = arith.remsi %scan3A_61, %select_n3A_195 : i32
      %ne3A_197 = arith.constant 0 : i32
      %ne3A_198 = arith.cmpi ne, %rem3A_196, %ne3A_197 : i32
      %lt3A_199 = arith.constant 0 : i32
      %lt3A_200 = arith.cmpi slt, %rem3A_196, %lt3A_199 : i32
      %lt3A_201 = arith.constant 0 : i32
      %lt3A_202 = arith.cmpi slt, %select_n3A_195, %lt3A_201 : i32
      %ne3A_203 = arith.xori %lt3A_200, %lt3A_202 : i1
      %and3A_204 = arith.andi %ne3A_203, %ne3A_198 : i1
      %add3A_205 = arith.addi %rem3A_196, %select_n3A_195 : i32
      %select_n3A_206 = arith.select %and3A_204, %add3A_205, %rem3A_196 : i32
      %dma_start3A_207 = arith.constant 0 : i32
      %dma_start3A_208 = arith.constant 0 : i32
      %dma_start3A_209 = tpu.memref_slice %arg8[%select_n3A_72, %dma_start3A_207, %dma_start3A_208] : memref<2x128x128xf32, #tpu.memory_space<vmem>> -> memref<1x128x128xf32, #tpu.memory_space<vmem>>
      %dma_start3A_210 = tpu.memref_squeeze %dma_start3A_209 : memref<1x128x128xf32, #tpu.memory_space<vmem>> -> memref<128x128xf32, #tpu.memory_space<vmem>>
      %dma_start3A_211 = arith.constant 0 : i32
      %dma_start3A_212 = tpu.memref_slice %arg7[%select_n3A_159, %select_n3A_206, %dma_start3A_211] : memref<2x16x128xi32, #tpu.memory_space<vmem>> -> memref<1x1x128xi32, #tpu.memory_space<vmem>>
      %dma_start3A_213 = tpu.memref_squeeze %dma_start3A_212 : memref<1x1x128xi32, #tpu.memory_space<vmem>> -> memref<128xi32, #tpu.memory_space<vmem>>
      %dma_start3A_214 = arith.constant 0 : i32
      %dma_start3A_215 = arith.constant 0 : i32
      %dma_start3A_216 = tpu.memref_slice %arg9[%dma_start3A_214, %dma_start3A_215] : memref<10240x128xf32, #tpu.memory_space<vmem_shared>> -> memref<10240x128xf32, #tpu.memory_space<vmem_shared>>
      tpu.enqueue_indirect_dma source(%dma_start3A_210 : memref<128x128xf32, #tpu.memory_space<vmem>>) target(%dma_start3A_216 : memref<10240x128xf32, #tpu.memory_space<vmem_shared>>) offsets(%dma_start3A_213 : memref<128xi32, #tpu.memory_space<vmem>>) semaphore(%arg11 : memref<!tpu.dma_semaphore, #tpu.memory_space<semaphore_mem>>) {add = true}
      %scan3A_217 = arith.constant 0 : i32
      scf.yield %scan3A_217 : i32
    }
    %scan3A_43 = arith.constant 80 : i32
    %dma_wait3A = arith.constant 1 : i32
    %dma_wait3A_44 = arith.constant 0 : i32
    %dma_wait3A_45 = arith.constant 0 : i32
    %dma_wait3A_46 = arith.constant 0 : i32
    %dma_wait3A_47 = arith.constant 0 : i32
    %dma_wait3A_48 = tpu.memref_slice %arg8[%dma_wait3A, %dma_wait3A_46, %dma_wait3A_47] : memref<2x128x128xf32, #tpu.memory_space<vmem>> -> memref<1x128x128xf32, #tpu.memory_space<vmem>>
    %dma_wait3A_49 = tpu.memref_squeeze %dma_wait3A_48 : memref<1x128x128xf32, #tpu.memory_space<vmem>> -> memref<128x128xf32, #tpu.memory_space<vmem>>
    %dma_wait3A_50 = arith.constant 0 : i32
    %dma_wait3A_51 = tpu.memref_slice %arg7[%dma_wait3A_44, %dma_wait3A_45, %dma_wait3A_50] : memref<2x16x128xi32, #tpu.memory_space<vmem>> -> memref<1x1x128xi32, #tpu.memory_space<vmem>>
    %dma_wait3A_52 = tpu.memref_squeeze %dma_wait3A_51 : memref<1x1x128xi32, #tpu.memory_space<vmem>> -> memref<128xi32, #tpu.memory_space<vmem>>
    %dma_wait3A_53 = arith.constant 0 : i32
    %dma_wait3A_54 = arith.constant 0 : i32
    %dma_wait3A_55 = tpu.memref_slice %arg9[%dma_wait3A_53, %dma_wait3A_54] : memref<10240x128xf32, #tpu.memory_space<vmem_shared>> -> memref<10240x128xf32, #tpu.memory_space<vmem_shared>>
    tpu.wait_indirect_dma semaphore(%arg11 : memref<!tpu.dma_semaphore, #tpu.memory_space<semaphore_mem>>) src(%dma_wait3A_49 : memref<128x128xf32, #tpu.memory_space<vmem>>) dst(%dma_wait3A_55 : memref<10240x128xf32, #tpu.memory_space<vmem_shared>>)
    %barrier3A_56 = arith.constant 0 : index
    tpu.barrier barrier_id(%barrier3A_56)
    %mul3A_57 = arith.constant 624 : i32
    %mul3A_58 = arith.muli %arg1, %mul3A_57 : i32
    "tpu.region"() ({
      %run_scoped3A_61 = tpu.sem_alloc : memref<!tpu.dma_semaphore, #tpu.memory_space<semaphore_mem>>
      %dma_start3A_62 = arith.constant 0 : i32
      %dma_start3A_63 = tpu.memref_slice %arg5[%arg0, %mul3A_58, %dma_start3A_62] : memref<2x10000x128xf32, #tpu.memory_space<hbm>> -> memref<1x624x128xf32, #tpu.memory_space<hbm>>
      %dma_start3A_64 = tpu.memref_squeeze %dma_start3A_63 : memref<1x624x128xf32, #tpu.memory_space<hbm>> -> memref<624x128xf32, #tpu.memory_space<hbm>>
      %dma_start3A_65 = arith.constant 0 : i32
      %dma_start3A_66 = tpu.memref_slice %arg9[%mul3A_58, %dma_start3A_65] : memref<10240x128xf32, #tpu.memory_space<vmem_shared>> -> memref<624x128xf32, #tpu.memory_space<vmem_shared>>
      tpu.enqueue_dma source(%dma_start3A_66 : memref<624x128xf32, #tpu.memory_space<vmem_shared>>) target(%dma_start3A_64 : memref<624x128xf32, #tpu.memory_space<hbm>>) target_semaphore(%run_scoped3A_61 : memref<!tpu.dma_semaphore, #tpu.memory_space<semaphore_mem>>)
      %dma_wait3A_67 = arith.constant 0 : i32
      %dma_wait3A_68 = tpu.memref_slice %arg5[%arg0, %mul3A_58, %dma_wait3A_67] : memref<2x10000x128xf32, #tpu.memory_space<hbm>> -> memref<1x624x128xf32, #tpu.memory_space<hbm>>
      %dma_wait3A_69 = tpu.memref_squeeze %dma_wait3A_68 : memref<1x624x128xf32, #tpu.memory_space<hbm>> -> memref<624x128xf32, #tpu.memory_space<hbm>>
      %dma_wait3A_70 = arith.constant 0 : i32
      %dma_wait3A_71 = tpu.memref_slice %arg9[%mul3A_58, %dma_wait3A_70] : memref<10240x128xf32, #tpu.memory_space<vmem_shared>> -> memref<624x128xf32, #tpu.memory_space<vmem_shared>>
      tpu.wait_dma2 semaphore(%run_scoped3A_61 : memref<!tpu.dma_semaphore, #tpu.memory_space<semaphore_mem>>) src(%dma_wait3A_71 : memref<624x128xf32, #tpu.memory_space<vmem_shared>>) dst(%dma_wait3A_69 : memref<624x128xf32, #tpu.memory_space<hbm>>)
      tpu.yield
    }) : () -> ()
    %eq3A = arith.constant 0 : i32
    %eq3A_59 = arith.cmpi eq, %arg1, %eq3A : i32
    %convert_element_type3A = arith.extui %eq3A_59 : i1 to i32
    %cond3A = arith.constant 0 : i32
    %cond3A_60 = arith.cmpi ne, %convert_element_type3A, %cond3A : i32
    scf.if %cond3A_60 {
      "tpu.region"() ({
        %run_scoped3A_61 = tpu.sem_alloc : memref<!tpu.dma_semaphore, #tpu.memory_space<semaphore_mem>>
        %dma_start3A_62 = arith.constant 9984 : i32
        %dma_start3A_63 = arith.constant 0 : i32
        %dma_start3A_64 = tpu.memref_slice %arg5[%arg0, %dma_start3A_62, %dma_start3A_63] : memref<2x10000x128xf32, #tpu.memory_space<hbm>> -> memref<1x16x128xf32, #tpu.memory_space<hbm>>
        %dma_start3A_65 = tpu.memref_squeeze %dma_start3A_64 : memref<1x16x128xf32, #tpu.memory_space<hbm>> -> memref<16x128xf32, #tpu.memory_space<hbm>>
        %dma_start3A_66 = arith.constant 9984 : i32
        %dma_start3A_67 = arith.constant 0 : i32
        %dma_start3A_68 = tpu.memref_slice %arg9[%dma_start3A_66, %dma_start3A_67] : memref<10240x128xf32, #tpu.memory_space<vmem_shared>> -> memref<16x128xf32, #tpu.memory_space<vmem_shared>>
        tpu.enqueue_dma source(%dma_start3A_68 : memref<16x128xf32, #tpu.memory_space<vmem_shared>>) target(%dma_start3A_65 : memref<16x128xf32, #tpu.memory_space<hbm>>) target_semaphore(%run_scoped3A_61 : memref<!tpu.dma_semaphore, #tpu.memory_space<semaphore_mem>>)
        %dma_wait3A_69 = arith.constant 9984 : i32
        %dma_wait3A_70 = arith.constant 0 : i32
        %dma_wait3A_71 = tpu.memref_slice %arg5[%arg0, %dma_wait3A_69, %dma_wait3A_70] : memref<2x10000x128xf32, #tpu.memory_space<hbm>> -> memref<1x16x128xf32, #tpu.memory_space<hbm>>
        %dma_wait3A_72 = tpu.memref_squeeze %dma_wait3A_71 : memref<1x16x128xf32, #tpu.memory_space<hbm>> -> memref<16x128xf32, #tpu.memory_space<hbm>>
        %dma_wait3A_73 = arith.constant 9984 : i32
        %dma_wait3A_74 = arith.constant 0 : i32
        %dma_wait3A_75 = tpu.memref_slice %arg9[%dma_wait3A_73, %dma_wait3A_74] : memref<10240x128xf32, #tpu.memory_space<vmem_shared>> -> memref<16x128xf32, #tpu.memory_space<vmem_shared>>
        tpu.wait_dma2 semaphore(%run_scoped3A_61 : memref<!tpu.dma_semaphore, #tpu.memory_space<semaphore_mem>>) src(%dma_wait3A_75 : memref<16x128xf32, #tpu.memory_space<vmem_shared>>) dst(%dma_wait3A_72 : memref<16x128xf32, #tpu.memory_space<hbm>>)
        tpu.yield
      }) : () -> ()
    } else {
    }
    return
  }
}

#map = affine_map<(d0, d1) -> (0, 0, 0)>
module attributes {stable_mosaic.version = 14 : i64} {
  func.func @body(%arg0: i32, %arg1: i32, %arg2: memref<32x160x128xi32, #tpu.memory_space<hbm>>, %arg3: memref<2x10000x128xf32, #tpu.memory_space<hbm>>, %arg4: memref<16x128xi32, #tpu.memory_space<vmem>>, %arg5: memref<128x128xf32, #tpu.memory_space<vmem>>, %arg6: memref<10240x128xf32, #tpu.memory_space<vmem_shared>>) attributes {dimension_semantics = [#tpu.dimension_semantics<core_parallel>, #tpu.dimension_semantics<subcore_parallel>], iteration_bounds = array<i64: 2, 16>, scalar_prefetch = 0 : i64, scratch_operands = 3 : i64, tpu.core_type = #tpu.core_type<sc_vector_subcore>, window_params = [{transform_indices = #map}, {transform_indices = #map}]} {
    %mul3A = arith.constant 16 : i32
    %mul3A_0 = arith.muli %arg0, %mul3A : i32
    %add3A = arith.addi %mul3A_0, %arg1 : i32
    %scan3A = arith.constant 0 : i32
    %scan3A_1 = arith.constant 0 : i32
    %scan3A_2 = arith.constant 1024 : i32
    %scan3A_3 = arith.addi %scan3A_1, %scan3A_2 : i32
    %scan3A_4 = arith.constant 1 : i32
    %scan3A_5 = scf.for %scan3A_38 = %scan3A_1 to %scan3A_3 step %scan3A_4 iter_args(%scan3A_39 = %scan3A) -> (i32)  : i32 {
      %jit3A = arith.constant 8 : i32
      %div3A = arith.divsi %scan3A_38, %jit3A : i32
      %sign3A = arith.constant 0 : i32
      %sign3A_40 = arith.cmpi sgt, %scan3A_38, %sign3A : i32
      %sign3A_41 = arith.extui %sign3A_40 : i1 to i32
      %sign3A_42 = arith.constant 0 : i32
      %sign3A_43 = arith.cmpi slt, %scan3A_38, %sign3A_42 : i32
      %sign3A_44 = arith.extui %sign3A_43 : i1 to i32
      %sign3A_45 = arith.subi %sign3A_41, %sign3A_44 : i32
      %sign3A_46 = arith.constant 0 : i32
      %sign3A_47 = arith.cmpi sgt, %jit3A, %sign3A_46 : i32
      %sign3A_48 = arith.extui %sign3A_47 : i1 to i32
      %sign3A_49 = arith.constant 0 : i32
      %sign3A_50 = arith.cmpi slt, %jit3A, %sign3A_49 : i32
      %sign3A_51 = arith.extui %sign3A_50 : i1 to i32
      %sign3A_52 = arith.subi %sign3A_48, %sign3A_51 : i32
      %ne3A = arith.cmpi ne, %sign3A_45, %sign3A_52 : i32
      %rem3A = arith.remsi %scan3A_38, %jit3A : i32
      %ne3A_53 = arith.constant 0 : i32
      %ne3A_54 = arith.cmpi ne, %rem3A, %ne3A_53 : i32
      %and3A = arith.andi %ne3A, %ne3A_54 : i1
      %sub3A = arith.constant 1 : i32
      %sub3A_55 = arith.subi %div3A, %sub3A : i32
      %select_n3A = arith.select %and3A, %sub3A_55, %div3A : i32
      %jit3A_56 = arith.constant 8 : i32
      %eq3A_57 = arith.constant 0 : i32
      %eq3A_58 = arith.cmpi eq, %jit3A_56, %eq3A_57 : i32
      %jit3A_59 = arith.constant 1 : i32
      %select_n3A_60 = arith.select %eq3A_58, %jit3A_59, %jit3A_56 : i32
      %rem3A_61 = arith.remsi %scan3A_38, %select_n3A_60 : i32
      %ne3A_62 = arith.constant 0 : i32
      %ne3A_63 = arith.cmpi ne, %rem3A_61, %ne3A_62 : i32
      %lt3A = arith.constant 0 : i32
      %lt3A_64 = arith.cmpi slt, %rem3A_61, %lt3A : i32
      %lt3A_65 = arith.constant 0 : i32
      %lt3A_66 = arith.cmpi slt, %select_n3A_60, %lt3A_65 : i32
      %ne3A_67 = arith.xori %lt3A_64, %lt3A_66 : i1
      %and3A_68 = arith.andi %ne3A_67, %ne3A_63 : i1
      %add3A_69 = arith.addi %rem3A_61, %select_n3A_60 : i32
      %select_n3A_70 = arith.select %and3A_68, %add3A_69, %rem3A_61 : i32
      %mul3A_71 = arith.constant 16 : i32
      %mul3A_72 = arith.muli %select_n3A_70, %mul3A_71 : i32
      %broadcast_in_dim3A = arith.constant 0.000000e+00 : f32
      %broadcast_in_dim3A_73 = vector.broadcast %broadcast_in_dim3A : f32 to vector<16xf32>
      %swap3A = arith.index_cast %select_n3A : i32 to index
      %swap3A_74 = arith.index_cast %mul3A_72 : i32 to index
      %swap3A_75 = tpu.vector_load %arg5[%swap3A, %swap3A_74] {strides = array<i32>} : memref<128x128xf32, #tpu.memory_space<vmem>>, vector<1x16xf32>,
      %swap3A_76 = vector.shape_cast %swap3A_75 : vector<1x16xf32> to vector<16xf32>
      %swap3A_77 = vector.shape_cast %broadcast_in_dim3A_73 : vector<16xf32> to vector<1x16xf32>
      tpu.vector_store %arg5[%swap3A, %swap3A_74], %swap3A_77 {strides = array<i32>} : memref<128x128xf32, #tpu.memory_space<vmem>>, vector<1x16xf32>,
      %scan3A_78 = arith.constant 0 : i32
      scf.yield %scan3A_78 : i32
    }
    %scan3A_6 = arith.constant 1024 : i32
    %mul3A_7 = arith.constant 640 : i32
    %mul3A_8 = arith.muli %arg1, %mul3A_7 : i32
    %add3A_9 = arith.constant 0 : i32
    %add3A_10 = arith.addi %mul3A_8, %add3A_9 : i32
    "tpu.region"() ({
      %run_scoped3A = tpu.sem_alloc : memref<!tpu.dma_semaphore, #tpu.memory_space<semaphore_mem>>
      %dma_start3A = arith.constant 0 : i32
      %dma_start3A_38 = tpu.memref_slice %arg6[%add3A_10, %dma_start3A] : memref<10240x128xf32, #tpu.memory_space<vmem_shared>> -> memref<128x128xf32, #tpu.memory_space<vmem_shared>>
      %dma_start3A_39 = arith.constant 0 : i32
      %dma_start3A_40 = tpu.memref_slice %arg6[%add3A_10, %dma_start3A_39] : memref<10240x128xf32, #tpu.memory_space<vmem_shared>> -> memref<128x128xf32, #tpu.memory_space<vmem_shared>>
      tpu.enqueue_dma source(%arg5 : memref<128x128xf32, #tpu.memory_space<vmem>>) target(%dma_start3A_40 : memref<128x128xf32, #tpu.memory_space<vmem_shared>>) target_semaphore(%run_scoped3A : memref<!tpu.dma_semaphore, #tpu.memory_space<semaphore_mem>>)
      %dma_wait3A = arith.constant 0 : i32
      %dma_wait3A_41 = tpu.memref_slice %arg6[%add3A_10, %dma_wait3A] : memref<10240x128xf32, #tpu.memory_space<vmem_shared>> -> memref<128x128xf32, #tpu.memory_space<vmem_shared>>
      %dma_wait3A_42 = arith.constant 0 : i32
      %dma_wait3A_43 = tpu.memref_slice %arg6[%add3A_10, %dma_wait3A_42] : memref<10240x128xf32, #tpu.memory_space<vmem_shared>> -> memref<128x128xf32, #tpu.memory_space<vmem_shared>>
      tpu.wait_dma2 semaphore(%run_scoped3A : memref<!tpu.dma_semaphore, #tpu.memory_space<semaphore_mem>>) src(%arg5 : memref<128x128xf32, #tpu.memory_space<vmem>>) dst(%dma_wait3A_43 : memref<128x128xf32, #tpu.memory_space<vmem_shared>>)
      tpu.yield
    }) : () -> ()
    %add3A_11 = arith.constant 128 : i32
    %add3A_12 = arith.addi %mul3A_8, %add3A_11 : i32
    "tpu.region"() ({
      %run_scoped3A = tpu.sem_alloc : memref<!tpu.dma_semaphore, #tpu.memory_space<semaphore_mem>>
      %dma_start3A = arith.constant 0 : i32
      %dma_start3A_38 = tpu.memref_slice %arg6[%add3A_12, %dma_start3A] : memref<10240x128xf32, #tpu.memory_space<vmem_shared>> -> memref<128x128xf32, #tpu.memory_space<vmem_shared>>
      %dma_start3A_39 = arith.constant 0 : i32
      %dma_start3A_40 = tpu.memref_slice %arg6[%add3A_12, %dma_start3A_39] : memref<10240x128xf32, #tpu.memory_space<vmem_shared>> -> memref<128x128xf32, #tpu.memory_space<vmem_shared>>
      tpu.enqueue_dma source(%arg5 : memref<128x128xf32, #tpu.memory_space<vmem>>) target(%dma_start3A_40 : memref<128x128xf32, #tpu.memory_space<vmem_shared>>) target_semaphore(%run_scoped3A : memref<!tpu.dma_semaphore, #tpu.memory_space<semaphore_mem>>)
      %dma_wait3A = arith.constant 0 : i32
      %dma_wait3A_41 = tpu.memref_slice %arg6[%add3A_12, %dma_wait3A] : memref<10240x128xf32, #tpu.memory_space<vmem_shared>> -> memref<128x128xf32, #tpu.memory_space<vmem_shared>>
      %dma_wait3A_42 = arith.constant 0 : i32
      %dma_wait3A_43 = tpu.memref_slice %arg6[%add3A_12, %dma_wait3A_42] : memref<10240x128xf32, #tpu.memory_space<vmem_shared>> -> memref<128x128xf32, #tpu.memory_space<vmem_shared>>
      tpu.wait_dma2 semaphore(%run_scoped3A : memref<!tpu.dma_semaphore, #tpu.memory_space<semaphore_mem>>) src(%arg5 : memref<128x128xf32, #tpu.memory_space<vmem>>) dst(%dma_wait3A_43 : memref<128x128xf32, #tpu.memory_space<vmem_shared>>)
      tpu.yield
    }) : () -> ()
    %add3A_13 = arith.constant 256 : i32
    %add3A_14 = arith.addi %mul3A_8, %add3A_13 : i32
    "tpu.region"() ({
      %run_scoped3A = tpu.sem_alloc : memref<!tpu.dma_semaphore, #tpu.memory_space<semaphore_mem>>
      %dma_start3A = arith.constant 0 : i32
      %dma_start3A_38 = tpu.memref_slice %arg6[%add3A_14, %dma_start3A] : memref<10240x128xf32, #tpu.memory_space<vmem_shared>> -> memref<128x128xf32, #tpu.memory_space<vmem_shared>>
      %dma_start3A_39 = arith.constant 0 : i32
      %dma_start3A_40 = tpu.memref_slice %arg6[%add3A_14, %dma_start3A_39] : memref<10240x128xf32, #tpu.memory_space<vmem_shared>> -> memref<128x128xf32, #tpu.memory_space<vmem_shared>>
      tpu.enqueue_dma source(%arg5 : memref<128x128xf32, #tpu.memory_space<vmem>>) target(%dma_start3A_40 : memref<128x128xf32, #tpu.memory_space<vmem_shared>>) target_semaphore(%run_scoped3A : memref<!tpu.dma_semaphore, #tpu.memory_space<semaphore_mem>>)
      %dma_wait3A = arith.constant 0 : i32
      %dma_wait3A_41 = tpu.memref_slice %arg6[%add3A_14, %dma_wait3A] : memref<10240x128xf32, #tpu.memory_space<vmem_shared>> -> memref<128x128xf32, #tpu.memory_space<vmem_shared>>
      %dma_wait3A_42 = arith.constant 0 : i32
      %dma_wait3A_43 = tpu.memref_slice %arg6[%add3A_14, %dma_wait3A_42] : memref<10240x128xf32, #tpu.memory_space<vmem_shared>> -> memref<128x128xf32, #tpu.memory_space<vmem_shared>>
      tpu.wait_dma2 semaphore(%run_scoped3A : memref<!tpu.dma_semaphore, #tpu.memory_space<semaphore_mem>>) src(%arg5 : memref<128x128xf32, #tpu.memory_space<vmem>>) dst(%dma_wait3A_43 : memref<128x128xf32, #tpu.memory_space<vmem_shared>>)
      tpu.yield
    }) : () -> ()
    %add3A_15 = arith.constant 384 : i32
    %add3A_16 = arith.addi %mul3A_8, %add3A_15 : i32
    "tpu.region"() ({
      %run_scoped3A = tpu.sem_alloc : memref<!tpu.dma_semaphore, #tpu.memory_space<semaphore_mem>>
      %dma_start3A = arith.constant 0 : i32
      %dma_start3A_38 = tpu.memref_slice %arg6[%add3A_16, %dma_start3A] : memref<10240x128xf32, #tpu.memory_space<vmem_shared>> -> memref<128x128xf32, #tpu.memory_space<vmem_shared>>
      %dma_start3A_39 = arith.constant 0 : i32
      %dma_start3A_40 = tpu.memref_slice %arg6[%add3A_16, %dma_start3A_39] : memref<10240x128xf32, #tpu.memory_space<vmem_shared>> -> memref<128x128xf32, #tpu.memory_space<vmem_shared>>
      tpu.enqueue_dma source(%arg5 : memref<128x128xf32, #tpu.memory_space<vmem>>) target(%dma_start3A_40 : memref<128x128xf32, #tpu.memory_space<vmem_shared>>) target_semaphore(%run_scoped3A : memref<!tpu.dma_semaphore, #tpu.memory_space<semaphore_mem>>)
      %dma_wait3A = arith.constant 0 : i32
      %dma_wait3A_41 = tpu.memref_slice %arg6[%add3A_16, %dma_wait3A] : memref<10240x128xf32, #tpu.memory_space<vmem_shared>> -> memref<128x128xf32, #tpu.memory_space<vmem_shared>>
      %dma_wait3A_42 = arith.constant 0 : i32
      %dma_wait3A_43 = tpu.memref_slice %arg6[%add3A_16, %dma_wait3A_42] : memref<10240x128xf32, #tpu.memory_space<vmem_shared>> -> memref<128x128xf32, #tpu.memory_space<vmem_shared>>
      tpu.wait_dma2 semaphore(%run_scoped3A : memref<!tpu.dma_semaphore, #tpu.memory_space<semaphore_mem>>) src(%arg5 : memref<128x128xf32, #tpu.memory_space<vmem>>) dst(%dma_wait3A_43 : memref<128x128xf32, #tpu.memory_space<vmem_shared>>)
      tpu.yield
    }) : () -> ()
    %add3A_17 = arith.constant 512 : i32
    %add3A_18 = arith.addi %mul3A_8, %add3A_17 : i32
    "tpu.region"() ({
      %run_scoped3A = tpu.sem_alloc : memref<!tpu.dma_semaphore, #tpu.memory_space<semaphore_mem>>
      %dma_start3A = arith.constant 0 : i32
      %dma_start3A_38 = tpu.memref_slice %arg6[%add3A_18, %dma_start3A] : memref<10240x128xf32, #tpu.memory_space<vmem_shared>> -> memref<128x128xf32, #tpu.memory_space<vmem_shared>>
      %dma_start3A_39 = arith.constant 0 : i32
      %dma_start3A_40 = tpu.memref_slice %arg6[%add3A_18, %dma_start3A_39] : memref<10240x128xf32, #tpu.memory_space<vmem_shared>> -> memref<128x128xf32, #tpu.memory_space<vmem_shared>>
      tpu.enqueue_dma source(%arg5 : memref<128x128xf32, #tpu.memory_space<vmem>>) target(%dma_start3A_40 : memref<128x128xf32, #tpu.memory_space<vmem_shared>>) target_semaphore(%run_scoped3A : memref<!tpu.dma_semaphore, #tpu.memory_space<semaphore_mem>>)
      %dma_wait3A = arith.constant 0 : i32
      %dma_wait3A_41 = tpu.memref_slice %arg6[%add3A_18, %dma_wait3A] : memref<10240x128xf32, #tpu.memory_space<vmem_shared>> -> memref<128x128xf32, #tpu.memory_space<vmem_shared>>
      %dma_wait3A_42 = arith.constant 0 : i32
      %dma_wait3A_43 = tpu.memref_slice %arg6[%add3A_18, %dma_wait3A_42] : memref<10240x128xf32, #tpu.memory_space<vmem_shared>> -> memref<128x128xf32, #tpu.memory_space<vmem_shared>>
      tpu.wait_dma2 semaphore(%run_scoped3A : memref<!tpu.dma_semaphore, #tpu.memory_space<semaphore_mem>>) src(%arg5 : memref<128x128xf32, #tpu.memory_space<vmem>>) dst(%dma_wait3A_43 : memref<128x128xf32, #tpu.memory_space<vmem_shared>>)
      tpu.yield
    }) : () -> ()
    %scan3A_19 = arith.constant 0 : i32
    %scan3A_20 = arith.constant 0 : i32
    %scan3A_21 = arith.constant 1024 : i32
    %scan3A_22 = arith.addi %scan3A_20, %scan3A_21 : i32
    %scan3A_23 = arith.constant 1 : i32
    %scan3A_24 = scf.for %scan3A_38 = %scan3A_20 to %scan3A_22 step %scan3A_23 iter_args(%scan3A_39 = %scan3A_19) -> (i32)  : i32 {
      %jit3A = arith.constant 8 : i32
      %div3A = arith.divsi %scan3A_38, %jit3A : i32
      %sign3A = arith.constant 0 : i32
      %sign3A_40 = arith.cmpi sgt, %scan3A_38, %sign3A : i32
      %sign3A_41 = arith.extui %sign3A_40 : i1 to i32
      %sign3A_42 = arith.constant 0 : i32
      %sign3A_43 = arith.cmpi slt, %scan3A_38, %sign3A_42 : i32
      %sign3A_44 = arith.extui %sign3A_43 : i1 to i32
      %sign3A_45 = arith.subi %sign3A_41, %sign3A_44 : i32
      %sign3A_46 = arith.constant 0 : i32
      %sign3A_47 = arith.cmpi sgt, %jit3A, %sign3A_46 : i32
      %sign3A_48 = arith.extui %sign3A_47 : i1 to i32
      %sign3A_49 = arith.constant 0 : i32
      %sign3A_50 = arith.cmpi slt, %jit3A, %sign3A_49 : i32
      %sign3A_51 = arith.extui %sign3A_50 : i1 to i32
      %sign3A_52 = arith.subi %sign3A_48, %sign3A_51 : i32
      %ne3A = arith.cmpi ne, %sign3A_45, %sign3A_52 : i32
      %rem3A = arith.remsi %scan3A_38, %jit3A : i32
      %ne3A_53 = arith.constant 0 : i32
      %ne3A_54 = arith.cmpi ne, %rem3A, %ne3A_53 : i32
      %and3A = arith.andi %ne3A, %ne3A_54 : i1
      %sub3A = arith.constant 1 : i32
      %sub3A_55 = arith.subi %div3A, %sub3A : i32
      %select_n3A = arith.select %and3A, %sub3A_55, %div3A : i32
      %jit3A_56 = arith.constant 8 : i32
      %eq3A_57 = arith.constant 0 : i32
      %eq3A_58 = arith.cmpi eq, %jit3A_56, %eq3A_57 : i32
      %jit3A_59 = arith.constant 1 : i32
      %select_n3A_60 = arith.select %eq3A_58, %jit3A_59, %jit3A_56 : i32
      %rem3A_61 = arith.remsi %scan3A_38, %select_n3A_60 : i32
      %ne3A_62 = arith.constant 0 : i32
      %ne3A_63 = arith.cmpi ne, %rem3A_61, %ne3A_62 : i32
      %lt3A = arith.constant 0 : i32
      %lt3A_64 = arith.cmpi slt, %rem3A_61, %lt3A : i32
      %lt3A_65 = arith.constant 0 : i32
      %lt3A_66 = arith.cmpi slt, %select_n3A_60, %lt3A_65 : i32
      %ne3A_67 = arith.xori %lt3A_64, %lt3A_66 : i1
      %and3A_68 = arith.andi %ne3A_67, %ne3A_63 : i1
      %add3A_69 = arith.addi %rem3A_61, %select_n3A_60 : i32
      %select_n3A_70 = arith.select %and3A_68, %add3A_69, %rem3A_61 : i32
      %mul3A_71 = arith.constant 16 : i32
      %mul3A_72 = arith.muli %select_n3A_70, %mul3A_71 : i32
      %broadcast_in_dim3A = arith.constant 1.000000e+00 : f32
      %broadcast_in_dim3A_73 = vector.broadcast %broadcast_in_dim3A : f32 to vector<16xf32>
      %swap3A = arith.index_cast %select_n3A : i32 to index
      %swap3A_74 = arith.index_cast %mul3A_72 : i32 to index
      %swap3A_75 = tpu.vector_load %arg5[%swap3A, %swap3A_74] {strides = array<i32>} : memref<128x128xf32, #tpu.memory_space<vmem>>, vector<1x16xf32>,
      %swap3A_76 = vector.shape_cast %swap3A_75 : vector<1x16xf32> to vector<16xf32>
      %swap3A_77 = vector.shape_cast %broadcast_in_dim3A_73 : vector<16xf32> to vector<1x16xf32>
      tpu.vector_store %arg5[%swap3A, %swap3A_74], %swap3A_77 {strides = array<i32>} : memref<128x128xf32, #tpu.memory_space<vmem>>, vector<1x16xf32>,
      %scan3A_78 = arith.constant 0 : i32
      scf.yield %scan3A_78 : i32
    }
    %scan3A_25 = arith.constant 1024 : i32
    %barrier3A = arith.constant 0 : index
    tpu.barrier barrier_id(%barrier3A)
    %scan3A_26 = arith.constant 0 : i32
    %scan3A_27 = arith.constant 0 : i32
    %scan3A_28 = arith.constant 10 : i32
    %scan3A_29 = arith.addi %scan3A_27, %scan3A_28 : i32
    %scan3A_30 = arith.constant 1 : i32
    %scan3A_31 = scf.for %scan3A_38 = %scan3A_27 to %scan3A_29 step %scan3A_30 iter_args(%scan3A_39 = %scan3A_26) -> (i32)  : i32 {
      %mul3A_40 = arith.constant 16 : i32
      %mul3A_41 = arith.muli %scan3A_38, %mul3A_40 : i32
      "tpu.region"() ({
        %run_scoped3A = tpu.sem_alloc : memref<!tpu.dma_semaphore, #tpu.memory_space<semaphore_mem>>
        %dma_start3A = arith.constant 0 : i32
        %dma_start3A_50 = tpu.memref_slice %arg2[%add3A, %mul3A_41, %dma_start3A] : memref<32x160x128xi32, #tpu.memory_space<hbm>> -> memref<1x16x128xi32, #tpu.memory_space<hbm>>
        %dma_start3A_51 = tpu.memref_squeeze %dma_start3A_50 : memref<1x16x128xi32, #tpu.memory_space<hbm>> -> memref<16x128xi32, #tpu.memory_space<hbm>>
        %dma_start3A_52 = arith.constant 0 : i32
        %dma_start3A_53 = tpu.memref_slice %arg2[%add3A, %mul3A_41, %dma_start3A_52] : memref<32x160x128xi32, #tpu.memory_space<hbm>> -> memref<1x16x128xi32, #tpu.memory_space<hbm>>
        %dma_start3A_54 = tpu.memref_squeeze %dma_start3A_53 : memref<1x16x128xi32, #tpu.memory_space<hbm>> -> memref<16x128xi32, #tpu.memory_space<hbm>>
        tpu.enqueue_dma source(%dma_start3A_54 : memref<16x128xi32, #tpu.memory_space<hbm>>) target(%arg4 : memref<16x128xi32, #tpu.memory_space<vmem>>) target_semaphore(%run_scoped3A : memref<!tpu.dma_semaphore, #tpu.memory_space<semaphore_mem>>)
        %dma_wait3A = arith.constant 0 : i32
        %dma_wait3A_55 = tpu.memref_slice %arg2[%add3A, %mul3A_41, %dma_wait3A] : memref<32x160x128xi32, #tpu.memory_space<hbm>> -> memref<1x16x128xi32, #tpu.memory_space<hbm>>
        %dma_wait3A_56 = tpu.memref_squeeze %dma_wait3A_55 : memref<1x16x128xi32, #tpu.memory_space<hbm>> -> memref<16x128xi32, #tpu.memory_space<hbm>>
        %dma_wait3A_57 = arith.constant 0 : i32
        %dma_wait3A_58 = tpu.memref_slice %arg2[%add3A, %mul3A_41, %dma_wait3A_57] : memref<32x160x128xi32, #tpu.memory_space<hbm>> -> memref<1x16x128xi32, #tpu.memory_space<hbm>>
        %dma_wait3A_59 = tpu.memref_squeeze %dma_wait3A_58 : memref<1x16x128xi32, #tpu.memory_space<hbm>> -> memref<16x128xi32, #tpu.memory_space<hbm>>
        tpu.wait_dma2 semaphore(%run_scoped3A : memref<!tpu.dma_semaphore, #tpu.memory_space<semaphore_mem>>) src(%dma_wait3A_59 : memref<16x128xi32, #tpu.memory_space<hbm>>) dst(%arg4 : memref<16x128xi32, #tpu.memory_space<vmem>>)
        tpu.yield
      }) : () -> ()
      %scan3A_42 = arith.constant 0 : i32
      %scan3A_43 = arith.constant 0 : i32
      %scan3A_44 = arith.constant 16 : i32
      %scan3A_45 = arith.addi %scan3A_43, %scan3A_44 : i32
      %scan3A_46 = arith.constant 1 : i32
      %scan3A_47 = scf.for %scan3A_50 = %scan3A_43 to %scan3A_45 step %scan3A_46 iter_args(%scan3A_51 = %scan3A_42) -> (i32)  : i32 {
        "tpu.region"() ({
          %run_scoped3A = tpu.sem_alloc : memref<!tpu.dma_semaphore, #tpu.memory_space<semaphore_mem>>
          %dma_start3A = arith.constant 0 : i32
          %dma_start3A_53 = tpu.memref_slice %arg4[%scan3A_50, %dma_start3A] : memref<16x128xi32, #tpu.memory_space<vmem>> -> memref<1x128xi32, #tpu.memory_space<vmem>>
          %dma_start3A_54 = tpu.memref_squeeze %dma_start3A_53 : memref<1x128xi32, #tpu.memory_space<vmem>> -> memref<128xi32, #tpu.memory_space<vmem>>
          %dma_start3A_55 = arith.constant 0 : i32
          %dma_start3A_56 = arith.constant 0 : i32
          %dma_start3A_57 = tpu.memref_slice %arg6[%dma_start3A_55, %dma_start3A_56] : memref<10240x128xf32, #tpu.memory_space<vmem_shared>> -> memref<10240x128xf32, #tpu.memory_space<vmem_shared>>
          tpu.enqueue_indirect_dma source(%arg5 : memref<128x128xf32, #tpu.memory_space<vmem>>) target(%dma_start3A_57 : memref<10240x128xf32, #tpu.memory_space<vmem_shared>>) offsets(%dma_start3A_54 : memref<128xi32, #tpu.memory_space<vmem>>) semaphore(%run_scoped3A : memref<!tpu.dma_semaphore, #tpu.memory_space<semaphore_mem>>) {add = true}
          %dma_wait3A = arith.constant 0 : i32
          %dma_wait3A_58 = tpu.memref_slice %arg4[%scan3A_50, %dma_wait3A] : memref<16x128xi32, #tpu.memory_space<vmem>> -> memref<1x128xi32, #tpu.memory_space<vmem>>
          %dma_wait3A_59 = tpu.memref_squeeze %dma_wait3A_58 : memref<1x128xi32, #tpu.memory_space<vmem>> -> memref<128xi32, #tpu.memory_space<vmem>>
          %dma_wait3A_60 = arith.constant 0 : i32
          %dma_wait3A_61 = arith.constant 0 : i32
          %dma_wait3A_62 = tpu.memref_slice %arg6[%dma_wait3A_60, %dma_wait3A_61] : memref<10240x128xf32, #tpu.memory_space<vmem_shared>> -> memref<10240x128xf32, #tpu.memory_space<vmem_shared>>
          tpu.wait_indirect_dma semaphore(%run_scoped3A : memref<!tpu.dma_semaphore, #tpu.memory_space<semaphore_mem>>) src(%arg5 : memref<128x128xf32, #tpu.memory_space<vmem>>) dst(%dma_wait3A_62 : memref<10240x128xf32, #tpu.memory_space<vmem_shared>>)
          tpu.yield
        }) : () -> ()
        %scan3A_52 = arith.constant 0 : i32
        scf.yield %scan3A_52 : i32
      }
      %scan3A_48 = arith.constant 16 : i32
      %scan3A_49 = arith.constant 0 : i32
      scf.yield %scan3A_49 : i32
    }
    %scan3A_32 = arith.constant 10 : i32
    %barrier3A_33 = arith.constant 0 : index
    tpu.barrier barrier_id(%barrier3A_33)
    %mul3A_34 = arith.constant 624 : i32
    %mul3A_35 = arith.muli %arg1, %mul3A_34 : i32
    "tpu.region"() ({
      %run_scoped3A = tpu.sem_alloc : memref<!tpu.dma_semaphore, #tpu.memory_space<semaphore_mem>>
      %dma_start3A = arith.constant 0 : i32
      %dma_start3A_38 = tpu.memref_slice %arg3[%arg0, %mul3A_35, %dma_start3A] : memref<2x10000x128xf32, #tpu.memory_space<hbm>> -> memref<1x624x128xf32, #tpu.memory_space<hbm>>
      %dma_start3A_39 = tpu.memref_squeeze %dma_start3A_38 : memref<1x624x128xf32, #tpu.memory_space<hbm>> -> memref<624x128xf32, #tpu.memory_space<hbm>>
      %dma_start3A_40 = arith.constant 0 : i32
      %dma_start3A_41 = tpu.memref_slice %arg6[%mul3A_35, %dma_start3A_40] : memref<10240x128xf32, #tpu.memory_space<vmem_shared>> -> memref<624x128xf32, #tpu.memory_space<vmem_shared>>
      tpu.enqueue_dma source(%dma_start3A_41 : memref<624x128xf32, #tpu.memory_space<vmem_shared>>) target(%dma_start3A_39 : memref<624x128xf32, #tpu.memory_space<hbm>>) target_semaphore(%run_scoped3A : memref<!tpu.dma_semaphore, #tpu.memory_space<semaphore_mem>>)
      %dma_wait3A = arith.constant 0 : i32
      %dma_wait3A_42 = tpu.memref_slice %arg3[%arg0, %mul3A_35, %dma_wait3A] : memref<2x10000x128xf32, #tpu.memory_space<hbm>> -> memref<1x624x128xf32, #tpu.memory_space<hbm>>
      %dma_wait3A_43 = tpu.memref_squeeze %dma_wait3A_42 : memref<1x624x128xf32, #tpu.memory_space<hbm>> -> memref<624x128xf32, #tpu.memory_space<hbm>>
      %dma_wait3A_44 = arith.constant 0 : i32
      %dma_wait3A_45 = tpu.memref_slice %arg6[%mul3A_35, %dma_wait3A_44] : memref<10240x128xf32, #tpu.memory_space<vmem_shared>> -> memref<624x128xf32, #tpu.memory_space<vmem_shared>>
      tpu.wait_dma2 semaphore(%run_scoped3A : memref<!tpu.dma_semaphore, #tpu.memory_space<semaphore_mem>>) src(%dma_wait3A_45 : memref<624x128xf32, #tpu.memory_space<vmem_shared>>) dst(%dma_wait3A_43 : memref<624x128xf32, #tpu.memory_space<hbm>>)
      tpu.yield
    }) : () -> ()
    %eq3A = arith.constant 0 : i32
    %eq3A_36 = arith.cmpi eq, %arg1, %eq3A : i32
    %convert_element_type3A = arith.extui %eq3A_36 : i1 to i32
    %cond3A = arith.constant 0 : i32
    %cond3A_37 = arith.cmpi ne, %convert_element_type3A, %cond3A : i32
    scf.if %cond3A_37 {
      "tpu.region"() ({
        %run_scoped3A = tpu.sem_alloc : memref<!tpu.dma_semaphore, #tpu.memory_space<semaphore_mem>>
        %dma_start3A = arith.constant 9984 : i32
        %dma_start3A_38 = arith.constant 0 : i32
        %dma_start3A_39 = tpu.memref_slice %arg3[%arg0, %dma_start3A, %dma_start3A_38] : memref<2x10000x128xf32, #tpu.memory_space<hbm>> -> memref<1x16x128xf32, #tpu.memory_space<hbm>>
        %dma_start3A_40 = tpu.memref_squeeze %dma_start3A_39 : memref<1x16x128xf32, #tpu.memory_space<hbm>> -> memref<16x128xf32, #tpu.memory_space<hbm>>
        %dma_start3A_41 = arith.constant 9984 : i32
        %dma_start3A_42 = arith.constant 0 : i32
        %dma_start3A_43 = tpu.memref_slice %arg6[%dma_start3A_41, %dma_start3A_42] : memref<10240x128xf32, #tpu.memory_space<vmem_shared>> -> memref<16x128xf32, #tpu.memory_space<vmem_shared>>
        tpu.enqueue_dma source(%dma_start3A_43 : memref<16x128xf32, #tpu.memory_space<vmem_shared>>) target(%dma_start3A_40 : memref<16x128xf32, #tpu.memory_space<hbm>>) target_semaphore(%run_scoped3A : memref<!tpu.dma_semaphore, #tpu.memory_space<semaphore_mem>>)
        %dma_wait3A = arith.constant 9984 : i32
        %dma_wait3A_44 = arith.constant 0 : i32
        %dma_wait3A_45 = tpu.memref_slice %arg3[%arg0, %dma_wait3A, %dma_wait3A_44] : memref<2x10000x128xf32, #tpu.memory_space<hbm>> -> memref<1x16x128xf32, #tpu.memory_space<hbm>>
        %dma_wait3A_46 = tpu.memref_squeeze %dma_wait3A_45 : memref<1x16x128xf32, #tpu.memory_space<hbm>> -> memref<16x128xf32, #tpu.memory_space<hbm>>
        %dma_wait3A_47 = arith.constant 9984 : i32
        %dma_wait3A_48 = arith.constant 0 : i32
        %dma_wait3A_49 = tpu.memref_slice %arg6[%dma_wait3A_47, %dma_wait3A_48] : memref<10240x128xf32, #tpu.memory_space<vmem_shared>> -> memref<16x128xf32, #tpu.memory_space<vmem_shared>>
        tpu.wait_dma2 semaphore(%run_scoped3A : memref<!tpu.dma_semaphore, #tpu.memory_space<semaphore_mem>>) src(%dma_wait3A_49 : memref<16x128xf32, #tpu.memory_space<vmem_shared>>) dst(%dma_wait3A_46 : memref<16x128xf32, #tpu.memory_space<hbm>>)
        tpu.yield
      }) : () -> ()
    } else {
    }
    return
  }
}

#map = affine_map<(d0, d1) -> (0, 0)>
#map1 = affine_map<(d0, d1) -> (0, 0, 0)>
module attributes {stable_mosaic.version = 14 : i64} {
  func.func @body(%arg0: i32, %arg1: i32, %arg2: memref<20000x128xf32, #tpu.memory_space<hbm>>, %arg3: memref<32x160x128xi32, #tpu.memory_space<hbm>>, %arg4: memref<32x160x128xi32, #tpu.memory_space<hbm>>, %arg5: memref<2x10000x128xf32, #tpu.memory_space<hbm>>, %arg6: memref<2x16x128xi32, #tpu.memory_space<vmem>>, %arg7: memref<2x16x128xi32, #tpu.memory_space<vmem>>, %arg8: memref<2x128x128xf32, #tpu.memory_space<vmem>>, %arg9: memref<10240x128xf32, #tpu.memory_space<vmem_shared>>, %arg10: memref<!tpu.dma_semaphore, #tpu.memory_space<semaphore_mem>>, %arg11: memref<!tpu.dma_semaphore, #tpu.memory_space<semaphore_mem>>) attributes {dimension_semantics = [#tpu.dimension_semantics<core_parallel>, #tpu.dimension_semantics<subcore_parallel>], iteration_bounds = array<i64: 2, 16>, scalar_prefetch = 0 : i64, scratch_operands = 6 : i64, tpu.core_type = #tpu.core_type<sc_vector_subcore>, window_params = [{transform_indices = #map}, {transform_indices = #map1}, {transform_indices = #map1}, {transform_indices = #map1}]} {
    %mul3A = arith.constant 16 : i32
    %mul3A_0 = arith.muli %arg0, %mul3A : i32
    %add3A = arith.addi %mul3A_0, %arg1 : i32
    %scan3A = arith.constant 0 : i32
    %scan3A_1 = arith.constant 0 : i32
    %scan3A_2 = arith.constant 1024 : i32
    %scan3A_3 = arith.addi %scan3A_1, %scan3A_2 : i32
    %scan3A_4 = arith.constant 1 : i32
    %scan3A_5 = scf.for %scan3A_61 = %scan3A_1 to %scan3A_3 step %scan3A_4 iter_args(%scan3A_62 = %scan3A) -> (i32)  : i32 {
      %jit3A = arith.constant 8 : i32
      %div3A = arith.divsi %scan3A_61, %jit3A : i32
      %sign3A = arith.constant 0 : i32
      %sign3A_63 = arith.cmpi sgt, %scan3A_61, %sign3A : i32
      %sign3A_64 = arith.extui %sign3A_63 : i1 to i32
      %sign3A_65 = arith.constant 0 : i32
      %sign3A_66 = arith.cmpi slt, %scan3A_61, %sign3A_65 : i32
      %sign3A_67 = arith.extui %sign3A_66 : i1 to i32
      %sign3A_68 = arith.subi %sign3A_64, %sign3A_67 : i32
      %sign3A_69 = arith.constant 0 : i32
      %sign3A_70 = arith.cmpi sgt, %jit3A, %sign3A_69 : i32
      %sign3A_71 = arith.extui %sign3A_70 : i1 to i32
      %sign3A_72 = arith.constant 0 : i32
      %sign3A_73 = arith.cmpi slt, %jit3A, %sign3A_72 : i32
      %sign3A_74 = arith.extui %sign3A_73 : i1 to i32
      %sign3A_75 = arith.subi %sign3A_71, %sign3A_74 : i32
      %ne3A = arith.cmpi ne, %sign3A_68, %sign3A_75 : i32
      %rem3A = arith.remsi %scan3A_61, %jit3A : i32
      %ne3A_76 = arith.constant 0 : i32
      %ne3A_77 = arith.cmpi ne, %rem3A, %ne3A_76 : i32
      %and3A = arith.andi %ne3A, %ne3A_77 : i1
      %sub3A = arith.constant 1 : i32
      %sub3A_78 = arith.subi %div3A, %sub3A : i32
      %select_n3A = arith.select %and3A, %sub3A_78, %div3A : i32
      %jit3A_79 = arith.constant 8 : i32
      %eq3A_80 = arith.constant 0 : i32
      %eq3A_81 = arith.cmpi eq, %jit3A_79, %eq3A_80 : i32
      %jit3A_82 = arith.constant 1 : i32
      %select_n3A_83 = arith.select %eq3A_81, %jit3A_82, %jit3A_79 : i32
      %rem3A_84 = arith.remsi %scan3A_61, %select_n3A_83 : i32
      %ne3A_85 = arith.constant 0 : i32
      %ne3A_86 = arith.cmpi ne, %rem3A_84, %ne3A_85 : i32
      %lt3A = arith.constant 0 : i32
      %lt3A_87 = arith.cmpi slt, %rem3A_84, %lt3A : i32
      %lt3A_88 = arith.constant 0 : i32
      %lt3A_89 = arith.cmpi slt, %select_n3A_83, %lt3A_88 : i32
      %ne3A_90 = arith.xori %lt3A_87, %lt3A_89 : i1
      %and3A_91 = arith.andi %ne3A_90, %ne3A_86 : i1
      %add3A_92 = arith.addi %rem3A_84, %select_n3A_83 : i32
      %select_n3A_93 = arith.select %and3A_91, %add3A_92, %rem3A_84 : i32
      %mul3A_94 = arith.constant 16 : i32
      %mul3A_95 = arith.muli %select_n3A_93, %mul3A_94 : i32
      %broadcast_in_dim3A = arith.constant 0.000000e+00 : f32
      %broadcast_in_dim3A_96 = vector.broadcast %broadcast_in_dim3A : f32 to vector<16xf32>
      %swap3A = arith.constant 0 : i32
      %swap3A_97 = arith.index_cast %swap3A : i32 to index
      %swap3A_98 = arith.index_cast %select_n3A : i32 to index
      %swap3A_99 = arith.index_cast %mul3A_95 : i32 to index
      %swap3A_100 = tpu.vector_load %arg8[%swap3A_97, %swap3A_98, %swap3A_99] {strides = array<i32>} : memref<2x128x128xf32, #tpu.memory_space<vmem>>, vector<1x1x16xf32>,
      %swap3A_101 = vector.shape_cast %swap3A_100 : vector<1x1x16xf32> to vector<16xf32>
      %swap3A_102 = vector.shape_cast %broadcast_in_dim3A_96 : vector<16xf32> to vector<1x1x16xf32>
      tpu.vector_store %arg8[%swap3A_97, %swap3A_98, %swap3A_99], %swap3A_102 {strides = array<i32>} : memref<2x128x128xf32, #tpu.memory_space<vmem>>, vector<1x1x16xf32>,
      %scan3A_103 = arith.constant 0 : i32
      scf.yield %scan3A_103 : i32
    }
    %scan3A_6 = arith.constant 1024 : i32
    %mul3A_7 = arith.constant 640 : i32
    %mul3A_8 = arith.muli %arg1, %mul3A_7 : i32
    %add3A_9 = arith.constant 0 : i32
    %add3A_10 = arith.addi %mul3A_8, %add3A_9 : i32
    %run_scoped3A = arith.constant 0 : i32
    "tpu.region"() ({
      %run_scoped3A_61 = tpu.sem_alloc : memref<!tpu.dma_semaphore, #tpu.memory_space<semaphore_mem>>
      %dma_start3A_62 = arith.constant 0 : i32
      %dma_start3A_63 = arith.constant 0 : i32
      %dma_start3A_64 = tpu.memref_slice %arg8[%run_scoped3A, %dma_start3A_62, %dma_start3A_63] : memref<2x128x128xf32, #tpu.memory_space<vmem>> -> memref<1x128x128xf32, #tpu.memory_space<vmem>>
      %dma_start3A_65 = tpu.memref_squeeze %dma_start3A_64 : memref<1x128x128xf32, #tpu.memory_space<vmem>> -> memref<128x128xf32, #tpu.memory_space<vmem>>
      %dma_start3A_66 = arith.constant 0 : i32
      %dma_start3A_67 = tpu.memref_slice %arg9[%add3A_10, %dma_start3A_66] : memref<10240x128xf32, #tpu.memory_space<vmem_shared>> -> memref<128x128xf32, #tpu.memory_space<vmem_shared>>
      %dma_start3A_68 = arith.constant 0 : i32
      %dma_start3A_69 = tpu.memref_slice %arg9[%add3A_10, %dma_start3A_68] : memref<10240x128xf32, #tpu.memory_space<vmem_shared>> -> memref<128x128xf32, #tpu.memory_space<vmem_shared>>
      %dma_start3A_70 = arith.constant 0 : i32
      %dma_start3A_71 = arith.constant 0 : i32
      %dma_start3A_72 = tpu.memref_slice %arg8[%run_scoped3A, %dma_start3A_70, %dma_start3A_71] : memref<2x128x128xf32, #tpu.memory_space<vmem>> -> memref<1x128x128xf32, #tpu.memory_space<vmem>>
      %dma_start3A_73 = tpu.memref_squeeze %dma_start3A_72 : memref<1x128x128xf32, #tpu.memory_space<vmem>> -> memref<128x128xf32, #tpu.memory_space<vmem>>
      tpu.enqueue_dma source(%dma_start3A_73 : memref<128x128xf32, #tpu.memory_space<vmem>>) target(%dma_start3A_69 : memref<128x128xf32, #tpu.memory_space<vmem_shared>>) target_semaphore(%run_scoped3A_61 : memref<!tpu.dma_semaphore, #tpu.memory_space<semaphore_mem>>)
      %dma_wait3A_74 = arith.constant 0 : i32
      %dma_wait3A_75 = arith.constant 0 : i32
      %dma_wait3A_76 = tpu.memref_slice %arg8[%run_scoped3A, %dma_wait3A_74, %dma_wait3A_75] : memref<2x128x128xf32, #tpu.memory_space<vmem>> -> memref<1x128x128xf32, #tpu.memory_space<vmem>>
      %dma_wait3A_77 = tpu.memref_squeeze %dma_wait3A_76 : memref<1x128x128xf32, #tpu.memory_space<vmem>> -> memref<128x128xf32, #tpu.memory_space<vmem>>
      %dma_wait3A_78 = arith.constant 0 : i32
      %dma_wait3A_79 = tpu.memref_slice %arg9[%add3A_10, %dma_wait3A_78] : memref<10240x128xf32, #tpu.memory_space<vmem_shared>> -> memref<128x128xf32, #tpu.memory_space<vmem_shared>>
      %dma_wait3A_80 = arith.constant 0 : i32
      %dma_wait3A_81 = tpu.memref_slice %arg9[%add3A_10, %dma_wait3A_80] : memref<10240x128xf32, #tpu.memory_space<vmem_shared>> -> memref<128x128xf32, #tpu.memory_space<vmem_shared>>
      %dma_wait3A_82 = arith.constant 0 : i32
      %dma_wait3A_83 = arith.constant 0 : i32
      %dma_wait3A_84 = tpu.memref_slice %arg8[%run_scoped3A, %dma_wait3A_82, %dma_wait3A_83] : memref<2x128x128xf32, #tpu.memory_space<vmem>> -> memref<1x128x128xf32, #tpu.memory_space<vmem>>
      %dma_wait3A_85 = tpu.memref_squeeze %dma_wait3A_84 : memref<1x128x128xf32, #tpu.memory_space<vmem>> -> memref<128x128xf32, #tpu.memory_space<vmem>>
      tpu.wait_dma2 semaphore(%run_scoped3A_61 : memref<!tpu.dma_semaphore, #tpu.memory_space<semaphore_mem>>) src(%dma_wait3A_85 : memref<128x128xf32, #tpu.memory_space<vmem>>) dst(%dma_wait3A_81 : memref<128x128xf32, #tpu.memory_space<vmem_shared>>)
      tpu.yield
    }) : () -> ()
    %add3A_11 = arith.constant 128 : i32
    %add3A_12 = arith.addi %mul3A_8, %add3A_11 : i32
    %run_scoped3A_13 = arith.constant 0 : i32
    "tpu.region"() ({
      %run_scoped3A_61 = tpu.sem_alloc : memref<!tpu.dma_semaphore, #tpu.memory_space<semaphore_mem>>
      %dma_start3A_62 = arith.constant 0 : i32
      %dma_start3A_63 = arith.constant 0 : i32
      %dma_start3A_64 = tpu.memref_slice %arg8[%run_scoped3A_13, %dma_start3A_62, %dma_start3A_63] : memref<2x128x128xf32, #tpu.memory_space<vmem>> -> memref<1x128x128xf32, #tpu.memory_space<vmem>>
      %dma_start3A_65 = tpu.memref_squeeze %dma_start3A_64 : memref<1x128x128xf32, #tpu.memory_space<vmem>> -> memref<128x128xf32, #tpu.memory_space<vmem>>
      %dma_start3A_66 = arith.constant 0 : i32
      %dma_start3A_67 = tpu.memref_slice %arg9[%add3A_12, %dma_start3A_66] : memref<10240x128xf32, #tpu.memory_space<vmem_shared>> -> memref<128x128xf32, #tpu.memory_space<vmem_shared>>
      %dma_start3A_68 = arith.constant 0 : i32
      %dma_start3A_69 = tpu.memref_slice %arg9[%add3A_12, %dma_start3A_68] : memref<10240x128xf32, #tpu.memory_space<vmem_shared>> -> memref<128x128xf32, #tpu.memory_space<vmem_shared>>
      %dma_start3A_70 = arith.constant 0 : i32
      %dma_start3A_71 = arith.constant 0 : i32
      %dma_start3A_72 = tpu.memref_slice %arg8[%run_scoped3A_13, %dma_start3A_70, %dma_start3A_71] : memref<2x128x128xf32, #tpu.memory_space<vmem>> -> memref<1x128x128xf32, #tpu.memory_space<vmem>>
      %dma_start3A_73 = tpu.memref_squeeze %dma_start3A_72 : memref<1x128x128xf32, #tpu.memory_space<vmem>> -> memref<128x128xf32, #tpu.memory_space<vmem>>
      tpu.enqueue_dma source(%dma_start3A_73 : memref<128x128xf32, #tpu.memory_space<vmem>>) target(%dma_start3A_69 : memref<128x128xf32, #tpu.memory_space<vmem_shared>>) target_semaphore(%run_scoped3A_61 : memref<!tpu.dma_semaphore, #tpu.memory_space<semaphore_mem>>)
      %dma_wait3A_74 = arith.constant 0 : i32
      %dma_wait3A_75 = arith.constant 0 : i32
      %dma_wait3A_76 = tpu.memref_slice %arg8[%run_scoped3A_13, %dma_wait3A_74, %dma_wait3A_75] : memref<2x128x128xf32, #tpu.memory_space<vmem>> -> memref<1x128x128xf32, #tpu.memory_space<vmem>>
      %dma_wait3A_77 = tpu.memref_squeeze %dma_wait3A_76 : memref<1x128x128xf32, #tpu.memory_space<vmem>> -> memref<128x128xf32, #tpu.memory_space<vmem>>
      %dma_wait3A_78 = arith.constant 0 : i32
      %dma_wait3A_79 = tpu.memref_slice %arg9[%add3A_12, %dma_wait3A_78] : memref<10240x128xf32, #tpu.memory_space<vmem_shared>> -> memref<128x128xf32, #tpu.memory_space<vmem_shared>>
      %dma_wait3A_80 = arith.constant 0 : i32
      %dma_wait3A_81 = tpu.memref_slice %arg9[%add3A_12, %dma_wait3A_80] : memref<10240x128xf32, #tpu.memory_space<vmem_shared>> -> memref<128x128xf32, #tpu.memory_space<vmem_shared>>
      %dma_wait3A_82 = arith.constant 0 : i32
      %dma_wait3A_83 = arith.constant 0 : i32
      %dma_wait3A_84 = tpu.memref_slice %arg8[%run_scoped3A_13, %dma_wait3A_82, %dma_wait3A_83] : memref<2x128x128xf32, #tpu.memory_space<vmem>> -> memref<1x128x128xf32, #tpu.memory_space<vmem>>
      %dma_wait3A_85 = tpu.memref_squeeze %dma_wait3A_84 : memref<1x128x128xf32, #tpu.memory_space<vmem>> -> memref<128x128xf32, #tpu.memory_space<vmem>>
      tpu.wait_dma2 semaphore(%run_scoped3A_61 : memref<!tpu.dma_semaphore, #tpu.memory_space<semaphore_mem>>) src(%dma_wait3A_85 : memref<128x128xf32, #tpu.memory_space<vmem>>) dst(%dma_wait3A_81 : memref<128x128xf32, #tpu.memory_space<vmem_shared>>)
      tpu.yield
    }) : () -> ()
    %add3A_14 = arith.constant 256 : i32
    %add3A_15 = arith.addi %mul3A_8, %add3A_14 : i32
    %run_scoped3A_16 = arith.constant 0 : i32
    "tpu.region"() ({
      %run_scoped3A_61 = tpu.sem_alloc : memref<!tpu.dma_semaphore, #tpu.memory_space<semaphore_mem>>
      %dma_start3A_62 = arith.constant 0 : i32
      %dma_start3A_63 = arith.constant 0 : i32
      %dma_start3A_64 = tpu.memref_slice %arg8[%run_scoped3A_16, %dma_start3A_62, %dma_start3A_63] : memref<2x128x128xf32, #tpu.memory_space<vmem>> -> memref<1x128x128xf32, #tpu.memory_space<vmem>>
      %dma_start3A_65 = tpu.memref_squeeze %dma_start3A_64 : memref<1x128x128xf32, #tpu.memory_space<vmem>> -> memref<128x128xf32, #tpu.memory_space<vmem>>
      %dma_start3A_66 = arith.constant 0 : i32
      %dma_start3A_67 = tpu.memref_slice %arg9[%add3A_15, %dma_start3A_66] : memref<10240x128xf32, #tpu.memory_space<vmem_shared>> -> memref<128x128xf32, #tpu.memory_space<vmem_shared>>
      %dma_start3A_68 = arith.constant 0 : i32
      %dma_start3A_69 = tpu.memref_slice %arg9[%add3A_15, %dma_start3A_68] : memref<10240x128xf32, #tpu.memory_space<vmem_shared>> -> memref<128x128xf32, #tpu.memory_space<vmem_shared>>
      %dma_start3A_70 = arith.constant 0 : i32
      %dma_start3A_71 = arith.constant 0 : i32
      %dma_start3A_72 = tpu.memref_slice %arg8[%run_scoped3A_16, %dma_start3A_70, %dma_start3A_71] : memref<2x128x128xf32, #tpu.memory_space<vmem>> -> memref<1x128x128xf32, #tpu.memory_space<vmem>>
      %dma_start3A_73 = tpu.memref_squeeze %dma_start3A_72 : memref<1x128x128xf32, #tpu.memory_space<vmem>> -> memref<128x128xf32, #tpu.memory_space<vmem>>
      tpu.enqueue_dma source(%dma_start3A_73 : memref<128x128xf32, #tpu.memory_space<vmem>>) target(%dma_start3A_69 : memref<128x128xf32, #tpu.memory_space<vmem_shared>>) target_semaphore(%run_scoped3A_61 : memref<!tpu.dma_semaphore, #tpu.memory_space<semaphore_mem>>)
      %dma_wait3A_74 = arith.constant 0 : i32
      %dma_wait3A_75 = arith.constant 0 : i32
      %dma_wait3A_76 = tpu.memref_slice %arg8[%run_scoped3A_16, %dma_wait3A_74, %dma_wait3A_75] : memref<2x128x128xf32, #tpu.memory_space<vmem>> -> memref<1x128x128xf32, #tpu.memory_space<vmem>>
      %dma_wait3A_77 = tpu.memref_squeeze %dma_wait3A_76 : memref<1x128x128xf32, #tpu.memory_space<vmem>> -> memref<128x128xf32, #tpu.memory_space<vmem>>
      %dma_wait3A_78 = arith.constant 0 : i32
      %dma_wait3A_79 = tpu.memref_slice %arg9[%add3A_15, %dma_wait3A_78] : memref<10240x128xf32, #tpu.memory_space<vmem_shared>> -> memref<128x128xf32, #tpu.memory_space<vmem_shared>>
      %dma_wait3A_80 = arith.constant 0 : i32
      %dma_wait3A_81 = tpu.memref_slice %arg9[%add3A_15, %dma_wait3A_80] : memref<10240x128xf32, #tpu.memory_space<vmem_shared>> -> memref<128x128xf32, #tpu.memory_space<vmem_shared>>
      %dma_wait3A_82 = arith.constant 0 : i32
      %dma_wait3A_83 = arith.constant 0 : i32
      %dma_wait3A_84 = tpu.memref_slice %arg8[%run_scoped3A_16, %dma_wait3A_82, %dma_wait3A_83] : memref<2x128x128xf32, #tpu.memory_space<vmem>> -> memref<1x128x128xf32, #tpu.memory_space<vmem>>
      %dma_wait3A_85 = tpu.memref_squeeze %dma_wait3A_84 : memref<1x128x128xf32, #tpu.memory_space<vmem>> -> memref<128x128xf32, #tpu.memory_space<vmem>>
      tpu.wait_dma2 semaphore(%run_scoped3A_61 : memref<!tpu.dma_semaphore, #tpu.memory_space<semaphore_mem>>) src(%dma_wait3A_85 : memref<128x128xf32, #tpu.memory_space<vmem>>) dst(%dma_wait3A_81 : memref<128x128xf32, #tpu.memory_space<vmem_shared>>)
      tpu.yield
    }) : () -> ()
    %add3A_17 = arith.constant 384 : i32
    %add3A_18 = arith.addi %mul3A_8, %add3A_17 : i32
    %run_scoped3A_19 = arith.constant 0 : i32
    "tpu.region"() ({
      %run_scoped3A_61 = tpu.sem_alloc : memref<!tpu.dma_semaphore, #tpu.memory_space<semaphore_mem>>
      %dma_start3A_62 = arith.constant 0 : i32
      %dma_start3A_63 = arith.constant 0 : i32
      %dma_start3A_64 = tpu.memref_slice %arg8[%run_scoped3A_19, %dma_start3A_62, %dma_start3A_63] : memref<2x128x128xf32, #tpu.memory_space<vmem>> -> memref<1x128x128xf32, #tpu.memory_space<vmem>>
      %dma_start3A_65 = tpu.memref_squeeze %dma_start3A_64 : memref<1x128x128xf32, #tpu.memory_space<vmem>> -> memref<128x128xf32, #tpu.memory_space<vmem>>
      %dma_start3A_66 = arith.constant 0 : i32
      %dma_start3A_67 = tpu.memref_slice %arg9[%add3A_18, %dma_start3A_66] : memref<10240x128xf32, #tpu.memory_space<vmem_shared>> -> memref<128x128xf32, #tpu.memory_space<vmem_shared>>
      %dma_start3A_68 = arith.constant 0 : i32
      %dma_start3A_69 = tpu.memref_slice %arg9[%add3A_18, %dma_start3A_68] : memref<10240x128xf32, #tpu.memory_space<vmem_shared>> -> memref<128x128xf32, #tpu.memory_space<vmem_shared>>
      %dma_start3A_70 = arith.constant 0 : i32
      %dma_start3A_71 = arith.constant 0 : i32
      %dma_start3A_72 = tpu.memref_slice %arg8[%run_scoped3A_19, %dma_start3A_70, %dma_start3A_71] : memref<2x128x128xf32, #tpu.memory_space<vmem>> -> memref<1x128x128xf32, #tpu.memory_space<vmem>>
      %dma_start3A_73 = tpu.memref_squeeze %dma_start3A_72 : memref<1x128x128xf32, #tpu.memory_space<vmem>> -> memref<128x128xf32, #tpu.memory_space<vmem>>
      tpu.enqueue_dma source(%dma_start3A_73 : memref<128x128xf32, #tpu.memory_space<vmem>>) target(%dma_start3A_69 : memref<128x128xf32, #tpu.memory_space<vmem_shared>>) target_semaphore(%run_scoped3A_61 : memref<!tpu.dma_semaphore, #tpu.memory_space<semaphore_mem>>)
      %dma_wait3A_74 = arith.constant 0 : i32
      %dma_wait3A_75 = arith.constant 0 : i32
      %dma_wait3A_76 = tpu.memref_slice %arg8[%run_scoped3A_19, %dma_wait3A_74, %dma_wait3A_75] : memref<2x128x128xf32, #tpu.memory_space<vmem>> -> memref<1x128x128xf32, #tpu.memory_space<vmem>>
      %dma_wait3A_77 = tpu.memref_squeeze %dma_wait3A_76 : memref<1x128x128xf32, #tpu.memory_space<vmem>> -> memref<128x128xf32, #tpu.memory_space<vmem>>
      %dma_wait3A_78 = arith.constant 0 : i32
      %dma_wait3A_79 = tpu.memref_slice %arg9[%add3A_18, %dma_wait3A_78] : memref<10240x128xf32, #tpu.memory_space<vmem_shared>> -> memref<128x128xf32, #tpu.memory_space<vmem_shared>>
      %dma_wait3A_80 = arith.constant 0 : i32
      %dma_wait3A_81 = tpu.memref_slice %arg9[%add3A_18, %dma_wait3A_80] : memref<10240x128xf32, #tpu.memory_space<vmem_shared>> -> memref<128x128xf32, #tpu.memory_space<vmem_shared>>
      %dma_wait3A_82 = arith.constant 0 : i32
      %dma_wait3A_83 = arith.constant 0 : i32
      %dma_wait3A_84 = tpu.memref_slice %arg8[%run_scoped3A_19, %dma_wait3A_82, %dma_wait3A_83] : memref<2x128x128xf32, #tpu.memory_space<vmem>> -> memref<1x128x128xf32, #tpu.memory_space<vmem>>
      %dma_wait3A_85 = tpu.memref_squeeze %dma_wait3A_84 : memref<1x128x128xf32, #tpu.memory_space<vmem>> -> memref<128x128xf32, #tpu.memory_space<vmem>>
      tpu.wait_dma2 semaphore(%run_scoped3A_61 : memref<!tpu.dma_semaphore, #tpu.memory_space<semaphore_mem>>) src(%dma_wait3A_85 : memref<128x128xf32, #tpu.memory_space<vmem>>) dst(%dma_wait3A_81 : memref<128x128xf32, #tpu.memory_space<vmem_shared>>)
      tpu.yield
    }) : () -> ()
    %add3A_20 = arith.constant 512 : i32
    %add3A_21 = arith.addi %mul3A_8, %add3A_20 : i32
    %run_scoped3A_22 = arith.constant 0 : i32
    "tpu.region"() ({
      %run_scoped3A_61 = tpu.sem_alloc : memref<!tpu.dma_semaphore, #tpu.memory_space<semaphore_mem>>
      %dma_start3A_62 = arith.constant 0 : i32
      %dma_start3A_63 = arith.constant 0 : i32
      %dma_start3A_64 = tpu.memref_slice %arg8[%run_scoped3A_22, %dma_start3A_62, %dma_start3A_63] : memref<2x128x128xf32, #tpu.memory_space<vmem>> -> memref<1x128x128xf32, #tpu.memory_space<vmem>>
      %dma_start3A_65 = tpu.memref_squeeze %dma_start3A_64 : memref<1x128x128xf32, #tpu.memory_space<vmem>> -> memref<128x128xf32, #tpu.memory_space<vmem>>
      %dma_start3A_66 = arith.constant 0 : i32
      %dma_start3A_67 = tpu.memref_slice %arg9[%add3A_21, %dma_start3A_66] : memref<10240x128xf32, #tpu.memory_space<vmem_shared>> -> memref<128x128xf32, #tpu.memory_space<vmem_shared>>
      %dma_start3A_68 = arith.constant 0 : i32
      %dma_start3A_69 = tpu.memref_slice %arg9[%add3A_21, %dma_start3A_68] : memref<10240x128xf32, #tpu.memory_space<vmem_shared>> -> memref<128x128xf32, #tpu.memory_space<vmem_shared>>
      %dma_start3A_70 = arith.constant 0 : i32
      %dma_start3A_71 = arith.constant 0 : i32
      %dma_start3A_72 = tpu.memref_slice %arg8[%run_scoped3A_22, %dma_start3A_70, %dma_start3A_71] : memref<2x128x128xf32, #tpu.memory_space<vmem>> -> memref<1x128x128xf32, #tpu.memory_space<vmem>>
      %dma_start3A_73 = tpu.memref_squeeze %dma_start3A_72 : memref<1x128x128xf32, #tpu.memory_space<vmem>> -> memref<128x128xf32, #tpu.memory_space<vmem>>
      tpu.enqueue_dma source(%dma_start3A_73 : memref<128x128xf32, #tpu.memory_space<vmem>>) target(%dma_start3A_69 : memref<128x128xf32, #tpu.memory_space<vmem_shared>>) target_semaphore(%run_scoped3A_61 : memref<!tpu.dma_semaphore, #tpu.memory_space<semaphore_mem>>)
      %dma_wait3A_74 = arith.constant 0 : i32
      %dma_wait3A_75 = arith.constant 0 : i32
      %dma_wait3A_76 = tpu.memref_slice %arg8[%run_scoped3A_22, %dma_wait3A_74, %dma_wait3A_75] : memref<2x128x128xf32, #tpu.memory_space<vmem>> -> memref<1x128x128xf32, #tpu.memory_space<vmem>>
      %dma_wait3A_77 = tpu.memref_squeeze %dma_wait3A_76 : memref<1x128x128xf32, #tpu.memory_space<vmem>> -> memref<128x128xf32, #tpu.memory_space<vmem>>
      %dma_wait3A_78 = arith.constant 0 : i32
      %dma_wait3A_79 = tpu.memref_slice %arg9[%add3A_21, %dma_wait3A_78] : memref<10240x128xf32, #tpu.memory_space<vmem_shared>> -> memref<128x128xf32, #tpu.memory_space<vmem_shared>>
      %dma_wait3A_80 = arith.constant 0 : i32
      %dma_wait3A_81 = tpu.memref_slice %arg9[%add3A_21, %dma_wait3A_80] : memref<10240x128xf32, #tpu.memory_space<vmem_shared>> -> memref<128x128xf32, #tpu.memory_space<vmem_shared>>
      %dma_wait3A_82 = arith.constant 0 : i32
      %dma_wait3A_83 = arith.constant 0 : i32
      %dma_wait3A_84 = tpu.memref_slice %arg8[%run_scoped3A_22, %dma_wait3A_82, %dma_wait3A_83] : memref<2x128x128xf32, #tpu.memory_space<vmem>> -> memref<1x128x128xf32, #tpu.memory_space<vmem>>
      %dma_wait3A_85 = tpu.memref_squeeze %dma_wait3A_84 : memref<1x128x128xf32, #tpu.memory_space<vmem>> -> memref<128x128xf32, #tpu.memory_space<vmem>>
      tpu.wait_dma2 semaphore(%run_scoped3A_61 : memref<!tpu.dma_semaphore, #tpu.memory_space<semaphore_mem>>) src(%dma_wait3A_85 : memref<128x128xf32, #tpu.memory_space<vmem>>) dst(%dma_wait3A_81 : memref<128x128xf32, #tpu.memory_space<vmem_shared>>)
      tpu.yield
    }) : () -> ()
    %barrier3A = arith.constant 0 : index
    tpu.barrier barrier_id(%barrier3A)
    %run_scoped3A_23 = arith.constant 0 : i32
    "tpu.region"() ({
      %run_scoped3A_61 = tpu.sem_alloc : memref<!tpu.dma_semaphore, #tpu.memory_space<semaphore_mem>>
      %dma_start3A_62 = arith.constant 0 : i32
      %dma_start3A_63 = arith.constant 0 : i32
      %dma_start3A_64 = tpu.memref_slice %arg6[%run_scoped3A_23, %dma_start3A_62, %dma_start3A_63] : memref<2x16x128xi32, #tpu.memory_space<vmem>> -> memref<1x16x128xi32, #tpu.memory_space<vmem>>
      %dma_start3A_65 = tpu.memref_squeeze %dma_start3A_64 : memref<1x16x128xi32, #tpu.memory_space<vmem>> -> memref<16x128xi32, #tpu.memory_space<vmem>>
      %dma_start3A_66 = arith.constant 0 : i32
      %dma_start3A_67 = arith.constant 0 : i32
      %dma_start3A_68 = tpu.memref_slice %arg3[%add3A, %dma_start3A_66, %dma_start3A_67] : memref<32x160x128xi32, #tpu.memory_space<hbm>> -> memref<1x16x128xi32, #tpu.memory_space<hbm>>
      %dma_start3A_69 = tpu.memref_squeeze %dma_start3A_68 : memref<1x16x128xi32, #tpu.memory_space<hbm>> -> memref<16x128xi32, #tpu.memory_space<hbm>>
      %dma_start3A_70 = arith.constant 0 : i32
      %dma_start3A_71 = arith.constant 0 : i32
      %dma_start3A_72 = tpu.memref_slice %arg6[%run_scoped3A_23, %dma_start3A_70, %dma_start3A_71] : memref<2x16x128xi32, #tpu.memory_space<vmem>> -> memref<1x16x128xi32, #tpu.memory_space<vmem>>
      %dma_start3A_73 = tpu.memref_squeeze %dma_start3A_72 : memref<1x16x128xi32, #tpu.memory_space<vmem>> -> memref<16x128xi32, #tpu.memory_space<vmem>>
      %dma_start3A_74 = arith.constant 0 : i32
      %dma_start3A_75 = arith.constant 0 : i32
      %dma_start3A_76 = tpu.memref_slice %arg3[%add3A, %dma_start3A_74, %dma_start3A_75] : memref<32x160x128xi32, #tpu.memory_space<hbm>> -> memref<1x16x128xi32, #tpu.memory_space<hbm>>
      %dma_start3A_77 = tpu.memref_squeeze %dma_start3A_76 : memref<1x16x128xi32, #tpu.memory_space<hbm>> -> memref<16x128xi32, #tpu.memory_space<hbm>>
      tpu.enqueue_dma source(%dma_start3A_77 : memref<16x128xi32, #tpu.memory_space<hbm>>) target(%dma_start3A_73 : memref<16x128xi32, #tpu.memory_space<vmem>>) target_semaphore(%run_scoped3A_61 : memref<!tpu.dma_semaphore, #tpu.memory_space<semaphore_mem>>)
      %dma_wait3A_78 = arith.constant 0 : i32
      %dma_wait3A_79 = arith.constant 0 : i32
      %dma_wait3A_80 = tpu.memref_slice %arg6[%run_scoped3A_23, %dma_wait3A_78, %dma_wait3A_79] : memref<2x16x128xi32, #tpu.memory_space<vmem>> -> memref<1x16x128xi32, #tpu.memory_space<vmem>>
      %dma_wait3A_81 = tpu.memref_squeeze %dma_wait3A_80 : memref<1x16x128xi32, #tpu.memory_space<vmem>> -> memref<16x128xi32, #tpu.memory_space<vmem>>
      %dma_wait3A_82 = arith.constant 0 : i32
      %dma_wait3A_83 = arith.constant 0 : i32
      %dma_wait3A_84 = tpu.memref_slice %arg3[%add3A, %dma_wait3A_82, %dma_wait3A_83] : memref<32x160x128xi32, #tpu.memory_space<hbm>> -> memref<1x16x128xi32, #tpu.memory_space<hbm>>
      %dma_wait3A_85 = tpu.memref_squeeze %dma_wait3A_84 : memref<1x16x128xi32, #tpu.memory_space<hbm>> -> memref<16x128xi32, #tpu.memory_space<hbm>>
      %dma_wait3A_86 = arith.constant 0 : i32
      %dma_wait3A_87 = arith.constant 0 : i32
      %dma_wait3A_88 = tpu.memref_slice %arg6[%run_scoped3A_23, %dma_wait3A_86, %dma_wait3A_87] : memref<2x16x128xi32, #tpu.memory_space<vmem>> -> memref<1x16x128xi32, #tpu.memory_space<vmem>>
      %dma_wait3A_89 = tpu.memref_squeeze %dma_wait3A_88 : memref<1x16x128xi32, #tpu.memory_space<vmem>> -> memref<16x128xi32, #tpu.memory_space<vmem>>
      %dma_wait3A_90 = arith.constant 0 : i32
      %dma_wait3A_91 = arith.constant 0 : i32
      %dma_wait3A_92 = tpu.memref_slice %arg3[%add3A, %dma_wait3A_90, %dma_wait3A_91] : memref<32x160x128xi32, #tpu.memory_space<hbm>> -> memref<1x16x128xi32, #tpu.memory_space<hbm>>
      %dma_wait3A_93 = tpu.memref_squeeze %dma_wait3A_92 : memref<1x16x128xi32, #tpu.memory_space<hbm>> -> memref<16x128xi32, #tpu.memory_space<hbm>>
      tpu.wait_dma2 semaphore(%run_scoped3A_61 : memref<!tpu.dma_semaphore, #tpu.memory_space<semaphore_mem>>) src(%dma_wait3A_93 : memref<16x128xi32, #tpu.memory_space<hbm>>) dst(%dma_wait3A_89 : memref<16x128xi32, #tpu.memory_space<vmem>>)
      tpu.yield
    }) : () -> ()
    %run_scoped3A_24 = arith.constant 0 : i32
    "tpu.region"() ({
      %run_scoped3A_61 = tpu.sem_alloc : memref<!tpu.dma_semaphore, #tpu.memory_space<semaphore_mem>>
      %dma_start3A_62 = arith.constant 0 : i32
      %dma_start3A_63 = arith.constant 0 : i32
      %dma_start3A_64 = tpu.memref_slice %arg7[%run_scoped3A_24, %dma_start3A_62, %dma_start3A_63] : memref<2x16x128xi32, #tpu.memory_space<vmem>> -> memref<1x16x128xi32, #tpu.memory_space<vmem>>
      %dma_start3A_65 = tpu.memref_squeeze %dma_start3A_64 : memref<1x16x128xi32, #tpu.memory_space<vmem>> -> memref<16x128xi32, #tpu.memory_space<vmem>>
      %dma_start3A_66 = arith.constant 0 : i32
      %dma_start3A_67 = arith.constant 0 : i32
      %dma_start3A_68 = tpu.memref_slice %arg4[%add3A, %dma_start3A_66, %dma_start3A_67] : memref<32x160x128xi32, #tpu.memory_space<hbm>> -> memref<1x16x128xi32, #tpu.memory_space<hbm>>
      %dma_start3A_69 = tpu.memref_squeeze %dma_start3A_68 : memref<1x16x128xi32, #tpu.memory_space<hbm>> -> memref<16x128xi32, #tpu.memory_space<hbm>>
      %dma_start3A_70 = arith.constant 0 : i32
      %dma_start3A_71 = arith.constant 0 : i32
      %dma_start3A_72 = tpu.memref_slice %arg7[%run_scoped3A_24, %dma_start3A_70, %dma_start3A_71] : memref<2x16x128xi32, #tpu.memory_space<vmem>> -> memref<1x16x128xi32, #tpu.memory_space<vmem>>
      %dma_start3A_73 = tpu.memref_squeeze %dma_start3A_72 : memref<1x16x128xi32, #tpu.memory_space<vmem>> -> memref<16x128xi32, #tpu.memory_space<vmem>>
      %dma_start3A_74 = arith.constant 0 : i32
      %dma_start3A_75 = arith.constant 0 : i32
      %dma_start3A_76 = tpu.memref_slice %arg4[%add3A, %dma_start3A_74, %dma_start3A_75] : memref<32x160x128xi32, #tpu.memory_space<hbm>> -> memref<1x16x128xi32, #tpu.memory_space<hbm>>
      %dma_start3A_77 = tpu.memref_squeeze %dma_start3A_76 : memref<1x16x128xi32, #tpu.memory_space<hbm>> -> memref<16x128xi32, #tpu.memory_space<hbm>>
      tpu.enqueue_dma source(%dma_start3A_77 : memref<16x128xi32, #tpu.memory_space<hbm>>) target(%dma_start3A_73 : memref<16x128xi32, #tpu.memory_space<vmem>>) target_semaphore(%run_scoped3A_61 : memref<!tpu.dma_semaphore, #tpu.memory_space<semaphore_mem>>)
      %dma_wait3A_78 = arith.constant 0 : i32
      %dma_wait3A_79 = arith.constant 0 : i32
      %dma_wait3A_80 = tpu.memref_slice %arg7[%run_scoped3A_24, %dma_wait3A_78, %dma_wait3A_79] : memref<2x16x128xi32, #tpu.memory_space<vmem>> -> memref<1x16x128xi32, #tpu.memory_space<vmem>>
      %dma_wait3A_81 = tpu.memref_squeeze %dma_wait3A_80 : memref<1x16x128xi32, #tpu.memory_space<vmem>> -> memref<16x128xi32, #tpu.memory_space<vmem>>
      %dma_wait3A_82 = arith.constant 0 : i32
      %dma_wait3A_83 = arith.constant 0 : i32
      %dma_wait3A_84 = tpu.memref_slice %arg4[%add3A, %dma_wait3A_82, %dma_wait3A_83] : memref<32x160x128xi32, #tpu.memory_space<hbm>> -> memref<1x16x128xi32, #tpu.memory_space<hbm>>
      %dma_wait3A_85 = tpu.memref_squeeze %dma_wait3A_84 : memref<1x16x128xi32, #tpu.memory_space<hbm>> -> memref<16x128xi32, #tpu.memory_space<hbm>>
      %dma_wait3A_86 = arith.constant 0 : i32
      %dma_wait3A_87 = arith.constant 0 : i32
      %dma_wait3A_88 = tpu.memref_slice %arg7[%run_scoped3A_24, %dma_wait3A_86, %dma_wait3A_87] : memref<2x16x128xi32, #tpu.memory_space<vmem>> -> memref<1x16x128xi32, #tpu.memory_space<vmem>>
      %dma_wait3A_89 = tpu.memref_squeeze %dma_wait3A_88 : memref<1x16x128xi32, #tpu.memory_space<vmem>> -> memref<16x128xi32, #tpu.memory_space<vmem>>
      %dma_wait3A_90 = arith.constant 0 : i32
      %dma_wait3A_91 = arith.constant 0 : i32
      %dma_wait3A_92 = tpu.memref_slice %arg4[%add3A, %dma_wait3A_90, %dma_wait3A_91] : memref<32x160x128xi32, #tpu.memory_space<hbm>> -> memref<1x16x128xi32, #tpu.memory_space<hbm>>
      %dma_wait3A_93 = tpu.memref_squeeze %dma_wait3A_92 : memref<1x16x128xi32, #tpu.memory_space<hbm>> -> memref<16x128xi32, #tpu.memory_space<hbm>>
      tpu.wait_dma2 semaphore(%run_scoped3A_61 : memref<!tpu.dma_semaphore, #tpu.memory_space<semaphore_mem>>) src(%dma_wait3A_93 : memref<16x128xi32, #tpu.memory_space<hbm>>) dst(%dma_wait3A_89 : memref<16x128xi32, #tpu.memory_space<vmem>>)
      tpu.yield
    }) : () -> ()
    %dma_start3A = arith.constant 0 : i32
    %dma_start3A_25 = arith.constant 0 : i32
    %dma_start3A_26 = arith.constant 0 : i32
    %dma_start3A_27 = arith.constant 0 : i32
    %dma_start3A_28 = arith.constant 0 : i32
    %dma_start3A_29 = tpu.memref_slice %arg8[%dma_start3A_26, %dma_start3A_27, %dma_start3A_28] : memref<2x128x128xf32, #tpu.memory_space<vmem>> -> memref<1x128x128xf32, #tpu.memory_space<vmem>>
    %dma_start3A_30 = tpu.memref_squeeze %dma_start3A_29 : memref<1x128x128xf32, #tpu.memory_space<vmem>> -> memref<128x128xf32, #tpu.memory_space<vmem>>
    %dma_start3A_31 = arith.constant 0 : i32
    %dma_start3A_32 = tpu.memref_slice %arg6[%dma_start3A, %dma_start3A_25, %dma_start3A_31] : memref<2x16x128xi32, #tpu.memory_space<vmem>> -> memref<1x1x128xi32, #tpu.memory_space<vmem>>
    %dma_start3A_33 = tpu.memref_squeeze %dma_start3A_32 : memref<1x1x128xi32, #tpu.memory_space<vmem>> -> memref<128xi32, #tpu.memory_space<vmem>>
    %dma_start3A_34 = arith.constant 0 : i32
    %dma_start3A_35 = arith.constant 0 : i32
    %dma_start3A_36 = tpu.memref_slice %arg2[%dma_start3A_34, %dma_start3A_35] : memref<20000x128xf32, #tpu.memory_space<hbm>> -> memref<20000x128xf32, #tpu.memory_space<hbm>>
    tpu.enqueue_indirect_dma source(%dma_start3A_36 : memref<20000x128xf32, #tpu.memory_space<hbm>>) target(%dma_start3A_30 : memref<128x128xf32, #tpu.memory_space<vmem>>) offsets(%dma_start3A_33 : memref<128xi32, #tpu.memory_space<vmem>>) semaphore(%arg10 : memref<!tpu.dma_semaphore, #tpu.memory_space<semaphore_mem>>)
    %scan3A_37 = arith.constant 0 : i32
    %scan3A_38 = arith.constant 0 : i32
    %scan3A_39 = arith.constant 160 : i32
    %scan3A_40 = arith.addi %scan3A_38, %scan3A_39 : i32
    %scan3A_41 = arith.constant 1 : i32
    %scan3A_42 = scf.for %scan3A_61 = %scan3A_38 to %scan3A_40 step %scan3A_41 iter_args(%scan3A_62 = %scan3A_37) -> (i32)  : i32 {
      %jit3A = arith.constant 2 : i32
      %eq3A_63 = arith.constant 0 : i32
      %eq3A_64 = arith.cmpi eq, %jit3A, %eq3A_63 : i32
      %jit3A_65 = arith.constant 1 : i32
      %select_n3A = arith.select %eq3A_64, %jit3A_65, %jit3A : i32
      %rem3A = arith.remsi %scan3A_61, %select_n3A : i32
      %ne3A = arith.constant 0 : i32
      %ne3A_66 = arith.cmpi ne, %rem3A, %ne3A : i32
      %lt3A = arith.constant 0 : i32
      %lt3A_67 = arith.cmpi slt, %rem3A, %lt3A : i32
      %lt3A_68 = arith.constant 0 : i32
      %lt3A_69 = arith.cmpi slt, %select_n3A, %lt3A_68 : i32
      %ne3A_70 = arith.xori %lt3A_67, %lt3A_69 : i1
      %and3A = arith.andi %ne3A_70, %ne3A_66 : i1
      %add3A_71 = arith.addi %rem3A, %select_n3A : i32
      %select_n3A_72 = arith.select %and3A, %add3A_71, %rem3A : i32
      %add3A_73 = arith.constant 1 : i32
      %add3A_74 = arith.addi %scan3A_61, %add3A_73 : i32
      %jit3A_75 = arith.constant 16 : i32
      %div3A = arith.divsi %add3A_74, %jit3A_75 : i32
      %sign3A = arith.constant 0 : i32
      %sign3A_76 = arith.cmpi sgt, %add3A_74, %sign3A : i32
      %sign3A_77 = arith.extui %sign3A_76 : i1 to i32
      %sign3A_78 = arith.constant 0 : i32
      %sign3A_79 = arith.cmpi slt, %add3A_74, %sign3A_78 : i32
      %sign3A_80 = arith.extui %sign3A_79 : i1 to i32
      %sign3A_81 = arith.subi %sign3A_77, %sign3A_80 : i32
      %sign3A_82 = arith.constant 0 : i32
      %sign3A_83 = arith.cmpi sgt, %jit3A_75, %sign3A_82 : i32
      %sign3A_84 = arith.extui %sign3A_83 : i1 to i32
      %sign3A_85 = arith.constant 0 : i32
      %sign3A_86 = arith.cmpi slt, %jit3A_75, %sign3A_85 : i32
      %sign3A_87 = arith.extui %sign3A_86 : i1 to i32
      %sign3A_88 = arith.subi %sign3A_84, %sign3A_87 : i32
      %ne3A_89 = arith.cmpi ne, %sign3A_81, %sign3A_88 : i32
      %rem3A_90 = arith.remsi %add3A_74, %jit3A_75 : i32
      %ne3A_91 = arith.constant 0 : i32
      %ne3A_92 = arith.cmpi ne, %rem3A_90, %ne3A_91 : i32
      %and3A_93 = arith.andi %ne3A_89, %ne3A_92 : i1
      %sub3A = arith.constant 1 : i32
      %sub3A_94 = arith.subi %div3A, %sub3A : i32
      %select_n3A_95 = arith.select %and3A_93, %sub3A_94, %div3A : i32
      %jit3A_96 = arith.constant 16 : i32
      %eq3A_97 = arith.constant 0 : i32
      %eq3A_98 = arith.cmpi eq, %jit3A_96, %eq3A_97 : i32
      %jit3A_99 = arith.constant 1 : i32
      %select_n3A_100 = arith.select %eq3A_98, %jit3A_99, %jit3A_96 : i32
      %rem3A_101 = arith.remsi %add3A_74, %select_n3A_100 : i32
      %ne3A_102 = arith.constant 0 : i32
      %ne3A_103 = arith.cmpi ne, %rem3A_101, %ne3A_102 : i32
      %lt3A_104 = arith.constant 0 : i32
      %lt3A_105 = arith.cmpi slt, %rem3A_101, %lt3A_104 : i32
      %lt3A_106 = arith.constant 0 : i32
      %lt3A_107 = arith.cmpi slt, %select_n3A_100, %lt3A_106 : i32
      %ne3A_108 = arith.xori %lt3A_105, %lt3A_107 : i1
      %and3A_109 = arith.andi %ne3A_108, %ne3A_103 : i1
      %add3A_110 = arith.addi %rem3A_101, %select_n3A_100 : i32
      %select_n3A_111 = arith.select %and3A_109, %add3A_110, %rem3A_101 : i32
      %eq3A_112 = arith.constant 0 : i32
      %eq3A_113 = arith.cmpi eq, %select_n3A_111, %eq3A_112 : i32
      %lt3A_114 = arith.constant 160 : i32
      %lt3A_115 = arith.cmpi slt, %add3A_74, %lt3A_114 : i32
      %and3A_116 = arith.andi %eq3A_113, %lt3A_115 : i1
      %convert_element_type3A_117 = arith.extui %and3A_116 : i1 to i32
      %cond3A_118 = arith.constant 0 : i32
      %cond3A_119 = arith.cmpi ne, %convert_element_type3A_117, %cond3A_118 : i32
      scf.if %cond3A_119 {
        %jit3A_218 = arith.constant 2 : i32
        %eq3A_219 = arith.constant 0 : i32
        %eq3A_220 = arith.cmpi eq, %jit3A_218, %eq3A_219 : i32
        %jit3A_221 = arith.constant 1 : i32
        %select_n3A_222 = arith.select %eq3A_220, %jit3A_221, %jit3A_218 : i32
        %rem3A_223 = arith.remsi %select_n3A_95, %select_n3A_222 : i32
        %ne3A_224 = arith.constant 0 : i32
        %ne3A_225 = arith.cmpi ne, %rem3A_223, %ne3A_224 : i32
        %lt3A_226 = arith.constant 0 : i32
        %lt3A_227 = arith.cmpi slt, %rem3A_223, %lt3A_226 : i32
        %lt3A_228 = arith.constant 0 : i32
        %lt3A_229 = arith.cmpi slt, %select_n3A_222, %lt3A_228 : i32
        %ne3A_230 = arith.xori %lt3A_227, %lt3A_229 : i1
        %and3A_231 = arith.andi %ne3A_230, %ne3A_225 : i1
        %add3A_232 = arith.addi %rem3A_223, %select_n3A_222 : i32
        %select_n3A_233 = arith.select %and3A_231, %add3A_232, %rem3A_223 : i32
        %mul3A_234 = arith.constant 16 : i32
        %mul3A_235 = arith.muli %select_n3A_95, %mul3A_234 : i32
        "tpu.region"() ({
          %run_scoped3A_238 = tpu.sem_alloc : memref<!tpu.dma_semaphore, #tpu.memory_space<semaphore_mem>>
          %dma_start3A_239 = arith.constant 0 : i32
          %dma_start3A_240 = arith.constant 0 : i32
          %dma_start3A_241 = tpu.memref_slice %arg6[%select_n3A_233, %dma_start3A_239, %dma_start3A_240] : memref<2x16x128xi32, #tpu.memory_space<vmem>> -> memref<1x16x128xi32, #tpu.memory_space<vmem>>
          %dma_start3A_242 = tpu.memref_squeeze %dma_start3A_241 : memref<1x16x128xi32, #tpu.memory_space<vmem>> -> memref<16x128xi32, #tpu.memory_space<vmem>>
          %dma_start3A_243 = arith.constant 0 : i32
          %dma_start3A_244 = tpu.memref_slice %arg3[%add3A, %mul3A_235, %dma_start3A_243] : memref<32x160x128xi32, #tpu.memory_space<hbm>> -> memref<1x16x128xi32, #tpu.memory_space<hbm>>
          %dma_start3A_245 = tpu.memref_squeeze %dma_start3A_244 : memref<1x16x128xi32, #tpu.memory_space<hbm>> -> memref<16x128xi32, #tpu.memory_space<hbm>>
          %dma_start3A_246 = arith.constant 0 : i32
          %dma_start3A_247 = arith.constant 0 : i32
          %dma_start3A_248 = tpu.memref_slice %arg6[%select_n3A_233, %dma_start3A_246, %dma_start3A_247] : memref<2x16x128xi32, #tpu.memory_space<vmem>> -> memref<1x16x128xi32, #tpu.memory_space<vmem>>
          %dma_start3A_249 = tpu.memref_squeeze %dma_start3A_248 : memref<1x16x128xi32, #tpu.memory_space<vmem>> -> memref<16x128xi32, #tpu.memory_space<vmem>>
          %dma_start3A_250 = arith.constant 0 : i32
          %dma_start3A_251 = tpu.memref_slice %arg3[%add3A, %mul3A_235, %dma_start3A_250] : memref<32x160x128xi32, #tpu.memory_space<hbm>> -> memref<1x16x128xi32, #tpu.memory_space<hbm>>
          %dma_start3A_252 = tpu.memref_squeeze %dma_start3A_251 : memref<1x16x128xi32, #tpu.memory_space<hbm>> -> memref<16x128xi32, #tpu.memory_space<hbm>>
          tpu.enqueue_dma source(%dma_start3A_252 : memref<16x128xi32, #tpu.memory_space<hbm>>) target(%dma_start3A_249 : memref<16x128xi32, #tpu.memory_space<vmem>>) target_semaphore(%run_scoped3A_238 : memref<!tpu.dma_semaphore, #tpu.memory_space<semaphore_mem>>)
          %dma_wait3A_253 = arith.constant 0 : i32
          %dma_wait3A_254 = arith.constant 0 : i32
          %dma_wait3A_255 = tpu.memref_slice %arg6[%select_n3A_233, %dma_wait3A_253, %dma_wait3A_254] : memref<2x16x128xi32, #tpu.memory_space<vmem>> -> memref<1x16x128xi32, #tpu.memory_space<vmem>>
          %dma_wait3A_256 = tpu.memref_squeeze %dma_wait3A_255 : memref<1x16x128xi32, #tpu.memory_space<vmem>> -> memref<16x128xi32, #tpu.memory_space<vmem>>
          %dma_wait3A_257 = arith.constant 0 : i32
          %dma_wait3A_258 = tpu.memref_slice %arg3[%add3A, %mul3A_235, %dma_wait3A_257] : memref<32x160x128xi32, #tpu.memory_space<hbm>> -> memref<1x16x128xi32, #tpu.memory_space<hbm>>
          %dma_wait3A_259 = tpu.memref_squeeze %dma_wait3A_258 : memref<1x16x128xi32, #tpu.memory_space<hbm>> -> memref<16x128xi32, #tpu.memory_space<hbm>>
          %dma_wait3A_260 = arith.constant 0 : i32
          %dma_wait3A_261 = arith.constant 0 : i32
          %dma_wait3A_262 = tpu.memref_slice %arg6[%select_n3A_233, %dma_wait3A_260, %dma_wait3A_261] : memref<2x16x128xi32, #tpu.memory_space<vmem>> -> memref<1x16x128xi32, #tpu.memory_space<vmem>>
          %dma_wait3A_263 = tpu.memref_squeeze %dma_wait3A_262 : memref<1x16x128xi32, #tpu.memory_space<vmem>> -> memref<16x128xi32, #tpu.memory_space<vmem>>
          %dma_wait3A_264 = arith.constant 0 : i32
          %dma_wait3A_265 = tpu.memref_slice %arg3[%add3A, %mul3A_235, %dma_wait3A_264] : memref<32x160x128xi32, #tpu.memory_space<hbm>> -> memref<1x16x128xi32, #tpu.memory_space<hbm>>
          %dma_wait3A_266 = tpu.memref_squeeze %dma_wait3A_265 : memref<1x16x128xi32, #tpu.memory_space<hbm>> -> memref<16x128xi32, #tpu.memory_space<hbm>>
          tpu.wait_dma2 semaphore(%run_scoped3A_238 : memref<!tpu.dma_semaphore, #tpu.memory_space<semaphore_mem>>) src(%dma_wait3A_266 : memref<16x128xi32, #tpu.memory_space<hbm>>) dst(%dma_wait3A_263 : memref<16x128xi32, #tpu.memory_space<vmem>>)
          tpu.yield
        }) : () -> ()
        %mul3A_236 = arith.constant 16 : i32
        %mul3A_237 = arith.muli %select_n3A_95, %mul3A_236 : i32
        "tpu.region"() ({
          %run_scoped3A_238 = tpu.sem_alloc : memref<!tpu.dma_semaphore, #tpu.memory_space<semaphore_mem>>
          %dma_start3A_239 = arith.constant 0 : i32
          %dma_start3A_240 = arith.constant 0 : i32
          %dma_start3A_241 = tpu.memref_slice %arg7[%select_n3A_233, %dma_start3A_239, %dma_start3A_240] : memref<2x16x128xi32, #tpu.memory_space<vmem>> -> memref<1x16x128xi32, #tpu.memory_space<vmem>>
          %dma_start3A_242 = tpu.memref_squeeze %dma_start3A_241 : memref<1x16x128xi32, #tpu.memory_space<vmem>> -> memref<16x128xi32, #tpu.memory_space<vmem>>
          %dma_start3A_243 = arith.constant 0 : i32
          %dma_start3A_244 = tpu.memref_slice %arg4[%add3A, %mul3A_237, %dma_start3A_243] : memref<32x160x128xi32, #tpu.memory_space<hbm>> -> memref<1x16x128xi32, #tpu.memory_space<hbm>>
          %dma_start3A_245 = tpu.memref_squeeze %dma_start3A_244 : memref<1x16x128xi32, #tpu.memory_space<hbm>> -> memref<16x128xi32, #tpu.memory_space<hbm>>
          %dma_start3A_246 = arith.constant 0 : i32
          %dma_start3A_247 = arith.constant 0 : i32
          %dma_start3A_248 = tpu.memref_slice %arg7[%select_n3A_233, %dma_start3A_246, %dma_start3A_247] : memref<2x16x128xi32, #tpu.memory_space<vmem>> -> memref<1x16x128xi32, #tpu.memory_space<vmem>>
          %dma_start3A_249 = tpu.memref_squeeze %dma_start3A_248 : memref<1x16x128xi32, #tpu.memory_space<vmem>> -> memref<16x128xi32, #tpu.memory_space<vmem>>
          %dma_start3A_250 = arith.constant 0 : i32
          %dma_start3A_251 = tpu.memref_slice %arg4[%add3A, %mul3A_237, %dma_start3A_250] : memref<32x160x128xi32, #tpu.memory_space<hbm>> -> memref<1x16x128xi32, #tpu.memory_space<hbm>>
          %dma_start3A_252 = tpu.memref_squeeze %dma_start3A_251 : memref<1x16x128xi32, #tpu.memory_space<hbm>> -> memref<16x128xi32, #tpu.memory_space<hbm>>
          tpu.enqueue_dma source(%dma_start3A_252 : memref<16x128xi32, #tpu.memory_space<hbm>>) target(%dma_start3A_249 : memref<16x128xi32, #tpu.memory_space<vmem>>) target_semaphore(%run_scoped3A_238 : memref<!tpu.dma_semaphore, #tpu.memory_space<semaphore_mem>>)
          %dma_wait3A_253 = arith.constant 0 : i32
          %dma_wait3A_254 = arith.constant 0 : i32
          %dma_wait3A_255 = tpu.memref_slice %arg7[%select_n3A_233, %dma_wait3A_253, %dma_wait3A_254] : memref<2x16x128xi32, #tpu.memory_space<vmem>> -> memref<1x16x128xi32, #tpu.memory_space<vmem>>
          %dma_wait3A_256 = tpu.memref_squeeze %dma_wait3A_255 : memref<1x16x128xi32, #tpu.memory_space<vmem>> -> memref<16x128xi32, #tpu.memory_space<vmem>>
          %dma_wait3A_257 = arith.constant 0 : i32
          %dma_wait3A_258 = tpu.memref_slice %arg4[%add3A, %mul3A_237, %dma_wait3A_257] : memref<32x160x128xi32, #tpu.memory_space<hbm>> -> memref<1x16x128xi32, #tpu.memory_space<hbm>>
          %dma_wait3A_259 = tpu.memref_squeeze %dma_wait3A_258 : memref<1x16x128xi32, #tpu.memory_space<hbm>> -> memref<16x128xi32, #tpu.memory_space<hbm>>
          %dma_wait3A_260 = arith.constant 0 : i32
          %dma_wait3A_261 = arith.constant 0 : i32
          %dma_wait3A_262 = tpu.memref_slice %arg7[%select_n3A_233, %dma_wait3A_260, %dma_wait3A_261] : memref<2x16x128xi32, #tpu.memory_space<vmem>> -> memref<1x16x128xi32, #tpu.memory_space<vmem>>
          %dma_wait3A_263 = tpu.memref_squeeze %dma_wait3A_262 : memref<1x16x128xi32, #tpu.memory_space<vmem>> -> memref<16x128xi32, #tpu.memory_space<vmem>>
          %dma_wait3A_264 = arith.constant 0 : i32
          %dma_wait3A_265 = tpu.memref_slice %arg4[%add3A, %mul3A_237, %dma_wait3A_264] : memref<32x160x128xi32, #tpu.memory_space<hbm>> -> memref<1x16x128xi32, #tpu.memory_space<hbm>>
          %dma_wait3A_266 = tpu.memref_squeeze %dma_wait3A_265 : memref<1x16x128xi32, #tpu.memory_space<hbm>> -> memref<16x128xi32, #tpu.memory_space<hbm>>
          tpu.wait_dma2 semaphore(%run_scoped3A_238 : memref<!tpu.dma_semaphore, #tpu.memory_space<semaphore_mem>>) src(%dma_wait3A_266 : memref<16x128xi32, #tpu.memory_space<hbm>>) dst(%dma_wait3A_263 : memref<16x128xi32, #tpu.memory_space<vmem>>)
          tpu.yield
        }) : () -> ()
      } else {
      }
      %jit3A_120 = arith.constant 16 : i32
      %div3A_121 = arith.divsi %scan3A_61, %jit3A_120 : i32
      %sign3A_122 = arith.constant 0 : i32
      %sign3A_123 = arith.cmpi sgt, %scan3A_61, %sign3A_122 : i32
      %sign3A_124 = arith.extui %sign3A_123 : i1 to i32
      %sign3A_125 = arith.constant 0 : i32
      %sign3A_126 = arith.cmpi slt, %scan3A_61, %sign3A_125 : i32
      %sign3A_127 = arith.extui %sign3A_126 : i1 to i32
      %sign3A_128 = arith.subi %sign3A_124, %sign3A_127 : i32
      %sign3A_129 = arith.constant 0 : i32
      %sign3A_130 = arith.cmpi sgt, %jit3A_120, %sign3A_129 : i32
      %sign3A_131 = arith.extui %sign3A_130 : i1 to i32
      %sign3A_132 = arith.constant 0 : i32
      %sign3A_133 = arith.cmpi slt, %jit3A_120, %sign3A_132 : i32
      %sign3A_134 = arith.extui %sign3A_133 : i1 to i32
      %sign3A_135 = arith.subi %sign3A_131, %sign3A_134 : i32
      %ne3A_136 = arith.cmpi ne, %sign3A_128, %sign3A_135 : i32
      %rem3A_137 = arith.remsi %scan3A_61, %jit3A_120 : i32
      %ne3A_138 = arith.constant 0 : i32
      %ne3A_139 = arith.cmpi ne, %rem3A_137, %ne3A_138 : i32
      %and3A_140 = arith.andi %ne3A_136, %ne3A_139 : i1
      %sub3A_141 = arith.constant 1 : i32
      %sub3A_142 = arith.subi %div3A_121, %sub3A_141 : i32
      %select_n3A_143 = arith.select %and3A_140, %sub3A_142, %div3A_121 : i32
      %jit3A_144 = arith.constant 2 : i32
      %eq3A_145 = arith.constant 0 : i32
      %eq3A_146 = arith.cmpi eq, %jit3A_144, %eq3A_145 : i32
      %jit3A_147 = arith.constant 1 : i32
      %select_n3A_148 = arith.select %eq3A_146, %jit3A_147, %jit3A_144 : i32
      %rem3A_149 = arith.remsi %select_n3A_143, %select_n3A_148 : i32
      %ne3A_150 = arith.constant 0 : i32
      %ne3A_151 = arith.cmpi ne, %rem3A_149, %ne3A_150 : i32
      %lt3A_152 = arith.constant 0 : i32
      %lt3A_153 = arith.cmpi slt, %rem3A_149, %lt3A_152 : i32
      %lt3A_154 = arith.constant 0 : i32
      %lt3A_155 = arith.cmpi slt, %select_n3A_148, %lt3A_154 : i32
      %ne3A_156 = arith.xori %lt3A_153, %lt3A_155 : i1
      %and3A_157 = arith.andi %ne3A_156, %ne3A_151 : i1
      %add3A_158 = arith.addi %rem3A_149, %select_n3A_148 : i32
      %select_n3A_159 = arith.select %and3A_157, %add3A_158, %rem3A_149 : i32
      %lt3A_160 = arith.constant 160 : i32
      %lt3A_161 = arith.cmpi slt, %add3A_74, %lt3A_160 : i32
      %convert_element_type3A_162 = arith.extui %lt3A_161 : i1 to i32
      %cond3A_163 = arith.constant 0 : i32
      %cond3A_164 = arith.cmpi ne, %convert_element_type3A_162, %cond3A_163 : i32
      scf.if %cond3A_164 {
        %ge3A = arith.constant 1 : i32
        %ge3A_218 = arith.cmpi sge, %scan3A_61, %ge3A : i32
        %convert_element_type3A_219 = arith.extui %ge3A_218 : i1 to i32
        %cond3A_220 = arith.constant 0 : i32
        %cond3A_221 = arith.cmpi ne, %convert_element_type3A_219, %cond3A_220 : i32
        scf.if %cond3A_221 {
          %sub3A_290 = arith.constant 1 : i32
          %sub3A_291 = arith.subi %sub3A_290, %select_n3A_72 : i32
          %dma_wait3A_292 = arith.constant 0 : i32
          %dma_wait3A_293 = arith.constant 0 : i32
          %dma_wait3A_294 = arith.constant 0 : i32
          %dma_wait3A_295 = arith.constant 0 : i32
          %dma_wait3A_296 = tpu.memref_slice %arg8[%sub3A_291, %dma_wait3A_294, %dma_wait3A_295] : memref<2x128x128xf32, #tpu.memory_space<vmem>> -> memref<1x128x128xf32, #tpu.memory_space<vmem>>
          %dma_wait3A_297 = tpu.memref_squeeze %dma_wait3A_296 : memref<1x128x128xf32, #tpu.memory_space<vmem>> -> memref<128x128xf32, #tpu.memory_space<vmem>>
          %dma_wait3A_298 = arith.constant 0 : i32
          %dma_wait3A_299 = tpu.memref_slice %arg7[%dma_wait3A_292, %dma_wait3A_293, %dma_wait3A_298] : memref<2x16x128xi32, #tpu.memory_space<vmem>> -> memref<1x1x128xi32, #tpu.memory_space<vmem>>
          %dma_wait3A_300 = tpu.memref_squeeze %dma_wait3A_299 : memref<1x1x128xi32, #tpu.memory_space<vmem>> -> memref<128xi32, #tpu.memory_space<vmem>>
          %dma_wait3A_301 = arith.constant 0 : i32
          %dma_wait3A_302 = arith.constant 0 : i32
          %dma_wait3A_303 = tpu.memref_slice %arg9[%dma_wait3A_301, %dma_wait3A_302] : memref<10240x128xf32, #tpu.memory_space<vmem_shared>> -> memref<10240x128xf32, #tpu.memory_space<vmem_shared>>
          tpu.wait_indirect_dma semaphore(%arg11 : memref<!tpu.dma_semaphore, #tpu.memory_space<semaphore_mem>>) src(%dma_wait3A_297 : memref<128x128xf32, #tpu.memory_space<vmem>>) dst(%dma_wait3A_303 : memref<10240x128xf32, #tpu.memory_space<vmem_shared>>)
        } else {
        }
        %jit3A_222 = arith.constant 16 : i32
        %div3A_223 = arith.divsi %add3A_74, %jit3A_222 : i32
        %sign3A_224 = arith.constant 0 : i32
        %sign3A_225 = arith.cmpi sgt, %add3A_74, %sign3A_224 : i32
        %sign3A_226 = arith.extui %sign3A_225 : i1 to i32
        %sign3A_227 = arith.constant 0 : i32
        %sign3A_228 = arith.cmpi slt, %add3A_74, %sign3A_227 : i32
        %sign3A_229 = arith.extui %sign3A_228 : i1 to i32
        %sign3A_230 = arith.subi %sign3A_226, %sign3A_229 : i32
        %sign3A_231 = arith.constant 0 : i32
        %sign3A_232 = arith.cmpi sgt, %jit3A_222, %sign3A_231 : i32
        %sign3A_233 = arith.extui %sign3A_232 : i1 to i32
        %sign3A_234 = arith.constant 0 : i32
        %sign3A_235 = arith.cmpi slt, %jit3A_222, %sign3A_234 : i32
        %sign3A_236 = arith.extui %sign3A_235 : i1 to i32
        %sign3A_237 = arith.subi %sign3A_233, %sign3A_236 : i32
        %ne3A_238 = arith.cmpi ne, %sign3A_230, %sign3A_237 : i32
        %rem3A_239 = arith.remsi %add3A_74, %jit3A_222 : i32
        %ne3A_240 = arith.constant 0 : i32
        %ne3A_241 = arith.cmpi ne, %rem3A_239, %ne3A_240 : i32
        %and3A_242 = arith.andi %ne3A_238, %ne3A_241 : i1
        %sub3A_243 = arith.constant 1 : i32
        %sub3A_244 = arith.subi %div3A_223, %sub3A_243 : i32
        %select_n3A_245 = arith.select %and3A_242, %sub3A_244, %div3A_223 : i32
        %jit3A_246 = arith.constant 2 : i32
        %eq3A_247 = arith.constant 0 : i32
        %eq3A_248 = arith.cmpi eq, %jit3A_246, %eq3A_247 : i32
        %jit3A_249 = arith.constant 1 : i32
        %select_n3A_250 = arith.select %eq3A_248, %jit3A_249, %jit3A_246 : i32
        %rem3A_251 = arith.remsi %select_n3A_245, %select_n3A_250 : i32
        %ne3A_252 = arith.constant 0 : i32
        %ne3A_253 = arith.cmpi ne, %rem3A_251, %ne3A_252 : i32
        %lt3A_254 = arith.constant 0 : i32
        %lt3A_255 = arith.cmpi slt, %rem3A_251, %lt3A_254 : i32
        %lt3A_256 = arith.constant 0 : i32
        %lt3A_257 = arith.cmpi slt, %select_n3A_250, %lt3A_256 : i32
        %ne3A_258 = arith.xori %lt3A_255, %lt3A_257 : i1
        %and3A_259 = arith.andi %ne3A_258, %ne3A_253 : i1
        %add3A_260 = arith.addi %rem3A_251, %select_n3A_250 : i32
        %select_n3A_261 = arith.select %and3A_259, %add3A_260, %rem3A_251 : i32
        %jit3A_262 = arith.constant 16 : i32
        %eq3A_263 = arith.constant 0 : i32
        %eq3A_264 = arith.cmpi eq, %jit3A_262, %eq3A_263 : i32
        %jit3A_265 = arith.constant 1 : i32
        %select_n3A_266 = arith.select %eq3A_264, %jit3A_265, %jit3A_262 : i32
        %rem3A_267 = arith.remsi %add3A_74, %select_n3A_266 : i32
        %ne3A_268 = arith.constant 0 : i32
        %ne3A_269 = arith.cmpi ne, %rem3A_267, %ne3A_268 : i32
        %lt3A_270 = arith.constant 0 : i32
        %lt3A_271 = arith.cmpi slt, %rem3A_267, %lt3A_270 : i32
        %lt3A_272 = arith.constant 0 : i32
        %lt3A_273 = arith.cmpi slt, %select_n3A_266, %lt3A_272 : i32
        %ne3A_274 = arith.xori %lt3A_271, %lt3A_273 : i1
        %and3A_275 = arith.andi %ne3A_274, %ne3A_269 : i1
        %add3A_276 = arith.addi %rem3A_267, %select_n3A_266 : i32
        %select_n3A_277 = arith.select %and3A_275, %add3A_276, %rem3A_267 : i32
        %sub3A_278 = arith.constant 1 : i32
        %sub3A_279 = arith.subi %sub3A_278, %select_n3A_72 : i32
        %dma_start3A_280 = arith.constant 0 : i32
        %dma_start3A_281 = arith.constant 0 : i32
        %dma_start3A_282 = tpu.memref_slice %arg8[%sub3A_279, %dma_start3A_280, %dma_start3A_281] : memref<2x128x128xf32, #tpu.memory_space<vmem>> -> memref<1x128x128xf32, #tpu.memory_space<vmem>>
        %dma_start3A_283 = tpu.memref_squeeze %dma_start3A_282 : memref<1x128x128xf32, #tpu.memory_space<vmem>> -> memref<128x128xf32, #tpu.memory_space<vmem>>
        %dma_start3A_284 = arith.constant 0 : i32
        %dma_start3A_285 = tpu.memref_slice %arg6[%select_n3A_261, %select_n3A_277, %dma_start3A_284] : memref<2x16x128xi32, #tpu.memory_space<vmem>> -> memref<1x1x128xi32, #tpu.memory_space<vmem>>
        %dma_start3A_286 = tpu.memref_squeeze %dma_start3A_285 : memref<1x1x128xi32, #tpu.memory_space<vmem>> -> memref<128xi32, #tpu.memory_space<vmem>>
        %dma_start3A_287 = arith.constant 0 : i32
        %dma_start3A_288 = arith.constant 0 : i32
        %dma_start3A_289 = tpu.memref_slice %arg2[%dma_start3A_287, %dma_start3A_288] : memref<20000x128xf32, #tpu.memory_space<hbm>> -> memref<20000x128xf32, #tpu.memory_space<hbm>>
        tpu.enqueue_indirect_dma source(%dma_start3A_289 : memref<20000x128xf32, #tpu.memory_space<hbm>>) target(%dma_start3A_283 : memref<128x128xf32, #tpu.memory_space<vmem>>) offsets(%dma_start3A_286 : memref<128xi32, #tpu.memory_space<vmem>>) semaphore(%arg10 : memref<!tpu.dma_semaphore, #tpu.memory_space<semaphore_mem>>)
      } else {
      }
      %jit3A_165 = arith.constant 16 : i32
      %eq3A_166 = arith.constant 0 : i32
      %eq3A_167 = arith.cmpi eq, %jit3A_165, %eq3A_166 : i32
      %jit3A_168 = arith.constant 1 : i32
      %select_n3A_169 = arith.select %eq3A_167, %jit3A_168, %jit3A_165 : i32
      %rem3A_170 = arith.remsi %scan3A_61, %select_n3A_169 : i32
      %ne3A_171 = arith.constant 0 : i32
      %ne3A_172 = arith.cmpi ne, %rem3A_170, %ne3A_171 : i32
      %lt3A_173 = arith.constant 0 : i32
      %lt3A_174 = arith.cmpi slt, %rem3A_170, %lt3A_173 : i32
      %lt3A_175 = arith.constant 0 : i32
      %lt3A_176 = arith.cmpi slt, %select_n3A_169, %lt3A_175 : i32
      %ne3A_177 = arith.xori %lt3A_174, %lt3A_176 : i1
      %and3A_178 = arith.andi %ne3A_177, %ne3A_172 : i1
      %add3A_179 = arith.addi %rem3A_170, %select_n3A_169 : i32
      %select_n3A_180 = arith.select %and3A_178, %add3A_179, %rem3A_170 : i32
      %dma_wait3A_181 = arith.constant 0 : i32
      %dma_wait3A_182 = arith.constant 0 : i32
      %dma_wait3A_183 = tpu.memref_slice %arg8[%select_n3A_72, %dma_wait3A_181, %dma_wait3A_182] : memref<2x128x128xf32, #tpu.memory_space<vmem>> -> memref<1x128x128xf32, #tpu.memory_space<vmem>>
      %dma_wait3A_184 = tpu.memref_squeeze %dma_wait3A_183 : memref<1x128x128xf32, #tpu.memory_space<vmem>> -> memref<128x128xf32, #tpu.memory_space<vmem>>
      %dma_wait3A_185 = arith.constant 0 : i32
      %dma_wait3A_186 = tpu.memref_slice %arg6[%select_n3A_159, %select_n3A_180, %dma_wait3A_185] : memref<2x16x128xi32, #tpu.memory_space<vmem>> -> memref<1x1x128xi32, #tpu.memory_space<vmem>>
      %dma_wait3A_187 = tpu.memref_squeeze %dma_wait3A_186 : memref<1x1x128xi32, #tpu.memory_space<vmem>> -> memref<128xi32, #tpu.memory_space<vmem>>
      %dma_wait3A_188 = arith.constant 0 : i32
      %dma_wait3A_189 = arith.constant 0 : i32
      %dma_wait3A_190 = tpu.memref_slice %arg2[%dma_wait3A_188, %dma_wait3A_189] : memref<20000x128xf32, #tpu.memory_space<hbm>> -> memref<20000x128xf32, #tpu.memory_space<hbm>>
      tpu.wait_indirect_dma semaphore(%arg10 : memref<!tpu.dma_semaphore, #tpu.memory_space<semaphore_mem>>) src(%dma_wait3A_190 : memref<20000x128xf32, #tpu.memory_space<hbm>>) dst(%dma_wait3A_184 : memref<128x128xf32, #tpu.memory_space<vmem>>)
      %jit3A_191 = arith.constant 16 : i32
      %eq3A_192 = arith.constant 0 : i32
      %eq3A_193 = arith.cmpi eq, %jit3A_191, %eq3A_192 : i32
      %jit3A_194 = arith.constant 1 : i32
      %select_n3A_195 = arith.select %eq3A_193, %jit3A_194, %jit3A_191 : i32
      %rem3A_196 = arith.remsi %scan3A_61, %select_n3A_195 : i32
      %ne3A_197 = arith.constant 0 : i32
      %ne3A_198 = arith.cmpi ne, %rem3A_196, %ne3A_197 : i32
      %lt3A_199 = arith.constant 0 : i32
      %lt3A_200 = arith.cmpi slt, %rem3A_196, %lt3A_199 : i32
      %lt3A_201 = arith.constant 0 : i32
      %lt3A_202 = arith.cmpi slt, %select_n3A_195, %lt3A_201 : i32
      %ne3A_203 = arith.xori %lt3A_200, %lt3A_202 : i1
      %and3A_204 = arith.andi %ne3A_203, %ne3A_198 : i1
      %add3A_205 = arith.addi %rem3A_196, %select_n3A_195 : i32
      %select_n3A_206 = arith.select %and3A_204, %add3A_205, %rem3A_196 : i32
      %dma_start3A_207 = arith.constant 0 : i32
      %dma_start3A_208 = arith.constant 0 : i32
      %dma_start3A_209 = tpu.memref_slice %arg8[%select_n3A_72, %dma_start3A_207, %dma_start3A_208] : memref<2x128x128xf32, #tpu.memory_space<vmem>> -> memref<1x128x128xf32, #tpu.memory_space<vmem>>
      %dma_start3A_210 = tpu.memref_squeeze %dma_start3A_209 : memref<1x128x128xf32, #tpu.memory_space<vmem>> -> memref<128x128xf32, #tpu.memory_space<vmem>>
      %dma_start3A_211 = arith.constant 0 : i32
      %dma_start3A_212 = tpu.memref_slice %arg7[%select_n3A_159, %select_n3A_206, %dma_start3A_211] : memref<2x16x128xi32, #tpu.memory_space<vmem>> -> memref<1x1x128xi32, #tpu.memory_space<vmem>>
      %dma_start3A_213 = tpu.memref_squeeze %dma_start3A_212 : memref<1x1x128xi32, #tpu.memory_space<vmem>> -> memref<128xi32, #tpu.memory_space<vmem>>
      %dma_start3A_214 = arith.constant 0 : i32
      %dma_start3A_215 = arith.constant 0 : i32
      %dma_start3A_216 = tpu.memref_slice %arg9[%dma_start3A_214, %dma_start3A_215] : memref<10240x128xf32, #tpu.memory_space<vmem_shared>> -> memref<10240x128xf32, #tpu.memory_space<vmem_shared>>
      tpu.enqueue_indirect_dma source(%dma_start3A_210 : memref<128x128xf32, #tpu.memory_space<vmem>>) target(%dma_start3A_216 : memref<10240x128xf32, #tpu.memory_space<vmem_shared>>) offsets(%dma_start3A_213 : memref<128xi32, #tpu.memory_space<vmem>>) semaphore(%arg11 : memref<!tpu.dma_semaphore, #tpu.memory_space<semaphore_mem>>) {add = true}
      %scan3A_217 = arith.constant 0 : i32
      scf.yield %scan3A_217 : i32
    }
    %scan3A_43 = arith.constant 160 : i32
    %dma_wait3A = arith.constant 1 : i32
    %dma_wait3A_44 = arith.constant 0 : i32
    %dma_wait3A_45 = arith.constant 0 : i32
    %dma_wait3A_46 = arith.constant 0 : i32
    %dma_wait3A_47 = arith.constant 0 : i32
    %dma_wait3A_48 = tpu.memref_slice %arg8[%dma_wait3A, %dma_wait3A_46, %dma_wait3A_47] : memref<2x128x128xf32, #tpu.memory_space<vmem>> -> memref<1x128x128xf32, #tpu.memory_space<vmem>>
    %dma_wait3A_49 = tpu.memref_squeeze %dma_wait3A_48 : memref<1x128x128xf32, #tpu.memory_space<vmem>> -> memref<128x128xf32, #tpu.memory_space<vmem>>
    %dma_wait3A_50 = arith.constant 0 : i32
    %dma_wait3A_51 = tpu.memref_slice %arg7[%dma_wait3A_44, %dma_wait3A_45, %dma_wait3A_50] : memref<2x16x128xi32, #tpu.memory_space<vmem>> -> memref<1x1x128xi32, #tpu.memory_space<vmem>>
    %dma_wait3A_52 = tpu.memref_squeeze %dma_wait3A_51 : memref<1x1x128xi32, #tpu.memory_space<vmem>> -> memref<128xi32, #tpu.memory_space<vmem>>
    %dma_wait3A_53 = arith.constant 0 : i32
    %dma_wait3A_54 = arith.constant 0 : i32
    %dma_wait3A_55 = tpu.memref_slice %arg9[%dma_wait3A_53, %dma_wait3A_54] : memref<10240x128xf32, #tpu.memory_space<vmem_shared>> -> memref<10240x128xf32, #tpu.memory_space<vmem_shared>>
    tpu.wait_indirect_dma semaphore(%arg11 : memref<!tpu.dma_semaphore, #tpu.memory_space<semaphore_mem>>) src(%dma_wait3A_49 : memref<128x128xf32, #tpu.memory_space<vmem>>) dst(%dma_wait3A_55 : memref<10240x128xf32, #tpu.memory_space<vmem_shared>>)
    %barrier3A_56 = arith.constant 0 : index
    tpu.barrier barrier_id(%barrier3A_56)
    %mul3A_57 = arith.constant 624 : i32
    %mul3A_58 = arith.muli %arg1, %mul3A_57 : i32
    "tpu.region"() ({
      %run_scoped3A_61 = tpu.sem_alloc : memref<!tpu.dma_semaphore, #tpu.memory_space<semaphore_mem>>
      %dma_start3A_62 = arith.constant 0 : i32
      %dma_start3A_63 = tpu.memref_slice %arg5[%arg0, %mul3A_58, %dma_start3A_62] : memref<2x10000x128xf32, #tpu.memory_space<hbm>> -> memref<1x624x128xf32, #tpu.memory_space<hbm>>
      %dma_start3A_64 = tpu.memref_squeeze %dma_start3A_63 : memref<1x624x128xf32, #tpu.memory_space<hbm>> -> memref<624x128xf32, #tpu.memory_space<hbm>>
      %dma_start3A_65 = arith.constant 0 : i32
      %dma_start3A_66 = tpu.memref_slice %arg9[%mul3A_58, %dma_start3A_65] : memref<10240x128xf32, #tpu.memory_space<vmem_shared>> -> memref<624x128xf32, #tpu.memory_space<vmem_shared>>
      tpu.enqueue_dma source(%dma_start3A_66 : memref<624x128xf32, #tpu.memory_space<vmem_shared>>) target(%dma_start3A_64 : memref<624x128xf32, #tpu.memory_space<hbm>>) target_semaphore(%run_scoped3A_61 : memref<!tpu.dma_semaphore, #tpu.memory_space<semaphore_mem>>)
      %dma_wait3A_67 = arith.constant 0 : i32
      %dma_wait3A_68 = tpu.memref_slice %arg5[%arg0, %mul3A_58, %dma_wait3A_67] : memref<2x10000x128xf32, #tpu.memory_space<hbm>> -> memref<1x624x128xf32, #tpu.memory_space<hbm>>
      %dma_wait3A_69 = tpu.memref_squeeze %dma_wait3A_68 : memref<1x624x128xf32, #tpu.memory_space<hbm>> -> memref<624x128xf32, #tpu.memory_space<hbm>>
      %dma_wait3A_70 = arith.constant 0 : i32
      %dma_wait3A_71 = tpu.memref_slice %arg9[%mul3A_58, %dma_wait3A_70] : memref<10240x128xf32, #tpu.memory_space<vmem_shared>> -> memref<624x128xf32, #tpu.memory_space<vmem_shared>>
      tpu.wait_dma2 semaphore(%run_scoped3A_61 : memref<!tpu.dma_semaphore, #tpu.memory_space<semaphore_mem>>) src(%dma_wait3A_71 : memref<624x128xf32, #tpu.memory_space<vmem_shared>>) dst(%dma_wait3A_69 : memref<624x128xf32, #tpu.memory_space<hbm>>)
      tpu.yield
    }) : () -> ()
    %eq3A = arith.constant 0 : i32
    %eq3A_59 = arith.cmpi eq, %arg1, %eq3A : i32
    %convert_element_type3A = arith.extui %eq3A_59 : i1 to i32
    %cond3A = arith.constant 0 : i32
    %cond3A_60 = arith.cmpi ne, %convert_element_type3A, %cond3A : i32
    scf.if %cond3A_60 {
      "tpu.region"() ({
        %run_scoped3A_61 = tpu.sem_alloc : memref<!tpu.dma_semaphore, #tpu.memory_space<semaphore_mem>>
        %dma_start3A_62 = arith.constant 9984 : i32
        %dma_start3A_63 = arith.constant 0 : i32
        %dma_start3A_64 = tpu.memref_slice %arg5[%arg0, %dma_start3A_62, %dma_start3A_63] : memref<2x10000x128xf32, #tpu.memory_space<hbm>> -> memref<1x16x128xf32, #tpu.memory_space<hbm>>
        %dma_start3A_65 = tpu.memref_squeeze %dma_start3A_64 : memref<1x16x128xf32, #tpu.memory_space<hbm>> -> memref<16x128xf32, #tpu.memory_space<hbm>>
        %dma_start3A_66 = arith.constant 9984 : i32
        %dma_start3A_67 = arith.constant 0 : i32
        %dma_start3A_68 = tpu.memref_slice %arg9[%dma_start3A_66, %dma_start3A_67] : memref<10240x128xf32, #tpu.memory_space<vmem_shared>> -> memref<16x128xf32, #tpu.memory_space<vmem_shared>>
        tpu.enqueue_dma source(%dma_start3A_68 : memref<16x128xf32, #tpu.memory_space<vmem_shared>>) target(%dma_start3A_65 : memref<16x128xf32, #tpu.memory_space<hbm>>) target_semaphore(%run_scoped3A_61 : memref<!tpu.dma_semaphore, #tpu.memory_space<semaphore_mem>>)
        %dma_wait3A_69 = arith.constant 9984 : i32
        %dma_wait3A_70 = arith.constant 0 : i32
        %dma_wait3A_71 = tpu.memref_slice %arg5[%arg0, %dma_wait3A_69, %dma_wait3A_70] : memref<2x10000x128xf32, #tpu.memory_space<hbm>> -> memref<1x16x128xf32, #tpu.memory_space<hbm>>
        %dma_wait3A_72 = tpu.memref_squeeze %dma_wait3A_71 : memref<1x16x128xf32, #tpu.memory_space<hbm>> -> memref<16x128xf32, #tpu.memory_space<hbm>>
        %dma_wait3A_73 = arith.constant 9984 : i32
        %dma_wait3A_74 = arith.constant 0 : i32
        %dma_wait3A_75 = tpu.memref_slice %arg9[%dma_wait3A_73, %dma_wait3A_74] : memref<10240x128xf32, #tpu.memory_space<vmem_shared>> -> memref<16x128xf32, #tpu.memory_space<vmem_shared>>
        tpu.wait_dma2 semaphore(%run_scoped3A_61 : memref<!tpu.dma_semaphore, #tpu.memory_space<semaphore_mem>>) src(%dma_wait3A_75 : memref<16x128xf32, #tpu.memory_space<vmem_shared>>) dst(%dma_wait3A_72 : memref<16x128xf32, #tpu.memory_space<hbm>>)
        tpu.yield
      }) : () -> ()
    } else {
    }
    return
  }
}

#map = affine_map<(d0, d1) -> (0, 0)>
#map1 = affine_map<(d0, d1) -> (0, 0, 0)>
module attributes {stable_mosaic.version = 14 : i64} {
  func.func @body(%arg0: i32, %arg1: i32, %arg2: memref<20000x128xf32, #tpu.memory_space<hbm>>, %arg3: memref<32x160x128xi32, #tpu.memory_space<hbm>>, %arg4: memref<32x160x128xi32, #tpu.memory_space<hbm>>, %arg5: memref<2x10000x128xf32, #tpu.memory_space<hbm>>, %arg6: memref<2x16x128xi32, #tpu.memory_space<vmem>>, %arg7: memref<2x16x128xi32, #tpu.memory_space<vmem>>, %arg8: memref<2x128x128xf32, #tpu.memory_space<vmem>>, %arg9: memref<10240x128xf32, #tpu.memory_space<vmem_shared>>, %arg10: memref<!tpu.dma_semaphore, #tpu.memory_space<semaphore_mem>>, %arg11: memref<!tpu.dma_semaphore, #tpu.memory_space<semaphore_mem>>) attributes {dimension_semantics = [#tpu.dimension_semantics<core_parallel>, #tpu.dimension_semantics<subcore_parallel>], iteration_bounds = array<i64: 2, 16>, scalar_prefetch = 0 : i64, scratch_operands = 6 : i64, tpu.core_type = #tpu.core_type<sc_vector_subcore>, window_params = [{transform_indices = #map}, {transform_indices = #map1}, {transform_indices = #map1}, {transform_indices = #map1}]} {
    %mul3A = arith.constant 16 : i32
    %mul3A_0 = arith.muli %arg0, %mul3A : i32
    %add3A = arith.addi %mul3A_0, %arg1 : i32
    %scan3A = arith.constant 0 : i32
    %scan3A_1 = arith.constant 0 : i32
    %scan3A_2 = arith.constant 1024 : i32
    %scan3A_3 = arith.addi %scan3A_1, %scan3A_2 : i32
    %scan3A_4 = arith.constant 1 : i32
    %scan3A_5 = scf.for %scan3A_61 = %scan3A_1 to %scan3A_3 step %scan3A_4 iter_args(%scan3A_62 = %scan3A) -> (i32)  : i32 {
      %jit3A = arith.constant 8 : i32
      %div3A = arith.divsi %scan3A_61, %jit3A : i32
      %sign3A = arith.constant 0 : i32
      %sign3A_63 = arith.cmpi sgt, %scan3A_61, %sign3A : i32
      %sign3A_64 = arith.extui %sign3A_63 : i1 to i32
      %sign3A_65 = arith.constant 0 : i32
      %sign3A_66 = arith.cmpi slt, %scan3A_61, %sign3A_65 : i32
      %sign3A_67 = arith.extui %sign3A_66 : i1 to i32
      %sign3A_68 = arith.subi %sign3A_64, %sign3A_67 : i32
      %sign3A_69 = arith.constant 0 : i32
      %sign3A_70 = arith.cmpi sgt, %jit3A, %sign3A_69 : i32
      %sign3A_71 = arith.extui %sign3A_70 : i1 to i32
      %sign3A_72 = arith.constant 0 : i32
      %sign3A_73 = arith.cmpi slt, %jit3A, %sign3A_72 : i32
      %sign3A_74 = arith.extui %sign3A_73 : i1 to i32
      %sign3A_75 = arith.subi %sign3A_71, %sign3A_74 : i32
      %ne3A = arith.cmpi ne, %sign3A_68, %sign3A_75 : i32
      %rem3A = arith.remsi %scan3A_61, %jit3A : i32
      %ne3A_76 = arith.constant 0 : i32
      %ne3A_77 = arith.cmpi ne, %rem3A, %ne3A_76 : i32
      %and3A = arith.andi %ne3A, %ne3A_77 : i1
      %sub3A = arith.constant 1 : i32
      %sub3A_78 = arith.subi %div3A, %sub3A : i32
      %select_n3A = arith.select %and3A, %sub3A_78, %div3A : i32
      %jit3A_79 = arith.constant 8 : i32
      %eq3A_80 = arith.constant 0 : i32
      %eq3A_81 = arith.cmpi eq, %jit3A_79, %eq3A_80 : i32
      %jit3A_82 = arith.constant 1 : i32
      %select_n3A_83 = arith.select %eq3A_81, %jit3A_82, %jit3A_79 : i32
      %rem3A_84 = arith.remsi %scan3A_61, %select_n3A_83 : i32
      %ne3A_85 = arith.constant 0 : i32
      %ne3A_86 = arith.cmpi ne, %rem3A_84, %ne3A_85 : i32
      %lt3A = arith.constant 0 : i32
      %lt3A_87 = arith.cmpi slt, %rem3A_84, %lt3A : i32
      %lt3A_88 = arith.constant 0 : i32
      %lt3A_89 = arith.cmpi slt, %select_n3A_83, %lt3A_88 : i32
      %ne3A_90 = arith.xori %lt3A_87, %lt3A_89 : i1
      %and3A_91 = arith.andi %ne3A_90, %ne3A_86 : i1
      %add3A_92 = arith.addi %rem3A_84, %select_n3A_83 : i32
      %select_n3A_93 = arith.select %and3A_91, %add3A_92, %rem3A_84 : i32
      %mul3A_94 = arith.constant 16 : i32
      %mul3A_95 = arith.muli %select_n3A_93, %mul3A_94 : i32
      %broadcast_in_dim3A = arith.constant 0.000000e+00 : f32
      %broadcast_in_dim3A_96 = vector.broadcast %broadcast_in_dim3A : f32 to vector<16xf32>
      %swap3A = arith.constant 0 : i32
      %swap3A_97 = arith.index_cast %swap3A : i32 to index
      %swap3A_98 = arith.index_cast %select_n3A : i32 to index
      %swap3A_99 = arith.index_cast %mul3A_95 : i32 to index
      %swap3A_100 = tpu.vector_load %arg8[%swap3A_97, %swap3A_98, %swap3A_99] {strides = array<i32>} : memref<2x128x128xf32, #tpu.memory_space<vmem>>, vector<1x1x16xf32>,
      %swap3A_101 = vector.shape_cast %swap3A_100 : vector<1x1x16xf32> to vector<16xf32>
      %swap3A_102 = vector.shape_cast %broadcast_in_dim3A_96 : vector<16xf32> to vector<1x1x16xf32>
      tpu.vector_store %arg8[%swap3A_97, %swap3A_98, %swap3A_99], %swap3A_102 {strides = array<i32>} : memref<2x128x128xf32, #tpu.memory_space<vmem>>, vector<1x1x16xf32>,
      %scan3A_103 = arith.constant 0 : i32
      scf.yield %scan3A_103 : i32
    }
    %scan3A_6 = arith.constant 1024 : i32
    %mul3A_7 = arith.constant 640 : i32
    %mul3A_8 = arith.muli %arg1, %mul3A_7 : i32
    %add3A_9 = arith.constant 0 : i32
    %add3A_10 = arith.addi %mul3A_8, %add3A_9 : i32
    %run_scoped3A = arith.constant 0 : i32
    "tpu.region"() ({
      %run_scoped3A_61 = tpu.sem_alloc : memref<!tpu.dma_semaphore, #tpu.memory_space<semaphore_mem>>
      %dma_start3A_62 = arith.constant 0 : i32
      %dma_start3A_63 = arith.constant 0 : i32
      %dma_start3A_64 = tpu.memref_slice %arg8[%run_scoped3A, %dma_start3A_62, %dma_start3A_63] : memref<2x128x128xf32, #tpu.memory_space<vmem>> -> memref<1x128x128xf32, #tpu.memory_space<vmem>>
      %dma_start3A_65 = tpu.memref_squeeze %dma_start3A_64 : memref<1x128x128xf32, #tpu.memory_space<vmem>> -> memref<128x128xf32, #tpu.memory_space<vmem>>
      %dma_start3A_66 = arith.constant 0 : i32
      %dma_start3A_67 = tpu.memref_slice %arg9[%add3A_10, %dma_start3A_66] : memref<10240x128xf32, #tpu.memory_space<vmem_shared>> -> memref<128x128xf32, #tpu.memory_space<vmem_shared>>
      %dma_start3A_68 = arith.constant 0 : i32
      %dma_start3A_69 = tpu.memref_slice %arg9[%add3A_10, %dma_start3A_68] : memref<10240x128xf32, #tpu.memory_space<vmem_shared>> -> memref<128x128xf32, #tpu.memory_space<vmem_shared>>
      %dma_start3A_70 = arith.constant 0 : i32
      %dma_start3A_71 = arith.constant 0 : i32
      %dma_start3A_72 = tpu.memref_slice %arg8[%run_scoped3A, %dma_start3A_70, %dma_start3A_71] : memref<2x128x128xf32, #tpu.memory_space<vmem>> -> memref<1x128x128xf32, #tpu.memory_space<vmem>>
      %dma_start3A_73 = tpu.memref_squeeze %dma_start3A_72 : memref<1x128x128xf32, #tpu.memory_space<vmem>> -> memref<128x128xf32, #tpu.memory_space<vmem>>
      tpu.enqueue_dma source(%dma_start3A_73 : memref<128x128xf32, #tpu.memory_space<vmem>>) target(%dma_start3A_69 : memref<128x128xf32, #tpu.memory_space<vmem_shared>>) target_semaphore(%run_scoped3A_61 : memref<!tpu.dma_semaphore, #tpu.memory_space<semaphore_mem>>)
      %dma_wait3A_74 = arith.constant 0 : i32
      %dma_wait3A_75 = arith.constant 0 : i32
      %dma_wait3A_76 = tpu.memref_slice %arg8[%run_scoped3A, %dma_wait3A_74, %dma_wait3A_75] : memref<2x128x128xf32, #tpu.memory_space<vmem>> -> memref<1x128x128xf32, #tpu.memory_space<vmem>>
      %dma_wait3A_77 = tpu.memref_squeeze %dma_wait3A_76 : memref<1x128x128xf32, #tpu.memory_space<vmem>> -> memref<128x128xf32, #tpu.memory_space<vmem>>
      %dma_wait3A_78 = arith.constant 0 : i32
      %dma_wait3A_79 = tpu.memref_slice %arg9[%add3A_10, %dma_wait3A_78] : memref<10240x128xf32, #tpu.memory_space<vmem_shared>> -> memref<128x128xf32, #tpu.memory_space<vmem_shared>>
      %dma_wait3A_80 = arith.constant 0 : i32
      %dma_wait3A_81 = tpu.memref_slice %arg9[%add3A_10, %dma_wait3A_80] : memref<10240x128xf32, #tpu.memory_space<vmem_shared>> -> memref<128x128xf32, #tpu.memory_space<vmem_shared>>
      %dma_wait3A_82 = arith.constant 0 : i32
      %dma_wait3A_83 = arith.constant 0 : i32
      %dma_wait3A_84 = tpu.memref_slice %arg8[%run_scoped3A, %dma_wait3A_82, %dma_wait3A_83] : memref<2x128x128xf32, #tpu.memory_space<vmem>> -> memref<1x128x128xf32, #tpu.memory_space<vmem>>
      %dma_wait3A_85 = tpu.memref_squeeze %dma_wait3A_84 : memref<1x128x128xf32, #tpu.memory_space<vmem>> -> memref<128x128xf32, #tpu.memory_space<vmem>>
      tpu.wait_dma2 semaphore(%run_scoped3A_61 : memref<!tpu.dma_semaphore, #tpu.memory_space<semaphore_mem>>) src(%dma_wait3A_85 : memref<128x128xf32, #tpu.memory_space<vmem>>) dst(%dma_wait3A_81 : memref<128x128xf32, #tpu.memory_space<vmem_shared>>)
      tpu.yield
    }) : () -> ()
    %add3A_11 = arith.constant 128 : i32
    %add3A_12 = arith.addi %mul3A_8, %add3A_11 : i32
    %run_scoped3A_13 = arith.constant 0 : i32
    "tpu.region"() ({
      %run_scoped3A_61 = tpu.sem_alloc : memref<!tpu.dma_semaphore, #tpu.memory_space<semaphore_mem>>
      %dma_start3A_62 = arith.constant 0 : i32
      %dma_start3A_63 = arith.constant 0 : i32
      %dma_start3A_64 = tpu.memref_slice %arg8[%run_scoped3A_13, %dma_start3A_62, %dma_start3A_63] : memref<2x128x128xf32, #tpu.memory_space<vmem>> -> memref<1x128x128xf32, #tpu.memory_space<vmem>>
      %dma_start3A_65 = tpu.memref_squeeze %dma_start3A_64 : memref<1x128x128xf32, #tpu.memory_space<vmem>> -> memref<128x128xf32, #tpu.memory_space<vmem>>
      %dma_start3A_66 = arith.constant 0 : i32
      %dma_start3A_67 = tpu.memref_slice %arg9[%add3A_12, %dma_start3A_66] : memref<10240x128xf32, #tpu.memory_space<vmem_shared>> -> memref<128x128xf32, #tpu.memory_space<vmem_shared>>
      %dma_start3A_68 = arith.constant 0 : i32
      %dma_start3A_69 = tpu.memref_slice %arg9[%add3A_12, %dma_start3A_68] : memref<10240x128xf32, #tpu.memory_space<vmem_shared>> -> memref<128x128xf32, #tpu.memory_space<vmem_shared>>
      %dma_start3A_70 = arith.constant 0 : i32
      %dma_start3A_71 = arith.constant 0 : i32
      %dma_start3A_72 = tpu.memref_slice %arg8[%run_scoped3A_13, %dma_start3A_70, %dma_start3A_71] : memref<2x128x128xf32, #tpu.memory_space<vmem>> -> memref<1x128x128xf32, #tpu.memory_space<vmem>>
      %dma_start3A_73 = tpu.memref_squeeze %dma_start3A_72 : memref<1x128x128xf32, #tpu.memory_space<vmem>> -> memref<128x128xf32, #tpu.memory_space<vmem>>
      tpu.enqueue_dma source(%dma_start3A_73 : memref<128x128xf32, #tpu.memory_space<vmem>>) target(%dma_start3A_69 : memref<128x128xf32, #tpu.memory_space<vmem_shared>>) target_semaphore(%run_scoped3A_61 : memref<!tpu.dma_semaphore, #tpu.memory_space<semaphore_mem>>)
      %dma_wait3A_74 = arith.constant 0 : i32
      %dma_wait3A_75 = arith.constant 0 : i32
      %dma_wait3A_76 = tpu.memref_slice %arg8[%run_scoped3A_13, %dma_wait3A_74, %dma_wait3A_75] : memref<2x128x128xf32, #tpu.memory_space<vmem>> -> memref<1x128x128xf32, #tpu.memory_space<vmem>>
      %dma_wait3A_77 = tpu.memref_squeeze %dma_wait3A_76 : memref<1x128x128xf32, #tpu.memory_space<vmem>> -> memref<128x128xf32, #tpu.memory_space<vmem>>
      %dma_wait3A_78 = arith.constant 0 : i32
      %dma_wait3A_79 = tpu.memref_slice %arg9[%add3A_12, %dma_wait3A_78] : memref<10240x128xf32, #tpu.memory_space<vmem_shared>> -> memref<128x128xf32, #tpu.memory_space<vmem_shared>>
      %dma_wait3A_80 = arith.constant 0 : i32
      %dma_wait3A_81 = tpu.memref_slice %arg9[%add3A_12, %dma_wait3A_80] : memref<10240x128xf32, #tpu.memory_space<vmem_shared>> -> memref<128x128xf32, #tpu.memory_space<vmem_shared>>
      %dma_wait3A_82 = arith.constant 0 : i32
      %dma_wait3A_83 = arith.constant 0 : i32
      %dma_wait3A_84 = tpu.memref_slice %arg8[%run_scoped3A_13, %dma_wait3A_82, %dma_wait3A_83] : memref<2x128x128xf32, #tpu.memory_space<vmem>> -> memref<1x128x128xf32, #tpu.memory_space<vmem>>
      %dma_wait3A_85 = tpu.memref_squeeze %dma_wait3A_84 : memref<1x128x128xf32, #tpu.memory_space<vmem>> -> memref<128x128xf32, #tpu.memory_space<vmem>>
      tpu.wait_dma2 semaphore(%run_scoped3A_61 : memref<!tpu.dma_semaphore, #tpu.memory_space<semaphore_mem>>) src(%dma_wait3A_85 : memref<128x128xf32, #tpu.memory_space<vmem>>) dst(%dma_wait3A_81 : memref<128x128xf32, #tpu.memory_space<vmem_shared>>)
      tpu.yield
    }) : () -> ()
    %add3A_14 = arith.constant 256 : i32
    %add3A_15 = arith.addi %mul3A_8, %add3A_14 : i32
    %run_scoped3A_16 = arith.constant 0 : i32
    "tpu.region"() ({
      %run_scoped3A_61 = tpu.sem_alloc : memref<!tpu.dma_semaphore, #tpu.memory_space<semaphore_mem>>
      %dma_start3A_62 = arith.constant 0 : i32
      %dma_start3A_63 = arith.constant 0 : i32
      %dma_start3A_64 = tpu.memref_slice %arg8[%run_scoped3A_16, %dma_start3A_62, %dma_start3A_63] : memref<2x128x128xf32, #tpu.memory_space<vmem>> -> memref<1x128x128xf32, #tpu.memory_space<vmem>>
      %dma_start3A_65 = tpu.memref_squeeze %dma_start3A_64 : memref<1x128x128xf32, #tpu.memory_space<vmem>> -> memref<128x128xf32, #tpu.memory_space<vmem>>
      %dma_start3A_66 = arith.constant 0 : i32
      %dma_start3A_67 = tpu.memref_slice %arg9[%add3A_15, %dma_start3A_66] : memref<10240x128xf32, #tpu.memory_space<vmem_shared>> -> memref<128x128xf32, #tpu.memory_space<vmem_shared>>
      %dma_start3A_68 = arith.constant 0 : i32
      %dma_start3A_69 = tpu.memref_slice %arg9[%add3A_15, %dma_start3A_68] : memref<10240x128xf32, #tpu.memory_space<vmem_shared>> -> memref<128x128xf32, #tpu.memory_space<vmem_shared>>
      %dma_start3A_70 = arith.constant 0 : i32
      %dma_start3A_71 = arith.constant 0 : i32
      %dma_start3A_72 = tpu.memref_slice %arg8[%run_scoped3A_16, %dma_start3A_70, %dma_start3A_71] : memref<2x128x128xf32, #tpu.memory_space<vmem>> -> memref<1x128x128xf32, #tpu.memory_space<vmem>>
      %dma_start3A_73 = tpu.memref_squeeze %dma_start3A_72 : memref<1x128x128xf32, #tpu.memory_space<vmem>> -> memref<128x128xf32, #tpu.memory_space<vmem>>
      tpu.enqueue_dma source(%dma_start3A_73 : memref<128x128xf32, #tpu.memory_space<vmem>>) target(%dma_start3A_69 : memref<128x128xf32, #tpu.memory_space<vmem_shared>>) target_semaphore(%run_scoped3A_61 : memref<!tpu.dma_semaphore, #tpu.memory_space<semaphore_mem>>)
      %dma_wait3A_74 = arith.constant 0 : i32
      %dma_wait3A_75 = arith.constant 0 : i32
      %dma_wait3A_76 = tpu.memref_slice %arg8[%run_scoped3A_16, %dma_wait3A_74, %dma_wait3A_75] : memref<2x128x128xf32, #tpu.memory_space<vmem>> -> memref<1x128x128xf32, #tpu.memory_space<vmem>>
      %dma_wait3A_77 = tpu.memref_squeeze %dma_wait3A_76 : memref<1x128x128xf32, #tpu.memory_space<vmem>> -> memref<128x128xf32, #tpu.memory_space<vmem>>
      %dma_wait3A_78 = arith.constant 0 : i32
      %dma_wait3A_79 = tpu.memref_slice %arg9[%add3A_15, %dma_wait3A_78] : memref<10240x128xf32, #tpu.memory_space<vmem_shared>> -> memref<128x128xf32, #tpu.memory_space<vmem_shared>>
      %dma_wait3A_80 = arith.constant 0 : i32
      %dma_wait3A_81 = tpu.memref_slice %arg9[%add3A_15, %dma_wait3A_80] : memref<10240x128xf32, #tpu.memory_space<vmem_shared>> -> memref<128x128xf32, #tpu.memory_space<vmem_shared>>
      %dma_wait3A_82 = arith.constant 0 : i32
      %dma_wait3A_83 = arith.constant 0 : i32
      %dma_wait3A_84 = tpu.memref_slice %arg8[%run_scoped3A_16, %dma_wait3A_82, %dma_wait3A_83] : memref<2x128x128xf32, #tpu.memory_space<vmem>> -> memref<1x128x128xf32, #tpu.memory_space<vmem>>
      %dma_wait3A_85 = tpu.memref_squeeze %dma_wait3A_84 : memref<1x128x128xf32, #tpu.memory_space<vmem>> -> memref<128x128xf32, #tpu.memory_space<vmem>>
      tpu.wait_dma2 semaphore(%run_scoped3A_61 : memref<!tpu.dma_semaphore, #tpu.memory_space<semaphore_mem>>) src(%dma_wait3A_85 : memref<128x128xf32, #tpu.memory_space<vmem>>) dst(%dma_wait3A_81 : memref<128x128xf32, #tpu.memory_space<vmem_shared>>)
      tpu.yield
    }) : () -> ()
    %add3A_17 = arith.constant 384 : i32
    %add3A_18 = arith.addi %mul3A_8, %add3A_17 : i32
    %run_scoped3A_19 = arith.constant 0 : i32
    "tpu.region"() ({
      %run_scoped3A_61 = tpu.sem_alloc : memref<!tpu.dma_semaphore, #tpu.memory_space<semaphore_mem>>
      %dma_start3A_62 = arith.constant 0 : i32
      %dma_start3A_63 = arith.constant 0 : i32
      %dma_start3A_64 = tpu.memref_slice %arg8[%run_scoped3A_19, %dma_start3A_62, %dma_start3A_63] : memref<2x128x128xf32, #tpu.memory_space<vmem>> -> memref<1x128x128xf32, #tpu.memory_space<vmem>>
      %dma_start3A_65 = tpu.memref_squeeze %dma_start3A_64 : memref<1x128x128xf32, #tpu.memory_space<vmem>> -> memref<128x128xf32, #tpu.memory_space<vmem>>
      %dma_start3A_66 = arith.constant 0 : i32
      %dma_start3A_67 = tpu.memref_slice %arg9[%add3A_18, %dma_start3A_66] : memref<10240x128xf32, #tpu.memory_space<vmem_shared>> -> memref<128x128xf32, #tpu.memory_space<vmem_shared>>
      %dma_start3A_68 = arith.constant 0 : i32
      %dma_start3A_69 = tpu.memref_slice %arg9[%add3A_18, %dma_start3A_68] : memref<10240x128xf32, #tpu.memory_space<vmem_shared>> -> memref<128x128xf32, #tpu.memory_space<vmem_shared>>
      %dma_start3A_70 = arith.constant 0 : i32
      %dma_start3A_71 = arith.constant 0 : i32
      %dma_start3A_72 = tpu.memref_slice %arg8[%run_scoped3A_19, %dma_start3A_70, %dma_start3A_71] : memref<2x128x128xf32, #tpu.memory_space<vmem>> -> memref<1x128x128xf32, #tpu.memory_space<vmem>>
      %dma_start3A_73 = tpu.memref_squeeze %dma_start3A_72 : memref<1x128x128xf32, #tpu.memory_space<vmem>> -> memref<128x128xf32, #tpu.memory_space<vmem>>
      tpu.enqueue_dma source(%dma_start3A_73 : memref<128x128xf32, #tpu.memory_space<vmem>>) target(%dma_start3A_69 : memref<128x128xf32, #tpu.memory_space<vmem_shared>>) target_semaphore(%run_scoped3A_61 : memref<!tpu.dma_semaphore, #tpu.memory_space<semaphore_mem>>)
      %dma_wait3A_74 = arith.constant 0 : i32
      %dma_wait3A_75 = arith.constant 0 : i32
      %dma_wait3A_76 = tpu.memref_slice %arg8[%run_scoped3A_19, %dma_wait3A_74, %dma_wait3A_75] : memref<2x128x128xf32, #tpu.memory_space<vmem>> -> memref<1x128x128xf32, #tpu.memory_space<vmem>>
      %dma_wait3A_77 = tpu.memref_squeeze %dma_wait3A_76 : memref<1x128x128xf32, #tpu.memory_space<vmem>> -> memref<128x128xf32, #tpu.memory_space<vmem>>
      %dma_wait3A_78 = arith.constant 0 : i32
      %dma_wait3A_79 = tpu.memref_slice %arg9[%add3A_18, %dma_wait3A_78] : memref<10240x128xf32, #tpu.memory_space<vmem_shared>> -> memref<128x128xf32, #tpu.memory_space<vmem_shared>>
      %dma_wait3A_80 = arith.constant 0 : i32
      %dma_wait3A_81 = tpu.memref_slice %arg9[%add3A_18, %dma_wait3A_80] : memref<10240x128xf32, #tpu.memory_space<vmem_shared>> -> memref<128x128xf32, #tpu.memory_space<vmem_shared>>
      %dma_wait3A_82 = arith.constant 0 : i32
      %dma_wait3A_83 = arith.constant 0 : i32
      %dma_wait3A_84 = tpu.memref_slice %arg8[%run_scoped3A_19, %dma_wait3A_82, %dma_wait3A_83] : memref<2x128x128xf32, #tpu.memory_space<vmem>> -> memref<1x128x128xf32, #tpu.memory_space<vmem>>
      %dma_wait3A_85 = tpu.memref_squeeze %dma_wait3A_84 : memref<1x128x128xf32, #tpu.memory_space<vmem>> -> memref<128x128xf32, #tpu.memory_space<vmem>>
      tpu.wait_dma2 semaphore(%run_scoped3A_61 : memref<!tpu.dma_semaphore, #tpu.memory_space<semaphore_mem>>) src(%dma_wait3A_85 : memref<128x128xf32, #tpu.memory_space<vmem>>) dst(%dma_wait3A_81 : memref<128x128xf32, #tpu.memory_space<vmem_shared>>)
      tpu.yield
    }) : () -> ()
    %add3A_20 = arith.constant 512 : i32
    %add3A_21 = arith.addi %mul3A_8, %add3A_20 : i32
    %run_scoped3A_22 = arith.constant 0 : i32
    "tpu.region"() ({
      %run_scoped3A_61 = tpu.sem_alloc : memref<!tpu.dma_semaphore, #tpu.memory_space<semaphore_mem>>
      %dma_start3A_62 = arith.constant 0 : i32
      %dma_start3A_63 = arith.constant 0 : i32
      %dma_start3A_64 = tpu.memref_slice %arg8[%run_scoped3A_22, %dma_start3A_62, %dma_start3A_63] : memref<2x128x128xf32, #tpu.memory_space<vmem>> -> memref<1x128x128xf32, #tpu.memory_space<vmem>>
      %dma_start3A_65 = tpu.memref_squeeze %dma_start3A_64 : memref<1x128x128xf32, #tpu.memory_space<vmem>> -> memref<128x128xf32, #tpu.memory_space<vmem>>
      %dma_start3A_66 = arith.constant 0 : i32
      %dma_start3A_67 = tpu.memref_slice %arg9[%add3A_21, %dma_start3A_66] : memref<10240x128xf32, #tpu.memory_space<vmem_shared>> -> memref<128x128xf32, #tpu.memory_space<vmem_shared>>
      %dma_start3A_68 = arith.constant 0 : i32
      %dma_start3A_69 = tpu.memref_slice %arg9[%add3A_21, %dma_start3A_68] : memref<10240x128xf32, #tpu.memory_space<vmem_shared>> -> memref<128x128xf32, #tpu.memory_space<vmem_shared>>
      %dma_start3A_70 = arith.constant 0 : i32
      %dma_start3A_71 = arith.constant 0 : i32
      %dma_start3A_72 = tpu.memref_slice %arg8[%run_scoped3A_22, %dma_start3A_70, %dma_start3A_71] : memref<2x128x128xf32, #tpu.memory_space<vmem>> -> memref<1x128x128xf32, #tpu.memory_space<vmem>>
      %dma_start3A_73 = tpu.memref_squeeze %dma_start3A_72 : memref<1x128x128xf32, #tpu.memory_space<vmem>> -> memref<128x128xf32, #tpu.memory_space<vmem>>
      tpu.enqueue_dma source(%dma_start3A_73 : memref<128x128xf32, #tpu.memory_space<vmem>>) target(%dma_start3A_69 : memref<128x128xf32, #tpu.memory_space<vmem_shared>>) target_semaphore(%run_scoped3A_61 : memref<!tpu.dma_semaphore, #tpu.memory_space<semaphore_mem>>)
      %dma_wait3A_74 = arith.constant 0 : i32
      %dma_wait3A_75 = arith.constant 0 : i32
      %dma_wait3A_76 = tpu.memref_slice %arg8[%run_scoped3A_22, %dma_wait3A_74, %dma_wait3A_75] : memref<2x128x128xf32, #tpu.memory_space<vmem>> -> memref<1x128x128xf32, #tpu.memory_space<vmem>>
      %dma_wait3A_77 = tpu.memref_squeeze %dma_wait3A_76 : memref<1x128x128xf32, #tpu.memory_space<vmem>> -> memref<128x128xf32, #tpu.memory_space<vmem>>
      %dma_wait3A_78 = arith.constant 0 : i32
      %dma_wait3A_79 = tpu.memref_slice %arg9[%add3A_21, %dma_wait3A_78] : memref<10240x128xf32, #tpu.memory_space<vmem_shared>> -> memref<128x128xf32, #tpu.memory_space<vmem_shared>>
      %dma_wait3A_80 = arith.constant 0 : i32
      %dma_wait3A_81 = tpu.memref_slice %arg9[%add3A_21, %dma_wait3A_80] : memref<10240x128xf32, #tpu.memory_space<vmem_shared>> -> memref<128x128xf32, #tpu.memory_space<vmem_shared>>
      %dma_wait3A_82 = arith.constant 0 : i32
      %dma_wait3A_83 = arith.constant 0 : i32
      %dma_wait3A_84 = tpu.memref_slice %arg8[%run_scoped3A_22, %dma_wait3A_82, %dma_wait3A_83] : memref<2x128x128xf32, #tpu.memory_space<vmem>> -> memref<1x128x128xf32, #tpu.memory_space<vmem>>
      %dma_wait3A_85 = tpu.memref_squeeze %dma_wait3A_84 : memref<1x128x128xf32, #tpu.memory_space<vmem>> -> memref<128x128xf32, #tpu.memory_space<vmem>>
      tpu.wait_dma2 semaphore(%run_scoped3A_61 : memref<!tpu.dma_semaphore, #tpu.memory_space<semaphore_mem>>) src(%dma_wait3A_85 : memref<128x128xf32, #tpu.memory_space<vmem>>) dst(%dma_wait3A_81 : memref<128x128xf32, #tpu.memory_space<vmem_shared>>)
      tpu.yield
    }) : () -> ()
    %barrier3A = arith.constant 0 : index
    tpu.barrier barrier_id(%barrier3A)
    %run_scoped3A_23 = arith.constant 0 : i32
    "tpu.region"() ({
      %run_scoped3A_61 = tpu.sem_alloc : memref<!tpu.dma_semaphore, #tpu.memory_space<semaphore_mem>>
      %dma_start3A_62 = arith.constant 0 : i32
      %dma_start3A_63 = arith.constant 0 : i32
      %dma_start3A_64 = tpu.memref_slice %arg6[%run_scoped3A_23, %dma_start3A_62, %dma_start3A_63] : memref<2x16x128xi32, #tpu.memory_space<vmem>> -> memref<1x16x128xi32, #tpu.memory_space<vmem>>
      %dma_start3A_65 = tpu.memref_squeeze %dma_start3A_64 : memref<1x16x128xi32, #tpu.memory_space<vmem>> -> memref<16x128xi32, #tpu.memory_space<vmem>>
      %dma_start3A_66 = arith.constant 0 : i32
      %dma_start3A_67 = arith.constant 0 : i32
      %dma_start3A_68 = tpu.memref_slice %arg3[%add3A, %dma_start3A_66, %dma_start3A_67] : memref<32x160x128xi32, #tpu.memory_space<hbm>> -> memref<1x16x128xi32, #tpu.memory_space<hbm>>
      %dma_start3A_69 = tpu.memref_squeeze %dma_start3A_68 : memref<1x16x128xi32, #tpu.memory_space<hbm>> -> memref<16x128xi32, #tpu.memory_space<hbm>>
      %dma_start3A_70 = arith.constant 0 : i32
      %dma_start3A_71 = arith.constant 0 : i32
      %dma_start3A_72 = tpu.memref_slice %arg6[%run_scoped3A_23, %dma_start3A_70, %dma_start3A_71] : memref<2x16x128xi32, #tpu.memory_space<vmem>> -> memref<1x16x128xi32, #tpu.memory_space<vmem>>
      %dma_start3A_73 = tpu.memref_squeeze %dma_start3A_72 : memref<1x16x128xi32, #tpu.memory_space<vmem>> -> memref<16x128xi32, #tpu.memory_space<vmem>>
      %dma_start3A_74 = arith.constant 0 : i32
      %dma_start3A_75 = arith.constant 0 : i32
      %dma_start3A_76 = tpu.memref_slice %arg3[%add3A, %dma_start3A_74, %dma_start3A_75] : memref<32x160x128xi32, #tpu.memory_space<hbm>> -> memref<1x16x128xi32, #tpu.memory_space<hbm>>
      %dma_start3A_77 = tpu.memref_squeeze %dma_start3A_76 : memref<1x16x128xi32, #tpu.memory_space<hbm>> -> memref<16x128xi32, #tpu.memory_space<hbm>>
      tpu.enqueue_dma source(%dma_start3A_77 : memref<16x128xi32, #tpu.memory_space<hbm>>) target(%dma_start3A_73 : memref<16x128xi32, #tpu.memory_space<vmem>>) target_semaphore(%run_scoped3A_61 : memref<!tpu.dma_semaphore, #tpu.memory_space<semaphore_mem>>)
      %dma_wait3A_78 = arith.constant 0 : i32
      %dma_wait3A_79 = arith.constant 0 : i32
      %dma_wait3A_80 = tpu.memref_slice %arg6[%run_scoped3A_23, %dma_wait3A_78, %dma_wait3A_79] : memref<2x16x128xi32, #tpu.memory_space<vmem>> -> memref<1x16x128xi32, #tpu.memory_space<vmem>>
      %dma_wait3A_81 = tpu.memref_squeeze %dma_wait3A_80 : memref<1x16x128xi32, #tpu.memory_space<vmem>> -> memref<16x128xi32, #tpu.memory_space<vmem>>
      %dma_wait3A_82 = arith.constant 0 : i32
      %dma_wait3A_83 = arith.constant 0 : i32
      %dma_wait3A_84 = tpu.memref_slice %arg3[%add3A, %dma_wait3A_82, %dma_wait3A_83] : memref<32x160x128xi32, #tpu.memory_space<hbm>> -> memref<1x16x128xi32, #tpu.memory_space<hbm>>
      %dma_wait3A_85 = tpu.memref_squeeze %dma_wait3A_84 : memref<1x16x128xi32, #tpu.memory_space<hbm>> -> memref<16x128xi32, #tpu.memory_space<hbm>>
      %dma_wait3A_86 = arith.constant 0 : i32
      %dma_wait3A_87 = arith.constant 0 : i32
      %dma_wait3A_88 = tpu.memref_slice %arg6[%run_scoped3A_23, %dma_wait3A_86, %dma_wait3A_87] : memref<2x16x128xi32, #tpu.memory_space<vmem>> -> memref<1x16x128xi32, #tpu.memory_space<vmem>>
      %dma_wait3A_89 = tpu.memref_squeeze %dma_wait3A_88 : memref<1x16x128xi32, #tpu.memory_space<vmem>> -> memref<16x128xi32, #tpu.memory_space<vmem>>
      %dma_wait3A_90 = arith.constant 0 : i32
      %dma_wait3A_91 = arith.constant 0 : i32
      %dma_wait3A_92 = tpu.memref_slice %arg3[%add3A, %dma_wait3A_90, %dma_wait3A_91] : memref<32x160x128xi32, #tpu.memory_space<hbm>> -> memref<1x16x128xi32, #tpu.memory_space<hbm>>
      %dma_wait3A_93 = tpu.memref_squeeze %dma_wait3A_92 : memref<1x16x128xi32, #tpu.memory_space<hbm>> -> memref<16x128xi32, #tpu.memory_space<hbm>>
      tpu.wait_dma2 semaphore(%run_scoped3A_61 : memref<!tpu.dma_semaphore, #tpu.memory_space<semaphore_mem>>) src(%dma_wait3A_93 : memref<16x128xi32, #tpu.memory_space<hbm>>) dst(%dma_wait3A_89 : memref<16x128xi32, #tpu.memory_space<vmem>>)
      tpu.yield
    }) : () -> ()
    %run_scoped3A_24 = arith.constant 0 : i32
    "tpu.region"() ({
      %run_scoped3A_61 = tpu.sem_alloc : memref<!tpu.dma_semaphore, #tpu.memory_space<semaphore_mem>>
      %dma_start3A_62 = arith.constant 0 : i32
      %dma_start3A_63 = arith.constant 0 : i32
      %dma_start3A_64 = tpu.memref_slice %arg7[%run_scoped3A_24, %dma_start3A_62, %dma_start3A_63] : memref<2x16x128xi32, #tpu.memory_space<vmem>> -> memref<1x16x128xi32, #tpu.memory_space<vmem>>
      %dma_start3A_65 = tpu.memref_squeeze %dma_start3A_64 : memref<1x16x128xi32, #tpu.memory_space<vmem>> -> memref<16x128xi32, #tpu.memory_space<vmem>>
      %dma_start3A_66 = arith.constant 0 : i32
      %dma_start3A_67 = arith.constant 0 : i32
      %dma_start3A_68 = tpu.memref_slice %arg4[%add3A, %dma_start3A_66, %dma_start3A_67] : memref<32x160x128xi32, #tpu.memory_space<hbm>> -> memref<1x16x128xi32, #tpu.memory_space<hbm>>
      %dma_start3A_69 = tpu.memref_squeeze %dma_start3A_68 : memref<1x16x128xi32, #tpu.memory_space<hbm>> -> memref<16x128xi32, #tpu.memory_space<hbm>>
      %dma_start3A_70 = arith.constant 0 : i32
      %dma_start3A_71 = arith.constant 0 : i32
      %dma_start3A_72 = tpu.memref_slice %arg7[%run_scoped3A_24, %dma_start3A_70, %dma_start3A_71] : memref<2x16x128xi32, #tpu.memory_space<vmem>> -> memref<1x16x128xi32, #tpu.memory_space<vmem>>
      %dma_start3A_73 = tpu.memref_squeeze %dma_start3A_72 : memref<1x16x128xi32, #tpu.memory_space<vmem>> -> memref<16x128xi32, #tpu.memory_space<vmem>>
      %dma_start3A_74 = arith.constant 0 : i32
      %dma_start3A_75 = arith.constant 0 : i32
      %dma_start3A_76 = tpu.memref_slice %arg4[%add3A, %dma_start3A_74, %dma_start3A_75] : memref<32x160x128xi32, #tpu.memory_space<hbm>> -> memref<1x16x128xi32, #tpu.memory_space<hbm>>
      %dma_start3A_77 = tpu.memref_squeeze %dma_start3A_76 : memref<1x16x128xi32, #tpu.memory_space<hbm>> -> memref<16x128xi32, #tpu.memory_space<hbm>>
      tpu.enqueue_dma source(%dma_start3A_77 : memref<16x128xi32, #tpu.memory_space<hbm>>) target(%dma_start3A_73 : memref<16x128xi32, #tpu.memory_space<vmem>>) target_semaphore(%run_scoped3A_61 : memref<!tpu.dma_semaphore, #tpu.memory_space<semaphore_mem>>)
      %dma_wait3A_78 = arith.constant 0 : i32
      %dma_wait3A_79 = arith.constant 0 : i32
      %dma_wait3A_80 = tpu.memref_slice %arg7[%run_scoped3A_24, %dma_wait3A_78, %dma_wait3A_79] : memref<2x16x128xi32, #tpu.memory_space<vmem>> -> memref<1x16x128xi32, #tpu.memory_space<vmem>>
      %dma_wait3A_81 = tpu.memref_squeeze %dma_wait3A_80 : memref<1x16x128xi32, #tpu.memory_space<vmem>> -> memref<16x128xi32, #tpu.memory_space<vmem>>
      %dma_wait3A_82 = arith.constant 0 : i32
      %dma_wait3A_83 = arith.constant 0 : i32
      %dma_wait3A_84 = tpu.memref_slice %arg4[%add3A, %dma_wait3A_82, %dma_wait3A_83] : memref<32x160x128xi32, #tpu.memory_space<hbm>> -> memref<1x16x128xi32, #tpu.memory_space<hbm>>
      %dma_wait3A_85 = tpu.memref_squeeze %dma_wait3A_84 : memref<1x16x128xi32, #tpu.memory_space<hbm>> -> memref<16x128xi32, #tpu.memory_space<hbm>>
      %dma_wait3A_86 = arith.constant 0 : i32
      %dma_wait3A_87 = arith.constant 0 : i32
      %dma_wait3A_88 = tpu.memref_slice %arg7[%run_scoped3A_24, %dma_wait3A_86, %dma_wait3A_87] : memref<2x16x128xi32, #tpu.memory_space<vmem>> -> memref<1x16x128xi32, #tpu.memory_space<vmem>>
      %dma_wait3A_89 = tpu.memref_squeeze %dma_wait3A_88 : memref<1x16x128xi32, #tpu.memory_space<vmem>> -> memref<16x128xi32, #tpu.memory_space<vmem>>
      %dma_wait3A_90 = arith.constant 0 : i32
      %dma_wait3A_91 = arith.constant 0 : i32
      %dma_wait3A_92 = tpu.memref_slice %arg4[%add3A, %dma_wait3A_90, %dma_wait3A_91] : memref<32x160x128xi32, #tpu.memory_space<hbm>> -> memref<1x16x128xi32, #tpu.memory_space<hbm>>
      %dma_wait3A_93 = tpu.memref_squeeze %dma_wait3A_92 : memref<1x16x128xi32, #tpu.memory_space<hbm>> -> memref<16x128xi32, #tpu.memory_space<hbm>>
      tpu.wait_dma2 semaphore(%run_scoped3A_61 : memref<!tpu.dma_semaphore, #tpu.memory_space<semaphore_mem>>) src(%dma_wait3A_93 : memref<16x128xi32, #tpu.memory_space<hbm>>) dst(%dma_wait3A_89 : memref<16x128xi32, #tpu.memory_space<vmem>>)
      tpu.yield
    }) : () -> ()
    %dma_start3A = arith.constant 0 : i32
    %dma_start3A_25 = arith.constant 0 : i32
    %dma_start3A_26 = arith.constant 0 : i32
    %dma_start3A_27 = arith.constant 0 : i32
    %dma_start3A_28 = arith.constant 0 : i32
    %dma_start3A_29 = tpu.memref_slice %arg8[%dma_start3A_26, %dma_start3A_27, %dma_start3A_28] : memref<2x128x128xf32, #tpu.memory_space<vmem>> -> memref<1x128x128xf32, #tpu.memory_space<vmem>>
    %dma_start3A_30 = tpu.memref_squeeze %dma_start3A_29 : memref<1x128x128xf32, #tpu.memory_space<vmem>> -> memref<128x128xf32, #tpu.memory_space<vmem>>
    %dma_start3A_31 = arith.constant 0 : i32
    %dma_start3A_32 = tpu.memref_slice %arg6[%dma_start3A, %dma_start3A_25, %dma_start3A_31] : memref<2x16x128xi32, #tpu.memory_space<vmem>> -> memref<1x1x128xi32, #tpu.memory_space<vmem>>
    %dma_start3A_33 = tpu.memref_squeeze %dma_start3A_32 : memref<1x1x128xi32, #tpu.memory_space<vmem>> -> memref<128xi32, #tpu.memory_space<vmem>>
    %dma_start3A_34 = arith.constant 0 : i32
    %dma_start3A_35 = arith.constant 0 : i32
    %dma_start3A_36 = tpu.memref_slice %arg2[%dma_start3A_34, %dma_start3A_35] : memref<20000x128xf32, #tpu.memory_space<hbm>> -> memref<20000x128xf32, #tpu.memory_space<hbm>>
    tpu.enqueue_indirect_dma source(%dma_start3A_36 : memref<20000x128xf32, #tpu.memory_space<hbm>>) target(%dma_start3A_30 : memref<128x128xf32, #tpu.memory_space<vmem>>) offsets(%dma_start3A_33 : memref<128xi32, #tpu.memory_space<vmem>>) semaphore(%arg10 : memref<!tpu.dma_semaphore, #tpu.memory_space<semaphore_mem>>)
    %scan3A_37 = arith.constant 0 : i32
    %scan3A_38 = arith.constant 0 : i32
    %scan3A_39 = arith.constant 160 : i32
    %scan3A_40 = arith.addi %scan3A_38, %scan3A_39 : i32
    %scan3A_41 = arith.constant 1 : i32
    %scan3A_42 = scf.for %scan3A_61 = %scan3A_38 to %scan3A_40 step %scan3A_41 iter_args(%scan3A_62 = %scan3A_37) -> (i32)  : i32 {
      %jit3A = arith.constant 2 : i32
      %eq3A_63 = arith.constant 0 : i32
      %eq3A_64 = arith.cmpi eq, %jit3A, %eq3A_63 : i32
      %jit3A_65 = arith.constant 1 : i32
      %select_n3A = arith.select %eq3A_64, %jit3A_65, %jit3A : i32
      %rem3A = arith.remsi %scan3A_61, %select_n3A : i32
      %ne3A = arith.constant 0 : i32
      %ne3A_66 = arith.cmpi ne, %rem3A, %ne3A : i32
      %lt3A = arith.constant 0 : i32
      %lt3A_67 = arith.cmpi slt, %rem3A, %lt3A : i32
      %lt3A_68 = arith.constant 0 : i32
      %lt3A_69 = arith.cmpi slt, %select_n3A, %lt3A_68 : i32
      %ne3A_70 = arith.xori %lt3A_67, %lt3A_69 : i1
      %and3A = arith.andi %ne3A_70, %ne3A_66 : i1
      %add3A_71 = arith.addi %rem3A, %select_n3A : i32
      %select_n3A_72 = arith.select %and3A, %add3A_71, %rem3A : i32
      %add3A_73 = arith.constant 1 : i32
      %add3A_74 = arith.addi %scan3A_61, %add3A_73 : i32
      %jit3A_75 = arith.constant 16 : i32
      %div3A = arith.divsi %add3A_74, %jit3A_75 : i32
      %sign3A = arith.constant 0 : i32
      %sign3A_76 = arith.cmpi sgt, %add3A_74, %sign3A : i32
      %sign3A_77 = arith.extui %sign3A_76 : i1 to i32
      %sign3A_78 = arith.constant 0 : i32
      %sign3A_79 = arith.cmpi slt, %add3A_74, %sign3A_78 : i32
      %sign3A_80 = arith.extui %sign3A_79 : i1 to i32
      %sign3A_81 = arith.subi %sign3A_77, %sign3A_80 : i32
      %sign3A_82 = arith.constant 0 : i32
      %sign3A_83 = arith.cmpi sgt, %jit3A_75, %sign3A_82 : i32
      %sign3A_84 = arith.extui %sign3A_83 : i1 to i32
      %sign3A_85 = arith.constant 0 : i32
      %sign3A_86 = arith.cmpi slt, %jit3A_75, %sign3A_85 : i32
      %sign3A_87 = arith.extui %sign3A_86 : i1 to i32
      %sign3A_88 = arith.subi %sign3A_84, %sign3A_87 : i32
      %ne3A_89 = arith.cmpi ne, %sign3A_81, %sign3A_88 : i32
      %rem3A_90 = arith.remsi %add3A_74, %jit3A_75 : i32
      %ne3A_91 = arith.constant 0 : i32
      %ne3A_92 = arith.cmpi ne, %rem3A_90, %ne3A_91 : i32
      %and3A_93 = arith.andi %ne3A_89, %ne3A_92 : i1
      %sub3A = arith.constant 1 : i32
      %sub3A_94 = arith.subi %div3A, %sub3A : i32
      %select_n3A_95 = arith.select %and3A_93, %sub3A_94, %div3A : i32
      %jit3A_96 = arith.constant 16 : i32
      %eq3A_97 = arith.constant 0 : i32
      %eq3A_98 = arith.cmpi eq, %jit3A_96, %eq3A_97 : i32
      %jit3A_99 = arith.constant 1 : i32
      %select_n3A_100 = arith.select %eq3A_98, %jit3A_99, %jit3A_96 : i32
      %rem3A_101 = arith.remsi %add3A_74, %select_n3A_100 : i32
      %ne3A_102 = arith.constant 0 : i32
      %ne3A_103 = arith.cmpi ne, %rem3A_101, %ne3A_102 : i32
      %lt3A_104 = arith.constant 0 : i32
      %lt3A_105 = arith.cmpi slt, %rem3A_101, %lt3A_104 : i32
      %lt3A_106 = arith.constant 0 : i32
      %lt3A_107 = arith.cmpi slt, %select_n3A_100, %lt3A_106 : i32
      %ne3A_108 = arith.xori %lt3A_105, %lt3A_107 : i1
      %and3A_109 = arith.andi %ne3A_108, %ne3A_103 : i1
      %add3A_110 = arith.addi %rem3A_101, %select_n3A_100 : i32
      %select_n3A_111 = arith.select %and3A_109, %add3A_110, %rem3A_101 : i32
      %eq3A_112 = arith.constant 0 : i32
      %eq3A_113 = arith.cmpi eq, %select_n3A_111, %eq3A_112 : i32
      %lt3A_114 = arith.constant 160 : i32
      %lt3A_115 = arith.cmpi slt, %add3A_74, %lt3A_114 : i32
      %and3A_116 = arith.andi %eq3A_113, %lt3A_115 : i1
      %convert_element_type3A_117 = arith.extui %and3A_116 : i1 to i32
      %cond3A_118 = arith.constant 0 : i32
      %cond3A_119 = arith.cmpi ne, %convert_element_type3A_117, %cond3A_118 : i32
      scf.if %cond3A_119 {
        %jit3A_218 = arith.constant 2 : i32
        %eq3A_219 = arith.constant 0 : i32
        %eq3A_220 = arith.cmpi eq, %jit3A_218, %eq3A_219 : i32
        %jit3A_221 = arith.constant 1 : i32
        %select_n3A_222 = arith.select %eq3A_220, %jit3A_221, %jit3A_218 : i32
        %rem3A_223 = arith.remsi %select_n3A_95, %select_n3A_222 : i32
        %ne3A_224 = arith.constant 0 : i32
        %ne3A_225 = arith.cmpi ne, %rem3A_223, %ne3A_224 : i32
        %lt3A_226 = arith.constant 0 : i32
        %lt3A_227 = arith.cmpi slt, %rem3A_223, %lt3A_226 : i32
        %lt3A_228 = arith.constant 0 : i32
        %lt3A_229 = arith.cmpi slt, %select_n3A_222, %lt3A_228 : i32
        %ne3A_230 = arith.xori %lt3A_227, %lt3A_229 : i1
        %and3A_231 = arith.andi %ne3A_230, %ne3A_225 : i1
        %add3A_232 = arith.addi %rem3A_223, %select_n3A_222 : i32
        %select_n3A_233 = arith.select %and3A_231, %add3A_232, %rem3A_223 : i32
        %mul3A_234 = arith.constant 16 : i32
        %mul3A_235 = arith.muli %select_n3A_95, %mul3A_234 : i32
        "tpu.region"() ({
          %run_scoped3A_238 = tpu.sem_alloc : memref<!tpu.dma_semaphore, #tpu.memory_space<semaphore_mem>>
          %dma_start3A_239 = arith.constant 0 : i32
          %dma_start3A_240 = arith.constant 0 : i32
          %dma_start3A_241 = tpu.memref_slice %arg6[%select_n3A_233, %dma_start3A_239, %dma_start3A_240] : memref<2x16x128xi32, #tpu.memory_space<vmem>> -> memref<1x16x128xi32, #tpu.memory_space<vmem>>
          %dma_start3A_242 = tpu.memref_squeeze %dma_start3A_241 : memref<1x16x128xi32, #tpu.memory_space<vmem>> -> memref<16x128xi32, #tpu.memory_space<vmem>>
          %dma_start3A_243 = arith.constant 0 : i32
          %dma_start3A_244 = tpu.memref_slice %arg3[%add3A, %mul3A_235, %dma_start3A_243] : memref<32x160x128xi32, #tpu.memory_space<hbm>> -> memref<1x16x128xi32, #tpu.memory_space<hbm>>
          %dma_start3A_245 = tpu.memref_squeeze %dma_start3A_244 : memref<1x16x128xi32, #tpu.memory_space<hbm>> -> memref<16x128xi32, #tpu.memory_space<hbm>>
          %dma_start3A_246 = arith.constant 0 : i32
          %dma_start3A_247 = arith.constant 0 : i32
          %dma_start3A_248 = tpu.memref_slice %arg6[%select_n3A_233, %dma_start3A_246, %dma_start3A_247] : memref<2x16x128xi32, #tpu.memory_space<vmem>> -> memref<1x16x128xi32, #tpu.memory_space<vmem>>
          %dma_start3A_249 = tpu.memref_squeeze %dma_start3A_248 : memref<1x16x128xi32, #tpu.memory_space<vmem>> -> memref<16x128xi32, #tpu.memory_space<vmem>>
          %dma_start3A_250 = arith.constant 0 : i32
          %dma_start3A_251 = tpu.memref_slice %arg3[%add3A, %mul3A_235, %dma_start3A_250] : memref<32x160x128xi32, #tpu.memory_space<hbm>> -> memref<1x16x128xi32, #tpu.memory_space<hbm>>
          %dma_start3A_252 = tpu.memref_squeeze %dma_start3A_251 : memref<1x16x128xi32, #tpu.memory_space<hbm>> -> memref<16x128xi32, #tpu.memory_space<hbm>>
          tpu.enqueue_dma source(%dma_start3A_252 : memref<16x128xi32, #tpu.memory_space<hbm>>) target(%dma_start3A_249 : memref<16x128xi32, #tpu.memory_space<vmem>>) target_semaphore(%run_scoped3A_238 : memref<!tpu.dma_semaphore, #tpu.memory_space<semaphore_mem>>)
          %dma_wait3A_253 = arith.constant 0 : i32
          %dma_wait3A_254 = arith.constant 0 : i32
          %dma_wait3A_255 = tpu.memref_slice %arg6[%select_n3A_233, %dma_wait3A_253, %dma_wait3A_254] : memref<2x16x128xi32, #tpu.memory_space<vmem>> -> memref<1x16x128xi32, #tpu.memory_space<vmem>>
          %dma_wait3A_256 = tpu.memref_squeeze %dma_wait3A_255 : memref<1x16x128xi32, #tpu.memory_space<vmem>> -> memref<16x128xi32, #tpu.memory_space<vmem>>
          %dma_wait3A_257 = arith.constant 0 : i32
          %dma_wait3A_258 = tpu.memref_slice %arg3[%add3A, %mul3A_235, %dma_wait3A_257] : memref<32x160x128xi32, #tpu.memory_space<hbm>> -> memref<1x16x128xi32, #tpu.memory_space<hbm>>
          %dma_wait3A_259 = tpu.memref_squeeze %dma_wait3A_258 : memref<1x16x128xi32, #tpu.memory_space<hbm>> -> memref<16x128xi32, #tpu.memory_space<hbm>>
          %dma_wait3A_260 = arith.constant 0 : i32
          %dma_wait3A_261 = arith.constant 0 : i32
          %dma_wait3A_262 = tpu.memref_slice %arg6[%select_n3A_233, %dma_wait3A_260, %dma_wait3A_261] : memref<2x16x128xi32, #tpu.memory_space<vmem>> -> memref<1x16x128xi32, #tpu.memory_space<vmem>>
          %dma_wait3A_263 = tpu.memref_squeeze %dma_wait3A_262 : memref<1x16x128xi32, #tpu.memory_space<vmem>> -> memref<16x128xi32, #tpu.memory_space<vmem>>
          %dma_wait3A_264 = arith.constant 0 : i32
          %dma_wait3A_265 = tpu.memref_slice %arg3[%add3A, %mul3A_235, %dma_wait3A_264] : memref<32x160x128xi32, #tpu.memory_space<hbm>> -> memref<1x16x128xi32, #tpu.memory_space<hbm>>
          %dma_wait3A_266 = tpu.memref_squeeze %dma_wait3A_265 : memref<1x16x128xi32, #tpu.memory_space<hbm>> -> memref<16x128xi32, #tpu.memory_space<hbm>>
          tpu.wait_dma2 semaphore(%run_scoped3A_238 : memref<!tpu.dma_semaphore, #tpu.memory_space<semaphore_mem>>) src(%dma_wait3A_266 : memref<16x128xi32, #tpu.memory_space<hbm>>) dst(%dma_wait3A_263 : memref<16x128xi32, #tpu.memory_space<vmem>>)
          tpu.yield
        }) : () -> ()
        %mul3A_236 = arith.constant 16 : i32
        %mul3A_237 = arith.muli %select_n3A_95, %mul3A_236 : i32
        "tpu.region"() ({
          %run_scoped3A_238 = tpu.sem_alloc : memref<!tpu.dma_semaphore, #tpu.memory_space<semaphore_mem>>
          %dma_start3A_239 = arith.constant 0 : i32
          %dma_start3A_240 = arith.constant 0 : i32
          %dma_start3A_241 = tpu.memref_slice %arg7[%select_n3A_233, %dma_start3A_239, %dma_start3A_240] : memref<2x16x128xi32, #tpu.memory_space<vmem>> -> memref<1x16x128xi32, #tpu.memory_space<vmem>>
          %dma_start3A_242 = tpu.memref_squeeze %dma_start3A_241 : memref<1x16x128xi32, #tpu.memory_space<vmem>> -> memref<16x128xi32, #tpu.memory_space<vmem>>
          %dma_start3A_243 = arith.constant 0 : i32
          %dma_start3A_244 = tpu.memref_slice %arg4[%add3A, %mul3A_237, %dma_start3A_243] : memref<32x160x128xi32, #tpu.memory_space<hbm>> -> memref<1x16x128xi32, #tpu.memory_space<hbm>>
          %dma_start3A_245 = tpu.memref_squeeze %dma_start3A_244 : memref<1x16x128xi32, #tpu.memory_space<hbm>> -> memref<16x128xi32, #tpu.memory_space<hbm>>
          %dma_start3A_246 = arith.constant 0 : i32
          %dma_start3A_247 = arith.constant 0 : i32
          %dma_start3A_248 = tpu.memref_slice %arg7[%select_n3A_233, %dma_start3A_246, %dma_start3A_247] : memref<2x16x128xi32, #tpu.memory_space<vmem>> -> memref<1x16x128xi32, #tpu.memory_space<vmem>>
          %dma_start3A_249 = tpu.memref_squeeze %dma_start3A_248 : memref<1x16x128xi32, #tpu.memory_space<vmem>> -> memref<16x128xi32, #tpu.memory_space<vmem>>
          %dma_start3A_250 = arith.constant 0 : i32
          %dma_start3A_251 = tpu.memref_slice %arg4[%add3A, %mul3A_237, %dma_start3A_250] : memref<32x160x128xi32, #tpu.memory_space<hbm>> -> memref<1x16x128xi32, #tpu.memory_space<hbm>>
          %dma_start3A_252 = tpu.memref_squeeze %dma_start3A_251 : memref<1x16x128xi32, #tpu.memory_space<hbm>> -> memref<16x128xi32, #tpu.memory_space<hbm>>
          tpu.enqueue_dma source(%dma_start3A_252 : memref<16x128xi32, #tpu.memory_space<hbm>>) target(%dma_start3A_249 : memref<16x128xi32, #tpu.memory_space<vmem>>) target_semaphore(%run_scoped3A_238 : memref<!tpu.dma_semaphore, #tpu.memory_space<semaphore_mem>>)
          %dma_wait3A_253 = arith.constant 0 : i32
          %dma_wait3A_254 = arith.constant 0 : i32
          %dma_wait3A_255 = tpu.memref_slice %arg7[%select_n3A_233, %dma_wait3A_253, %dma_wait3A_254] : memref<2x16x128xi32, #tpu.memory_space<vmem>> -> memref<1x16x128xi32, #tpu.memory_space<vmem>>
          %dma_wait3A_256 = tpu.memref_squeeze %dma_wait3A_255 : memref<1x16x128xi32, #tpu.memory_space<vmem>> -> memref<16x128xi32, #tpu.memory_space<vmem>>
          %dma_wait3A_257 = arith.constant 0 : i32
          %dma_wait3A_258 = tpu.memref_slice %arg4[%add3A, %mul3A_237, %dma_wait3A_257] : memref<32x160x128xi32, #tpu.memory_space<hbm>> -> memref<1x16x128xi32, #tpu.memory_space<hbm>>
          %dma_wait3A_259 = tpu.memref_squeeze %dma_wait3A_258 : memref<1x16x128xi32, #tpu.memory_space<hbm>> -> memref<16x128xi32, #tpu.memory_space<hbm>>
          %dma_wait3A_260 = arith.constant 0 : i32
          %dma_wait3A_261 = arith.constant 0 : i32
          %dma_wait3A_262 = tpu.memref_slice %arg7[%select_n3A_233, %dma_wait3A_260, %dma_wait3A_261] : memref<2x16x128xi32, #tpu.memory_space<vmem>> -> memref<1x16x128xi32, #tpu.memory_space<vmem>>
          %dma_wait3A_263 = tpu.memref_squeeze %dma_wait3A_262 : memref<1x16x128xi32, #tpu.memory_space<vmem>> -> memref<16x128xi32, #tpu.memory_space<vmem>>
          %dma_wait3A_264 = arith.constant 0 : i32
          %dma_wait3A_265 = tpu.memref_slice %arg4[%add3A, %mul3A_237, %dma_wait3A_264] : memref<32x160x128xi32, #tpu.memory_space<hbm>> -> memref<1x16x128xi32, #tpu.memory_space<hbm>>
          %dma_wait3A_266 = tpu.memref_squeeze %dma_wait3A_265 : memref<1x16x128xi32, #tpu.memory_space<hbm>> -> memref<16x128xi32, #tpu.memory_space<hbm>>
          tpu.wait_dma2 semaphore(%run_scoped3A_238 : memref<!tpu.dma_semaphore, #tpu.memory_space<semaphore_mem>>) src(%dma_wait3A_266 : memref<16x128xi32, #tpu.memory_space<hbm>>) dst(%dma_wait3A_263 : memref<16x128xi32, #tpu.memory_space<vmem>>)
          tpu.yield
        }) : () -> ()
      } else {
      }
      %jit3A_120 = arith.constant 16 : i32
      %div3A_121 = arith.divsi %scan3A_61, %jit3A_120 : i32
      %sign3A_122 = arith.constant 0 : i32
      %sign3A_123 = arith.cmpi sgt, %scan3A_61, %sign3A_122 : i32
      %sign3A_124 = arith.extui %sign3A_123 : i1 to i32
      %sign3A_125 = arith.constant 0 : i32
      %sign3A_126 = arith.cmpi slt, %scan3A_61, %sign3A_125 : i32
      %sign3A_127 = arith.extui %sign3A_126 : i1 to i32
      %sign3A_128 = arith.subi %sign3A_124, %sign3A_127 : i32
      %sign3A_129 = arith.constant 0 : i32
      %sign3A_130 = arith.cmpi sgt, %jit3A_120, %sign3A_129 : i32
      %sign3A_131 = arith.extui %sign3A_130 : i1 to i32
      %sign3A_132 = arith.constant 0 : i32
      %sign3A_133 = arith.cmpi slt, %jit3A_120, %sign3A_132 : i32
      %sign3A_134 = arith.extui %sign3A_133 : i1 to i32
      %sign3A_135 = arith.subi %sign3A_131, %sign3A_134 : i32
      %ne3A_136 = arith.cmpi ne, %sign3A_128, %sign3A_135 : i32
      %rem3A_137 = arith.remsi %scan3A_61, %jit3A_120 : i32
      %ne3A_138 = arith.constant 0 : i32
      %ne3A_139 = arith.cmpi ne, %rem3A_137, %ne3A_138 : i32
      %and3A_140 = arith.andi %ne3A_136, %ne3A_139 : i1
      %sub3A_141 = arith.constant 1 : i32
      %sub3A_142 = arith.subi %div3A_121, %sub3A_141 : i32
      %select_n3A_143 = arith.select %and3A_140, %sub3A_142, %div3A_121 : i32
      %jit3A_144 = arith.constant 2 : i32
      %eq3A_145 = arith.constant 0 : i32
      %eq3A_146 = arith.cmpi eq, %jit3A_144, %eq3A_145 : i32
      %jit3A_147 = arith.constant 1 : i32
      %select_n3A_148 = arith.select %eq3A_146, %jit3A_147, %jit3A_144 : i32
      %rem3A_149 = arith.remsi %select_n3A_143, %select_n3A_148 : i32
      %ne3A_150 = arith.constant 0 : i32
      %ne3A_151 = arith.cmpi ne, %rem3A_149, %ne3A_150 : i32
      %lt3A_152 = arith.constant 0 : i32
      %lt3A_153 = arith.cmpi slt, %rem3A_149, %lt3A_152 : i32
      %lt3A_154 = arith.constant 0 : i32
      %lt3A_155 = arith.cmpi slt, %select_n3A_148, %lt3A_154 : i32
      %ne3A_156 = arith.xori %lt3A_153, %lt3A_155 : i1
      %and3A_157 = arith.andi %ne3A_156, %ne3A_151 : i1
      %add3A_158 = arith.addi %rem3A_149, %select_n3A_148 : i32
      %select_n3A_159 = arith.select %and3A_157, %add3A_158, %rem3A_149 : i32
      %lt3A_160 = arith.constant 160 : i32
      %lt3A_161 = arith.cmpi slt, %add3A_74, %lt3A_160 : i32
      %convert_element_type3A_162 = arith.extui %lt3A_161 : i1 to i32
      %cond3A_163 = arith.constant 0 : i32
      %cond3A_164 = arith.cmpi ne, %convert_element_type3A_162, %cond3A_163 : i32
      scf.if %cond3A_164 {
        %ge3A = arith.constant 1 : i32
        %ge3A_218 = arith.cmpi sge, %scan3A_61, %ge3A : i32
        %convert_element_type3A_219 = arith.extui %ge3A_218 : i1 to i32
        %cond3A_220 = arith.constant 0 : i32
        %cond3A_221 = arith.cmpi ne, %convert_element_type3A_219, %cond3A_220 : i32
        scf.if %cond3A_221 {
          %sub3A_290 = arith.constant 1 : i32
          %sub3A_291 = arith.subi %sub3A_290, %select_n3A_72 : i32
          %dma_wait3A_292 = arith.constant 0 : i32
          %dma_wait3A_293 = arith.constant 0 : i32
          %dma_wait3A_294 = arith.constant 0 : i32
          %dma_wait3A_295 = arith.constant 0 : i32
          %dma_wait3A_296 = tpu.memref_slice %arg8[%sub3A_291, %dma_wait3A_294, %dma_wait3A_295] : memref<2x128x128xf32, #tpu.memory_space<vmem>> -> memref<1x128x128xf32, #tpu.memory_space<vmem>>
          %dma_wait3A_297 = tpu.memref_squeeze %dma_wait3A_296 : memref<1x128x128xf32, #tpu.memory_space<vmem>> -> memref<128x128xf32, #tpu.memory_space<vmem>>
          %dma_wait3A_298 = arith.constant 0 : i32
          %dma_wait3A_299 = tpu.memref_slice %arg7[%dma_wait3A_292, %dma_wait3A_293, %dma_wait3A_298] : memref<2x16x128xi32, #tpu.memory_space<vmem>> -> memref<1x1x128xi32, #tpu.memory_space<vmem>>
          %dma_wait3A_300 = tpu.memref_squeeze %dma_wait3A_299 : memref<1x1x128xi32, #tpu.memory_space<vmem>> -> memref<128xi32, #tpu.memory_space<vmem>>
          %dma_wait3A_301 = arith.constant 0 : i32
          %dma_wait3A_302 = arith.constant 0 : i32
          %dma_wait3A_303 = tpu.memref_slice %arg9[%dma_wait3A_301, %dma_wait3A_302] : memref<10240x128xf32, #tpu.memory_space<vmem_shared>> -> memref<10240x128xf32, #tpu.memory_space<vmem_shared>>
          tpu.wait_indirect_dma semaphore(%arg11 : memref<!tpu.dma_semaphore, #tpu.memory_space<semaphore_mem>>) src(%dma_wait3A_297 : memref<128x128xf32, #tpu.memory_space<vmem>>) dst(%dma_wait3A_303 : memref<10240x128xf32, #tpu.memory_space<vmem_shared>>)
        } else {
        }
        %jit3A_222 = arith.constant 16 : i32
        %div3A_223 = arith.divsi %add3A_74, %jit3A_222 : i32
        %sign3A_224 = arith.constant 0 : i32
        %sign3A_225 = arith.cmpi sgt, %add3A_74, %sign3A_224 : i32
        %sign3A_226 = arith.extui %sign3A_225 : i1 to i32
        %sign3A_227 = arith.constant 0 : i32
        %sign3A_228 = arith.cmpi slt, %add3A_74, %sign3A_227 : i32
        %sign3A_229 = arith.extui %sign3A_228 : i1 to i32
        %sign3A_230 = arith.subi %sign3A_226, %sign3A_229 : i32
        %sign3A_231 = arith.constant 0 : i32
        %sign3A_232 = arith.cmpi sgt, %jit3A_222, %sign3A_231 : i32
        %sign3A_233 = arith.extui %sign3A_232 : i1 to i32
        %sign3A_234 = arith.constant 0 : i32
        %sign3A_235 = arith.cmpi slt, %jit3A_222, %sign3A_234 : i32
        %sign3A_236 = arith.extui %sign3A_235 : i1 to i32
        %sign3A_237 = arith.subi %sign3A_233, %sign3A_236 : i32
        %ne3A_238 = arith.cmpi ne, %sign3A_230, %sign3A_237 : i32
        %rem3A_239 = arith.remsi %add3A_74, %jit3A_222 : i32
        %ne3A_240 = arith.constant 0 : i32
        %ne3A_241 = arith.cmpi ne, %rem3A_239, %ne3A_240 : i32
        %and3A_242 = arith.andi %ne3A_238, %ne3A_241 : i1
        %sub3A_243 = arith.constant 1 : i32
        %sub3A_244 = arith.subi %div3A_223, %sub3A_243 : i32
        %select_n3A_245 = arith.select %and3A_242, %sub3A_244, %div3A_223 : i32
        %jit3A_246 = arith.constant 2 : i32
        %eq3A_247 = arith.constant 0 : i32
        %eq3A_248 = arith.cmpi eq, %jit3A_246, %eq3A_247 : i32
        %jit3A_249 = arith.constant 1 : i32
        %select_n3A_250 = arith.select %eq3A_248, %jit3A_249, %jit3A_246 : i32
        %rem3A_251 = arith.remsi %select_n3A_245, %select_n3A_250 : i32
        %ne3A_252 = arith.constant 0 : i32
        %ne3A_253 = arith.cmpi ne, %rem3A_251, %ne3A_252 : i32
        %lt3A_254 = arith.constant 0 : i32
        %lt3A_255 = arith.cmpi slt, %rem3A_251, %lt3A_254 : i32
        %lt3A_256 = arith.constant 0 : i32
        %lt3A_257 = arith.cmpi slt, %select_n3A_250, %lt3A_256 : i32
        %ne3A_258 = arith.xori %lt3A_255, %lt3A_257 : i1
        %and3A_259 = arith.andi %ne3A_258, %ne3A_253 : i1
        %add3A_260 = arith.addi %rem3A_251, %select_n3A_250 : i32
        %select_n3A_261 = arith.select %and3A_259, %add3A_260, %rem3A_251 : i32
        %jit3A_262 = arith.constant 16 : i32
        %eq3A_263 = arith.constant 0 : i32
        %eq3A_264 = arith.cmpi eq, %jit3A_262, %eq3A_263 : i32
        %jit3A_265 = arith.constant 1 : i32
        %select_n3A_266 = arith.select %eq3A_264, %jit3A_265, %jit3A_262 : i32
        %rem3A_267 = arith.remsi %add3A_74, %select_n3A_266 : i32
        %ne3A_268 = arith.constant 0 : i32
        %ne3A_269 = arith.cmpi ne, %rem3A_267, %ne3A_268 : i32
        %lt3A_270 = arith.constant 0 : i32
        %lt3A_271 = arith.cmpi slt, %rem3A_267, %lt3A_270 : i32
        %lt3A_272 = arith.constant 0 : i32
        %lt3A_273 = arith.cmpi slt, %select_n3A_266, %lt3A_272 : i32
        %ne3A_274 = arith.xori %lt3A_271, %lt3A_273 : i1
        %and3A_275 = arith.andi %ne3A_274, %ne3A_269 : i1
        %add3A_276 = arith.addi %rem3A_267, %select_n3A_266 : i32
        %select_n3A_277 = arith.select %and3A_275, %add3A_276, %rem3A_267 : i32
        %sub3A_278 = arith.constant 1 : i32
        %sub3A_279 = arith.subi %sub3A_278, %select_n3A_72 : i32
        %dma_start3A_280 = arith.constant 0 : i32
        %dma_start3A_281 = arith.constant 0 : i32
        %dma_start3A_282 = tpu.memref_slice %arg8[%sub3A_279, %dma_start3A_280, %dma_start3A_281] : memref<2x128x128xf32, #tpu.memory_space<vmem>> -> memref<1x128x128xf32, #tpu.memory_space<vmem>>
        %dma_start3A_283 = tpu.memref_squeeze %dma_start3A_282 : memref<1x128x128xf32, #tpu.memory_space<vmem>> -> memref<128x128xf32, #tpu.memory_space<vmem>>
        %dma_start3A_284 = arith.constant 0 : i32
        %dma_start3A_285 = tpu.memref_slice %arg6[%select_n3A_261, %select_n3A_277, %dma_start3A_284] : memref<2x16x128xi32, #tpu.memory_space<vmem>> -> memref<1x1x128xi32, #tpu.memory_space<vmem>>
        %dma_start3A_286 = tpu.memref_squeeze %dma_start3A_285 : memref<1x1x128xi32, #tpu.memory_space<vmem>> -> memref<128xi32, #tpu.memory_space<vmem>>
        %dma_start3A_287 = arith.constant 0 : i32
        %dma_start3A_288 = arith.constant 0 : i32
        %dma_start3A_289 = tpu.memref_slice %arg2[%dma_start3A_287, %dma_start3A_288] : memref<20000x128xf32, #tpu.memory_space<hbm>> -> memref<20000x128xf32, #tpu.memory_space<hbm>>
        tpu.enqueue_indirect_dma source(%dma_start3A_289 : memref<20000x128xf32, #tpu.memory_space<hbm>>) target(%dma_start3A_283 : memref<128x128xf32, #tpu.memory_space<vmem>>) offsets(%dma_start3A_286 : memref<128xi32, #tpu.memory_space<vmem>>) semaphore(%arg10 : memref<!tpu.dma_semaphore, #tpu.memory_space<semaphore_mem>>)
      } else {
      }
      %jit3A_165 = arith.constant 16 : i32
      %eq3A_166 = arith.constant 0 : i32
      %eq3A_167 = arith.cmpi eq, %jit3A_165, %eq3A_166 : i32
      %jit3A_168 = arith.constant 1 : i32
      %select_n3A_169 = arith.select %eq3A_167, %jit3A_168, %jit3A_165 : i32
      %rem3A_170 = arith.remsi %scan3A_61, %select_n3A_169 : i32
      %ne3A_171 = arith.constant 0 : i32
      %ne3A_172 = arith.cmpi ne, %rem3A_170, %ne3A_171 : i32
      %lt3A_173 = arith.constant 0 : i32
      %lt3A_174 = arith.cmpi slt, %rem3A_170, %lt3A_173 : i32
      %lt3A_175 = arith.constant 0 : i32
      %lt3A_176 = arith.cmpi slt, %select_n3A_169, %lt3A_175 : i32
      %ne3A_177 = arith.xori %lt3A_174, %lt3A_176 : i1
      %and3A_178 = arith.andi %ne3A_177, %ne3A_172 : i1
      %add3A_179 = arith.addi %rem3A_170, %select_n3A_169 : i32
      %select_n3A_180 = arith.select %and3A_178, %add3A_179, %rem3A_170 : i32
      %dma_wait3A_181 = arith.constant 0 : i32
      %dma_wait3A_182 = arith.constant 0 : i32
      %dma_wait3A_183 = tpu.memref_slice %arg8[%select_n3A_72, %dma_wait3A_181, %dma_wait3A_182] : memref<2x128x128xf32, #tpu.memory_space<vmem>> -> memref<1x128x128xf32, #tpu.memory_space<vmem>>
      %dma_wait3A_184 = tpu.memref_squeeze %dma_wait3A_183 : memref<1x128x128xf32, #tpu.memory_space<vmem>> -> memref<128x128xf32, #tpu.memory_space<vmem>>
      %dma_wait3A_185 = arith.constant 0 : i32
      %dma_wait3A_186 = tpu.memref_slice %arg6[%select_n3A_159, %select_n3A_180, %dma_wait3A_185] : memref<2x16x128xi32, #tpu.memory_space<vmem>> -> memref<1x1x128xi32, #tpu.memory_space<vmem>>
      %dma_wait3A_187 = tpu.memref_squeeze %dma_wait3A_186 : memref<1x1x128xi32, #tpu.memory_space<vmem>> -> memref<128xi32, #tpu.memory_space<vmem>>
      %dma_wait3A_188 = arith.constant 0 : i32
      %dma_wait3A_189 = arith.constant 0 : i32
      %dma_wait3A_190 = tpu.memref_slice %arg2[%dma_wait3A_188, %dma_wait3A_189] : memref<20000x128xf32, #tpu.memory_space<hbm>> -> memref<20000x128xf32, #tpu.memory_space<hbm>>
      tpu.wait_indirect_dma semaphore(%arg10 : memref<!tpu.dma_semaphore, #tpu.memory_space<semaphore_mem>>) src(%dma_wait3A_190 : memref<20000x128xf32, #tpu.memory_space<hbm>>) dst(%dma_wait3A_184 : memref<128x128xf32, #tpu.memory_space<vmem>>)
      %jit3A_191 = arith.constant 16 : i32
      %eq3A_192 = arith.constant 0 : i32
      %eq3A_193 = arith.cmpi eq, %jit3A_191, %eq3A_192 : i32
      %jit3A_194 = arith.constant 1 : i32
      %select_n3A_195 = arith.select %eq3A_193, %jit3A_194, %jit3A_191 : i32
      %rem3A_196 = arith.remsi %scan3A_61, %select_n3A_195 : i32
      %ne3A_197 = arith.constant 0 : i32
      %ne3A_198 = arith.cmpi ne, %rem3A_196, %ne3A_197 : i32
      %lt3A_199 = arith.constant 0 : i32
      %lt3A_200 = arith.cmpi slt, %rem3A_196, %lt3A_199 : i32
      %lt3A_201 = arith.constant 0 : i32
      %lt3A_202 = arith.cmpi slt, %select_n3A_195, %lt3A_201 : i32
      %ne3A_203 = arith.xori %lt3A_200, %lt3A_202 : i1
      %and3A_204 = arith.andi %ne3A_203, %ne3A_198 : i1
      %add3A_205 = arith.addi %rem3A_196, %select_n3A_195 : i32
      %select_n3A_206 = arith.select %and3A_204, %add3A_205, %rem3A_196 : i32
      %dma_start3A_207 = arith.constant 0 : i32
      %dma_start3A_208 = arith.constant 0 : i32
      %dma_start3A_209 = tpu.memref_slice %arg8[%select_n3A_72, %dma_start3A_207, %dma_start3A_208] : memref<2x128x128xf32, #tpu.memory_space<vmem>> -> memref<1x128x128xf32, #tpu.memory_space<vmem>>
      %dma_start3A_210 = tpu.memref_squeeze %dma_start3A_209 : memref<1x128x128xf32, #tpu.memory_space<vmem>> -> memref<128x128xf32, #tpu.memory_space<vmem>>
      %dma_start3A_211 = arith.constant 0 : i32
      %dma_start3A_212 = tpu.memref_slice %arg7[%select_n3A_159, %select_n3A_206, %dma_start3A_211] : memref<2x16x128xi32, #tpu.memory_space<vmem>> -> memref<1x1x128xi32, #tpu.memory_space<vmem>>
      %dma_start3A_213 = tpu.memref_squeeze %dma_start3A_212 : memref<1x1x128xi32, #tpu.memory_space<vmem>> -> memref<128xi32, #tpu.memory_space<vmem>>
      %dma_start3A_214 = arith.constant 0 : i32
      %dma_start3A_215 = arith.constant 0 : i32
      %dma_start3A_216 = tpu.memref_slice %arg9[%dma_start3A_214, %dma_start3A_215] : memref<10240x128xf32, #tpu.memory_space<vmem_shared>> -> memref<10240x128xf32, #tpu.memory_space<vmem_shared>>
      tpu.enqueue_indirect_dma source(%dma_start3A_210 : memref<128x128xf32, #tpu.memory_space<vmem>>) target(%dma_start3A_216 : memref<10240x128xf32, #tpu.memory_space<vmem_shared>>) offsets(%dma_start3A_213 : memref<128xi32, #tpu.memory_space<vmem>>) semaphore(%arg11 : memref<!tpu.dma_semaphore, #tpu.memory_space<semaphore_mem>>) {add = true}
      %scan3A_217 = arith.constant 0 : i32
      scf.yield %scan3A_217 : i32
    }
    %scan3A_43 = arith.constant 160 : i32
    %dma_wait3A = arith.constant 1 : i32
    %dma_wait3A_44 = arith.constant 0 : i32
    %dma_wait3A_45 = arith.constant 0 : i32
    %dma_wait3A_46 = arith.constant 0 : i32
    %dma_wait3A_47 = arith.constant 0 : i32
    %dma_wait3A_48 = tpu.memref_slice %arg8[%dma_wait3A, %dma_wait3A_46, %dma_wait3A_47] : memref<2x128x128xf32, #tpu.memory_space<vmem>> -> memref<1x128x128xf32, #tpu.memory_space<vmem>>
    %dma_wait3A_49 = tpu.memref_squeeze %dma_wait3A_48 : memref<1x128x128xf32, #tpu.memory_space<vmem>> -> memref<128x128xf32, #tpu.memory_space<vmem>>
    %dma_wait3A_50 = arith.constant 0 : i32
    %dma_wait3A_51 = tpu.memref_slice %arg7[%dma_wait3A_44, %dma_wait3A_45, %dma_wait3A_50] : memref<2x16x128xi32, #tpu.memory_space<vmem>> -> memref<1x1x128xi32, #tpu.memory_space<vmem>>
    %dma_wait3A_52 = tpu.memref_squeeze %dma_wait3A_51 : memref<1x1x128xi32, #tpu.memory_space<vmem>> -> memref<128xi32, #tpu.memory_space<vmem>>
    %dma_wait3A_53 = arith.constant 0 : i32
    %dma_wait3A_54 = arith.constant 0 : i32
    %dma_wait3A_55 = tpu.memref_slice %arg9[%dma_wait3A_53, %dma_wait3A_54] : memref<10240x128xf32, #tpu.memory_space<vmem_shared>> -> memref<10240x128xf32, #tpu.memory_space<vmem_shared>>
    tpu.wait_indirect_dma semaphore(%arg11 : memref<!tpu.dma_semaphore, #tpu.memory_space<semaphore_mem>>) src(%dma_wait3A_49 : memref<128x128xf32, #tpu.memory_space<vmem>>) dst(%dma_wait3A_55 : memref<10240x128xf32, #tpu.memory_space<vmem_shared>>)
    %barrier3A_56 = arith.constant 0 : index
    tpu.barrier barrier_id(%barrier3A_56)
    %mul3A_57 = arith.constant 624 : i32
    %mul3A_58 = arith.muli %arg1, %mul3A_57 : i32
    "tpu.region"() ({
      %run_scoped3A_61 = tpu.sem_alloc : memref<!tpu.dma_semaphore, #tpu.memory_space<semaphore_mem>>
      %dma_start3A_62 = arith.constant 0 : i32
      %dma_start3A_63 = tpu.memref_slice %arg5[%arg0, %mul3A_58, %dma_start3A_62] : memref<2x10000x128xf32, #tpu.memory_space<hbm>> -> memref<1x624x128xf32, #tpu.memory_space<hbm>>
      %dma_start3A_64 = tpu.memref_squeeze %dma_start3A_63 : memref<1x624x128xf32, #tpu.memory_space<hbm>> -> memref<624x128xf32, #tpu.memory_space<hbm>>
      %dma_start3A_65 = arith.constant 0 : i32
      %dma_start3A_66 = tpu.memref_slice %arg9[%mul3A_58, %dma_start3A_65] : memref<10240x128xf32, #tpu.memory_space<vmem_shared>> -> memref<624x128xf32, #tpu.memory_space<vmem_shared>>
      tpu.enqueue_dma source(%dma_start3A_66 : memref<624x128xf32, #tpu.memory_space<vmem_shared>>) target(%dma_start3A_64 : memref<624x128xf32, #tpu.memory_space<hbm>>) target_semaphore(%run_scoped3A_61 : memref<!tpu.dma_semaphore, #tpu.memory_space<semaphore_mem>>)
      %dma_wait3A_67 = arith.constant 0 : i32
      %dma_wait3A_68 = tpu.memref_slice %arg5[%arg0, %mul3A_58, %dma_wait3A_67] : memref<2x10000x128xf32, #tpu.memory_space<hbm>> -> memref<1x624x128xf32, #tpu.memory_space<hbm>>
      %dma_wait3A_69 = tpu.memref_squeeze %dma_wait3A_68 : memref<1x624x128xf32, #tpu.memory_space<hbm>> -> memref<624x128xf32, #tpu.memory_space<hbm>>
      %dma_wait3A_70 = arith.constant 0 : i32
      %dma_wait3A_71 = tpu.memref_slice %arg9[%mul3A_58, %dma_wait3A_70] : memref<10240x128xf32, #tpu.memory_space<vmem_shared>> -> memref<624x128xf32, #tpu.memory_space<vmem_shared>>
      tpu.wait_dma2 semaphore(%run_scoped3A_61 : memref<!tpu.dma_semaphore, #tpu.memory_space<semaphore_mem>>) src(%dma_wait3A_71 : memref<624x128xf32, #tpu.memory_space<vmem_shared>>) dst(%dma_wait3A_69 : memref<624x128xf32, #tpu.memory_space<hbm>>)
      tpu.yield
    }) : () -> ()
    %eq3A = arith.constant 0 : i32
    %eq3A_59 = arith.cmpi eq, %arg1, %eq3A : i32
    %convert_element_type3A = arith.extui %eq3A_59 : i1 to i32
    %cond3A = arith.constant 0 : i32
    %cond3A_60 = arith.cmpi ne, %convert_element_type3A, %cond3A : i32
    scf.if %cond3A_60 {
      "tpu.region"() ({
        %run_scoped3A_61 = tpu.sem_alloc : memref<!tpu.dma_semaphore, #tpu.memory_space<semaphore_mem>>
        %dma_start3A_62 = arith.constant 9984 : i32
        %dma_start3A_63 = arith.constant 0 : i32
        %dma_start3A_64 = tpu.memref_slice %arg5[%arg0, %dma_start3A_62, %dma_start3A_63] : memref<2x10000x128xf32, #tpu.memory_space<hbm>> -> memref<1x16x128xf32, #tpu.memory_space<hbm>>
        %dma_start3A_65 = tpu.memref_squeeze %dma_start3A_64 : memref<1x16x128xf32, #tpu.memory_space<hbm>> -> memref<16x128xf32, #tpu.memory_space<hbm>>
        %dma_start3A_66 = arith.constant 9984 : i32
        %dma_start3A_67 = arith.constant 0 : i32
        %dma_start3A_68 = tpu.memref_slice %arg9[%dma_start3A_66, %dma_start3A_67] : memref<10240x128xf32, #tpu.memory_space<vmem_shared>> -> memref<16x128xf32, #tpu.memory_space<vmem_shared>>
        tpu.enqueue_dma source(%dma_start3A_68 : memref<16x128xf32, #tpu.memory_space<vmem_shared>>) target(%dma_start3A_65 : memref<16x128xf32, #tpu.memory_space<hbm>>) target_semaphore(%run_scoped3A_61 : memref<!tpu.dma_semaphore, #tpu.memory_space<semaphore_mem>>)
        %dma_wait3A_69 = arith.constant 9984 : i32
        %dma_wait3A_70 = arith.constant 0 : i32
        %dma_wait3A_71 = tpu.memref_slice %arg5[%arg0, %dma_wait3A_69, %dma_wait3A_70] : memref<2x10000x128xf32, #tpu.memory_space<hbm>> -> memref<1x16x128xf32, #tpu.memory_space<hbm>>
        %dma_wait3A_72 = tpu.memref_squeeze %dma_wait3A_71 : memref<1x16x128xf32, #tpu.memory_space<hbm>> -> memref<16x128xf32, #tpu.memory_space<hbm>>
        %dma_wait3A_73 = arith.constant 9984 : i32
        %dma_wait3A_74 = arith.constant 0 : i32
        %dma_wait3A_75 = tpu.memref_slice %arg9[%dma_wait3A_73, %dma_wait3A_74] : memref<10240x128xf32, #tpu.memory_space<vmem_shared>> -> memref<16x128xf32, #tpu.memory_space<vmem_shared>>
        tpu.wait_dma2 semaphore(%run_scoped3A_61 : memref<!tpu.dma_semaphore, #tpu.memory_space<semaphore_mem>>) src(%dma_wait3A_75 : memref<16x128xf32, #tpu.memory_space<vmem_shared>>) dst(%dma_wait3A_72 : memref<16x128xf32, #tpu.memory_space<hbm>>)
        tpu.yield
      }) : () -> ()
    } else {
    }
    return
  }
}

module attributes {stable_mosaic.version = 14 : i64} {
  func.func @_enc_body(%arg0: i32, %arg1: memref<2000x128xf32, #tpu.memory_space<vmem>>, %arg2: memref<128x128xf32, #tpu.memory_space<vmem>>, %arg3: memref<1x128xf32, #tpu.memory_space<vmem>>, %arg4: memref<2x2000x128xf32, #tpu.memory_space<vmem>>) attributes {dimension_semantics = [#tpu.dimension_semantics<arbitrary>], iteration_bounds = array<i64: 5>, scalar_prefetch = 0 : i64, scratch_operands = 0 : i64, tpu.core_type = #tpu.core_type<tc>, window_params = [{transform_indices = @transform_0, window_bounds = array<i64: 2000, 128>}, {pipeline_mode = #tpu.pipeline_mode<synchronous>, transform_indices = @transform_1, window_bounds = array<i64: 128, 128>}, {pipeline_mode = #tpu.pipeline_mode<synchronous>, transform_indices = @transform_2, window_bounds = array<i64: 1, 128>}, {transform_indices = @transform_3, window_bounds = array<i64: 2, 2000, 128>}]} {
    %get3A = arith.constant 0 : index
    %get3A_0 = arith.constant 0 : index
    %get3A_1 = vector.load %arg1[%get3A, %get3A_0] : memref<2000x128xf32, #tpu.memory_space<vmem>>, vector<2000x128xf32>
    %get3A_2 = arith.constant 0 : index
    %get3A_3 = arith.constant 0 : index
    %get3A_4 = vector.load %arg2[%get3A_2, %get3A_3] : memref<128x128xf32, #tpu.memory_space<vmem>>, vector<128x128xf32>
    %dot_general3A = arith.constant dense<0.000000e+00> : vector<2000x128xf32>
    %dot_general3A_5 = tpu.matmul %get3A_1, %get3A_4, %dot_general3A {dimension_numbers = #tpu.dot_dimension_numbers<[1], [1], [0], [0], [0, 0, 1, 0], [], []>, transpose_lhs_hint = false} : vector<2000x128xf32>, vector<128x128xf32>, vector<2000x128xf32> -> vector<2000x128xf32>
    %get3A_6 = arith.constant 0 : index
    %get3A_7 = arith.constant 0 : index
    %get3A_8 = vector.load %arg3[%get3A_6, %get3A_7] : memref<1x128xf32, #tpu.memory_space<vmem>>, vector<1x128xf32>
    %add3A = vector.broadcast %get3A_8 : vector<1x128xf32> to vector<2000x128xf32>
    %add3A_9 = arith.addf %dot_general3A_5, %add3A : vector<2000x128xf32>
    %max3A = arith.constant 0.000000e+00 : f32
    %max3A_10 = vector.broadcast %max3A : f32 to vector<2000x128xf32>
    %max3A_11 = arith.maximumf %add3A_9, %max3A_10 : vector<2000x128xf32>
    %swap3A = arith.constant 0 : index
    %swap3A_12 = arith.constant 0 : index
    %swap3A_13 = arith.constant 0 : index
    %swap3A_14 = vector.load %arg4[%swap3A, %swap3A_12, %swap3A_13] : memref<2x2000x128xf32, #tpu.memory_space<vmem>>, vector<1x2000x128xf32>
    %swap3A_15 = vector.shape_cast %swap3A_14 : vector<1x2000x128xf32> to vector<2000x128xf32>
    %swap3A_16 = vector.shape_cast %max3A_11 : vector<2000x128xf32> to vector<1x2000x128xf32>
    tpu.vector_store %arg4[%swap3A, %swap3A_12, %swap3A_13], %swap3A_16 {strides = array<i32>} : memref<2x2000x128xf32, #tpu.memory_space<vmem>>, vector<1x2000x128xf32>,
    %swap3A_17 = arith.constant 1 : index
    %swap3A_18 = arith.constant 0 : index
    %swap3A_19 = arith.constant 0 : index
    %swap3A_20 = vector.load %arg4[%swap3A_17, %swap3A_18, %swap3A_19] : memref<2x2000x128xf32, #tpu.memory_space<vmem>>, vector<1x2000x128xf32>
    %swap3A_21 = vector.shape_cast %swap3A_20 : vector<1x2000x128xf32> to vector<2000x128xf32>
    %swap3A_22 = vector.shape_cast %max3A_11 : vector<2000x128xf32> to vector<1x2000x128xf32>
    tpu.vector_store %arg4[%swap3A_17, %swap3A_18, %swap3A_19], %swap3A_22 {strides = array<i32>} : memref<2x2000x128xf32, #tpu.memory_space<vmem>>, vector<1x2000x128xf32>,
    return
  }
  func.func @transform_0(%arg0: i32) -> (i32, i32) {
    %c0_i32 = arith.constant 0 : i32
    %c0_i32_0 = arith.constant 0 : i32
    return %arg0, %c0_i32 : i32, i32
  }
  func.func @transform_1(%arg0: i32) -> (i32, i32) {
    %c0_i32 = arith.constant 0 : i32
    %c0_i32_0 = arith.constant 0 : i32
    %c0_i32_1 = arith.constant 0 : i32
    return %c0_i32, %c0_i32_0 : i32, i32
  }
  func.func @transform_2(%arg0: i32) -> (i32, i32) {
    %c0_i32 = arith.constant 0 : i32
    %c0_i32_0 = arith.constant 0 : i32
    %c0_i32_1 = arith.constant 0 : i32
    return %c0_i32, %c0_i32_0 : i32, i32
  }
  func.func @transform_3(%arg0: i32) -> (i32, i32, i32) {
    %c0_i32 = arith.constant 0 : i32
    %c0_i32_0 = arith.constant 0 : i32
    %c0_i32_1 = arith.constant 0 : i32
    return %c0_i32, %arg0, %c0_i32_0 : i32, i32, i32
  }
}

module attributes {stable_mosaic.version = 14 : i64} {
  func.func @_b_body(%arg0: i32, %arg1: memref<2x2000x128xf32, #tpu.memory_space<vmem>>, %arg2: memref<2x2000x128xf32, #tpu.memory_space<vmem>>, %arg3: memref<1x2000x128xf32, #tpu.memory_space<vmem>>, %arg4: memref<128x128xf32, #tpu.memory_space<vmem>>, %arg5: memref<1x128xf32, #tpu.memory_space<vmem>>, %arg6: memref<128x128xf32, #tpu.memory_space<vmem>>, %arg7: memref<128x128xf32, #tpu.memory_space<vmem>>, %arg8: memref<1x128xf32, #tpu.memory_space<vmem>>, %arg9: memref<128x128xf32, #tpu.memory_space<vmem>>, %arg10: memref<2000x128xf32, #tpu.memory_space<vmem>>, %arg11: memref<2x2000x128xf32, #tpu.memory_space<vmem>>) attributes {dimension_semantics = [#tpu.dimension_semantics<arbitrary>], iteration_bounds = array<i64: 5>, scalar_prefetch = 0 : i64, scratch_operands = 0 : i64, tpu.core_type = #tpu.core_type<tc>, window_params = [{transform_indices = @transform_0, window_bounds = array<i64: 2, 2000, 128>}, {transform_indices = @transform_1, window_bounds = array<i64: 2, 2000, 128>}, {transform_indices = @transform_2, window_bounds = array<i64: 1, 2000, 128>}, {pipeline_mode = #tpu.pipeline_mode<synchronous>, transform_indices = @transform_3, window_bounds = array<i64: 128, 128>}, {pipeline_mode = #tpu.pipeline_mode<synchronous>, transform_indices = @transform_4, window_bounds = array<i64: 1, 128>}, {pipeline_mode = #tpu.pipeline_mode<synchronous>, transform_indices = @transform_5, window_bounds = array<i64: 128, 128>}, {pipeline_mode = #tpu.pipeline_mode<synchronous>, transform_indices = @transform_6, window_bounds = array<i64: 128, 128>}, {pipeline_mode = #tpu.pipeline_mode<synchronous>, transform_indices = @transform_7, window_bounds = array<i64: 1, 128>}, {pipeline_mode = #tpu.pipeline_mode<synchronous>, transform_indices = @transform_8, window_bounds = array<i64: 128, 128>}, {transform_indices = @transform_9, window_bounds = array<i64: 2000, 128>}, {transform_indices = @transform_10, window_bounds = array<i64: 2, 2000, 128>}]} {
    %get3A = arith.constant 0 : index
    %get3A_0 = arith.constant 0 : index
    %get3A_1 = arith.constant 0 : index
    %get3A_2 = vector.load %arg1[%get3A, %get3A_0, %get3A_1] : memref<2x2000x128xf32, #tpu.memory_space<vmem>>, vector<2x2000x128xf32>
    %get3A_3 = arith.constant 0 : index
    %get3A_4 = arith.constant 0 : index
    %get3A_5 = arith.constant 0 : index
    %get3A_6 = vector.load %arg2[%get3A_3, %get3A_4, %get3A_5] : memref<2x2000x128xf32, #tpu.memory_space<vmem>>, vector<1x2000x1xf32>
    %get3A_7 = vector.shape_cast %get3A_6 : vector<1x2000x1xf32> to vector<2000x1xf32>
    %max3A = arith.constant 1.000000e+00 : f32
    %max3A_8 = vector.broadcast %max3A : f32 to vector<2000x1xf32>
    %max3A_9 = arith.maximumf %get3A_7, %max3A_8 : vector<2000x1xf32>
    %slice3A = vector.extract_strided_slice %get3A_2 {offsets = [0, 0, 0], sizes = [1, 2000, 128], strides = [1, 1, 1]} : vector<2x2000x128xf32> to vector<1x2000x128xf32>
    %squeeze3A = vector.shape_cast %slice3A : vector<1x2000x128xf32> to vector<2000x128xf32>
    %slice3A_10 = vector.extract_strided_slice %get3A_2 {offsets = [1, 0, 0], sizes = [1, 2000, 128], strides = [1, 1, 1]} : vector<2x2000x128xf32> to vector<1x2000x128xf32>
    %squeeze3A_11 = vector.shape_cast %slice3A_10 : vector<1x2000x128xf32> to vector<2000x128xf32>
    %add3A = arith.addf %squeeze3A, %squeeze3A_11 : vector<2000x128xf32>
    %div3A = vector.broadcast %max3A_9 : vector<2000x1xf32> to vector<2000x128xf32>
    %div3A_12 = arith.divf %add3A, %div3A : vector<2000x128xf32>
    %get3A_13 = arith.constant 0 : index
    %get3A_14 = arith.constant 0 : index
    %get3A_15 = arith.constant 0 : index
    %get3A_16 = vector.load %arg3[%get3A_13, %get3A_14, %get3A_15] : memref<1x2000x128xf32, #tpu.memory_space<vmem>>, vector<1x2000x128xf32>
    %get3A_17 = vector.shape_cast %get3A_16 : vector<1x2000x128xf32> to vector<2000x128xf32>
    %get3A_18 = arith.constant 0 : index
    %get3A_19 = arith.constant 0 : index
    %get3A_20 = vector.load %arg4[%get3A_18, %get3A_19] : memref<128x128xf32, #tpu.memory_space<vmem>>, vector<128x128xf32>
    %dot_general3A = arith.constant dense<0.000000e+00> : vector<2000x128xf32>
    %dot_general3A_21 = tpu.matmul %div3A_12, %get3A_20, %dot_general3A {dimension_numbers = #tpu.dot_dimension_numbers<[1], [1], [0], [0], [0, 0, 1, 0], [], []>, transpose_lhs_hint = false} : vector<2000x128xf32>, vector<128x128xf32>, vector<2000x128xf32> -> vector<2000x128xf32>
    %get3A_22 = arith.constant 0 : index
    %get3A_23 = arith.constant 0 : index
    %get3A_24 = vector.load %arg5[%get3A_22, %get3A_23] : memref<1x128xf32, #tpu.memory_space<vmem>>, vector<1x128xf32>
    %add3A_25 = vector.broadcast %get3A_24 : vector<1x128xf32> to vector<2000x128xf32>
    %add3A_26 = arith.addf %dot_general3A_21, %add3A_25 : vector<2000x128xf32>
    %get3A_27 = arith.constant 0 : index
    %get3A_28 = arith.constant 0 : index
    %get3A_29 = vector.load %arg6[%get3A_27, %get3A_28] : memref<128x128xf32, #tpu.memory_space<vmem>>, vector<128x128xf32>
    %dot_general3A_30 = arith.constant dense<0.000000e+00> : vector<2000x128xf32>
    %dot_general3A_31 = tpu.matmul %get3A_17, %get3A_29, %dot_general3A_30 {dimension_numbers = #tpu.dot_dimension_numbers<[1], [1], [0], [0], [0, 0, 1, 0], [], []>, transpose_lhs_hint = false} : vector<2000x128xf32>, vector<128x128xf32>, vector<2000x128xf32> -> vector<2000x128xf32>
    %add3A_32 = arith.addf %add3A_26, %dot_general3A_31 : vector<2000x128xf32>
    %max3A_33 = arith.constant 0.000000e+00 : f32
    %max3A_34 = vector.broadcast %max3A_33 : f32 to vector<2000x128xf32>
    %max3A_35 = arith.maximumf %add3A_32, %max3A_34 : vector<2000x128xf32>
    %swap3A = arith.constant 0 : index
    %swap3A_36 = arith.constant 0 : index
    %swap3A_37 = vector.load %arg10[%swap3A, %swap3A_36] : memref<2000x128xf32, #tpu.memory_space<vmem>>, vector<2000x128xf32>
    tpu.vector_store %arg10[%swap3A, %swap3A_36], %max3A_35 {strides = array<i32>} : memref<2000x128xf32, #tpu.memory_space<vmem>>, vector<2000x128xf32>,
    %get3A_38 = arith.constant 0 : index
    %get3A_39 = arith.constant 0 : index
    %get3A_40 = vector.load %arg7[%get3A_38, %get3A_39] : memref<128x128xf32, #tpu.memory_space<vmem>>, vector<128x128xf32>
    %dot_general3A_41 = arith.constant dense<0.000000e+00> : vector<2000x128xf32>
    %dot_general3A_42 = tpu.matmul %div3A_12, %get3A_40, %dot_general3A_41 {dimension_numbers = #tpu.dot_dimension_numbers<[1], [1], [0], [0], [0, 0, 1, 0], [], []>, transpose_lhs_hint = false} : vector<2000x128xf32>, vector<128x128xf32>, vector<2000x128xf32> -> vector<2000x128xf32>
    %get3A_43 = arith.constant 0 : index
    %get3A_44 = arith.constant 0 : index
    %get3A_45 = vector.load %arg8[%get3A_43, %get3A_44] : memref<1x128xf32, #tpu.memory_space<vmem>>, vector<1x128xf32>
    %add3A_46 = vector.broadcast %get3A_45 : vector<1x128xf32> to vector<2000x128xf32>
    %add3A_47 = arith.addf %dot_general3A_42, %add3A_46 : vector<2000x128xf32>
    %get3A_48 = arith.constant 0 : index
    %get3A_49 = arith.constant 0 : index
    %get3A_50 = vector.load %arg9[%get3A_48, %get3A_49] : memref<128x128xf32, #tpu.memory_space<vmem>>, vector<128x128xf32>
    %dot_general3A_51 = arith.constant dense<0.000000e+00> : vector<2000x128xf32>
    %dot_general3A_52 = tpu.matmul %get3A_17, %get3A_50, %dot_general3A_51 {dimension_numbers = #tpu.dot_dimension_numbers<[1], [1], [0], [0], [0, 0, 1, 0], [], []>, transpose_lhs_hint = false} : vector<2000x128xf32>, vector<128x128xf32>, vector<2000x128xf32> -> vector<2000x128xf32>
    %add3A_53 = arith.addf %add3A_47, %dot_general3A_52 : vector<2000x128xf32>
    %max3A_54 = arith.constant 0.000000e+00 : f32
    %max3A_55 = vector.broadcast %max3A_54 : f32 to vector<2000x128xf32>
    %max3A_56 = arith.maximumf %add3A_53, %max3A_55 : vector<2000x128xf32>
    %swap3A_57 = arith.constant 0 : index
    %swap3A_58 = arith.constant 0 : index
    %swap3A_59 = arith.constant 0 : index
    %swap3A_60 = vector.load %arg11[%swap3A_57, %swap3A_58, %swap3A_59] : memref<2x2000x128xf32, #tpu.memory_space<vmem>>, vector<1x2000x128xf32>
    %swap3A_61 = vector.shape_cast %swap3A_60 : vector<1x2000x128xf32> to vector<2000x128xf32>
    %swap3A_62 = vector.shape_cast %max3A_56 : vector<2000x128xf32> to vector<1x2000x128xf32>
    tpu.vector_store %arg11[%swap3A_57, %swap3A_58, %swap3A_59], %swap3A_62 {strides = array<i32>} : memref<2x2000x128xf32, #tpu.memory_space<vmem>>, vector<1x2000x128xf32>,
    %mul3A = arith.mulf %max3A_56, %max3A_56 : vector<2000x128xf32>
    %swap3A_63 = arith.constant 1 : index
    %swap3A_64 = arith.constant 0 : index
    %swap3A_65 = arith.constant 0 : index
    %swap3A_66 = vector.load %arg11[%swap3A_63, %swap3A_64, %swap3A_65] : memref<2x2000x128xf32, #tpu.memory_space<vmem>>, vector<1x2000x128xf32>
    %swap3A_67 = vector.shape_cast %swap3A_66 : vector<1x2000x128xf32> to vector<2000x128xf32>
    %swap3A_68 = vector.shape_cast %mul3A : vector<2000x128xf32> to vector<1x2000x128xf32>
    tpu.vector_store %arg11[%swap3A_63, %swap3A_64, %swap3A_65], %swap3A_68 {strides = array<i32>} : memref<2x2000x128xf32, #tpu.memory_space<vmem>>, vector<1x2000x128xf32>,
    return
  }
  func.func @transform_0(%arg0: i32) -> (i32, i32, i32) {
    %c0_i32 = arith.constant 0 : i32
    %c0_i32_0 = arith.constant 0 : i32
    %c0_i32_1 = arith.constant 0 : i32
    return %c0_i32, %arg0, %c0_i32_0 : i32, i32, i32
  }
  func.func @transform_1(%arg0: i32) -> (i32, i32, i32) {
    %c0_i32 = arith.constant 0 : i32
    %c0_i32_0 = arith.constant 0 : i32
    %c0_i32_1 = arith.constant 0 : i32
    return %c0_i32, %arg0, %c0_i32_0 : i32, i32, i32
  }
  func.func @transform_2(%arg0: i32) -> (i32, i32, i32) {
    %c0_i32 = arith.constant 0 : i32
    %c0_i32_0 = arith.constant 0 : i32
    %c0_i32_1 = arith.constant 0 : i32
    return %c0_i32, %arg0, %c0_i32_0 : i32, i32, i32
  }
  func.func @transform_3(%arg0: i32) -> (i32, i32) {
    %c0_i32 = arith.constant 0 : i32
    %c0_i32_0 = arith.constant 0 : i32
    %c0_i32_1 = arith.constant 0 : i32
    return %c0_i32, %c0_i32_0 : i32, i32
  }
  func.func @transform_4(%arg0: i32) -> (i32, i32) {
    %c0_i32 = arith.constant 0 : i32
    %c0_i32_0 = arith.constant 0 : i32
    %c0_i32_1 = arith.constant 0 : i32
    return %c0_i32, %c0_i32_0 : i32, i32
  }
  func.func @transform_5(%arg0: i32) -> (i32, i32) {
    %c0_i32 = arith.constant 0 : i32
    %c0_i32_0 = arith.constant 0 : i32
    %c0_i32_1 = arith.constant 0 : i32
    return %c0_i32, %c0_i32_0 : i32, i32
  }
  func.func @transform_6(%arg0: i32) -> (i32, i32) {
    %c0_i32 = arith.constant 0 : i32
    %c0_i32_0 = arith.constant 0 : i32
    %c0_i32_1 = arith.constant 0 : i32
    return %c0_i32, %c0_i32_0 : i32, i32
  }
  func.func @transform_7(%arg0: i32) -> (i32, i32) {
    %c0_i32 = arith.constant 0 : i32
    %c0_i32_0 = arith.constant 0 : i32
    %c0_i32_1 = arith.constant 0 : i32
    return %c0_i32, %c0_i32_0 : i32, i32
  }
  func.func @transform_8(%arg0: i32) -> (i32, i32) {
    %c0_i32 = arith.constant 0 : i32
    %c0_i32_0 = arith.constant 0 : i32
    %c0_i32_1 = arith.constant 0 : i32
    return %c0_i32, %c0_i32_0 : i32, i32
  }
  func.func @transform_9(%arg0: i32) -> (i32, i32) {
    %c0_i32 = arith.constant 0 : i32
    %c0_i32_0 = arith.constant 0 : i32
    return %arg0, %c0_i32 : i32, i32
  }
  func.func @transform_10(%arg0: i32) -> (i32, i32, i32) {
    %c0_i32 = arith.constant 0 : i32
    %c0_i32_0 = arith.constant 0 : i32
    %c0_i32_1 = arith.constant 0 : i32
    return %c0_i32, %arg0, %c0_i32_0 : i32, i32, i32
  }
}

module attributes {stable_mosaic.version = 14 : i64} {
  func.func @_d_body(%arg0: i32, %arg1: memref<1x2000x128xf32, #tpu.memory_space<vmem>>, %arg2: memref<2000x128xf32, #tpu.memory_space<vmem>>, %arg3: memref<1x2000x128xf32, #tpu.memory_space<vmem>>, %arg4: memref<2x2000x128xf32, #tpu.memory_space<vmem>>, %arg5: memref<2x2000x128xf32, #tpu.memory_space<vmem>>, %arg6: memref<2x2000x128xf32, #tpu.memory_space<vmem>>) attributes {dimension_semantics = [#tpu.dimension_semantics<arbitrary>], iteration_bounds = array<i64: 5>, scalar_prefetch = 0 : i64, scratch_operands = 0 : i64, tpu.core_type = #tpu.core_type<tc>, window_params = [{transform_indices = @transform_0, window_bounds = array<i64: 1, 2000, 128>}, {transform_indices = @transform_1, window_bounds = array<i64: 2000, 128>}, {transform_indices = @transform_2, window_bounds = array<i64: 1, 2000, 128>}, {transform_indices = @transform_3, window_bounds = array<i64: 2, 2000, 128>}, {transform_indices = @transform_4, window_bounds = array<i64: 2, 2000, 128>}, {transform_indices = @transform_5, window_bounds = array<i64: 2, 2000, 128>}]} {
    %get3A = arith.constant 1 : index
    %get3A_0 = arith.constant 0 : index
    %get3A_1 = arith.constant 0 : index
    %get3A_2 = vector.load %arg5[%get3A, %get3A_0, %get3A_1] : memref<2x2000x128xf32, #tpu.memory_space<vmem>>, vector<1x2000x1xf32>
    %get3A_3 = vector.shape_cast %get3A_2 : vector<1x2000x1xf32> to vector<2000x1xf32>
    %get3A_4 = arith.constant 0 : index
    %get3A_5 = arith.constant 0 : index
    %get3A_6 = arith.constant 0 : index
    %get3A_7 = vector.load %arg3[%get3A_4, %get3A_5, %get3A_6] : memref<1x2000x128xf32, #tpu.memory_space<vmem>>, vector<1x2000x128xf32>
    %get3A_8 = vector.shape_cast %get3A_7 : vector<1x2000x128xf32> to vector<2000x128xf32>
    %get3A_9 = arith.constant 0 : index
    %get3A_10 = arith.constant 0 : index
    %get3A_11 = arith.constant 0 : index
    %get3A_12 = vector.load %arg4[%get3A_9, %get3A_10, %get3A_11] : memref<2x2000x128xf32, #tpu.memory_space<vmem>>, vector<2x2000x128xf32>
    %mul3A = vector.broadcast %get3A_3 : vector<2000x1xf32> to vector<2000x128xf32>
    %mul3A_13 = arith.mulf %mul3A, %get3A_8 : vector<2000x128xf32>
    %mul3A_14 = arith.mulf %mul3A_13, %get3A_8 : vector<2000x128xf32>
    %mul3A_15 = arith.constant 2.000000e+00 : f32
    %mul3A_16 = vector.broadcast %mul3A_15 : f32 to vector<2000x128xf32>
    %mul3A_17 = arith.mulf %mul3A_16, %get3A_8 : vector<2000x128xf32>
    %slice3A = vector.extract_strided_slice %get3A_12 {offsets = [0, 0, 0], sizes = [1, 2000, 128], strides = [1, 1, 1]} : vector<2x2000x128xf32> to vector<1x2000x128xf32>
    %squeeze3A = vector.shape_cast %slice3A : vector<1x2000x128xf32> to vector<2000x128xf32>
    %mul3A_18 = arith.mulf %mul3A_17, %squeeze3A : vector<2000x128xf32>
    %sub3A = arith.subf %mul3A_14, %mul3A_18 : vector<2000x128xf32>
    %slice3A_19 = vector.extract_strided_slice %get3A_12 {offsets = [1, 0, 0], sizes = [1, 2000, 128], strides = [1, 1, 1]} : vector<2x2000x128xf32> to vector<1x2000x128xf32>
    %squeeze3A_20 = vector.shape_cast %slice3A_19 : vector<1x2000x128xf32> to vector<2000x128xf32>
    %add3A = arith.addf %sub3A, %squeeze3A_20 : vector<2000x128xf32>
    %max3A = arith.constant 1.000000e+00 : f32
    %max3A_21 = vector.broadcast %max3A : f32 to vector<2000x1xf32>
    %max3A_22 = arith.maximumf %get3A_3, %max3A_21 : vector<2000x1xf32>
    %div3A = vector.broadcast %max3A_22 : vector<2000x1xf32> to vector<2000x128xf32>
    %div3A_23 = arith.divf %add3A, %div3A : vector<2000x128xf32>
    %tanh3A = math.tanh %div3A_23 : vector<2000x128xf32>
    %get3A_24 = arith.constant 0 : index
    %get3A_25 = arith.constant 0 : index
    %get3A_26 = arith.constant 0 : index
    %get3A_27 = vector.load %arg1[%get3A_24, %get3A_25, %get3A_26] : memref<1x2000x128xf32, #tpu.memory_space<vmem>>, vector<1x2000x128xf32>
    %get3A_28 = vector.shape_cast %get3A_27 : vector<1x2000x128xf32> to vector<2000x128xf32>
    %get3A_29 = arith.constant 0 : index
    %get3A_30 = arith.constant 0 : index
    %get3A_31 = vector.load %arg2[%get3A_29, %get3A_30] : memref<2000x128xf32, #tpu.memory_space<vmem>>, vector<2000x128xf32>
    %sub3A_32 = arith.subf %get3A_31, %get3A_28 : vector<2000x128xf32>
    %mul3A_33 = arith.mulf %tanh3A, %sub3A_32 : vector<2000x128xf32>
    %add3A_34 = arith.addf %get3A_28, %mul3A_33 : vector<2000x128xf32>
    %swap3A = arith.constant 0 : index
    %swap3A_35 = arith.constant 0 : index
    %swap3A_36 = arith.constant 0 : index
    %swap3A_37 = vector.load %arg6[%swap3A, %swap3A_35, %swap3A_36] : memref<2x2000x128xf32, #tpu.memory_space<vmem>>, vector<1x2000x128xf32>
    %swap3A_38 = vector.shape_cast %swap3A_37 : vector<1x2000x128xf32> to vector<2000x128xf32>
    %swap3A_39 = vector.shape_cast %add3A_34 : vector<2000x128xf32> to vector<1x2000x128xf32>
    tpu.vector_store %arg6[%swap3A, %swap3A_35, %swap3A_36], %swap3A_39 {strides = array<i32>} : memref<2x2000x128xf32, #tpu.memory_space<vmem>>, vector<1x2000x128xf32>,
    %swap3A_40 = arith.constant 1 : index
    %swap3A_41 = arith.constant 0 : index
    %swap3A_42 = arith.constant 0 : index
    %swap3A_43 = vector.load %arg6[%swap3A_40, %swap3A_41, %swap3A_42] : memref<2x2000x128xf32, #tpu.memory_space<vmem>>, vector<1x2000x128xf32>
    %swap3A_44 = vector.shape_cast %swap3A_43 : vector<1x2000x128xf32> to vector<2000x128xf32>
    %swap3A_45 = vector.shape_cast %add3A_34 : vector<2000x128xf32> to vector<1x2000x128xf32>
    tpu.vector_store %arg6[%swap3A_40, %swap3A_41, %swap3A_42], %swap3A_45 {strides = array<i32>} : memref<2x2000x128xf32, #tpu.memory_space<vmem>>, vector<1x2000x128xf32>,
    return
  }
  func.func @transform_0(%arg0: i32) -> (i32, i32, i32) {
    %c0_i32 = arith.constant 0 : i32
    %c0_i32_0 = arith.constant 0 : i32
    %c0_i32_1 = arith.constant 0 : i32
    return %c0_i32, %arg0, %c0_i32_0 : i32, i32, i32
  }
  func.func @transform_1(%arg0: i32) -> (i32, i32) {
    %c0_i32 = arith.constant 0 : i32
    %c0_i32_0 = arith.constant 0 : i32
    return %arg0, %c0_i32 : i32, i32
  }
  func.func @transform_2(%arg0: i32) -> (i32, i32, i32) {
    %c0_i32 = arith.constant 0 : i32
    %c0_i32_0 = arith.constant 0 : i32
    %c0_i32_1 = arith.constant 0 : i32
    return %c0_i32, %arg0, %c0_i32_0 : i32, i32, i32
  }
  func.func @transform_3(%arg0: i32) -> (i32, i32, i32) {
    %c0_i32 = arith.constant 0 : i32
    %c0_i32_0 = arith.constant 0 : i32
    %c0_i32_1 = arith.constant 0 : i32
    return %c0_i32, %arg0, %c0_i32_0 : i32, i32, i32
  }
  func.func @transform_4(%arg0: i32) -> (i32, i32, i32) {
    %c0_i32 = arith.constant 0 : i32
    %c0_i32_0 = arith.constant 0 : i32
    %c0_i32_1 = arith.constant 0 : i32
    return %c0_i32, %arg0, %c0_i32_0 : i32, i32, i32
  }
  func.func @transform_5(%arg0: i32) -> (i32, i32, i32) {
    %c0_i32 = arith.constant 0 : i32
    %c0_i32_0 = arith.constant 0 : i32
    %c0_i32_1 = arith.constant 0 : i32
    return %c0_i32, %arg0, %c0_i32_0 : i32, i32, i32
  }
}

module attributes {stable_mosaic.version = 14 : i64} {
  func.func @_dec_body(%arg0: i32, %arg1: memref<1x2000x128xf32, #tpu.memory_space<vmem>>, %arg2: memref<64x128xf32, #tpu.memory_space<vmem>>, %arg3: memref<1x64xf32, #tpu.memory_space<vmem>>, %arg4: memref<2000x64xf32, #tpu.memory_space<vmem>>) attributes {dimension_semantics = [#tpu.dimension_semantics<arbitrary>], iteration_bounds = array<i64: 5>, scalar_prefetch = 0 : i64, scratch_operands = 0 : i64, tpu.core_type = #tpu.core_type<tc>, window_params = [{transform_indices = @transform_0, window_bounds = array<i64: 1, 2000, 128>}, {pipeline_mode = #tpu.pipeline_mode<synchronous>, transform_indices = @transform_1, window_bounds = array<i64: 64, 128>}, {pipeline_mode = #tpu.pipeline_mode<synchronous>, transform_indices = @transform_2, window_bounds = array<i64: 1, 64>}, {transform_indices = @transform_3, window_bounds = array<i64: 2000, 64>}]} {
    %get3A = arith.constant 0 : index
    %get3A_0 = arith.constant 0 : index
    %get3A_1 = arith.constant 0 : index
    %get3A_2 = vector.load %arg1[%get3A, %get3A_0, %get3A_1] : memref<1x2000x128xf32, #tpu.memory_space<vmem>>, vector<1x2000x128xf32>
    %get3A_3 = vector.shape_cast %get3A_2 : vector<1x2000x128xf32> to vector<2000x128xf32>
    %get3A_4 = arith.constant 0 : index
    %get3A_5 = arith.constant 0 : index
    %get3A_6 = vector.load %arg2[%get3A_4, %get3A_5] : memref<64x128xf32, #tpu.memory_space<vmem>>, vector<64x128xf32>
    %dot_general3A = arith.constant dense<0.000000e+00> : vector<2000x64xf32>
    %dot_general3A_7 = tpu.matmul %get3A_3, %get3A_6, %dot_general3A {dimension_numbers = #tpu.dot_dimension_numbers<[1], [1], [0], [0], [0, 0, 1, 0], [], []>, transpose_lhs_hint = false} : vector<2000x128xf32>, vector<64x128xf32>, vector<2000x64xf32> -> vector<2000x64xf32>
    %get3A_8 = arith.constant 0 : index
    %get3A_9 = arith.constant 0 : index
    %get3A_10 = vector.load %arg3[%get3A_8, %get3A_9] : memref<1x64xf32, #tpu.memory_space<vmem>>, vector<1x64xf32>
    %add3A = vector.broadcast %get3A_10 : vector<1x64xf32> to vector<2000x64xf32>
    %add3A_11 = arith.addf %dot_general3A_7, %add3A : vector<2000x64xf32>
    %swap3A = arith.constant 0 : index
    %swap3A_12 = arith.constant 0 : index
    %swap3A_13 = vector.load %arg4[%swap3A, %swap3A_12] : memref<2000x64xf32, #tpu.memory_space<vmem>>, vector<2000x64xf32>
    tpu.vector_store %arg4[%swap3A, %swap3A_12], %add3A_11 {strides = array<i32>} : memref<2000x64xf32, #tpu.memory_space<vmem>>, vector<2000x64xf32>,
    return
  }
  func.func @transform_0(%arg0: i32) -> (i32, i32, i32) {
    %c0_i32 = arith.constant 0 : i32
    %c0_i32_0 = arith.constant 0 : i32
    %c0_i32_1 = arith.constant 0 : i32
    return %c0_i32, %arg0, %c0_i32_0 : i32, i32, i32
  }
  func.func @transform_1(%arg0: i32) -> (i32, i32) {
    %c0_i32 = arith.constant 0 : i32
    %c0_i32_0 = arith.constant 0 : i32
    %c0_i32_1 = arith.constant 0 : i32
    return %c0_i32, %c0_i32_0 : i32, i32
  }
  func.func @transform_2(%arg0: i32) -> (i32, i32) {
    %c0_i32 = arith.constant 0 : i32
    %c0_i32_0 = arith.constant 0 : i32
    %c0_i32_1 = arith.constant 0 : i32
    return %c0_i32, %c0_i32_0 : i32, i32
  }
  func.func @transform_3(%arg0: i32) -> (i32, i32) {
    %c0_i32 = arith.constant 0 : i32
    %c0_i32_0 = arith.constant 0 : i32
    return %arg0, %c0_i32 : i32, i32
  }
}

</mosaic_0001>

<sc_bundles>
// kernel: kernel.13.cloned.1.call-start
scs
__scs_entry_jumppad:
0x0: {  	(pc) =	sbr.rel $0x88, $3  }
0x1: {  	(tag) =	ssettag $0x0;
	lr =	simm.s32 $0x1  }
0x2: {  	[smem:$0x3F95] =	sst lr;
	_ =	strace $0xD0000000  }
0x3: {  	_ = 	snop  }
0x4: {  	_ = 	snop  }
0x5: {  	_ = 	snop  }
0x6: {  	_ = 	snop  }
0x7: {  	_ = 	snop  }
__scs_overlays_trampoline_lowered:
0x8: {  	[smem:$0x3FA4] =	sst s0  }
0x9: {  	[smem:$0x3FA5] =	sst s1  }
0xa: {  	[smem:$0x3FA6] =	sst s2  }
0xb: {  	[smem:$0x3FA7] =	sst s3  }
0xc: {  	[smem:$0x3FA8] =	sst s4  }
0xd: {  	[smem:$0x3FA9] =	sst s5  }
0xe: {  	[smem:$0x3FAA] =	sst s6  }
0xf: {  	[smem:$0x3FAB] =	sst s7  }
0x10: {  	[smem:$0x3FAC] =	sst s8  }
0x11: {  	[smem:$0x3FAD] =	sst s9;
	s0 =	simm.s32 @!p0 $0x0  }
0x12: {  	s1 =	sld [smem:$0x3F93];
	s0 =	simm.s32 @p0 $0x1  }
0x13: {  	[smem:$0x3FAE] =	sst s0;
	s0 =	simm.s32 @!p1 $0x0  }
0x14: {  	s2 =	sld [smem:$0x3F92];
	s0 =	simm.s32 @p1 $0x1  }
0x15: {  	[smem:$0x3FAF] =	sst s0;
	s0 =	simm.s32 @!p2 $0x0  }
0x16: {  	s3 =	sld [smem:$0x3FDB];
	s0 =	simm.s32 @p2 $0x1  }
0x17: {  	s4 =	simm.s32 $0x1BF5;
	[smem:$0x3FB1] =	sst s0  }
0x18: {  	s0 =	sld [smem:$0x3F94];
	_ =	swait.ge [sflag:s4], $0x0  }
0x19: {  	s7 =	sld [smem:$0x3F95]  }
0x1a: {  	s8 =	sadd.s32 $0xFFFFE003, lr  }
0x1b: {  	s9 =	sadd.s32 $0xFFFFFEF7, lr;
	s5 =	simm.s32 $0xFFFFFFFF;
	p2 =	slt.u32 s8, $0xFFFFF086  }
0x1c: {  	p1 =	slt.u32 s9, $0xF7A;
	s5 =	simm.s32 @!p2 $0x0  }
0x1d: {  	s5 =	simm.s32 @p1 $0x1;
	p0 =	seq.s32 s7, s2  }
0x1e: {  	s7 =	smul.u32 @!p0 $0xF7A, s2;
	p2 =	seq.s32 @!p0 s5, $0x0  }
0x1f: {  	s9 =	smul.u32 $0xF7A, s1;
	s8 =	simm.s32 @!p0 $0x1BF5;
	p2 =	por !p2, p0  }
0x20: {  	[sflag:s8] =	ssyncset.s32 @!p0 $0xFFFFF086;
	s6 =	sadd.s32 @!p0 s3, s7;
	s7 =	simm.s32 @!p0 $0x108  }
0x21: {  	s3 =	sadd.s32 s3, s9;
	s6 =	sadd.s32 @!p0 $0x88, s6;
	s7 =	simm.s32 @p2 $0x1082  }
0x22: {  	[simem:s7], [sflag:s8] =	dma.local @!p0 [hbm:s6], $0xF7A  }
0x23: {  	s9 =	sor.u32 $0xD0000000, s2;
	s6 =	simm.s32 $0x108;
	_ =	swait.ge @!p0 [sflag:s8], $0x0  }
0x24: {  	s3 =	sadd.s32 $0x88, s3;
	s6 =	simm.s32 @!p1 $0x1082;
	[sflag:s4] =	ssyncset.s32 $0xFFFFF086  }
0x25: {  	[simem:s6], [sflag:s4] =	dma.local [hbm:s3], $0xF7A  }
0x26: {  	[smem:$0x3F95] =	sst s1;
	(tag) =	ssettag s2;
	_ =	strace s9  }
0x27: {  	s1 =	sld [smem:$0x3FA5]  }
0x28: {  	s2 =	sld [smem:$0x3FA6]  }
0x29: {  	s4 =	sld [smem:$0x3FA8]  }
0x2a: {  	p0 =	seq.s32 s5, $0x0;
	s5 =	sld [smem:$0x3FA9]  }
0x2b: {  	s6 =	sld [smem:$0x3FAA]  }
0x2c: {  	s7 =	sld [smem:$0x3FAB]  }
0x2d: {  	s3 =	simm.s32 $0x108;
	s8 =	sld [smem:$0x3FAC]  }
0x2e: {  	s3 =	simm.s32 @!p0 $0x1082;
	s9 =	sld [smem:$0x3FAD]  }
0x2f: {  	lr =	sadd.s32 s0, s3;
	s0 =	sld [smem:$0x3FA4]  }
0x30: {  	s3 =	sld [smem:$0x3FA7]  }
0x31: {  	[smem:$0x3FB0] =	sst s10  }
0x32: {  	s10 =	sld [smem:$0x3FAE];
	_ =	sdelay $0x3  }
0x33: {  	p0 =	seq.s32 s10, $0x1;
	s10 =	sld [smem:$0x3FB0];
	_ =	sdelay $0x3  }
0x34: {  	[smem:$0x3FB0] =	sst s10  }
0x35: {  	s10 =	sld [smem:$0x3FAF];
	_ =	sdelay $0x3  }
0x36: {  	p1 =	seq.s32 s10, $0x1;
	s10 =	sld [smem:$0x3FB0];
	_ =	sdelay $0x3  }
0x37: {  	[smem:$0x3FB0] =	sst s10  }
0x38: {  	s10 =	sld [smem:$0x3FB1]  }
0x39: {  	_ = 	snop;
	(pc) =	sbr.ind lr, $3  }
0x3a: {  	_ = 	snop  }
0x3b: {  	_ = 	snop  }
0x3c: {  	p2 =	seq.s32 s10, $0x1;
	s10 =	sld [smem:$0x3FB0]  }
0x3d: {  	_ =	shalt  }
0x3e: {  	_ =	shalt  }
0x3f: {  	_ =	shalt  }
0x40: {  	_ =	shalt  }
0x41: {  	_ =	shalt  }
0x42: {  	_ =	shalt  }
0x43: {  	_ =	shalt  }
0x44: {  	_ =	shalt  }
0x45: {  	_ =	shalt  }
0x46: {  	_ =	shalt  }
0x47: {  	_ =	shalt  }
0x48: {  	_ =	shalt  }
0x49: {  	_ =	shalt  }
0x4a: {  	_ =	shalt  }
0x4b: {  	_ =	shalt  }
0x4c: {  	_ =	shalt  }
0x4d: {  	_ =	shalt  }
0x4e: {  	_ =	shalt  }
0x4f: {  	_ =	shalt  }
0x50: {  	_ =	shalt  }
0x51: {  	_ =	shalt  }
0x52: {  	_ =	shalt  }
0x53: {  	_ =	shalt  }
0x54: {  	_ =	shalt  }
0x55: {  	_ =	shalt  }
0x56: {  	_ =	shalt  }
0x57: {  	_ =	shalt  }
0x58: {  	_ =	shalt  }
0x59: {  	_ =	shalt  }
0x5a: {  	_ =	shalt  }
0x5b: {  	_ =	shalt  }
0x5c: {  	_ =	shalt  }
0x5d: {  	_ =	shalt  }
0x5e: {  	_ =	shalt  }
0x5f: {  	_ =	shalt  }
0x60: {  	_ =	shalt  }
0x61: {  	_ =	shalt  }
0x62: {  	_ =	shalt  }
0x63: {  	_ =	shalt  }
0x64: {  	_ =	shalt  }
0x65: {  	_ =	shalt  }
0x66: {  	_ =	shalt  }
0x67: {  	_ =	shalt  }
0x68: {  	_ =	shalt  }
0x69: {  	_ =	shalt  }
0x6a: {  	_ =	shalt  }
0x6b: {  	_ =	shalt  }
0x6c: {  	_ =	shalt  }
0x6d: {  	_ =	shalt  }
0x6e: {  	_ =	shalt  }
0x6f: {  	_ =	shalt  }
0x70: {  	_ =	shalt  }
0x71: {  	_ =	shalt  }
0x72: {  	_ =	shalt  }
0x73: {  	_ =	shalt  }
0x74: {  	_ =	shalt  }
0x75: {  	_ =	shalt  }
0x76: {  	_ =	shalt  }
0x77: {  	_ =	shalt  }
0x78: {  	_ =	shalt  }
0x79: {  	_ =	shalt  }
0x7a: {  	_ =	shalt  }
0x7b: {  	_ =	shalt  }
0x7c: {  	_ =	shalt  }
0x7d: {  	_ =	shalt  }
0x7e: {  	_ =	shalt  }
0x7f: {  	_ =	shalt  }
0x80: {  	_ =	shalt  }
0x81: {  	_ =	shalt  }
0x82: {  	_ =	shalt  }
0x83: {  	_ =	shalt  }
0x84: {  	_ =	shalt  }
0x85: {  	_ =	shalt  }
0x86: {  	_ =	shalt  }
0x87: {  	_ =	shalt  }
.Lfunc_end0:
.L_simem_size_0:
called_computation_lowered:
.L_overlay_start_0:
0x88: {  	s2 =	sld [smem:$0x3FD9]  }
0x89: {  	s3 =	sld [smem:$0x3FFE];
	_ =	sdelay $0x1  }
0x8a: {  	s1 =	srdreg.scid  }
0x8b: {  	s0 =	sand.u32 $0x1, s1  }
0x8c: {  	s17 =	sshll.u32 s0, $0xA;
	s2 =	sadd.s32 s3, s2  }
0x8d: {  	s2 =	sadd.s32 s2, s17  }
0x8e: {  	[smem:$0x3FBC] =	sst s2  }
0x8f: {  	_ = 	snop  }
0x90: {  	(tm) =	ssettm $0x1  }
0x91: {  	s18 =	sld [smem:$0x3FFB];
	_ =	sdelay $0x3  }
0x92: {  	_ =	strace s18  }
0x93: {  	s2 =	sld [smem:$0x3FFC];
	_ =	sdelay $0x3  }
0x94: {  	_ =	strace s2  }
0x95: {  	s2 =	sld [smem:$0x3FFD];
	_ =	sdelay $0x3  }
0x96: {  	_ =	strace s2  }
0x97: {  	_ =	strace $0x8FFFFFFF  }
0x98: {  	s19 =	sld [smem:$0x3FDB];
	_ =	sdelay $0x1  }
0x99: {  	s20 =	simm.s32 $_scs_section_size  }
0x9a: {  	s4 =	simm.s32 $_size__tile_overlayer_lowered;
	s5 =	simm.s32 $_tile_overlayer_lowered  }
0x9b: {  	s6 =	simm.s32 $0x1BFF;
	s21 =	sshll.u32 s5, $0x1;
	s3 =	sadd.s32 s20, s19  }
0x9c: {  	s22 =	simm.s32 $0x0;
	s4 =	sshll.u32 s4, $0x1;
	s5 =	sadd.s32 s21, s3  }
0x9d: {  	[timem:s22], [sflag:s6] =	dma.local [hbm:s5], s4  }
0x9e: {  	_ =	swait.ge [sflag:s6], s4  }
0x9f: {  	s4 =	ssub.s32 $0x0, s4;
	[sflag:s6] =	ssyncset.done $0x0  }
0xa0: {  	[sflag:s6] =	ssyncadd.s32 s4;
	_ =	sdelay $0x1  }
0xa1: {  	s23 =	simm.s32 $0x1B8B  }
0xa2: {  	_ =	swait.ge [sflag:s23], $0x1  }
0xa3: {  	[sflag:s23] =	ssyncset.done $0x0  }
0xa4: {  	[sflag:s23] =	ssyncadd.s32 $0xFFFFFFFF  }
0xa5: {  	s4 =	sld [smem:$0x0]  }
0xa6: {  	s5 =	sand.u32 $0xFFFFFFFE, s1  }
0xa7: {  	p0 =	sne.s32 s1, s5  }
0xa8: {  	s5 =	sshll.u32 @p0 s5, $0xE  }
0xa9: {  	s5 =	sadd.s32 @p0 $0x11B8D, s5;
	s6 =	sshll.u32 @p0 s4, $0x11  }
0xaa: {  	s5 =	sor.u32 @p0 s6, s5  }
0xab: {  	[sflag:s5] =	ssyncadd.remote.s32 @p0 $0x1;
	_ =	sdelay $0x1  }
0xac: {  	s5 =	simm.s32 @p0 $0x1B8D  }
0xad: {  	_ =	swait.eq @p0 [sflag:s5], $0x1  }
0xae: {  	[sflag:s5] =	ssyncadd.s32 @p0 $0xFFFFFFFF  }
0xaf: {  	s6 =	sshll.u32 @!p0 s1, $0xE  }
0xb0: {  	s6 =	sor.u32 @!p0 $0x4000, s6;
	s5 =	simm.s32 @!p0 $0x1B8D  }
0xb1: {  	s4 =	sshll.u32 @!p0 s4, $0x11;
	s6 =	sadd.s32 @!p0 $0x11B8D, s6;
	_ =	swait.eq @!p0 [sflag:s5], $0x1  }
0xb2: {  	s4 =	sor.u32 @!p0 s4, s6;
	[sflag:s5] =	ssyncadd.s32 @!p0 $0xFFFFFFFF  }
0xb3: {  	s25 =	simm.s32 $0x1B8E;
	s24 =	sld [smem:$0x3FFE];
	[sflag:s4] =	ssyncadd.remote.s32 @!p0 $0x1  }
0xb4: {  	s26 =	simm.s32 $execute0_lowered;
	[smem:$0x3FD2] =	sst s25  }
0xb5: {  	s5 =	sshll.u32 s26, $0x1;
	_ =	strace $0x80000049;
	[dreg:$0x1] =	wrdreg $0xFFFFFFFF  }
0xb6: {  	s28 =	simm.s32 $_size_execute0_lowered;
	s3 =	sadd.s32 s3, s5;
	[dreg:$0x0] =	wrdreg $0x0  }
0xb7: {  	s5 =	sshll.u32 s28, $0x1;
	[dreg:$0x2] =	wrdreg s3  }
0xb8: {  	[dreg:$0x3] =	wrdreg s5  }
0xb9: {  	[dreg:$0x4] =	wrdreg $0xC0  }
0xba: {  	_ =	task [dreg:s22], $0x5FFFF  }
0xbb: {  	[dreg:$0x1] =	wrdreg $0xFFFFFFFF  }
0xbc: {  	[dreg:$0x0] =	wrdreg $0x60  }
0xbd: {  	[dreg:$0x2] =	wrdreg s24  }
0xbe: {  	[dreg:$0x3] =	wrdreg $0x48000  }
0xbf: {  	[dreg:$0x4] =	wrdreg $0x9  }
0xc0: {  	_ =	task.clear_ibuf [dreg:s22], $0x5FFFF;
	_ =	strace $0x90000049  }
0xc1: {  	s29 =	simm.s32 $0x9;
	_ =	strace $0x8000004B  }
0xc2: {  	_ =	swait.ge [sflag:s29], $0x1  }
0xc3: {  	[sflag:s29] =	ssyncadd.s32 $0xFFFFFFFF  }
0xc4: {  	_ =	strace $0x9000004B  }
0xc5: {  	_ =	sfence  }
0xc6: {  	s30 =	sld [smem:$0x0];
	_ =	sdelay $0x2  }
0xc7: {  	s31 =	sshll.u32 s1, $0xD;
	s1 =	sshrl.u32 s1, $0x2  }
0xc8: {  	s4 =	sand.u32 $0x4000, s31;
	s1 =	sadd.s32 s1, s30  }
0xc9: {  	s0 =	sor.u32 s4, s0;
	s1 =	sshll.u32 s1, $0x11  }
0xca: {  	s0 =	sor.u32 s1, s0  }
0xcb: {  	s0 =	sadd.s32 $0x8F2B, s0  }
0xcc: {  	[sflag:s0] =	ssyncadd.remote.s32 $0x1  }
0xcd: {  	_ =	sfence.sel $0xFFFF  }
0xce: {  	[dreg:$0x0] =	wrdreg $0xFFFFFFFF;
	(pc) =	sbr.abs _section_cstart, $3  }
0xcf: {  	[dreg:$0x1] =	wrdreg $0xFFFFFFFF  }
0xd0: {  	_ =	task.clear_ibuf [dreg:s22], $0x2FFFF;
	_ =	strace $0x9FFFFFFF  }
0xd1: {  	(tm) =	ssettm $0x7FFFFFFF  }
tec
execute0_lowered:
.L_overlay_start_1:
0x0: {  	(tag) =	ssettag $0x1  }
0x1: {  	s0 =	srdreg.scid  }
0x2: {  	s8 =	stileid.u32;
	s4 =	rddreg [dreg:$0x0]  }
0x3: {  	s2 =	rddreg [dreg:$0x1];
	s3 =	simm.s32 $0x0;
	s13 =	simm.s32 $0x800  }
0x4: {  	s14 =	simm.s32 $0x1;
	s15 =	simm.s32 $0x80;
	s16 =	simm.s32 $0x100  }
0x5: {  	s17 =	simm.s32 $0x180;
	s28 =	simm.s32 $0x580;
	s5 =	smul.u32 $0x5000, s8  }
0x6: {  	s29 =	simm.s32 $0x600;
	s30 =	simm.s32 $0x680;
	s18 =	smul.u32 $0x50000, s8  }
0x7: {  	s31 =	simm.s32 $0x700;
	s0 =	sand.u32 $0x1, s0;
	s22 =	smul.u32 $0x13800, s8  }
0x8: {  	[smem:$0x7FF] =	sst s3;
	s6 =	sadd.s32 $0xD1E00, s4;
	s24 =	smul.u32 $0x4E000, s8  }
0x9: {  	p0 =	sne.s32 s8, $0x0;
	s1 =	smul.u32 $0x50000, s0;
	_ =	strace $0x8000004A  }
0xa: {  	s7 =	ssub.s32 $0x2, s0;
	s0 =	smul.u32 $0x138800, s0;
	s19 =	sshrl.u32 s18, $0x2  }
0xb: {  	s20 =	sshrl.u32 s7, $0x1;
	s25 =	sshrl.u32 s24, $0x2;
	s18 =	simm.s32 $0x200  }
0xc: {  	s1 =	sadd.s32 s5, s1;
	s5 =	ssub.s32 s7, s20;
	s7 =	sadd.s32 s22, s0  }
0xd: {  	s0 =	sshrl.u32 s0, $0x3;
	s26 =	sadd.s32 s25, s2;
	s20 =	simm.s32 $0x300  }
0xe: {  	s22 =	simm.s32 $0x400;
	s1 =	sshrl.u32 s1, $0x3;
	s7 =	sshrl.u32 s7, $0x3  }
0xf: {  	s0 =	sadd.s32 s6, s0;
	s1 =	sadd.s32 s1, s4;
	s4 =	sadd.s32 s19, s2  }
0x10: {  	s11 =	smax.u32 s5, $0x1;
	s24 =	sshrl.u32 s26, $0x3;
	s21 =	sadd.s32 $0x4000, s4  }
0x11: {  	s26 =	simm.s32 $0x500;
	s9 =	sadd.s32 $0x8000, s4;
	[dreg:$0x3] =	wrdreg s21  }
0x12: {  	s19 =	simm.s32 $0x280;
	s23 =	sadd.s32 $0xC000, s4;
	[dreg:$0x4] =	wrdreg s9  }
0x13: {  	s10 =	sadd.s32 $0x10000, s4;
	s12 =	sadd.s32 $0xA9E00, s1;
	[dreg:$0x5] =	wrdreg s23  }
0x14: {  	s1 =	simm.s32 $0x0;
	[dreg:$0x6] =	wrdreg s10;
	s9 =	sadd.s32 s6, s7  }
0x15: {  	s10 =	sadd.s32 $0x27000, s0;
	s0 =	sadd.s32 $0x138000, s2;
	s21 =	simm.s32 $0x380  }
0x16: {  	v0 =	vimm.f32 $0.0e+00;
	v1 =	vimm.f32 $1.000000000e+00;
	s23 =	simm.s32 $0x480;
	s25 =	sshrl.u32 @!p0 s0, $0x3;
	s0 =	simm.s32 $0x780  }
.LBB2_1:
0x17: {  	s5 =	sand.u32 $0xFE00, s3  }
0x18: {  	s6 =	sand.u32 $0x70, s3;
	s7 =	sshrl.u32 s5, $0x2  }
0x19: {  	s5 =	simm.s32 $0x40;
	s7 =	sor.u32 s6, s7;
	s6 =	simm.s32 $0x0  }
.LBB2_2:
0x1a: {  	p1 =	sne.s32 s5, $0xFFC0  }
0x1b: {  	[tilespmem:s7+$0x800] =	vst v0;
	s6 =	sadd.s32 $0x10, s6;
	s7 =	smov.u32 s5;
	s5 =	sadd.s32 $0x40, s5  }
.Ltmp0:
0x1c: {  	(pc) =	sbr.rel @p1 .LBB2_2-.Ltmp0, $4  }
0x1d: {  	_ = 	snop  }
0x1e: {  	s7 =	sand.u32 $0xFE00, s7  }
0x1f: {  	s8 =	sand.u32 $0x70, s6;
	s7 =	sshrl.u32 s7, $0x2  }
0x20: {  	s7 =	sor.u32 s8, s7  }
0x21: {  	[tilespmem:s7+$0x800] =	vst v0  }
0x22: {  	[spmem:s4] =	stream.linear.scatter [tilespmem:s13], [sflag:$0x1], $0x4000, $0x38;
	[tilespmem:$0x18800] =	vst v63  }
0x23: {  	_ =	swait.ge [sflag:s14], $0x4000  }
0x24: {  	[sflag:s14] =	ssyncset.done $0x0  }
0x25: {  	s5 =	rddreg [dreg:$0x3];
	[sflag:s14] =	ssyncadd.s32 $0xFFFFC000  }
0x26: {  	[spmem:s5] =	stream.linear.scatter [tilespmem:s13], [sflag:$0x1], $0x4000, $0x38;
	[tilespmem:$0x18800] =	vst v63  }
0x27: {  	_ =	swait.ge [sflag:s14], $0x4000  }
0x28: {  	[sflag:s14] =	ssyncset.done $0x0  }
0x29: {  	s6 =	rddreg [dreg:$0x4];
	[sflag:s14] =	ssyncadd.s32 $0xFFFFC000  }
0x2a: {  	[spmem:s6] =	stream.linear.scatter [tilespmem:s13], [sflag:$0x1], $0x4000, $0x38;
	[tilespmem:$0x18800] =	vst v63  }
0x2b: {  	_ =	swait.ge [sflag:s14], $0x4000  }
0x2c: {  	[sflag:s14] =	ssyncset.done $0x0  }
0x2d: {  	s7 =	rddreg [dreg:$0x5];
	[sflag:s14] =	ssyncadd.s32 $0xFFFFC000  }
0x2e: {  	[spmem:s7] =	stream.linear.scatter [tilespmem:s13], [sflag:$0x1], $0x4000, $0x38;
	[tilespmem:$0x18800] =	vst v63  }
0x2f: {  	_ =	swait.ge [sflag:s14], $0x4000  }
0x30: {  	[sflag:s14] =	ssyncset.done $0x0  }
0x31: {  	s5 =	simm.s32 $0x0;
	s8 =	rddreg [dreg:$0x6];
	[sflag:s14] =	ssyncadd.s32 $0xFFFFC000  }
0x32: {  	[spmem:s8] =	stream.linear.scatter [tilespmem:s13], [sflag:$0x1], $0x4000, $0x38;
	[tilespmem:$0x18800] =	vst v63  }
0x33: {  	s6 =	sand.u32 $0xFE00, s5;
	_ =	swait.ge [sflag:s14], $0x4000  }
0x34: {  	s7 =	sand.u32 $0x70, s5;
	s8 =	sshrl.u32 s6, $0x2;
	[sflag:s14] =	ssyncset.done $0x0  }
0x35: {  	s6 =	simm.s32 $0x40;
	s7 =	sor.u32 s7, s8;
	[sflag:s14] =	ssyncadd.s32 $0xFFFFC000  }
.LBB2_4:
0x36: {  	p1 =	sne.s32 s6, $0xFFC0  }
0x37: {  	[tilespmem:s7+$0x800] =	vst v1;
	s5 =	sadd.s32 $0x10, s5;
	s7 =	smov.u32 s6;
	s6 =	sadd.s32 $0x40, s6  }
.Ltmp1:
0x38: {  	(pc) =	sbr.rel @p1 .LBB2_4-.Ltmp1, $4  }
0x39: {  	_ = 	snop  }
0x3a: {  	s7 =	sand.u32 $0xFE00, s7  }
0x3b: {  	s8 =	sand.u32 $0x70, s5;
	s7 =	sshrl.u32 s7, $0x2  }
0x3c: {  	s7 =	sor.u32 s8, s7  }
0x3d: {  	[tilespmem:s7+$0x800] =	vst v1  }
0x3e: {  	s5 =	sadd.s32 $0x0, s12;
	[bflag:$0x0] =	sbarrier.arrive $0xFFFF  }
0x3f: {  	[tilespmem:s3], [sflag:$0x1] =	stream.linear.gather [hbm4b:s5+s3], $0x800, $0x38;
	[tilespmem:$0x18800] =	vst v63  }
0x40: {  	_ =	swait.ge [sflag:s14], $0x800  }
0x41: {  	[sflag:s14] =	ssyncset.done $0x0  }
0x42: {  	[sflag:s14] =	ssyncadd.s32 $0xFFFFF800  }
0x43: {  	[spmem:s2] =	stream.indirect.scatter.add.f32 [tilespmem:s13], [sflag:$0x1], $0x80, s3, s15, $0xb8;
	[tilespmem:$0x18800] =	vst v63  }
0x44: {  	_ =	swait.ge [sflag:s14], $0x4000  }
0x45: {  	[sflag:s14] =	ssyncset.done $0x0  }
0x46: {  	[sflag:s14] =	ssyncadd.s32 $0xFFFFC000  }
0x47: {  	[spmem:s2] =	stream.indirect.scatter.add.f32 [tilespmem:s13], [sflag:$0x1], $0x80, s15, s15, $0xb8;
	[tilespmem:$0x18800] =	vst v63  }
0x48: {  	_ =	swait.ge [sflag:s14], $0x4000  }
0x49: {  	[sflag:s14] =	ssyncset.done $0x0  }
0x4a: {  	[sflag:s14] =	ssyncadd.s32 $0xFFFFC000  }
0x4b: {  	[spmem:s2] =	stream.indirect.scatter.add.f32 [tilespmem:s13], [sflag:$0x1], $0x80, s16, s15, $0xb8;
	[tilespmem:$0x18800] =	vst v63  }
0x4c: {  	_ =	swait.ge [sflag:s14], $0x4000  }
0x4d: {  	[sflag:s14] =	ssyncset.done $0x0  }
0x4e: {  	[sflag:s14] =	ssyncadd.s32 $0xFFFFC000  }
0x4f: {  	[spmem:s2] =	stream.indirect.scatter.add.f32 [tilespmem:s13], [sflag:$0x1], $0x80, s17, s15, $0xb8;
	[tilespmem:$0x18800] =	vst v63  }
0x50: {  	_ =	swait.ge [sflag:s14], $0x4000  }
0x51: {  	[sflag:s14] =	ssyncset.done $0x0  }
0x52: {  	[sflag:s14] =	ssyncadd.s32 $0xFFFFC000  }
0x53: {  	[spmem:s2] =	stream.indirect.scatter.add.f32 [tilespmem:s13], [sflag:$0x1], $0x80, s18, s15, $0xb8;
	[tilespmem:$0x18800] =	vst v63  }
0x54: {  	_ =	swait.ge [sflag:s14], $0x4000  }
0x55: {  	[sflag:s14] =	ssyncset.done $0x0  }
0x56: {  	[sflag:s14] =	ssyncadd.s32 $0xFFFFC000  }
0x57: {  	[spmem:s2] =	stream.indirect.scatter.add.f32 [tilespmem:s13], [sflag:$0x1], $0x80, s19, s15, $0xb8;
	[tilespmem:$0x18800] =	vst v63  }
0x58: {  	_ =	swait.ge [sflag:s14], $0x4000  }
0x59: {  	[sflag:s14] =	ssyncset.done $0x0  }
0x5a: {  	[sflag:s14] =	ssyncadd.s32 $0xFFFFC000  }
0x5b: {  	[spmem:s2] =	stream.indirect.scatter.add.f32 [tilespmem:s13], [sflag:$0x1], $0x80, s20, s15, $0xb8;
	[tilespmem:$0x18800] =	vst v63  }
0x5c: {  	_ =	swait.ge [sflag:s14], $0x4000  }
0x5d: {  	[sflag:s14] =	ssyncset.done $0x0  }
0x5e: {  	[sflag:s14] =	ssyncadd.s32 $0xFFFFC000  }
0x5f: {  	[spmem:s2] =	stream.indirect.scatter.add.f32 [tilespmem:s13], [sflag:$0x1], $0x80, s21, s15, $0xb8;
	[tilespmem:$0x18800] =	vst v63  }
0x60: {  	_ =	swait.ge [sflag:s14], $0x4000  }
0x61: {  	[sflag:s14] =	ssyncset.done $0x0  }
0x62: {  	[sflag:s14] =	ssyncadd.s32 $0xFFFFC000  }
0x63: {  	[spmem:s2] =	stream.indirect.scatter.add.f32 [tilespmem:s13], [sflag:$0x1], $0x80, s22, s15, $0xb8;
	[tilespmem:$0x18800] =	vst v63  }
0x64: {  	_ =	swait.ge [sflag:s14], $0x4000  }
0x65: {  	[sflag:s14] =	ssyncset.done $0x0  }
0x66: {  	[sflag:s14] =	ssyncadd.s32 $0xFFFFC000  }
0x67: {  	[spmem:s2] =	stream.indirect.scatter.add.f32 [tilespmem:s13], [sflag:$0x1], $0x80, s23, s15, $0xb8;
	[tilespmem:$0x18800] =	vst v63  }
0x68: {  	_ =	swait.ge [sflag:s14], $0x4000  }
0x69: {  	[sflag:s14] =	ssyncset.done $0x0  }
0x6a: {  	[sflag:s14] =	ssyncadd.s32 $0xFFFFC000  }
0x6b: {  	[spmem:s2] =	stream.indirect.scatter.add.f32 [tilespmem:s13], [sflag:$0x1], $0x80, s26, s15, $0xb8;
	[tilespmem:$0x18800] =	vst v63  }
0x6c: {  	_ =	swait.ge [sflag:s14], $0x4000  }
0x6d: {  	[sflag:s14] =	ssyncset.done $0x0  }
0x6e: {  	[sflag:s14] =	ssyncadd.s32 $0xFFFFC000  }
0x6f: {  	[spmem:s2] =	stream.indirect.scatter.add.f32 [tilespmem:s13], [sflag:$0x1], $0x80, s28, s15, $0xb8;
	[tilespmem:$0x18800] =	vst v63  }
0x70: {  	_ =	swait.ge [sflag:s14], $0x4000  }
0x71: {  	[sflag:s14] =	ssyncset.done $0x0  }
0x72: {  	[sflag:s14] =	ssyncadd.s32 $0xFFFFC000  }
0x73: {  	[spmem:s2] =	stream.indirect.scatter.add.f32 [tilespmem:s13], [sflag:$0x1], $0x80, s29, s15, $0xb8;
	[tilespmem:$0x18800] =	vst v63  }
0x74: {  	_ =	swait.ge [sflag:s14], $0x4000  }
0x75: {  	[sflag:s14] =	ssyncset.done $0x0  }
0x76: {  	[sflag:s14] =	ssyncadd.s32 $0xFFFFC000  }
0x77: {  	[spmem:s2] =	stream.indirect.scatter.add.f32 [tilespmem:s13], [sflag:$0x1], $0x80, s30, s15, $0xb8;
	[tilespmem:$0x18800] =	vst v63  }
0x78: {  	_ =	swait.ge [sflag:s14], $0x4000  }
0x79: {  	[sflag:s14] =	ssyncset.done $0x0  }
0x7a: {  	[sflag:s14] =	ssyncadd.s32 $0xFFFFC000  }
0x7b: {  	[spmem:s2] =	stream.indirect.scatter.add.f32 [tilespmem:s13], [sflag:$0x1], $0x80, s31, s15, $0xb8;
	[tilespmem:$0x18800] =	vst v63  }
0x7c: {  	_ =	swait.ge [sflag:s14], $0x4000  }
0x7d: {  	[sflag:s14] =	ssyncset.done $0x0  }
0x7e: {  	[sflag:s14] =	ssyncadd.s32 $0xFFFFC000  }
0x7f: {  	[spmem:s2] =	stream.indirect.scatter.add.f32 [tilespmem:s13], [sflag:$0x1], $0x80, s0, s15, $0xb8;
	[tilespmem:$0x18800] =	vst v63  }
0x80: {  	_ =	swait.ge [sflag:s14], $0x4000  }
0x81: {  	s6 =	simm.s32 $0x200;
	s5 =	simm.s32 $0x100;
	[sflag:s14] =	ssyncset.done $0x0  }
.LBB2_6:
0x82: {  	s8 =	sadd.s32 s5, s12  }
0x83: {  	[sflag:s14] =	ssyncadd.s32 $0xFFFFC000;
	s5 =	smov.u32 s6;
	s7 =	sadd.s32 $0x100, s6  }
0x84: {  	[tilespmem:s3], [sflag:$0x1] =	stream.linear.gather [hbm4b:s8+s3], $0x800, $0x38;
	[tilespmem:$0x18800] =	vst v63  }
0x85: {  	p1 =	sne.s32 s6, $0x900;
	_ =	swait.ge [sflag:s14], $0x800  }
0x86: {  	[sflag:s14] =	ssyncset.done $0x0  }
0x87: {  	[sflag:s14] =	ssyncadd.s32 $0xFFFFF800  }
0x88: {  	[spmem:s2] =	stream.indirect.scatter.add.f32 [tilespmem:s13], [sflag:$0x1], $0x80, s3, s15, $0xb8;
	[tilespmem:$0x18800] =	vst v63  }
0x89: {  	_ =	swait.ge [sflag:s14], $0x4000  }
0x8a: {  	[sflag:s14] =	ssyncset.done $0x0  }
0x8b: {  	[sflag:s14] =	ssyncadd.s32 $0xFFFFC000  }
0x8c: {  	[spmem:s2] =	stream.indirect.scatter.add.f32 [tilespmem:s13], [sflag:$0x1], $0x80, s15, s15, $0xb8;
	[tilespmem:$0x18800] =	vst v63  }
0x8d: {  	_ =	swait.ge [sflag:s14], $0x4000  }
0x8e: {  	[sflag:s14] =	ssyncset.done $0x0  }
0x8f: {  	[sflag:s14] =	ssyncadd.s32 $0xFFFFC000  }
0x90: {  	[spmem:s2] =	stream.indirect.scatter.add.f32 [tilespmem:s13], [sflag:$0x1], $0x80, s16, s15, $0xb8;
	[tilespmem:$0x18800] =	vst v63  }
0x91: {  	_ =	swait.ge [sflag:s14], $0x4000  }
0x92: {  	[sflag:s14] =	ssyncset.done $0x0  }
0x93: {  	[sflag:s14] =	ssyncadd.s32 $0xFFFFC000  }
0x94: {  	[spmem:s2] =	stream.indirect.scatter.add.f32 [tilespmem:s13], [sflag:$0x1], $0x80, s17, s15, $0xb8;
	[tilespmem:$0x18800] =	vst v63  }
0x95: {  	_ =	swait.ge [sflag:s14], $0x4000  }
0x96: {  	[sflag:s14] =	ssyncset.done $0x0  }
0x97: {  	[sflag:s14] =	ssyncadd.s32 $0xFFFFC000  }
0x98: {  	[spmem:s2] =	stream.indirect.scatter.add.f32 [tilespmem:s13], [sflag:$0x1], $0x80, s18, s15, $0xb8;
	[tilespmem:$0x18800] =	vst v63  }
0x99: {  	_ =	swait.ge [sflag:s14], $0x4000  }
0x9a: {  	[sflag:s14] =	ssyncset.done $0x0  }
0x9b: {  	[sflag:s14] =	ssyncadd.s32 $0xFFFFC000  }
0x9c: {  	[spmem:s2] =	stream.indirect.scatter.add.f32 [tilespmem:s13], [sflag:$0x1], $0x80, s19, s15, $0xb8;
	[tilespmem:$0x18800] =	vst v63  }
0x9d: {  	_ =	swait.ge [sflag:s14], $0x4000  }
0x9e: {  	[sflag:s14] =	ssyncset.done $0x0  }
0x9f: {  	[sflag:s14] =	ssyncadd.s32 $0xFFFFC000  }
0xa0: {  	[spmem:s2] =	stream.indirect.scatter.add.f32 [tilespmem:s13], [sflag:$0x1], $0x80, s20, s15, $0xb8;
	[tilespmem:$0x18800] =	vst v63  }
0xa1: {  	_ =	swait.ge [sflag:s14], $0x4000  }
0xa2: {  	[sflag:s14] =	ssyncset.done $0x0  }
0xa3: {  	[sflag:s14] =	ssyncadd.s32 $0xFFFFC000  }
0xa4: {  	[spmem:s2] =	stream.indirect.scatter.add.f32 [tilespmem:s13], [sflag:$0x1], $0x80, s21, s15, $0xb8;
	[tilespmem:$0x18800] =	vst v63  }
0xa5: {  	_ =	swait.ge [sflag:s14], $0x4000  }
0xa6: {  	[sflag:s14] =	ssyncset.done $0x0  }
0xa7: {  	[sflag:s14] =	ssyncadd.s32 $0xFFFFC000  }
0xa8: {  	[spmem:s2] =	stream.indirect.scatter.add.f32 [tilespmem:s13], [sflag:$0x1], $0x80, s22, s15, $0xb8;
	[tilespmem:$0x18800] =	vst v63  }
0xa9: {  	_ =	swait.ge [sflag:s14], $0x4000  }
0xaa: {  	[sflag:s14] =	ssyncset.done $0x0  }
0xab: {  	[sflag:s14] =	ssyncadd.s32 $0xFFFFC000  }
0xac: {  	[spmem:s2] =	stream.indirect.scatter.add.f32 [tilespmem:s13], [sflag:$0x1], $0x80, s23, s15, $0xb8;
	[tilespmem:$0x18800] =	vst v63  }
0xad: {  	_ =	swait.ge [sflag:s14], $0x4000  }
0xae: {  	[sflag:s14] =	ssyncset.done $0x0  }
0xaf: {  	[sflag:s14] =	ssyncadd.s32 $0xFFFFC000  }
0xb0: {  	[spmem:s2] =	stream.indirect.scatter.add.f32 [tilespmem:s13], [sflag:$0x1], $0x80, s26, s15, $0xb8;
	[tilespmem:$0x18800] =	vst v63  }
0xb1: {  	_ =	swait.ge [sflag:s14], $0x4000  }
0xb2: {  	[sflag:s14] =	ssyncset.done $0x0  }
0xb3: {  	[sflag:s14] =	ssyncadd.s32 $0xFFFFC000  }
0xb4: {  	[spmem:s2] =	stream.indirect.scatter.add.f32 [tilespmem:s13], [sflag:$0x1], $0x80, s28, s15, $0xb8;
	[tilespmem:$0x18800] =	vst v63  }
0xb5: {  	_ =	swait.ge [sflag:s14], $0x4000  }
0xb6: {  	[sflag:s14] =	ssyncset.done $0x0  }
0xb7: {  	[sflag:s14] =	ssyncadd.s32 $0xFFFFC000  }
0xb8: {  	[spmem:s2] =	stream.indirect.scatter.add.f32 [tilespmem:s13], [sflag:$0x1], $0x80, s29, s15, $0xb8;
	[tilespmem:$0x18800] =	vst v63  }
0xb9: {  	_ =	swait.ge [sflag:s14], $0x4000  }
0xba: {  	[sflag:s14] =	ssyncset.done $0x0  }
0xbb: {  	[sflag:s14] =	ssyncadd.s32 $0xFFFFC000  }
0xbc: {  	[spmem:s2] =	stream.indirect.scatter.add.f32 [tilespmem:s13], [sflag:$0x1], $0x80, s30, s15, $0xb8;
	[tilespmem:$0x18800] =	vst v63  }
0xbd: {  	_ =	swait.ge [sflag:s14], $0x4000  }
0xbe: {  	[sflag:s14] =	ssyncset.done $0x0  }
0xbf: {  	[sflag:s14] =	ssyncadd.s32 $0xFFFFC000  }
0xc0: {  	[spmem:s2] =	stream.indirect.scatter.add.f32 [tilespmem:s13], [sflag:$0x1], $0x80, s31, s15, $0xb8;
	[tilespmem:$0x18800] =	vst v63  }
0xc1: {  	_ =	swait.ge [sflag:s14], $0x4000  }
.Ltmp2:
0xc2: {  	[sflag:s14] =	ssyncset.done $0x0;
	(pc) =	sbr.rel @p1 .LBB2_6-.Ltmp2, $4  }
0xc3: {  	[sflag:s14] =	ssyncadd.s32 $0xFFFFC000  }
0xc4: {  	[spmem:s2] =	stream.indirect.scatter.add.f32 [tilespmem:s13], [sflag:$0x1], $0x80, s0, s15, $0xb8;
	[tilespmem:$0x18800] =	vst v63  }
0xc5: {  	_ =	swait.ge [sflag:s14], $0x4000  }
0xc6: {  	s6 =	smov.u32 s7;
	[sflag:s14] =	ssyncset.done $0x0  }
0xc7: {  	s5 =	sadd.s32 s5, s12;
	[sflag:s14] =	ssyncadd.s32 $0xFFFFC000  }
0xc8: {  	[tilespmem:s3], [sflag:$0x1] =	stream.linear.gather [hbm4b:s5+s3], $0x800, $0x38;
	[tilespmem:$0x18800] =	vst v63  }
0xc9: {  	_ =	swait.ge [sflag:s14], $0x800  }
0xca: {  	[sflag:s14] =	ssyncset.done $0x0  }
0xcb: {  	[sflag:s14] =	ssyncadd.s32 $0xFFFFF800  }
0xcc: {  	[spmem:s2] =	stream.indirect.scatter.add.f32 [tilespmem:s13], [sflag:$0x1], $0x80, s3, s15, $0xb8;
	[tilespmem:$0x18800] =	vst v63  }
0xcd: {  	_ =	swait.ge [sflag:s14], $0x4000  }
0xce: {  	[sflag:s14] =	ssyncset.done $0x0  }
0xcf: {  	[sflag:s14] =	ssyncadd.s32 $0xFFFFC000  }
0xd0: {  	[spmem:s2] =	stream.indirect.scatter.add.f32 [tilespmem:s13], [sflag:$0x1], $0x80, s15, s15, $0xb8;
	[tilespmem:$0x18800] =	vst v63  }
0xd1: {  	_ =	swait.ge [sflag:s14], $0x4000  }
0xd2: {  	[sflag:s14] =	ssyncset.done $0x0  }
0xd3: {  	[sflag:s14] =	ssyncadd.s32 $0xFFFFC000  }
0xd4: {  	[spmem:s2] =	stream.indirect.scatter.add.f32 [tilespmem:s13], [sflag:$0x1], $0x80, s16, s15, $0xb8;
	[tilespmem:$0x18800] =	vst v63  }
0xd5: {  	_ =	swait.ge [sflag:s14], $0x4000  }
0xd6: {  	[sflag:s14] =	ssyncset.done $0x0  }
0xd7: {  	[sflag:s14] =	ssyncadd.s32 $0xFFFFC000  }
0xd8: {  	[spmem:s2] =	stream.indirect.scatter.add.f32 [tilespmem:s13], [sflag:$0x1], $0x80, s17, s15, $0xb8;
	[tilespmem:$0x18800] =	vst v63  }
0xd9: {  	_ =	swait.ge [sflag:s14], $0x4000  }
0xda: {  	[sflag:s14] =	ssyncset.done $0x0  }
0xdb: {  	[sflag:s14] =	ssyncadd.s32 $0xFFFFC000  }
0xdc: {  	[spmem:s2] =	stream.indirect.scatter.add.f32 [tilespmem:s13], [sflag:$0x1], $0x80, s18, s15, $0xb8;
	[tilespmem:$0x18800] =	vst v63  }
0xdd: {  	_ =	swait.ge [sflag:s14], $0x4000  }
0xde: {  	[sflag:s14] =	ssyncset.done $0x0  }
0xdf: {  	[sflag:s14] =	ssyncadd.s32 $0xFFFFC000  }
0xe0: {  	[spmem:s2] =	stream.indirect.scatter.add.f32 [tilespmem:s13], [sflag:$0x1], $0x80, s19, s15, $0xb8;
	[tilespmem:$0x18800] =	vst v63  }
0xe1: {  	_ =	swait.ge [sflag:s14], $0x4000  }
0xe2: {  	[sflag:s14] =	ssyncset.done $0x0  }
0xe3: {  	[sflag:s14] =	ssyncadd.s32 $0xFFFFC000  }
0xe4: {  	[spmem:s2] =	stream.indirect.scatter.add.f32 [tilespmem:s13], [sflag:$0x1], $0x80, s20, s15, $0xb8;
	[tilespmem:$0x18800] =	vst v63  }
0xe5: {  	_ =	swait.ge [sflag:s14], $0x4000  }
0xe6: {  	[sflag:s14] =	ssyncset.done $0x0  }
0xe7: {  	[sflag:s14] =	ssyncadd.s32 $0xFFFFC000  }
0xe8: {  	[spmem:s2] =	stream.indirect.scatter.add.f32 [tilespmem:s13], [sflag:$0x1], $0x80, s21, s15, $0xb8;
	[tilespmem:$0x18800] =	vst v63  }
0xe9: {  	_ =	swait.ge [sflag:s14], $0x4000  }
0xea: {  	[sflag:s14] =	ssyncset.done $0x0  }
0xeb: {  	[sflag:s14] =	ssyncadd.s32 $0xFFFFC000  }
0xec: {  	[spmem:s2] =	stream.indirect.scatter.add.f32 [tilespmem:s13], [sflag:$0x1], $0x80, s22, s15, $0xb8;
	[tilespmem:$0x18800] =	vst v63  }
0xed: {  	_ =	swait.ge [sflag:s14], $0x4000  }
0xee: {  	[sflag:s14] =	ssyncset.done $0x0  }
0xef: {  	[sflag:s14] =	ssyncadd.s32 $0xFFFFC000  }
0xf0: {  	[spmem:s2] =	stream.indirect.scatter.add.f32 [tilespmem:s13], [sflag:$0x1], $0x80, s23, s15, $0xb8;
	[tilespmem:$0x18800] =	vst v63  }
0xf1: {  	_ =	swait.ge [sflag:s14], $0x4000  }
0xf2: {  	[sflag:s14] =	ssyncset.done $0x0  }
0xf3: {  	[sflag:s14] =	ssyncadd.s32 $0xFFFFC000  }
0xf4: {  	[spmem:s2] =	stream.indirect.scatter.add.f32 [tilespmem:s13], [sflag:$0x1], $0x80, s26, s15, $0xb8;
	[tilespmem:$0x18800] =	vst v63  }
0xf5: {  	_ =	swait.ge [sflag:s14], $0x4000  }
0xf6: {  	[sflag:s14] =	ssyncset.done $0x0  }
0xf7: {  	[sflag:s14] =	ssyncadd.s32 $0xFFFFC000  }
0xf8: {  	[spmem:s2] =	stream.indirect.scatter.add.f32 [tilespmem:s13], [sflag:$0x1], $0x80, s28, s15, $0xb8;
	[tilespmem:$0x18800] =	vst v63  }
0xf9: {  	_ =	swait.ge [sflag:s14], $0x4000  }
0xfa: {  	[sflag:s14] =	ssyncset.done $0x0  }
0xfb: {  	[sflag:s14] =	ssyncadd.s32 $0xFFFFC000  }
0xfc: {  	[spmem:s2] =	stream.indirect.scatter.add.f32 [tilespmem:s13], [sflag:$0x1], $0x80, s29, s15, $0xb8;
	[tilespmem:$0x18800] =	vst v63  }
0xfd: {  	_ =	swait.ge [sflag:s14], $0x4000  }
0xfe: {  	[sflag:s14] =	ssyncset.done $0x0  }
0xff: {  	[sflag:s14] =	ssyncadd.s32 $0xFFFFC000  }
0x100: {  	[spmem:s2] =	stream.indirect.scatter.add.f32 [tilespmem:s13], [sflag:$0x1], $0x80, s30, s15, $0xb8;
	[tilespmem:$0x18800] =	vst v63  }
0x101: {  	_ =	swait.ge [sflag:s14], $0x4000  }
0x102: {  	[sflag:s14] =	ssyncset.done $0x0  }
0x103: {  	[sflag:s14] =	ssyncadd.s32 $0xFFFFC000  }
0x104: {  	[spmem:s2] =	stream.indirect.scatter.add.f32 [tilespmem:s13], [sflag:$0x1], $0x80, s31, s15, $0xb8;
	[tilespmem:$0x18800] =	vst v63  }
0x105: {  	_ =	swait.ge [sflag:s14], $0x4000  }
0x106: {  	[sflag:s14] =	ssyncset.done $0x0  }
0x107: {  	[sflag:s14] =	ssyncadd.s32 $0xFFFFC000  }
0x108: {  	[spmem:s2] =	stream.indirect.scatter.add.f32 [tilespmem:s13], [sflag:$0x1], $0x80, s0, s15, $0xb8;
	[tilespmem:$0x18800] =	vst v63  }
0x109: {  	_ =	swait.ge [sflag:s14], $0x4000  }
0x10a: {  	s8 =	stileid.u32;
	[sflag:s14] =	ssyncset.done $0x0  }
0x10b: {  	s5 =	sshll.u32 s8, $0x6;
	[sflag:s14] =	ssyncadd.s32 $0xFFFFC000  }
0x10c: {  	s5 =	sor.u32 $0x1C01, s5;
	[bflag:$0x0] =	sbarrier.arrive $0xFFFF  }
0x10d: {  	[hbm:s9], [sflag:s5] =	dma.local [spmem:s24], $0x2700  }
0x10e: {  	_ =	swait.ge [sflag:s14], $0x2700  }
0x10f: {  	s1 =	sadd.s32 $0x1, s1;
	[sflag:s14] =	ssyncset.done $0x0  }
0x110: {  	p1 =	sne.s32 s1, s11;
	[sflag:s14] =	ssyncadd.s32 $0xFFFFD900  }
0x111: {  	[hbm:s10], [sflag:s5] =	dma.local @!p0 [spmem:s25], $0x100  }
.Ltmp3:
0x112: {  	_ = 	snop;
	(pc) =	sbr.rel @p1 .LBB2_1-.Ltmp3, $4  }
0x113: {  	s5 =	simm.s32 @!p0 $0x1  }
0x114: {  	_ =	swait.ge @!p0 [sflag:s5], $0x100  }
0x115: {  	[sflag:s5] =	ssyncset.done @!p0 $0x0  }
0x116: {  	[sflag:s5] =	ssyncadd.s32 @!p0 $0xFFFFFF00  }
0x117: {  	_ =	sfence.sel $0x180000  }
0x118: {  	[bflag:$0x0] =	sbarrier.arrive $0xFFFF  }
0x119: {  	_ =	strace $0x9000004A  }
0x11a: {  	[bflag:$0x2] =	sbarrier.arrive $0xFFFF  }
0x11b: {  	s0 =	rddreg [dreg:$0x2]  }
0x11c: {  	s0 =	sadd.s32 @!p0 $0x100000, s0  }
0x11d: {  	[sflag:s0] =	ssyncadd.tile.s32 @!p0 $0x1;
	_ =	shalt  }
.Lfunc_end2:
_tile_overlayer_lowered:
.L_overlay_start_2:
0x11e: {  	(tag) =	ssettag $0x2  }
0x11f: {  	s0 =	rddreg [dreg:$0x0];
	s2 =	stileid.u32  }
0x120: {  	s1 =	rddreg [dreg:$0x1];
	p0 =	sne.s32 s2, $0x0  }
0x121: {  	s3 =	rddreg [dreg:$0x2];
	[bflag:$0x3] =	sbarrier.arrive $0xFFFF;
	s2 =	simm.s32 @!p0 $0x1C01  }
0x122: {  	[timem:s3], [sflag:s2] =	dma.local @!p0 [hbm:s0], s1  }
0x123: {  	s0 =	simm.s32 @!p0 $0x1  }
0x124: {  	_ =	swait.ge @!p0 [sflag:s0], s1  }
0x125: {  	s1 =	ssub.s32 @!p0 $0x0, s1;
	[sflag:s0] =	ssyncset.done @!p0 $0x0  }
0x126: {  	[sflag:s0] =	ssyncadd.s32 @!p0 s1  }
0x127: {  	[bflag:$0x3] =	sbarrier.arrive $0xFFFF  }
0x128: {  	_ =	shalt  }

// kernel: kernel.16.cloned.1.call-start
scs
__scs_entry_jumppad:
0x0: {  	(pc) =	sbr.rel $0x88, $3  }
0x1: {  	(tag) =	ssettag $0x0;
	lr =	simm.s32 $0x1  }
0x2: {  	[smem:$0x3F95] =	sst lr;
	_ =	strace $0xD0000000  }
0x3: {  	_ = 	snop  }
0x4: {  	_ = 	snop  }
0x5: {  	_ = 	snop  }
0x6: {  	_ = 	snop  }
0x7: {  	_ = 	snop  }
__scs_overlays_trampoline_lowered:
0x8: {  	[smem:$0x3FA4] =	sst s0  }
0x9: {  	[smem:$0x3FA5] =	sst s1  }
0xa: {  	[smem:$0x3FA6] =	sst s2  }
0xb: {  	[smem:$0x3FA7] =	sst s3  }
0xc: {  	[smem:$0x3FA8] =	sst s4  }
0xd: {  	[smem:$0x3FA9] =	sst s5  }
0xe: {  	[smem:$0x3FAA] =	sst s6  }
0xf: {  	[smem:$0x3FAB] =	sst s7  }
0x10: {  	[smem:$0x3FAC] =	sst s8  }
0x11: {  	[smem:$0x3FAD] =	sst s9;
	s0 =	simm.s32 @!p0 $0x0  }
0x12: {  	s1 =	sld [smem:$0x3F93];
	s0 =	simm.s32 @p0 $0x1  }
0x13: {  	[smem:$0x3FAE] =	sst s0;
	s0 =	simm.s32 @!p1 $0x0  }
0x14: {  	s2 =	sld [smem:$0x3F92];
	s0 =	simm.s32 @p1 $0x1  }
0x15: {  	[smem:$0x3FAF] =	sst s0;
	s0 =	simm.s32 @!p2 $0x0  }
0x16: {  	s3 =	sld [smem:$0x3FDB];
	s0 =	simm.s32 @p2 $0x1  }
0x17: {  	s4 =	simm.s32 $0x1BF5;
	[smem:$0x3FB1] =	sst s0  }
0x18: {  	s0 =	sld [smem:$0x3F94];
	_ =	swait.ge [sflag:s4], $0x0  }
0x19: {  	s7 =	sld [smem:$0x3F95]  }
0x1a: {  	s8 =	sadd.s32 $0xFFFFE003, lr  }
0x1b: {  	s9 =	sadd.s32 $0xFFFFFEF7, lr;
	s5 =	simm.s32 $0xFFFFFFFF;
	p2 =	slt.u32 s8, $0xFFFFF086  }
0x1c: {  	p1 =	slt.u32 s9, $0xF7A;
	s5 =	simm.s32 @!p2 $0x0  }
0x1d: {  	s5 =	simm.s32 @p1 $0x1;
	p0 =	seq.s32 s7, s2  }
0x1e: {  	s7 =	smul.u32 @!p0 $0xF7A, s2;
	p2 =	seq.s32 @!p0 s5, $0x0  }
0x1f: {  	s9 =	smul.u32 $0xF7A, s1;
	s8 =	simm.s32 @!p0 $0x1BF5;
	p2 =	por !p2, p0  }
0x20: {  	[sflag:s8] =	ssyncset.s32 @!p0 $0xFFFFF086;
	s6 =	sadd.s32 @!p0 s3, s7;
	s7 =	simm.s32 @!p0 $0x108  }
0x21: {  	s3 =	sadd.s32 s3, s9;
	s6 =	sadd.s32 @!p0 $0x88, s6;
	s7 =	simm.s32 @p2 $0x1082  }
0x22: {  	[simem:s7], [sflag:s8] =	dma.local @!p0 [hbm:s6], $0xF7A  }
0x23: {  	s9 =	sor.u32 $0xD0000000, s2;
	s6 =	simm.s32 $0x108;
	_ =	swait.ge @!p0 [sflag:s8], $0x0  }
0x24: {  	s3 =	sadd.s32 $0x88, s3;
	s6 =	simm.s32 @!p1 $0x1082;
	[sflag:s4] =	ssyncset.s32 $0xFFFFF086  }
0x25: {  	[simem:s6], [sflag:s4] =	dma.local [hbm:s3], $0xF7A  }
0x26: {  	[smem:$0x3F95] =	sst s1;
	(tag) =	ssettag s2;
	_ =	strace s9  }
0x27: {  	s1 =	sld [smem:$0x3FA5]  }
0x28: {  	s2 =	sld [smem:$0x3FA6]  }
0x29: {  	s4 =	sld [smem:$0x3FA8]  }
0x2a: {  	p0 =	seq.s32 s5, $0x0;
	s5 =	sld [smem:$0x3FA9]  }
0x2b: {  	s6 =	sld [smem:$0x3FAA]  }
0x2c: {  	s7 =	sld [smem:$0x3FAB]  }
0x2d: {  	s3 =	simm.s32 $0x108;
	s8 =	sld [smem:$0x3FAC]  }
0x2e: {  	s3 =	simm.s32 @!p0 $0x1082;
	s9 =	sld [smem:$0x3FAD]  }
0x2f: {  	lr =	sadd.s32 s0, s3;
	s0 =	sld [smem:$0x3FA4]  }
0x30: {  	s3 =	sld [smem:$0x3FA7]  }
0x31: {  	[smem:$0x3FB0] =	sst s10  }
0x32: {  	s10 =	sld [smem:$0x3FAE];
	_ =	sdelay $0x3  }
0x33: {  	p0 =	seq.s32 s10, $0x1;
	s10 =	sld [smem:$0x3FB0];
	_ =	sdelay $0x3  }
0x34: {  	[smem:$0x3FB0] =	sst s10  }
0x35: {  	s10 =	sld [smem:$0x3FAF];
	_ =	sdelay $0x3  }
0x36: {  	p1 =	seq.s32 s10, $0x1;
	s10 =	sld [smem:$0x3FB0];
	_ =	sdelay $0x3  }
0x37: {  	[smem:$0x3FB0] =	sst s10  }
0x38: {  	s10 =	sld [smem:$0x3FB1]  }
0x39: {  	_ = 	snop;
	(pc) =	sbr.ind lr, $3  }
0x3a: {  	_ = 	snop  }
0x3b: {  	_ = 	snop  }
0x3c: {  	p2 =	seq.s32 s10, $0x1;
	s10 =	sld [smem:$0x3FB0]  }
0x3d: {  	_ =	shalt  }
0x3e: {  	_ =	shalt  }
0x3f: {  	_ =	shalt  }
0x40: {  	_ =	shalt  }
0x41: {  	_ =	shalt  }
0x42: {  	_ =	shalt  }
0x43: {  	_ =	shalt  }
0x44: {  	_ =	shalt  }
0x45: {  	_ =	shalt  }
0x46: {  	_ =	shalt  }
0x47: {  	_ =	shalt  }
0x48: {  	_ =	shalt  }
0x49: {  	_ =	shalt  }
0x4a: {  	_ =	shalt  }
0x4b: {  	_ =	shalt  }
0x4c: {  	_ =	shalt  }
0x4d: {  	_ =	shalt  }
0x4e: {  	_ =	shalt  }
0x4f: {  	_ =	shalt  }
0x50: {  	_ =	shalt  }
0x51: {  	_ =	shalt  }
0x52: {  	_ =	shalt  }
0x53: {  	_ =	shalt  }
0x54: {  	_ =	shalt  }
0x55: {  	_ =	shalt  }
0x56: {  	_ =	shalt  }
0x57: {  	_ =	shalt  }
0x58: {  	_ =	shalt  }
0x59: {  	_ =	shalt  }
0x5a: {  	_ =	shalt  }
0x5b: {  	_ =	shalt  }
0x5c: {  	_ =	shalt  }
0x5d: {  	_ =	shalt  }
0x5e: {  	_ =	shalt  }
0x5f: {  	_ =	shalt  }
0x60: {  	_ =	shalt  }
0x61: {  	_ =	shalt  }
0x62: {  	_ =	shalt  }
0x63: {  	_ =	shalt  }
0x64: {  	_ =	shalt  }
0x65: {  	_ =	shalt  }
0x66: {  	_ =	shalt  }
0x67: {  	_ =	shalt  }
0x68: {  	_ =	shalt  }
0x69: {  	_ =	shalt  }
0x6a: {  	_ =	shalt  }
0x6b: {  	_ =	shalt  }
0x6c: {  	_ =	shalt  }
0x6d: {  	_ =	shalt  }
0x6e: {  	_ =	shalt  }
0x6f: {  	_ =	shalt  }
0x70: {  	_ =	shalt  }
0x71: {  	_ =	shalt  }
0x72: {  	_ =	shalt  }
0x73: {  	_ =	shalt  }
0x74: {  	_ =	shalt  }
0x75: {  	_ =	shalt  }
0x76: {  	_ =	shalt  }
0x77: {  	_ =	shalt  }
0x78: {  	_ =	shalt  }
0x79: {  	_ =	shalt  }
0x7a: {  	_ =	shalt  }
0x7b: {  	_ =	shalt  }
0x7c: {  	_ =	shalt  }
0x7d: {  	_ =	shalt  }
0x7e: {  	_ =	shalt  }
0x7f: {  	_ =	shalt  }
0x80: {  	_ =	shalt  }
0x81: {  	_ =	shalt  }
0x82: {  	_ =	shalt  }
0x83: {  	_ =	shalt  }
0x84: {  	_ =	shalt  }
0x85: {  	_ =	shalt  }
0x86: {  	_ =	shalt  }
0x87: {  	_ =	shalt  }
.Lfunc_end0:
.L_simem_size_0:
called_computation.1_lowered:
.L_overlay_start_0:
0x88: {  	s2 =	sld [smem:$0x3FD9]  }
0x89: {  	s3 =	sld [smem:$0x3FFE];
	_ =	sdelay $0x1  }
0x8a: {  	s1 =	srdreg.scid  }
0x8b: {  	s0 =	sand.u32 $0x1, s1  }
0x8c: {  	s17 =	sshll.u32 s0, $0xA;
	s2 =	sadd.s32 s3, s2  }
0x8d: {  	s2 =	sadd.s32 s2, s17  }
0x8e: {  	[smem:$0x3FBC] =	sst s2  }
0x8f: {  	_ = 	snop  }
0x90: {  	s2 =	sld [smem:$0x3FD0];
	(tm) =	ssettm $0x1  }
0x91: {  	s18 =	sld [smem:$0x3FFB];
	_ =	sdelay $0x3  }
0x92: {  	_ =	strace s18  }
0x93: {  	s3 =	sld [smem:$0x3FFC];
	_ =	sdelay $0x3  }
0x94: {  	_ =	strace s3  }
0x95: {  	s3 =	sld [smem:$0x3FFD];
	_ =	sdelay $0x3  }
0x96: {  	_ =	strace s3  }
0x97: {  	_ =	strace $0x8FFFFFFF  }
0x98: {  	s19 =	sld [smem:$0x3FDB];
	_ =	sdelay $0x1  }
0x99: {  	s4 =	simm.s32 $_scs_section_size  }
0x9a: {  	s5 =	simm.s32 $_size__tile_overlayer_lowered;
	s6 =	simm.s32 $_tile_overlayer_lowered  }
0x9b: {  	s22 =	simm.s32 $0x1BFF;
	s21 =	sshll.u32 s6, $0x1;
	s3 =	sadd.s32 s4, s19  }
0x9c: {  	s7 =	simm.s32 $0x0;
	s20 =	sshll.u32 s5, $0x1;
	s5 =	sadd.s32 s21, s3  }
0x9d: {  	[timem:s7], [sflag:s22] =	dma.local [hbm:s5], s20  }
0x9e: {  	_ =	swait.ge [sflag:s22], s20  }
0x9f: {  	s4 =	ssub.s32 $0x0, s20;
	[sflag:s22] =	ssyncset.done $0x0  }
0xa0: {  	[sflag:s22] =	ssyncadd.s32 s4;
	_ =	sdelay $0x1  }
0xa1: {  	s23 =	simm.s32 $0x1B8B  }
0xa2: {  	_ =	swait.ge [sflag:s23], $0x1  }
0xa3: {  	[sflag:s23] =	ssyncset.done $0x0  }
0xa4: {  	s25 =	simm.s32 $0x1B8E;
	s24 =	sld [smem:$0x3FFE];
	[sflag:s23] =	ssyncadd.s32 $0xFFFFFFFF  }
0xa5: {  	s26 =	simm.s32 $execute0_lowered;
	[smem:$0x3FD2] =	sst s25  }
0xa6: {  	s5 =	sshll.u32 s26, $0x1;
	_ =	strace $0x80000046;
	[dreg:$0x1] =	wrdreg $0xFFFFFFFF  }
0xa7: {  	s28 =	simm.s32 $_size_execute0_lowered;
	s3 =	sadd.s32 s3, s5;
	[dreg:$0x0] =	wrdreg $0x0  }
0xa8: {  	s5 =	sshll.u32 s28, $0x1;
	[dreg:$0x2] =	wrdreg s3  }
0xa9: {  	[dreg:$0x3] =	wrdreg s5  }
0xaa: {  	[dreg:$0x4] =	wrdreg $0xC0  }
0xab: {  	_ =	task [dreg:s7], $0x5FFFF  }
0xac: {  	[dreg:$0x1] =	wrdreg $0xFFFFFFFF  }
0xad: {  	[dreg:$0x0] =	wrdreg $0x60  }
0xae: {  	[dreg:$0x2] =	wrdreg s24  }
0xaf: {  	[dreg:$0x3] =	wrdreg s2  }
0xb0: {  	[dreg:$0x4] =	wrdreg $0xA0000  }
0xb1: {  	[dreg:$0x5] =	wrdreg $0xA  }
0xb2: {  	_ =	task.clear_ibuf [dreg:s7], $0x6FFFF;
	_ =	strace $0x90000046  }
0xb3: {  	s29 =	simm.s32 $0xA;
	_ =	strace $0x80000048  }
0xb4: {  	_ =	swait.ge [sflag:s29], $0x1  }
0xb5: {  	[sflag:s29] =	ssyncadd.s32 $0xFFFFFFFF  }
0xb6: {  	_ =	strace $0x90000048  }
0xb7: {  	_ =	sfence  }
0xb8: {  	s30 =	sld [smem:$0x0];
	_ =	sdelay $0x2  }
0xb9: {  	s31 =	sshll.u32 s1, $0xD;
	s1 =	sshrl.u32 s1, $0x2  }
0xba: {  	s3 =	sand.u32 $0x4000, s31;
	s1 =	sadd.s32 s1, s30  }
0xbb: {  	s0 =	sor.u32 s3, s0;
	s1 =	sshll.u32 s1, $0x11  }
0xbc: {  	s0 =	sor.u32 s1, s0  }
0xbd: {  	s0 =	sadd.s32 $0x8F2B, s0  }
0xbe: {  	[sflag:s0] =	ssyncadd.remote.s32 $0x1  }
0xbf: {  	_ =	sfence.sel $0xFFFF  }
0xc0: {  	[dreg:$0x0] =	wrdreg $0xFFFFFFFF;
	(pc) =	sbr.abs _section_cstart, $3  }
0xc1: {  	[dreg:$0x1] =	wrdreg $0xFFFFFFFF  }
0xc2: {  	_ =	task.clear_ibuf [dreg:s7], $0x2FFFF;
	_ =	strace $0x9FFFFFFF  }
0xc3: {  	(tm) =	ssettm $0x7FFFFFFF  }
tec
execute0_lowered:
.L_overlay_start_1:
0x0: {  	(tag) =	ssettag $0x1  }
0x1: {  	s0 =	rddreg [dreg:$0x0]  }
0x2: {  	s1 =	rddreg [dreg:$0x1]  }
0x3: {  	s2 =	rddreg [dreg:$0x2];
	s3 =	simm.s32 $0x0;
	s4 =	srdreg.scid  }
0x4: {  	s11 =	stileid.u32;
	s18 =	simm.s32 $0x2000;
	s19 =	simm.s32 $0x3  }
0x5: {  	s20 =	simm.s32 $0x1000;
	s21 =	simm.s32 $0x6000;
	s22 =	simm.s32 $0x1  }
0x6: {  	s29 =	simm.s32 $0x0;
	[smem:$0x7FF] =	sst s3;
	s7 =	smul.u32 $0x50000, s11  }
0x7: {  	s5 =	sadd.s32 $0xDA00, s0;
	s4 =	sand.u32 $0x1, s4;
	s26 =	smul.u32 $0x13800, s11  }
0x8: {  	s6 =	sadd.s32 $0x3A00, s0;
	s0 =	sadd.s32 $0x5BC00, s0;
	s15 =	smul.u32 $0x4E000, s11  }
0x9: {  	p0 =	sne.s32 s11, $0x0;
	_ =	strace $0x80000047;
	s8 =	sshll.u32 s4, $0x4  }
0xa: {  	s9 =	ssub.s32 $0x2, s4;
	s4 =	smul.u32 $0x138800, s4;
	s8 =	sor.u32 s11, s8  }
0xb: {  	s7 =	sshrl.u32 s7, $0x2;
	s10 =	sshrl.u32 s9, $0x1;
	s16 =	sshrl.u32 s15, $0x2  }
0xc: {  	s7 =	sadd.s32 s7, s2;
	s8 =	smul.u32 $0x2800, s8;
	s9 =	ssub.s32 s9, s10  }
0xd: {  	s10 =	sadd.s32 s26, s4;
	s4 =	sshrl.u32 s4, $0x3;
	s23 =	sadd.s32 $0x4000, s7  }
0xe: {  	s31 =	sadd.s32 s16, s2;
	s24 =	sadd.s32 $0x8000, s7;
	[dreg:$0x4] =	wrdreg s23  }
0xf: {  	s26 =	simm.s32 $0x80;
	s25 =	sadd.s32 $0xC000, s7;
	[dreg:$0x5] =	wrdreg s24  }
0x10: {  	s12 =	sadd.s32 $0x10000, s7;
	s10 =	sshrl.u32 s10, $0x3;
	[dreg:$0x6] =	wrdreg s25  }
0x11: {  	s17 =	smax.u32 s9, $0x1;
	[dreg:$0x7] =	wrdreg s12;
	s14 =	sshrl.u32 s8, $0x3  }
0x12: {  	s10 =	sadd.s32 s0, s10;
	s0 =	sadd.s32 s0, s4;
	s23 =	simm.s32 $0x2  }
0x13: {  	s28 =	sadd.s32 s6, s14;
	s30 =	sadd.s32 s1, s14;
	[dreg:$0xa] =	wrdreg s10  }
0x14: {  	s16 =	sadd.s32 $0x27000, s0;
	s0 =	sadd.s32 $0x138000, s2;
	[dreg:$0x8] =	wrdreg s28  }
0x15: {  	v0 =	vimm.f32 $0.0e+00;
	s24 =	sshrl.u32 s31, $0x3;
	[dreg:$0x9] =	wrdreg s30;
	s25 =	sshrl.u32 @!p0 s0, $0x3  }
.LBB2_1:
0x16: {  	s0 =	sand.u32 $0xFE00, s3  }
0x17: {  	s4 =	sand.u32 $0x70, s3;
	s9 =	sshrl.u32 s0, $0x2  }
0x18: {  	s0 =	simm.s32 $0x40;
	s9 =	sor.u32 s4, s9;
	s4 =	simm.s32 $0x0  }
.LBB2_2:
0x19: {  	p1 =	sne.s32 s0, $0xFFC0  }
0x1a: {  	[tilespmem:s9+$0x2000] =	vst v0;
	s4 =	sadd.s32 $0x10, s4;
	s9 =	smov.u32 s0;
	s0 =	sadd.s32 $0x40, s0  }
.Ltmp0:
0x1b: {  	(pc) =	sbr.rel @p1 .LBB2_2-.Ltmp0, $4  }
0x1c: {  	_ = 	snop  }
0x1d: {  	s9 =	sand.u32 $0xFE00, s9  }
0x1e: {  	s10 =	sand.u32 $0x70, s4;
	s9 =	sshrl.u32 s9, $0x2  }
0x1f: {  	s9 =	sor.u32 s10, s9  }
0x20: {  	[tilespmem:s9+$0x2000] =	vst v0  }
0x21: {  	[spmem:s7] =	stream.linear.scatter [tilespmem:s18], [sflag:$0x3], $0x4000, $0x38;
	[tilespmem:$0x1E000] =	vst v63  }
0x22: {  	_ =	swait.ge [sflag:s19], $0x4000  }
0x23: {  	[sflag:s19] =	ssyncset.done $0x0  }
0x24: {  	s0 =	rddreg [dreg:$0x4];
	[sflag:s19] =	ssyncadd.s32 $0xFFFFC000  }
0x25: {  	[spmem:s0] =	stream.linear.scatter [tilespmem:s18], [sflag:$0x3], $0x4000, $0x38;
	[tilespmem:$0x1E000] =	vst v63  }
0x26: {  	_ =	swait.ge [sflag:s19], $0x4000  }
0x27: {  	[sflag:s19] =	ssyncset.done $0x0  }
0x28: {  	s14 =	rddreg [dreg:$0x5];
	[sflag:s19] =	ssyncadd.s32 $0xFFFFC000  }
0x29: {  	[spmem:s14] =	stream.linear.scatter [tilespmem:s18], [sflag:$0x3], $0x4000, $0x38;
	[tilespmem:$0x1E000] =	vst v63  }
0x2a: {  	_ =	swait.ge [sflag:s19], $0x4000  }
0x2b: {  	[sflag:s19] =	ssyncset.done $0x0  }
0x2c: {  	s15 =	rddreg [dreg:$0x6];
	[sflag:s19] =	ssyncadd.s32 $0xFFFFC000  }
0x2d: {  	[spmem:s15] =	stream.linear.scatter [tilespmem:s18], [sflag:$0x3], $0x4000, $0x38;
	[tilespmem:$0x1E000] =	vst v63  }
0x2e: {  	_ =	swait.ge [sflag:s19], $0x4000  }
0x2f: {  	[sflag:s19] =	ssyncset.done $0x0  }
0x30: {  	s4 =	rddreg [dreg:$0x7];
	[sflag:s19] =	ssyncadd.s32 $0xFFFFC000  }
0x31: {  	[spmem:s4] =	stream.linear.scatter [tilespmem:s18], [sflag:$0x3], $0x4000, $0x38;
	[tilespmem:$0x1E000] =	vst v63  }
0x32: {  	_ =	swait.ge [sflag:s19], $0x4000  }
0x33: {  	[sflag:s19] =	ssyncset.done $0x0  }
0x34: {  	[sflag:s19] =	ssyncadd.s32 $0xFFFFC000  }
0x35: {  	[bflag:$0x0] =	sbarrier.arrive $0xFFFF  }
0x36: {  	s9 =	rddreg [dreg:$0x8]  }
0x37: {  	[tilespmem:s3], [sflag:$0x3] =	stream.linear.gather [hbm4b:s9+s3], $0x800, $0x38;
	[tilespmem:$0x1E000] =	vst v63  }
0x38: {  	_ =	swait.ge [sflag:s19], $0x800  }
0x39: {  	[sflag:s19] =	ssyncset.done $0x0  }
0x3a: {  	s10 =	rddreg [dreg:$0x9];
	[sflag:s19] =	ssyncadd.s32 $0xFFFFF800  }
0x3b: {  	[tilespmem:s20], [sflag:$0x3] =	stream.linear.gather [hbm4b:s10+s3], $0x800, $0x38;
	[tilespmem:$0x1E000] =	vst v63  }
0x3c: {  	_ =	swait.ge [sflag:s19], $0x800  }
0x3d: {  	[sflag:s19] =	ssyncset.done $0x0  }
0x3e: {  	s11 =	simm.s32 $0x2;
	s4 =	simm.s32 $0x80;
	[sflag:s19] =	ssyncadd.s32 $0xFFFFF800  }
0x3f: {  	[tilespmem:s18], [sflag:$0x1] =	stream.indirect.gather [hbm4b:s5+s4], $0x80, s3, s4, $0xb8;
	[tilespmem:$0x1E000] =	vst v63  }
0x40: {  	s0 =	sand.u32 $0xF, s11  }
0x41: {  	[tilespmem:s21], [sflag:$0x1] =	stream.indirect.gather [hbm4b:s5+s4], $0x80, s4, s4, $0xb8;
	[tilespmem:$0x1E000] =	vst v63  }
0x42: {  	p1 =	sne.s32 s0, $0x0;
	_ =	swait.ge [sflag:s22], $0x4000  }
0x43: {  	s30 =	simm.s32 @!p1 $0x0;
	s10 =	sadd.s32 @!p1 $0x0, s8;
	[sflag:s22] =	ssyncset.done $0x0  }
0x44: {  	s9 =	simm.s32 @!p1 $0x0;
	s10 =	sshrl.u32 @!p1 s10, $0x3;
	[sflag:s22] =	ssyncadd.s32 $0xFFFFC000  }
0x45: {  	[spmem:s2] =	stream.indirect.scatter.add.f32 [tilespmem:s18], [sflag:$0x2], $0x80, s20, s4, $0xb8;
	[tilespmem:$0x1E000] =	vst v63  }
0x46: {  	s31 =	simm.s32 @!p1 $0x3;
	s9 =	sand.u32 @!p1 $0x800, s9;
	s28 =	sadd.s32 @!p1 s6, s10  }
0x47: {  	[tilespmem:s9], [sflag:$0x3] =	stream.linear.gather @!p1 [hbm4b:s28+s30], $0x800, $0x38;
	[tilespmem:$0x1E000] =	vst v63  }
0x48: {  	_ =	swait.ge @!p1 [sflag:s31], $0x800  }
0x49: {  	s13 =	simm.s32 $0x1;
	s12 =	sshll.u32 s0, $0x7;
	[sflag:s31] =	ssyncset.done @!p1 $0x0  }
0x4a: {  	s10 =	sadd.s32 @!p1 s1, s10;
	s9 =	sor.u32 @!p1 $0x1000, s9;
	[sflag:s31] =	ssyncadd.s32 @!p1 $0xFFFFF800  }
0x4b: {  	[tilespmem:s9], [sflag:$0x3] =	stream.linear.gather @!p1 [hbm4b:s10+s30], $0x800, $0x38;
	[tilespmem:$0x1E000] =	vst v63  }
0x4c: {  	s0 =	simm.s32 $0x180;
	s28 =	simm.s32 $0x0;
	_ =	swait.ge @!p1 [sflag:s31], $0x800  }
0x4d: {  	s4 =	sand.u32 $0xF80, s4;
	s28 =	sand.u32 $0x800, s28;
	[sflag:s31] =	ssyncset.done @!p1 $0x0  }
0x4e: {  	s30 =	simm.s32 $0x100;
	s9 =	sand.u32 $0x1, s13;
	[sflag:s31] =	ssyncadd.s32 @!p1 $0xFFFFF800  }
0x4f: {  	s10 =	sor.u32 s12, s28;
	s9 =	sshll.u32 s9, $0xE;
	_ =	swait.ge [sflag:s23], $0x4000  }
0x50: {  	s11 =	sxor.u32 $0x4000, s9;
	s31 =	simm.s32 $0x3;
	[sflag:s23] =	ssyncset.done $0x0  }
0x51: {  	s14 =	sor.u32 $0x2000, s11;
	s15 =	sand.u32 $0xF, s31;
	[sflag:s23] =	ssyncadd.s32 $0xFFFFC000  }
0x52: {  	[tilespmem:s14], [sflag:$0x1] =	stream.indirect.gather [hbm4b:s5+s26], $0x80, s10, s26, $0xb8;
	[tilespmem:$0x1E000] =	vst v63  }
0x53: {  	s28 =	sor.u32 $0x1000, s4;
	p1 =	sne.s32 s15, $0x0;
	_ =	swait.ge [sflag:s22], $0x4000  }
0x54: {  	s4 =	sshll.u32 s15, $0x7;
	s10 =	simm.s32 $0x0;
	[sflag:s22] =	ssyncset.done $0x0  }
.LBB2_4:
0x55: {  	s11 =	sshll.u32 @!p1 s10, $0xB;
	s10 =	sshll.u32 s10, $0xB  }
0x56: {  	s12 =	smov.u32 s30;
	s30 =	smov.u32 s0;
	s0 =	sadd.s32 $0x80, s0  }
0x57: {  	s9 =	sor.u32 $0x2000, s9;
	s13 =	sadd.s32 @!p1 s8, s11;
	s11 =	sand.u32 @!p1 $0x800, s11  }
0x58: {  	s13 =	sshrl.u32 @!p1 s13, $0x3;
	s14 =	sor.u32 @!p1 $0x1000, s11;
	[sflag:s22] =	ssyncadd.s32 $0xFFFFC000  }
0x59: {  	[spmem:s2] =	stream.indirect.scatter.add.f32 [tilespmem:s9], [sflag:$0x2], $0x80, s28, s26, $0xb8;
	[tilespmem:$0x1E000] =	vst v63  }
0x5a: {  	s15 =	simm.s32 @!p1 $0x3;
	s9 =	sadd.s32 @!p1 s6, s13;
	s28 =	simm.s32 @!p1 $0x0  }
0x5b: {  	[tilespmem:s11], [sflag:$0x3] =	stream.linear.gather @!p1 [hbm4b:s9+s28], $0x800, $0x38;
	[tilespmem:$0x1E000] =	vst v63  }
0x5c: {  	p2 =	sne.s32 s0, $0x2780;
	s9 =	sadd.s32 @!p1 s1, s13;
	_ =	swait.ge @!p1 [sflag:s15], $0x800  }
0x5d: {  	[sflag:s15] =	ssyncset.done @!p1 $0x0  }
0x5e: {  	[sflag:s15] =	ssyncadd.s32 @!p1 $0xFFFFF800  }
0x5f: {  	[tilespmem:s14], [sflag:$0x3] =	stream.linear.gather @!p1 [hbm4b:s9+s28], $0x800, $0x38;
	[tilespmem:$0x1E000] =	vst v63  }
0x60: {  	s10 =	sand.u32 $0x800, s10;
	_ =	swait.ge @!p1 [sflag:s15], $0x800  }
0x61: {  	s9 =	sadd.s32 $0xFFFFFFFF, s31;
	s31 =	sadd.s32 $0x1, s31;
	[sflag:s15] =	ssyncset.done @!p1 $0x0  }
0x62: {  	s11 =	sand.u32 $0xF80, s12;
	s9 =	sand.u32 $0x1, s9;
	[sflag:s15] =	ssyncadd.s32 @!p1 $0xFFFFF800  }
0x63: {  	s28 =	sor.u32 $0x1000, s11;
	s9 =	sshll.u32 s9, $0xE;
	_ =	swait.ge [sflag:s23], $0x4000  }
.Ltmp1:
0x64: {  	s11 =	sxor.u32 $0x4000, s9;
	[sflag:s23] =	ssyncset.done $0x0;
	(pc) =	sbr.rel @p2 .LBB2_4-.Ltmp1, $4  }
0x65: {  	s4 =	sor.u32 s4, s10;
	s11 =	sor.u32 $0x2000, s11;
	[sflag:s23] =	ssyncadd.s32 $0xFFFFC000  }
0x66: {  	[tilespmem:s11], [sflag:$0x1] =	stream.indirect.gather [hbm4b:s5+s26], $0x80, s4, s26, $0xb8;
	[tilespmem:$0x1E000] =	vst v63  }
0x67: {  	s10 =	sshrl.u32 s31, $0x4;
	s4 =	sand.u32 $0xF, s31;
	_ =	swait.ge [sflag:s22], $0x4000  }
0x68: {  	p1 =	sne.s32 s4, $0x0;
	s4 =	sshll.u32 s4, $0x7;
	[sflag:s22] =	ssyncset.done $0x0  }
0x69: {  	s0 =	sshll.u32 @!p1 s10, $0xB  }
0x6a: {  	s9 =	sor.u32 $0x2000, s9;
	[sflag:s22] =	ssyncadd.s32 $0xFFFFC000;
	s11 =	sadd.s32 @!p1 s8, s0  }
0x6b: {  	[spmem:s2] =	stream.indirect.scatter.add.f32 [tilespmem:s9], [sflag:$0x2], $0x80, s28, s26, $0xb8;
	[tilespmem:$0x1E000] =	vst v63  }
0x6c: {  	s11 =	sshrl.u32 @!p1 s11, $0x3  }
0x6d: {  	s12 =	simm.s32 @!p1 $0x0;
	s0 =	sand.u32 @!p1 $0x800, s0;
	s9 =	sadd.s32 @!p1 s6, s11  }
0x6e: {  	[tilespmem:s0], [sflag:$0x3] =	stream.linear.gather @!p1 [hbm4b:s9+s12], $0x800, $0x38;
	[tilespmem:$0x1E000] =	vst v63  }
0x6f: {  	s9 =	simm.s32 @!p1 $0x3  }
0x70: {  	_ =	swait.ge @!p1 [sflag:s9], $0x800  }
0x71: {  	[sflag:s9] =	ssyncset.done @!p1 $0x0  }
0x72: {  	s11 =	sadd.s32 @!p1 s1, s11;
	s0 =	sor.u32 @!p1 $0x1000, s0;
	[sflag:s9] =	ssyncadd.s32 @!p1 $0xFFFFF800  }
0x73: {  	[tilespmem:s0], [sflag:$0x3] =	stream.linear.gather @!p1 [hbm4b:s11+s12], $0x800, $0x38;
	[tilespmem:$0x1E000] =	vst v63  }
0x74: {  	_ =	swait.ge @!p1 [sflag:s9], $0x800  }
0x75: {  	s11 =	sadd.s32 $0xFFFFFFFF, s31;
	[sflag:s9] =	ssyncset.done @!p1 $0x0  }
0x76: {  	s0 =	sand.u32 $0x1, s11;
	[sflag:s9] =	ssyncadd.s32 @!p1 $0xFFFFF800  }
0x77: {  	s12 =	sshll.u32 s10, $0xB;
	s0 =	sshll.u32 s0, $0xE;
	_ =	swait.ge [sflag:s23], $0x4000  }
0x78: {  	s13 =	sxor.u32 $0x4000, s0;
	s9 =	sand.u32 $0x800, s12;
	[sflag:s23] =	ssyncset.done $0x0  }
0x79: {  	s4 =	sor.u32 s4, s9;
	s14 =	sor.u32 $0x2000, s13;
	[sflag:s23] =	ssyncadd.s32 $0xFFFFC000  }
0x7a: {  	[tilespmem:s14], [sflag:$0x1] =	stream.indirect.gather [hbm4b:s5+s26], $0x80, s4, s26, $0xb8;
	[tilespmem:$0x1E000] =	vst v63  }
0x7b: {  	_ =	swait.ge [sflag:s22], $0x4000  }
0x7c: {  	s15 =	sand.u32 $0xF80, s30;
	[sflag:s22] =	ssyncset.done $0x0  }
0x7d: {  	s0 =	sor.u32 $0x2000, s0;
	s4 =	sor.u32 $0x1000, s15;
	[sflag:s22] =	ssyncadd.s32 $0xFFFFC000  }
0x7e: {  	[spmem:s2] =	stream.indirect.scatter.add.f32 [tilespmem:s0], [sflag:$0x2], $0x80, s4, s26, $0xb8;
	[tilespmem:$0x1E000] =	vst v63  }
0x7f: {  	_ =	swait.ge [sflag:s22], $0x4000  }
0x80: {  	[sflag:s22] =	ssyncset.done $0x0  }
0x81: {  	s28 =	simm.s32 $0x1780;
	[sflag:s22] =	ssyncadd.s32 $0xFFFFC000  }
0x82: {  	[spmem:s2] =	stream.indirect.scatter.add.f32 [tilespmem:s21], [sflag:$0x2], $0x80, s28, s26, $0xb8;
	[tilespmem:$0x1E000] =	vst v63  }
0x83: {  	_ =	swait.ge [sflag:s23], $0x4000  }
0x84: {  	[sflag:s23] =	ssyncset.done $0x0  }
0x85: {  	s30 =	stileid.u32;
	[sflag:s23] =	ssyncadd.s32 $0xFFFFC000  }
0x86: {  	s0 =	sshll.u32 s30, $0x6;
	[bflag:$0x0] =	sbarrier.arrive $0xFFFF  }
0x87: {  	s0 =	sor.u32 $0x1C03, s0;
	s31 =	rddreg [dreg:$0xa]  }
0x88: {  	[hbm:s31], [sflag:s0] =	dma.local [spmem:s24], $0x2700  }
0x89: {  	_ =	swait.ge [sflag:s19], $0x2700  }
0x8a: {  	s29 =	sadd.s32 $0x1, s29;
	[sflag:s19] =	ssyncset.done $0x0  }
0x8b: {  	p1 =	sne.s32 s29, s17;
	[sflag:s19] =	ssyncadd.s32 $0xFFFFD900  }
0x8c: {  	[hbm:s16], [sflag:s0] =	dma.local @!p0 [spmem:s25], $0x100  }
.Ltmp2:
0x8d: {  	_ = 	snop;
	(pc) =	sbr.rel @p1 .LBB2_1-.Ltmp2, $4  }
0x8e: {  	s0 =	simm.s32 @!p0 $0x3  }
0x8f: {  	_ =	swait.ge @!p0 [sflag:s0], $0x100  }
0x90: {  	[sflag:s0] =	ssyncset.done @!p0 $0x0  }
0x91: {  	[sflag:s0] =	ssyncadd.s32 @!p0 $0xFFFFFF00  }
0x92: {  	_ =	sfence.sel $0x180000  }
0x93: {  	[bflag:$0x0] =	sbarrier.arrive $0xFFFF  }
0x94: {  	_ =	strace $0x90000047  }
0x95: {  	[bflag:$0x2] =	sbarrier.arrive $0xFFFF  }
0x96: {  	s0 =	rddreg [dreg:$0x3]  }
0x97: {  	s0 =	sadd.s32 @!p0 $0x100000, s0  }
0x98: {  	[sflag:s0] =	ssyncadd.tile.s32 @!p0 $0x1;
	_ =	shalt  }
.Lfunc_end2:
_tile_overlayer_lowered:
.L_overlay_start_2:
0x99: {  	(tag) =	ssettag $0x2  }
0x9a: {  	s0 =	rddreg [dreg:$0x0];
	s2 =	stileid.u32  }
0x9b: {  	s1 =	rddreg [dreg:$0x1];
	p0 =	sne.s32 s2, $0x0  }
0x9c: {  	s3 =	rddreg [dreg:$0x2];
	[bflag:$0x3] =	sbarrier.arrive $0xFFFF;
	s2 =	simm.s32 @!p0 $0x1C03  }
0x9d: {  	[timem:s3], [sflag:s2] =	dma.local @!p0 [hbm:s0], s1  }
0x9e: {  	s0 =	simm.s32 @!p0 $0x3  }
0x9f: {  	_ =	swait.ge @!p0 [sflag:s0], s1  }
0xa0: {  	s1 =	ssub.s32 @!p0 $0x0, s1;
	[sflag:s0] =	ssyncset.done @!p0 $0x0  }
0xa1: {  	[sflag:s0] =	ssyncadd.s32 @!p0 s1  }
0xa2: {  	[bflag:$0x3] =	sbarrier.arrive $0xFFFF  }
0xa3: {  	_ =	shalt  }

// kernel: kernel.19.cloned.1.call-start
scs
__scs_entry_jumppad:
0x0: {  	(pc) =	sbr.rel $0x88, $3  }
0x1: {  	(tag) =	ssettag $0x0;
	lr =	simm.s32 $0x1  }
0x2: {  	[smem:$0x3F95] =	sst lr;
	_ =	strace $0xD0000000  }
0x3: {  	_ = 	snop  }
0x4: {  	_ = 	snop  }
0x5: {  	_ = 	snop  }
0x6: {  	_ = 	snop  }
0x7: {  	_ = 	snop  }
__scs_overlays_trampoline_lowered:
0x8: {  	[smem:$0x3FA4] =	sst s0  }
0x9: {  	[smem:$0x3FA5] =	sst s1  }
0xa: {  	[smem:$0x3FA6] =	sst s2  }
0xb: {  	[smem:$0x3FA7] =	sst s3  }
0xc: {  	[smem:$0x3FA8] =	sst s4  }
0xd: {  	[smem:$0x3FA9] =	sst s5  }
0xe: {  	[smem:$0x3FAA] =	sst s6  }
0xf: {  	[smem:$0x3FAB] =	sst s7  }
0x10: {  	[smem:$0x3FAC] =	sst s8  }
0x11: {  	[smem:$0x3FAD] =	sst s9;
	s0 =	simm.s32 @!p0 $0x0  }
0x12: {  	s1 =	sld [smem:$0x3F93];
	s0 =	simm.s32 @p0 $0x1  }
0x13: {  	[smem:$0x3FAE] =	sst s0;
	s0 =	simm.s32 @!p1 $0x0  }
0x14: {  	s2 =	sld [smem:$0x3F92];
	s0 =	simm.s32 @p1 $0x1  }
0x15: {  	[smem:$0x3FAF] =	sst s0;
	s0 =	simm.s32 @!p2 $0x0  }
0x16: {  	s3 =	sld [smem:$0x3FDB];
	s0 =	simm.s32 @p2 $0x1  }
0x17: {  	s4 =	simm.s32 $0x1BF5;
	[smem:$0x3FB1] =	sst s0  }
0x18: {  	s0 =	sld [smem:$0x3F94];
	_ =	swait.ge [sflag:s4], $0x0  }
0x19: {  	s7 =	sld [smem:$0x3F95]  }
0x1a: {  	s8 =	sadd.s32 $0xFFFFE003, lr  }
0x1b: {  	s9 =	sadd.s32 $0xFFFFFEF7, lr;
	s5 =	simm.s32 $0xFFFFFFFF;
	p2 =	slt.u32 s8, $0xFFFFF086  }
0x1c: {  	p1 =	slt.u32 s9, $0xF7A;
	s5 =	simm.s32 @!p2 $0x0  }
0x1d: {  	s5 =	simm.s32 @p1 $0x1;
	p0 =	seq.s32 s7, s2  }
0x1e: {  	s7 =	smul.u32 @!p0 $0xF7A, s2;
	p2 =	seq.s32 @!p0 s5, $0x0  }
0x1f: {  	s9 =	smul.u32 $0xF7A, s1;
	s8 =	simm.s32 @!p0 $0x1BF5;
	p2 =	por !p2, p0  }
0x20: {  	[sflag:s8] =	ssyncset.s32 @!p0 $0xFFFFF086;
	s6 =	sadd.s32 @!p0 s3, s7;
	s7 =	simm.s32 @!p0 $0x108  }
0x21: {  	s3 =	sadd.s32 s3, s9;
	s6 =	sadd.s32 @!p0 $0x88, s6;
	s7 =	simm.s32 @p2 $0x1082  }
0x22: {  	[simem:s7], [sflag:s8] =	dma.local @!p0 [hbm:s6], $0xF7A  }
0x23: {  	s9 =	sor.u32 $0xD0000000, s2;
	s6 =	simm.s32 $0x108;
	_ =	swait.ge @!p0 [sflag:s8], $0x0  }
0x24: {  	s3 =	sadd.s32 $0x88, s3;
	s6 =	simm.s32 @!p1 $0x1082;
	[sflag:s4] =	ssyncset.s32 $0xFFFFF086  }
0x25: {  	[simem:s6], [sflag:s4] =	dma.local [hbm:s3], $0xF7A  }
0x26: {  	[smem:$0x3F95] =	sst s1;
	(tag) =	ssettag s2;
	_ =	strace s9  }
0x27: {  	s1 =	sld [smem:$0x3FA5]  }
0x28: {  	s2 =	sld [smem:$0x3FA6]  }
0x29: {  	s4 =	sld [smem:$0x3FA8]  }
0x2a: {  	p0 =	seq.s32 s5, $0x0;
	s5 =	sld [smem:$0x3FA9]  }
0x2b: {  	s6 =	sld [smem:$0x3FAA]  }
0x2c: {  	s7 =	sld [smem:$0x3FAB]  }
0x2d: {  	s3 =	simm.s32 $0x108;
	s8 =	sld [smem:$0x3FAC]  }
0x2e: {  	s3 =	simm.s32 @!p0 $0x1082;
	s9 =	sld [smem:$0x3FAD]  }
0x2f: {  	lr =	sadd.s32 s0, s3;
	s0 =	sld [smem:$0x3FA4]  }
0x30: {  	s3 =	sld [smem:$0x3FA7]  }
0x31: {  	[smem:$0x3FB0] =	sst s10  }
0x32: {  	s10 =	sld [smem:$0x3FAE];
	_ =	sdelay $0x3  }
0x33: {  	p0 =	seq.s32 s10, $0x1;
	s10 =	sld [smem:$0x3FB0];
	_ =	sdelay $0x3  }
0x34: {  	[smem:$0x3FB0] =	sst s10  }
0x35: {  	s10 =	sld [smem:$0x3FAF];
	_ =	sdelay $0x3  }
0x36: {  	p1 =	seq.s32 s10, $0x1;
	s10 =	sld [smem:$0x3FB0];
	_ =	sdelay $0x3  }
0x37: {  	[smem:$0x3FB0] =	sst s10  }
0x38: {  	s10 =	sld [smem:$0x3FB1]  }
0x39: {  	_ = 	snop;
	(pc) =	sbr.ind lr, $3  }
0x3a: {  	_ = 	snop  }
0x3b: {  	_ = 	snop  }
0x3c: {  	p2 =	seq.s32 s10, $0x1;
	s10 =	sld [smem:$0x3FB0]  }
0x3d: {  	_ =	shalt  }
0x3e: {  	_ =	shalt  }
0x3f: {  	_ =	shalt  }
0x40: {  	_ =	shalt  }
0x41: {  	_ =	shalt  }
0x42: {  	_ =	shalt  }
0x43: {  	_ =	shalt  }
0x44: {  	_ =	shalt  }
0x45: {  	_ =	shalt  }
0x46: {  	_ =	shalt  }
0x47: {  	_ =	shalt  }
0x48: {  	_ =	shalt  }
0x49: {  	_ =	shalt  }
0x4a: {  	_ =	shalt  }
0x4b: {  	_ =	shalt  }
0x4c: {  	_ =	shalt  }
0x4d: {  	_ =	shalt  }
0x4e: {  	_ =	shalt  }
0x4f: {  	_ =	shalt  }
0x50: {  	_ =	shalt  }
0x51: {  	_ =	shalt  }
0x52: {  	_ =	shalt  }
0x53: {  	_ =	shalt  }
0x54: {  	_ =	shalt  }
0x55: {  	_ =	shalt  }
0x56: {  	_ =	shalt  }
0x57: {  	_ =	shalt  }
0x58: {  	_ =	shalt  }
0x59: {  	_ =	shalt  }
0x5a: {  	_ =	shalt  }
0x5b: {  	_ =	shalt  }
0x5c: {  	_ =	shalt  }
0x5d: {  	_ =	shalt  }
0x5e: {  	_ =	shalt  }
0x5f: {  	_ =	shalt  }
0x60: {  	_ =	shalt  }
0x61: {  	_ =	shalt  }
0x62: {  	_ =	shalt  }
0x63: {  	_ =	shalt  }
0x64: {  	_ =	shalt  }
0x65: {  	_ =	shalt  }
0x66: {  	_ =	shalt  }
0x67: {  	_ =	shalt  }
0x68: {  	_ =	shalt  }
0x69: {  	_ =	shalt  }
0x6a: {  	_ =	shalt  }
0x6b: {  	_ =	shalt  }
0x6c: {  	_ =	shalt  }
0x6d: {  	_ =	shalt  }
0x6e: {  	_ =	shalt  }
0x6f: {  	_ =	shalt  }
0x70: {  	_ =	shalt  }
0x71: {  	_ =	shalt  }
0x72: {  	_ =	shalt  }
0x73: {  	_ =	shalt  }
0x74: {  	_ =	shalt  }
0x75: {  	_ =	shalt  }
0x76: {  	_ =	shalt  }
0x77: {  	_ =	shalt  }
0x78: {  	_ =	shalt  }
0x79: {  	_ =	shalt  }
0x7a: {  	_ =	shalt  }
0x7b: {  	_ =	shalt  }
0x7c: {  	_ =	shalt  }
0x7d: {  	_ =	shalt  }
0x7e: {  	_ =	shalt  }
0x7f: {  	_ =	shalt  }
0x80: {  	_ =	shalt  }
0x81: {  	_ =	shalt  }
0x82: {  	_ =	shalt  }
0x83: {  	_ =	shalt  }
0x84: {  	_ =	shalt  }
0x85: {  	_ =	shalt  }
0x86: {  	_ =	shalt  }
0x87: {  	_ =	shalt  }
.Lfunc_end0:
.L_simem_size_0:
called_computation.2_lowered:
.L_overlay_start_0:
0x88: {  	s2 =	sld [smem:$0x3FD9]  }
0x89: {  	s3 =	sld [smem:$0x3FFE];
	_ =	sdelay $0x1  }
0x8a: {  	s1 =	srdreg.scid  }
0x8b: {  	s0 =	sand.u32 $0x1, s1  }
0x8c: {  	s16 =	sshll.u32 s0, $0xA;
	s2 =	sadd.s32 s3, s2  }
0x8d: {  	s2 =	sadd.s32 s2, s16  }
0x8e: {  	[smem:$0x3FBC] =	sst s2  }
0x8f: {  	_ = 	snop  }
0x90: {  	(tm) =	ssettm $0x1  }
0x91: {  	s17 =	sld [smem:$0x3FFB];
	_ =	sdelay $0x3  }
0x92: {  	_ =	strace s17  }
0x93: {  	s2 =	sld [smem:$0x3FFC];
	_ =	sdelay $0x3  }
0x94: {  	_ =	strace s2  }
0x95: {  	s2 =	sld [smem:$0x3FFD];
	_ =	sdelay $0x3  }
0x96: {  	_ =	strace s2  }
0x97: {  	_ =	strace $0x8FFFFFFF  }
0x98: {  	s18 =	sld [smem:$0x3FDB];
	_ =	sdelay $0x1  }
0x99: {  	s19 =	simm.s32 $_scs_section_size  }
0x9a: {  	s4 =	simm.s32 $_size__tile_overlayer_lowered;
	s5 =	simm.s32 $_tile_overlayer_lowered  }
0x9b: {  	s22 =	simm.s32 $0x1BFF;
	s21 =	sshll.u32 s5, $0x1;
	s2 =	sadd.s32 s19, s18  }
0x9c: {  	s6 =	simm.s32 $0x0;
	s20 =	sshll.u32 s4, $0x1;
	s4 =	sadd.s32 s21, s2  }
0x9d: {  	[timem:s6], [sflag:s22] =	dma.local [hbm:s4], s20  }
0x9e: {  	_ =	swait.ge [sflag:s22], s20  }
0x9f: {  	s3 =	ssub.s32 $0x0, s20;
	[sflag:s22] =	ssyncset.done $0x0  }
0xa0: {  	[sflag:s22] =	ssyncadd.s32 s3;
	_ =	sdelay $0x1  }
0xa1: {  	s23 =	simm.s32 $0x1B8B  }
0xa2: {  	_ =	swait.ge [sflag:s23], $0x1  }
0xa3: {  	[sflag:s23] =	ssyncset.done $0x0  }
0xa4: {  	s25 =	simm.s32 $0x1B8E;
	s24 =	sld [smem:$0x3FFE];
	[sflag:s23] =	ssyncadd.s32 $0xFFFFFFFF  }
0xa5: {  	s26 =	simm.s32 $execute0_lowered;
	[smem:$0x3FD2] =	sst s25  }
0xa6: {  	s4 =	sshll.u32 s26, $0x1;
	_ =	strace $0x8000004C;
	[dreg:$0x1] =	wrdreg $0xFFFFFFFF  }
0xa7: {  	s28 =	simm.s32 $_size_execute0_lowered;
	s2 =	sadd.s32 s2, s4;
	[dreg:$0x0] =	wrdreg $0x0  }
0xa8: {  	s4 =	sshll.u32 s28, $0x1;
	[dreg:$0x2] =	wrdreg s2  }
0xa9: {  	[dreg:$0x3] =	wrdreg s4  }
0xaa: {  	[dreg:$0x4] =	wrdreg $0xC0  }
0xab: {  	_ =	task [dreg:s6], $0x5FFFF  }
0xac: {  	[dreg:$0x1] =	wrdreg $0xFFFFFFFF  }
0xad: {  	[dreg:$0x0] =	wrdreg $0x60  }
0xae: {  	[dreg:$0x2] =	wrdreg s24  }
0xaf: {  	[dreg:$0x3] =	wrdreg $0xA0000  }
0xb0: {  	[dreg:$0x4] =	wrdreg $0x9  }
0xb1: {  	_ =	task.clear_ibuf [dreg:s6], $0x5FFFF;
	_ =	strace $0x9000004C  }
0xb2: {  	s29 =	simm.s32 $0x9;
	_ =	strace $0x8000004E  }
0xb3: {  	_ =	swait.ge [sflag:s29], $0x1  }
0xb4: {  	[sflag:s29] =	ssyncadd.s32 $0xFFFFFFFF  }
0xb5: {  	_ =	strace $0x9000004E  }
0xb6: {  	_ =	sfence  }
0xb7: {  	s30 =	sld [smem:$0x0];
	_ =	sdelay $0x2  }
0xb8: {  	s31 =	sshll.u32 s1, $0xD;
	s1 =	sshrl.u32 s1, $0x2  }
0xb9: {  	s3 =	sand.u32 $0x4000, s31;
	s1 =	sadd.s32 s1, s30  }
0xba: {  	s0 =	sor.u32 s3, s0;
	s1 =	sshll.u32 s1, $0x11  }
0xbb: {  	s0 =	sor.u32 s1, s0  }
0xbc: {  	s0 =	sadd.s32 $0x8F2B, s0  }
0xbd: {  	[sflag:s0] =	ssyncadd.remote.s32 $0x1  }
0xbe: {  	_ =	sfence.sel $0xFFFF  }
0xbf: {  	[dreg:$0x0] =	wrdreg $0xFFFFFFFF;
	(pc) =	sbr.abs _section_cstart, $3  }
0xc0: {  	[dreg:$0x1] =	wrdreg $0xFFFFFFFF  }
0xc1: {  	_ =	task.clear_ibuf [dreg:s6], $0x2FFFF;
	_ =	strace $0x9FFFFFFF  }
0xc2: {  	(tm) =	ssettm $0x7FFFFFFF  }
0xc3: {  	_ =	shalt  }
tec
execute0_lowered:
.L_overlay_start_1:
0x0: {  	(tag) =	ssettag $0x1  }
0x1: {  	s0 =	rddreg [dreg:$0x0]  }
0x2: {  	s1 =	rddreg [dreg:$0x1]  }
0x3: {  	s2 =	simm.s32 $0x0;
	s4 =	srdreg.scid;
	s11 =	stileid.u32  }
0x4: {  	s18 =	simm.s32 $0x2000;
	s19 =	simm.s32 $0x3;
	s20 =	simm.s32 $0x1000  }
0x5: {  	s21 =	simm.s32 $0x6000;
	s22 =	simm.s32 $0x1;
	s29 =	simm.s32 $0x0  }
0x6: {  	[smem:$0x7FF] =	sst s2;
	s3 =	sadd.s32 $0x5BC00, s0;
	s7 =	smul.u32 $0x50000, s11  }
0x7: {  	s5 =	sadd.s32 $0x120000, s0;
	s4 =	sand.u32 $0x1, s4;
	s26 =	smul.u32 $0x13800, s11  }
0x8: {  	s6 =	sadd.s32 $0xBDE00, s0;
	s0 =	sadd.s32 $0x134000, s0;
	s15 =	smul.u32 $0x4E000, s11  }
0x9: {  	p0 =	sne.s32 s11, $0x0;
	_ =	strace $0x8000004D;
	s8 =	sshll.u32 s4, $0x4  }
0xa: {  	s9 =	ssub.s32 $0x2, s4;
	s4 =	smul.u32 $0x138800, s4;
	s8 =	sor.u32 s11, s8  }
0xb: {  	s7 =	sshrl.u32 s7, $0x2;
	s10 =	sshrl.u32 s9, $0x1;
	s16 =	sshrl.u32 s15, $0x2  }
0xc: {  	s7 =	sadd.s32 s7, s1;
	s8 =	smul.u32 $0x5000, s8;
	s9 =	ssub.s32 s9, s10  }
0xd: {  	s10 =	sadd.s32 s26, s4;
	s4 =	sshrl.u32 s4, $0x3;
	s23 =	sadd.s32 $0x4000, s7  }
0xe: {  	s31 =	sadd.s32 s16, s1;
	s24 =	sadd.s32 $0x8000, s7;
	[dreg:$0x3] =	wrdreg s23  }
0xf: {  	s26 =	simm.s32 $0x80;
	s25 =	sadd.s32 $0xC000, s7;
	[dreg:$0x4] =	wrdreg s24  }
0x10: {  	s12 =	sadd.s32 $0x10000, s7;
	s10 =	sshrl.u32 s10, $0x3;
	[dreg:$0x5] =	wrdreg s25  }
0x11: {  	s17 =	smax.u32 s9, $0x1;
	[dreg:$0x6] =	wrdreg s12;
	s14 =	sshrl.u32 s8, $0x3  }
0x12: {  	s10 =	sadd.s32 s0, s10;
	s0 =	sadd.s32 s0, s4;
	s23 =	simm.s32 $0x2  }
0x13: {  	s28 =	sadd.s32 s5, s14;
	s30 =	sadd.s32 s6, s14;
	[dreg:$0x9] =	wrdreg s10  }
0x14: {  	s16 =	sadd.s32 $0x27000, s0;
	s0 =	sadd.s32 $0x138000, s1;
	[dreg:$0x7] =	wrdreg s28  }
0x15: {  	v0 =	vimm.f32 $0.0e+00;
	s24 =	sshrl.u32 s31, $0x3;
	[dreg:$0x8] =	wrdreg s30;
	s25 =	sshrl.u32 @!p0 s0, $0x3  }
.LBB2_1:
0x16: {  	s0 =	sand.u32 $0xFE00, s2  }
0x17: {  	s4 =	sand.u32 $0x70, s2;
	s9 =	sshrl.u32 s0, $0x2  }
0x18: {  	s0 =	simm.s32 $0x40;
	s9 =	sor.u32 s4, s9;
	s4 =	simm.s32 $0x0  }
.LBB2_2:
0x19: {  	p1 =	sne.s32 s0, $0xFFC0  }
0x1a: {  	[tilespmem:s9+$0x2000] =	vst v0;
	s4 =	sadd.s32 $0x10, s4;
	s9 =	smov.u32 s0;
	s0 =	sadd.s32 $0x40, s0  }
.Ltmp0:
0x1b: {  	(pc) =	sbr.rel @p1 .LBB2_2-.Ltmp0, $4  }
0x1c: {  	_ = 	snop  }
0x1d: {  	s9 =	sand.u32 $0xFE00, s9  }
0x1e: {  	s10 =	sand.u32 $0x70, s4;
	s9 =	sshrl.u32 s9, $0x2  }
0x1f: {  	s9 =	sor.u32 s10, s9  }
0x20: {  	[tilespmem:s9+$0x2000] =	vst v0  }
0x21: {  	[spmem:s7] =	stream.linear.scatter [tilespmem:s18], [sflag:$0x3], $0x4000, $0x38;
	[tilespmem:$0x1E000] =	vst v63  }
0x22: {  	_ =	swait.ge [sflag:s19], $0x4000  }
0x23: {  	[sflag:s19] =	ssyncset.done $0x0  }
0x24: {  	s0 =	rddreg [dreg:$0x3];
	[sflag:s19] =	ssyncadd.s32 $0xFFFFC000  }
0x25: {  	[spmem:s0] =	stream.linear.scatter [tilespmem:s18], [sflag:$0x3], $0x4000, $0x38;
	[tilespmem:$0x1E000] =	vst v63  }
0x26: {  	_ =	swait.ge [sflag:s19], $0x4000  }
0x27: {  	[sflag:s19] =	ssyncset.done $0x0  }
0x28: {  	s14 =	rddreg [dreg:$0x4];
	[sflag:s19] =	ssyncadd.s32 $0xFFFFC000  }
0x29: {  	[spmem:s14] =	stream.linear.scatter [tilespmem:s18], [sflag:$0x3], $0x4000, $0x38;
	[tilespmem:$0x1E000] =	vst v63  }
0x2a: {  	_ =	swait.ge [sflag:s19], $0x4000  }
0x2b: {  	[sflag:s19] =	ssyncset.done $0x0  }
0x2c: {  	s15 =	rddreg [dreg:$0x5];
	[sflag:s19] =	ssyncadd.s32 $0xFFFFC000  }
0x2d: {  	[spmem:s15] =	stream.linear.scatter [tilespmem:s18], [sflag:$0x3], $0x4000, $0x38;
	[tilespmem:$0x1E000] =	vst v63  }
0x2e: {  	_ =	swait.ge [sflag:s19], $0x4000  }
0x2f: {  	[sflag:s19] =	ssyncset.done $0x0  }
0x30: {  	s4 =	rddreg [dreg:$0x6];
	[sflag:s19] =	ssyncadd.s32 $0xFFFFC000  }
0x31: {  	[spmem:s4] =	stream.linear.scatter [tilespmem:s18], [sflag:$0x3], $0x4000, $0x38;
	[tilespmem:$0x1E000] =	vst v63  }
0x32: {  	_ =	swait.ge [sflag:s19], $0x4000  }
0x33: {  	[sflag:s19] =	ssyncset.done $0x0  }
0x34: {  	[sflag:s19] =	ssyncadd.s32 $0xFFFFC000  }
0x35: {  	[bflag:$0x0] =	sbarrier.arrive $0xFFFF  }
0x36: {  	s9 =	rddreg [dreg:$0x7]  }
0x37: {  	[tilespmem:s2], [sflag:$0x3] =	stream.linear.gather [hbm4b:s9+s2], $0x800, $0x38;
	[tilespmem:$0x1E000] =	vst v63  }
0x38: {  	_ =	swait.ge [sflag:s19], $0x800  }
0x39: {  	[sflag:s19] =	ssyncset.done $0x0  }
0x3a: {  	s10 =	rddreg [dreg:$0x8];
	[sflag:s19] =	ssyncadd.s32 $0xFFFFF800  }
0x3b: {  	[tilespmem:s20], [sflag:$0x3] =	stream.linear.gather [hbm4b:s10+s2], $0x800, $0x38;
	[tilespmem:$0x1E000] =	vst v63  }
0x3c: {  	_ =	swait.ge [sflag:s19], $0x800  }
0x3d: {  	[sflag:s19] =	ssyncset.done $0x0  }
0x3e: {  	s11 =	simm.s32 $0x2;
	s4 =	simm.s32 $0x80;
	[sflag:s19] =	ssyncadd.s32 $0xFFFFF800  }
0x3f: {  	[tilespmem:s18], [sflag:$0x1] =	stream.indirect.gather [hbm4b:s3+s4], $0x80, s2, s4, $0xb8;
	[tilespmem:$0x1E000] =	vst v63  }
0x40: {  	s0 =	sand.u32 $0xF, s11  }
0x41: {  	[tilespmem:s21], [sflag:$0x1] =	stream.indirect.gather [hbm4b:s3+s4], $0x80, s4, s4, $0xb8;
	[tilespmem:$0x1E000] =	vst v63  }
0x42: {  	p1 =	sne.s32 s0, $0x0;
	_ =	swait.ge [sflag:s22], $0x4000  }
0x43: {  	s30 =	simm.s32 @!p1 $0x0;
	s10 =	sadd.s32 @!p1 $0x0, s8;
	[sflag:s22] =	ssyncset.done $0x0  }
0x44: {  	s9 =	simm.s32 @!p1 $0x0;
	s10 =	sshrl.u32 @!p1 s10, $0x3;
	[sflag:s22] =	ssyncadd.s32 $0xFFFFC000  }
0x45: {  	[spmem:s1] =	stream.indirect.scatter.add.f32 [tilespmem:s18], [sflag:$0x2], $0x80, s20, s4, $0xb8;
	[tilespmem:$0x1E000] =	vst v63  }
0x46: {  	s31 =	simm.s32 @!p1 $0x3;
	s9 =	sand.u32 @!p1 $0x800, s9;
	s28 =	sadd.s32 @!p1 s5, s10  }
0x47: {  	[tilespmem:s9], [sflag:$0x3] =	stream.linear.gather @!p1 [hbm4b:s28+s30], $0x800, $0x38;
	[tilespmem:$0x1E000] =	vst v63  }
0x48: {  	_ =	swait.ge @!p1 [sflag:s31], $0x800  }
0x49: {  	s13 =	simm.s32 $0x1;
	s12 =	sshll.u32 s0, $0x7;
	[sflag:s31] =	ssyncset.done @!p1 $0x0  }
0x4a: {  	s10 =	sadd.s32 @!p1 s6, s10;
	s9 =	sor.u32 @!p1 $0x1000, s9;
	[sflag:s31] =	ssyncadd.s32 @!p1 $0xFFFFF800  }
0x4b: {  	[tilespmem:s9], [sflag:$0x3] =	stream.linear.gather @!p1 [hbm4b:s10+s30], $0x800, $0x38;
	[tilespmem:$0x1E000] =	vst v63  }
0x4c: {  	s0 =	simm.s32 $0x180;
	s28 =	simm.s32 $0x0;
	_ =	swait.ge @!p1 [sflag:s31], $0x800  }
0x4d: {  	s4 =	sand.u32 $0xF80, s4;
	s28 =	sand.u32 $0x800, s28;
	[sflag:s31] =	ssyncset.done @!p1 $0x0  }
0x4e: {  	s30 =	simm.s32 $0x100;
	s9 =	sand.u32 $0x1, s13;
	[sflag:s31] =	ssyncadd.s32 @!p1 $0xFFFFF800  }
0x4f: {  	s10 =	sor.u32 s12, s28;
	s9 =	sshll.u32 s9, $0xE;
	_ =	swait.ge [sflag:s23], $0x4000  }
0x50: {  	s11 =	sxor.u32 $0x4000, s9;
	s31 =	simm.s32 $0x3;
	[sflag:s23] =	ssyncset.done $0x0  }
0x51: {  	s14 =	sor.u32 $0x2000, s11;
	s15 =	sand.u32 $0xF, s31;
	[sflag:s23] =	ssyncadd.s32 $0xFFFFC000  }
0x52: {  	[tilespmem:s14], [sflag:$0x1] =	stream.indirect.gather [hbm4b:s3+s26], $0x80, s10, s26, $0xb8;
	[tilespmem:$0x1E000] =	vst v63  }
0x53: {  	s28 =	sor.u32 $0x1000, s4;
	p1 =	sne.s32 s15, $0x0;
	_ =	swait.ge [sflag:s22], $0x4000  }
0x54: {  	s4 =	sshll.u32 s15, $0x7;
	s10 =	simm.s32 $0x0;
	[sflag:s22] =	ssyncset.done $0x0  }
.LBB2_4:
0x55: {  	s11 =	sshll.u32 @!p1 s10, $0xB;
	s10 =	sshll.u32 s10, $0xB  }
0x56: {  	s12 =	smov.u32 s30;
	s30 =	smov.u32 s0;
	s0 =	sadd.s32 $0x80, s0  }
0x57: {  	s9 =	sor.u32 $0x2000, s9;
	s13 =	sadd.s32 @!p1 s8, s11;
	s11 =	sand.u32 @!p1 $0x800, s11  }
0x58: {  	s13 =	sshrl.u32 @!p1 s13, $0x3;
	s14 =	sor.u32 @!p1 $0x1000, s11;
	[sflag:s22] =	ssyncadd.s32 $0xFFFFC000  }
0x59: {  	[spmem:s1] =	stream.indirect.scatter.add.f32 [tilespmem:s9], [sflag:$0x2], $0x80, s28, s26, $0xb8;
	[tilespmem:$0x1E000] =	vst v63  }
0x5a: {  	s15 =	simm.s32 @!p1 $0x3;
	s9 =	sadd.s32 @!p1 s5, s13;
	s28 =	simm.s32 @!p1 $0x0  }
0x5b: {  	[tilespmem:s11], [sflag:$0x3] =	stream.linear.gather @!p1 [hbm4b:s9+s28], $0x800, $0x38;
	[tilespmem:$0x1E000] =	vst v63  }
0x5c: {  	p2 =	sne.s32 s0, $0x4F80;
	s9 =	sadd.s32 @!p1 s6, s13;
	_ =	swait.ge @!p1 [sflag:s15], $0x800  }
0x5d: {  	[sflag:s15] =	ssyncset.done @!p1 $0x0  }
0x5e: {  	[sflag:s15] =	ssyncadd.s32 @!p1 $0xFFFFF800  }
0x5f: {  	[tilespmem:s14], [sflag:$0x3] =	stream.linear.gather @!p1 [hbm4b:s9+s28], $0x800, $0x38;
	[tilespmem:$0x1E000] =	vst v63  }
0x60: {  	s10 =	sand.u32 $0x800, s10;
	_ =	swait.ge @!p1 [sflag:s15], $0x800  }
0x61: {  	s9 =	sadd.s32 $0xFFFFFFFF, s31;
	s31 =	sadd.s32 $0x1, s31;
	[sflag:s15] =	ssyncset.done @!p1 $0x0  }
0x62: {  	s11 =	sand.u32 $0xF80, s12;
	s9 =	sand.u32 $0x1, s9;
	[sflag:s15] =	ssyncadd.s32 @!p1 $0xFFFFF800  }
0x63: {  	s28 =	sor.u32 $0x1000, s11;
	s9 =	sshll.u32 s9, $0xE;
	_ =	swait.ge [sflag:s23], $0x4000  }
.Ltmp1:
0x64: {  	s11 =	sxor.u32 $0x4000, s9;
	[sflag:s23] =	ssyncset.done $0x0;
	(pc) =	sbr.rel @p2 .LBB2_4-.Ltmp1, $4  }
0x65: {  	s4 =	sor.u32 s4, s10;
	s11 =	sor.u32 $0x2000, s11;
	[sflag:s23] =	ssyncadd.s32 $0xFFFFC000  }
0x66: {  	[tilespmem:s11], [sflag:$0x1] =	stream.indirect.gather [hbm4b:s3+s26], $0x80, s4, s26, $0xb8;
	[tilespmem:$0x1E000] =	vst v63  }
0x67: {  	s10 =	sshrl.u32 s31, $0x4;
	s4 =	sand.u32 $0xF, s31;
	_ =	swait.ge [sflag:s22], $0x4000  }
0x68: {  	p1 =	sne.s32 s4, $0x0;
	s4 =	sshll.u32 s4, $0x7;
	[sflag:s22] =	ssyncset.done $0x0  }
0x69: {  	s0 =	sshll.u32 @!p1 s10, $0xB  }
0x6a: {  	s9 =	sor.u32 $0x2000, s9;
	[sflag:s22] =	ssyncadd.s32 $0xFFFFC000;
	s11 =	sadd.s32 @!p1 s8, s0  }
0x6b: {  	[spmem:s1] =	stream.indirect.scatter.add.f32 [tilespmem:s9], [sflag:$0x2], $0x80, s28, s26, $0xb8;
	[tilespmem:$0x1E000] =	vst v63  }
0x6c: {  	s11 =	sshrl.u32 @!p1 s11, $0x3  }
0x6d: {  	s12 =	simm.s32 @!p1 $0x0;
	s0 =	sand.u32 @!p1 $0x800, s0;
	s9 =	sadd.s32 @!p1 s5, s11  }
0x6e: {  	[tilespmem:s0], [sflag:$0x3] =	stream.linear.gather @!p1 [hbm4b:s9+s12], $0x800, $0x38;
	[tilespmem:$0x1E000] =	vst v63  }
0x6f: {  	s9 =	simm.s32 @!p1 $0x3  }
0x70: {  	_ =	swait.ge @!p1 [sflag:s9], $0x800  }
0x71: {  	[sflag:s9] =	ssyncset.done @!p1 $0x0  }
0x72: {  	s11 =	sadd.s32 @!p1 s6, s11;
	s0 =	sor.u32 @!p1 $0x1000, s0;
	[sflag:s9] =	ssyncadd.s32 @!p1 $0xFFFFF800  }
0x73: {  	[tilespmem:s0], [sflag:$0x3] =	stream.linear.gather @!p1 [hbm4b:s11+s12], $0x800, $0x38;
	[tilespmem:$0x1E000] =	vst v63  }
0x74: {  	_ =	swait.ge @!p1 [sflag:s9], $0x800  }
0x75: {  	s11 =	sadd.s32 $0xFFFFFFFF, s31;
	[sflag:s9] =	ssyncset.done @!p1 $0x0  }
0x76: {  	s0 =	sand.u32 $0x1, s11;
	[sflag:s9] =	ssyncadd.s32 @!p1 $0xFFFFF800  }
0x77: {  	s12 =	sshll.u32 s10, $0xB;
	s0 =	sshll.u32 s0, $0xE;
	_ =	swait.ge [sflag:s23], $0x4000  }
0x78: {  	s13 =	sxor.u32 $0x4000, s0;
	s9 =	sand.u32 $0x800, s12;
	[sflag:s23] =	ssyncset.done $0x0  }
0x79: {  	s4 =	sor.u32 s4, s9;
	s14 =	sor.u32 $0x2000, s13;
	[sflag:s23] =	ssyncadd.s32 $0xFFFFC000  }
0x7a: {  	[tilespmem:s14], [sflag:$0x1] =	stream.indirect.gather [hbm4b:s3+s26], $0x80, s4, s26, $0xb8;
	[tilespmem:$0x1E000] =	vst v63  }
0x7b: {  	_ =	swait.ge [sflag:s22], $0x4000  }
0x7c: {  	s15 =	sand.u32 $0xF80, s30;
	[sflag:s22] =	ssyncset.done $0x0  }
0x7d: {  	s0 =	sor.u32 $0x2000, s0;
	s4 =	sor.u32 $0x1000, s15;
	[sflag:s22] =	ssyncadd.s32 $0xFFFFC000  }
0x7e: {  	[spmem:s1] =	stream.indirect.scatter.add.f32 [tilespmem:s0], [sflag:$0x2], $0x80, s4, s26, $0xb8;
	[tilespmem:$0x1E000] =	vst v63  }
0x7f: {  	_ =	swait.ge [sflag:s22], $0x4000  }
0x80: {  	[sflag:s22] =	ssyncset.done $0x0  }
0x81: {  	s28 =	simm.s32 $0x1F80;
	[sflag:s22] =	ssyncadd.s32 $0xFFFFC000  }
0x82: {  	[spmem:s1] =	stream.indirect.scatter.add.f32 [tilespmem:s21], [sflag:$0x2], $0x80, s28, s26, $0xb8;
	[tilespmem:$0x1E000] =	vst v63  }
0x83: {  	_ =	swait.ge [sflag:s23], $0x4000  }
0x84: {  	[sflag:s23] =	ssyncset.done $0x0  }
0x85: {  	s30 =	stileid.u32;
	[sflag:s23] =	ssyncadd.s32 $0xFFFFC000  }
0x86: {  	s0 =	sshll.u32 s30, $0x6;
	[bflag:$0x0] =	sbarrier.arrive $0xFFFF  }
0x87: {  	s0 =	sor.u32 $0x1C03, s0;
	s31 =	rddreg [dreg:$0x9]  }
0x88: {  	[hbm:s31], [sflag:s0] =	dma.local [spmem:s24], $0x2700  }
0x89: {  	_ =	swait.ge [sflag:s19], $0x2700  }
0x8a: {  	s29 =	sadd.s32 $0x1, s29;
	[sflag:s19] =	ssyncset.done $0x0  }
0x8b: {  	p1 =	sne.s32 s29, s17;
	[sflag:s19] =	ssyncadd.s32 $0xFFFFD900  }
0x8c: {  	[hbm:s16], [sflag:s0] =	dma.local @!p0 [spmem:s25], $0x100  }
.Ltmp2:
0x8d: {  	_ = 	snop;
	(pc) =	sbr.rel @p1 .LBB2_1-.Ltmp2, $4  }
0x8e: {  	s0 =	simm.s32 @!p0 $0x3  }
0x8f: {  	_ =	swait.ge @!p0 [sflag:s0], $0x100  }
0x90: {  	[sflag:s0] =	ssyncset.done @!p0 $0x0  }
0x91: {  	[sflag:s0] =	ssyncadd.s32 @!p0 $0xFFFFFF00  }
0x92: {  	_ =	sfence.sel $0x180000  }
0x93: {  	[bflag:$0x0] =	sbarrier.arrive $0xFFFF  }
0x94: {  	_ =	strace $0x9000004D  }
0x95: {  	[bflag:$0x2] =	sbarrier.arrive $0xFFFF  }
0x96: {  	s0 =	rddreg [dreg:$0x2]  }
0x97: {  	s0 =	sadd.s32 @!p0 $0x100000, s0  }
0x98: {  	[sflag:s0] =	ssyncadd.tile.s32 @!p0 $0x1;
	_ =	shalt  }
.Lfunc_end2:
_tile_overlayer_lowered:
.L_overlay_start_2:
0x99: {  	(tag) =	ssettag $0x2  }
0x9a: {  	s0 =	rddreg [dreg:$0x0];
	s2 =	stileid.u32  }
0x9b: {  	s1 =	rddreg [dreg:$0x1];
	p0 =	sne.s32 s2, $0x0  }
0x9c: {  	s3 =	rddreg [dreg:$0x2];
	[bflag:$0x3] =	sbarrier.arrive $0xFFFF;
	s2 =	simm.s32 @!p0 $0x1C03  }
0x9d: {  	[timem:s3], [sflag:s2] =	dma.local @!p0 [hbm:s0], s1  }
0x9e: {  	s0 =	simm.s32 @!p0 $0x3  }
0x9f: {  	_ =	swait.ge @!p0 [sflag:s0], s1  }
0xa0: {  	s1 =	ssub.s32 @!p0 $0x0, s1;
	[sflag:s0] =	ssyncset.done @!p0 $0x0  }
0xa1: {  	[sflag:s0] =	ssyncadd.s32 @!p0 s1  }
0xa2: {  	[bflag:$0x3] =	sbarrier.arrive $0xFFFF  }
0xa3: {  	_ =	shalt  }

// kernel: kernel.22.cloned.1.call-start
scs
__scs_entry_jumppad:
0x0: {  	(pc) =	sbr.rel $0x88, $3  }
0x1: {  	(tag) =	ssettag $0x0;
	lr =	simm.s32 $0x1  }
0x2: {  	[smem:$0x3F95] =	sst lr;
	_ =	strace $0xD0000000  }
0x3: {  	_ = 	snop  }
0x4: {  	_ = 	snop  }
0x5: {  	_ = 	snop  }
0x6: {  	_ = 	snop  }
0x7: {  	_ = 	snop  }
__scs_overlays_trampoline_lowered:
0x8: {  	[smem:$0x3FA4] =	sst s0  }
0x9: {  	[smem:$0x3FA5] =	sst s1  }
0xa: {  	[smem:$0x3FA6] =	sst s2  }
0xb: {  	[smem:$0x3FA7] =	sst s3  }
0xc: {  	[smem:$0x3FA8] =	sst s4  }
0xd: {  	[smem:$0x3FA9] =	sst s5  }
0xe: {  	[smem:$0x3FAA] =	sst s6  }
0xf: {  	[smem:$0x3FAB] =	sst s7  }
0x10: {  	[smem:$0x3FAC] =	sst s8  }
0x11: {  	[smem:$0x3FAD] =	sst s9;
	s0 =	simm.s32 @!p0 $0x0  }
0x12: {  	s1 =	sld [smem:$0x3F93];
	s0 =	simm.s32 @p0 $0x1  }
0x13: {  	[smem:$0x3FAE] =	sst s0;
	s0 =	simm.s32 @!p1 $0x0  }
0x14: {  	s2 =	sld [smem:$0x3F92];
	s0 =	simm.s32 @p1 $0x1  }
0x15: {  	[smem:$0x3FAF] =	sst s0;
	s0 =	simm.s32 @!p2 $0x0  }
0x16: {  	s3 =	sld [smem:$0x3FDB];
	s0 =	simm.s32 @p2 $0x1  }
0x17: {  	s4 =	simm.s32 $0x1BF5;
	[smem:$0x3FB1] =	sst s0  }
0x18: {  	s0 =	sld [smem:$0x3F94];
	_ =	swait.ge [sflag:s4], $0x0  }
0x19: {  	s7 =	sld [smem:$0x3F95]  }
0x1a: {  	s8 =	sadd.s32 $0xFFFFE003, lr  }
0x1b: {  	s9 =	sadd.s32 $0xFFFFFEF7, lr;
	s5 =	simm.s32 $0xFFFFFFFF;
	p2 =	slt.u32 s8, $0xFFFFF086  }
0x1c: {  	p1 =	slt.u32 s9, $0xF7A;
	s5 =	simm.s32 @!p2 $0x0  }
0x1d: {  	s5 =	simm.s32 @p1 $0x1;
	p0 =	seq.s32 s7, s2  }
0x1e: {  	s7 =	smul.u32 @!p0 $0xF7A, s2;
	p2 =	seq.s32 @!p0 s5, $0x0  }
0x1f: {  	s9 =	smul.u32 $0xF7A, s1;
	s8 =	simm.s32 @!p0 $0x1BF5;
	p2 =	por !p2, p0  }
0x20: {  	[sflag:s8] =	ssyncset.s32 @!p0 $0xFFFFF086;
	s6 =	sadd.s32 @!p0 s3, s7;
	s7 =	simm.s32 @!p0 $0x108  }
0x21: {  	s3 =	sadd.s32 s3, s9;
	s6 =	sadd.s32 @!p0 $0x88, s6;
	s7 =	simm.s32 @p2 $0x1082  }
0x22: {  	[simem:s7], [sflag:s8] =	dma.local @!p0 [hbm:s6], $0xF7A  }
0x23: {  	s9 =	sor.u32 $0xD0000000, s2;
	s6 =	simm.s32 $0x108;
	_ =	swait.ge @!p0 [sflag:s8], $0x0  }
0x24: {  	s3 =	sadd.s32 $0x88, s3;
	s6 =	simm.s32 @!p1 $0x1082;
	[sflag:s4] =	ssyncset.s32 $0xFFFFF086  }
0x25: {  	[simem:s6], [sflag:s4] =	dma.local [hbm:s3], $0xF7A  }
0x26: {  	[smem:$0x3F95] =	sst s1;
	(tag) =	ssettag s2;
	_ =	strace s9  }
0x27: {  	s1 =	sld [smem:$0x3FA5]  }
0x28: {  	s2 =	sld [smem:$0x3FA6]  }
0x29: {  	s4 =	sld [smem:$0x3FA8]  }
0x2a: {  	p0 =	seq.s32 s5, $0x0;
	s5 =	sld [smem:$0x3FA9]  }
0x2b: {  	s6 =	sld [smem:$0x3FAA]  }
0x2c: {  	s7 =	sld [smem:$0x3FAB]  }
0x2d: {  	s3 =	simm.s32 $0x108;
	s8 =	sld [smem:$0x3FAC]  }
0x2e: {  	s3 =	simm.s32 @!p0 $0x1082;
	s9 =	sld [smem:$0x3FAD]  }
0x2f: {  	lr =	sadd.s32 s0, s3;
	s0 =	sld [smem:$0x3FA4]  }
0x30: {  	s3 =	sld [smem:$0x3FA7]  }
0x31: {  	[smem:$0x3FB0] =	sst s10  }
0x32: {  	s10 =	sld [smem:$0x3FAE];
	_ =	sdelay $0x3  }
0x33: {  	p0 =	seq.s32 s10, $0x1;
	s10 =	sld [smem:$0x3FB0];
	_ =	sdelay $0x3  }
0x34: {  	[smem:$0x3FB0] =	sst s10  }
0x35: {  	s10 =	sld [smem:$0x3FAF];
	_ =	sdelay $0x3  }
0x36: {  	p1 =	seq.s32 s10, $0x1;
	s10 =	sld [smem:$0x3FB0];
	_ =	sdelay $0x3  }
0x37: {  	[smem:$0x3FB0] =	sst s10  }
0x38: {  	s10 =	sld [smem:$0x3FB1]  }
0x39: {  	_ = 	snop;
	(pc) =	sbr.ind lr, $3  }
0x3a: {  	_ = 	snop  }
0x3b: {  	_ = 	snop  }
0x3c: {  	p2 =	seq.s32 s10, $0x1;
	s10 =	sld [smem:$0x3FB0]  }
0x3d: {  	_ =	shalt  }
0x3e: {  	_ =	shalt  }
0x3f: {  	_ =	shalt  }
0x40: {  	_ =	shalt  }
0x41: {  	_ =	shalt  }
0x42: {  	_ =	shalt  }
0x43: {  	_ =	shalt  }
0x44: {  	_ =	shalt  }
0x45: {  	_ =	shalt  }
0x46: {  	_ =	shalt  }
0x47: {  	_ =	shalt  }
0x48: {  	_ =	shalt  }
0x49: {  	_ =	shalt  }
0x4a: {  	_ =	shalt  }
0x4b: {  	_ =	shalt  }
0x4c: {  	_ =	shalt  }
0x4d: {  	_ =	shalt  }
0x4e: {  	_ =	shalt  }
0x4f: {  	_ =	shalt  }
0x50: {  	_ =	shalt  }
0x51: {  	_ =	shalt  }
0x52: {  	_ =	shalt  }
0x53: {  	_ =	shalt  }
0x54: {  	_ =	shalt  }
0x55: {  	_ =	shalt  }
0x56: {  	_ =	shalt  }
0x57: {  	_ =	shalt  }
0x58: {  	_ =	shalt  }
0x59: {  	_ =	shalt  }
0x5a: {  	_ =	shalt  }
0x5b: {  	_ =	shalt  }
0x5c: {  	_ =	shalt  }
0x5d: {  	_ =	shalt  }
0x5e: {  	_ =	shalt  }
0x5f: {  	_ =	shalt  }
0x60: {  	_ =	shalt  }
0x61: {  	_ =	shalt  }
0x62: {  	_ =	shalt  }
0x63: {  	_ =	shalt  }
0x64: {  	_ =	shalt  }
0x65: {  	_ =	shalt  }
0x66: {  	_ =	shalt  }
0x67: {  	_ =	shalt  }
0x68: {  	_ =	shalt  }
0x69: {  	_ =	shalt  }
0x6a: {  	_ =	shalt  }
0x6b: {  	_ =	shalt  }
0x6c: {  	_ =	shalt  }
0x6d: {  	_ =	shalt  }
0x6e: {  	_ =	shalt  }
0x6f: {  	_ =	shalt  }
0x70: {  	_ =	shalt  }
0x71: {  	_ =	shalt  }
0x72: {  	_ =	shalt  }
0x73: {  	_ =	shalt  }
0x74: {  	_ =	shalt  }
0x75: {  	_ =	shalt  }
0x76: {  	_ =	shalt  }
0x77: {  	_ =	shalt  }
0x78: {  	_ =	shalt  }
0x79: {  	_ =	shalt  }
0x7a: {  	_ =	shalt  }
0x7b: {  	_ =	shalt  }
0x7c: {  	_ =	shalt  }
0x7d: {  	_ =	shalt  }
0x7e: {  	_ =	shalt  }
0x7f: {  	_ =	shalt  }
0x80: {  	_ =	shalt  }
0x81: {  	_ =	shalt  }
0x82: {  	_ =	shalt  }
0x83: {  	_ =	shalt  }
0x84: {  	_ =	shalt  }
0x85: {  	_ =	shalt  }
0x86: {  	_ =	shalt  }
0x87: {  	_ =	shalt  }
.Lfunc_end0:
.L_simem_size_0:
called_computation.3_lowered:
.L_overlay_start_0:
0x88: {  	s2 =	sld [smem:$0x3FD9]  }
0x89: {  	s3 =	sld [smem:$0x3FFE];
	_ =	sdelay $0x1  }
0x8a: {  	s1 =	srdreg.scid  }
0x8b: {  	s0 =	sand.u32 $0x1, s1  }
0x8c: {  	s17 =	sshll.u32 s0, $0xA;
	s2 =	sadd.s32 s3, s2  }
0x8d: {  	s2 =	sadd.s32 s2, s17  }
0x8e: {  	[smem:$0x3FBC] =	sst s2  }
0x8f: {  	_ = 	snop  }
0x90: {  	s2 =	sld [smem:$0x3FD0];
	(tm) =	ssettm $0x1  }
0x91: {  	s18 =	sld [smem:$0x3FFB];
	_ =	sdelay $0x3  }
0x92: {  	_ =	strace s18  }
0x93: {  	s3 =	sld [smem:$0x3FFC];
	_ =	sdelay $0x3  }
0x94: {  	_ =	strace s3  }
0x95: {  	s3 =	sld [smem:$0x3FFD];
	_ =	sdelay $0x3  }
0x96: {  	_ =	strace s3  }
0x97: {  	_ =	strace $0x8FFFFFFF  }
0x98: {  	s19 =	sld [smem:$0x3FDB];
	_ =	sdelay $0x1  }
0x99: {  	s4 =	simm.s32 $_scs_section_size  }
0x9a: {  	s5 =	simm.s32 $_size__tile_overlayer_lowered;
	s6 =	simm.s32 $_tile_overlayer_lowered  }
0x9b: {  	s22 =	simm.s32 $0x1BFF;
	s21 =	sshll.u32 s6, $0x1;
	s3 =	sadd.s32 s4, s19  }
0x9c: {  	s7 =	simm.s32 $0x0;
	s20 =	sshll.u32 s5, $0x1;
	s5 =	sadd.s32 s21, s3  }
0x9d: {  	[timem:s7], [sflag:s22] =	dma.local [hbm:s5], s20  }
0x9e: {  	_ =	swait.ge [sflag:s22], s20  }
0x9f: {  	s4 =	ssub.s32 $0x0, s20;
	[sflag:s22] =	ssyncset.done $0x0  }
0xa0: {  	[sflag:s22] =	ssyncadd.s32 s4;
	_ =	sdelay $0x1  }
0xa1: {  	s23 =	simm.s32 $0x1B8B  }
0xa2: {  	_ =	swait.ge [sflag:s23], $0x1  }
0xa3: {  	[sflag:s23] =	ssyncset.done $0x0  }
0xa4: {  	s25 =	simm.s32 $0x1B8E;
	s24 =	sld [smem:$0x3FFE];
	[sflag:s23] =	ssyncadd.s32 $0xFFFFFFFF  }
0xa5: {  	s26 =	simm.s32 $execute0_lowered;
	[smem:$0x3FD2] =	sst s25  }
0xa6: {  	s5 =	sshll.u32 s26, $0x1;
	_ =	strace $0x8000004F;
	[dreg:$0x1] =	wrdreg $0xFFFFFFFF  }
0xa7: {  	s28 =	simm.s32 $_size_execute0_lowered;
	s3 =	sadd.s32 s3, s5;
	[dreg:$0x0] =	wrdreg $0x0  }
0xa8: {  	s5 =	sshll.u32 s28, $0x1;
	[dreg:$0x2] =	wrdreg s3  }
0xa9: {  	[dreg:$0x3] =	wrdreg s5  }
0xaa: {  	[dreg:$0x4] =	wrdreg $0xC0  }
0xab: {  	_ =	task [dreg:s7], $0x5FFFF  }
0xac: {  	[dreg:$0x1] =	wrdreg $0xFFFFFFFF  }
0xad: {  	[dreg:$0x0] =	wrdreg $0x60  }
0xae: {  	[dreg:$0x2] =	wrdreg s24  }
0xaf: {  	[dreg:$0x3] =	wrdreg s2  }
0xb0: {  	[dreg:$0x4] =	wrdreg $0xA0000  }
0xb1: {  	[dreg:$0x5] =	wrdreg $0x9  }
0xb2: {  	_ =	task.clear_ibuf [dreg:s7], $0x6FFFF;
	_ =	strace $0x9000004F  }
0xb3: {  	s29 =	simm.s32 $0x9;
	_ =	strace $0x80000051  }
0xb4: {  	_ =	swait.ge [sflag:s29], $0x1  }
0xb5: {  	[sflag:s29] =	ssyncadd.s32 $0xFFFFFFFF  }
0xb6: {  	_ =	strace $0x90000051  }
0xb7: {  	_ =	sfence  }
0xb8: {  	s30 =	sld [smem:$0x0];
	_ =	sdelay $0x2  }
0xb9: {  	s31 =	sshll.u32 s1, $0xD;
	s1 =	sshrl.u32 s1, $0x2  }
0xba: {  	s3 =	sand.u32 $0x4000, s31;
	s1 =	sadd.s32 s1, s30  }
0xbb: {  	s0 =	sor.u32 s3, s0;
	s1 =	sshll.u32 s1, $0x11  }
0xbc: {  	s0 =	sor.u32 s1, s0  }
0xbd: {  	s0 =	sadd.s32 $0x8F2B, s0  }
0xbe: {  	[sflag:s0] =	ssyncadd.remote.s32 $0x1  }
0xbf: {  	_ =	sfence.sel $0xFFFF  }
0xc0: {  	[dreg:$0x0] =	wrdreg $0xFFFFFFFF;
	(pc) =	sbr.abs _section_cstart, $3  }
0xc1: {  	[dreg:$0x1] =	wrdreg $0xFFFFFFFF  }
0xc2: {  	_ =	task.clear_ibuf [dreg:s7], $0x2FFFF;
	_ =	strace $0x9FFFFFFF  }
0xc3: {  	(tm) =	ssettm $0x7FFFFFFF  }
tec
execute0_lowered:
.L_overlay_start_1:
0x0: {  	(tag) =	ssettag $0x1  }
0x1: {  	s0 =	rddreg [dreg:$0x0]  }
0x2: {  	s1 =	rddreg [dreg:$0x1]  }
0x3: {  	s2 =	rddreg [dreg:$0x2];
	s3 =	simm.s32 $0x0;
	s4 =	srdreg.scid  }
0x4: {  	s11 =	stileid.u32;
	s18 =	simm.s32 $0x2000;
	s19 =	simm.s32 $0x3  }
0x5: {  	s20 =	simm.s32 $0x1000;
	s21 =	simm.s32 $0x6000;
	s22 =	simm.s32 $0x1  }
0x6: {  	s29 =	simm.s32 $0x0;
	[smem:$0x7FF] =	sst s3;
	s7 =	smul.u32 $0x50000, s11  }
0x7: {  	s5 =	sadd.s32 $0xDA00, s0;
	s4 =	sand.u32 $0x1, s4;
	s26 =	smul.u32 $0x13800, s11  }
0x8: {  	s6 =	sadd.s32 $0x3A00, s0;
	s0 =	sadd.s32 $0x5BC00, s0;
	s15 =	smul.u32 $0x4E000, s11  }
0x9: {  	p0 =	sne.s32 s11, $0x0;
	_ =	strace $0x80000050;
	s8 =	sshll.u32 s4, $0x4  }
0xa: {  	s9 =	ssub.s32 $0x2, s4;
	s4 =	smul.u32 $0x138800, s4;
	s8 =	sor.u32 s11, s8  }
0xb: {  	s7 =	sshrl.u32 s7, $0x2;
	s10 =	sshrl.u32 s9, $0x1;
	s16 =	sshrl.u32 s15, $0x2  }
0xc: {  	s7 =	sadd.s32 s7, s2;
	s8 =	smul.u32 $0x2800, s8;
	s9 =	ssub.s32 s9, s10  }
0xd: {  	s10 =	sadd.s32 s26, s4;
	s4 =	sshrl.u32 s4, $0x3;
	s23 =	sadd.s32 $0x4000, s7  }
0xe: {  	s31 =	sadd.s32 s16, s2;
	s24 =	sadd.s32 $0x8000, s7;
	[dreg:$0x4] =	wrdreg s23  }
0xf: {  	s26 =	simm.s32 $0x80;
	s25 =	sadd.s32 $0xC000, s7;
	[dreg:$0x5] =	wrdreg s24  }
0x10: {  	s12 =	sadd.s32 $0x10000, s7;
	s10 =	sshrl.u32 s10, $0x3;
	[dreg:$0x6] =	wrdreg s25  }
0x11: {  	s17 =	smax.u32 s9, $0x1;
	[dreg:$0x7] =	wrdreg s12;
	s14 =	sshrl.u32 s8, $0x3  }
0x12: {  	s10 =	sadd.s32 s0, s10;
	s0 =	sadd.s32 s0, s4;
	s23 =	simm.s32 $0x2  }
0x13: {  	s28 =	sadd.s32 s6, s14;
	s30 =	sadd.s32 s1, s14;
	[dreg:$0xa] =	wrdreg s10  }
0x14: {  	s16 =	sadd.s32 $0x27000, s0;
	s0 =	sadd.s32 $0x138000, s2;
	[dreg:$0x8] =	wrdreg s28  }
0x15: {  	v0 =	vimm.f32 $0.0e+00;
	s24 =	sshrl.u32 s31, $0x3;
	[dreg:$0x9] =	wrdreg s30;
	s25 =	sshrl.u32 @!p0 s0, $0x3  }
.LBB2_1:
0x16: {  	s0 =	sand.u32 $0xFE00, s3  }
0x17: {  	s4 =	sand.u32 $0x70, s3;
	s9 =	sshrl.u32 s0, $0x2  }
0x18: {  	s0 =	simm.s32 $0x40;
	s9 =	sor.u32 s4, s9;
	s4 =	simm.s32 $0x0  }
.LBB2_2:
0x19: {  	p1 =	sne.s32 s0, $0xFFC0  }
0x1a: {  	[tilespmem:s9+$0x2000] =	vst v0;
	s4 =	sadd.s32 $0x10, s4;
	s9 =	smov.u32 s0;
	s0 =	sadd.s32 $0x40, s0  }
.Ltmp0:
0x1b: {  	(pc) =	sbr.rel @p1 .LBB2_2-.Ltmp0, $4  }
0x1c: {  	_ = 	snop  }
0x1d: {  	s9 =	sand.u32 $0xFE00, s9  }
0x1e: {  	s10 =	sand.u32 $0x70, s4;
	s9 =	sshrl.u32 s9, $0x2  }
0x1f: {  	s9 =	sor.u32 s10, s9  }
0x20: {  	[tilespmem:s9+$0x2000] =	vst v0  }
0x21: {  	[spmem:s7] =	stream.linear.scatter [tilespmem:s18], [sflag:$0x3], $0x4000, $0x38;
	[tilespmem:$0x1E000] =	vst v63  }
0x22: {  	_ =	swait.ge [sflag:s19], $0x4000  }
0x23: {  	[sflag:s19] =	ssyncset.done $0x0  }
0x24: {  	s0 =	rddreg [dreg:$0x4];
	[sflag:s19] =	ssyncadd.s32 $0xFFFFC000  }
0x25: {  	[spmem:s0] =	stream.linear.scatter [tilespmem:s18], [sflag:$0x3], $0x4000, $0x38;
	[tilespmem:$0x1E000] =	vst v63  }
0x26: {  	_ =	swait.ge [sflag:s19], $0x4000  }
0x27: {  	[sflag:s19] =	ssyncset.done $0x0  }
0x28: {  	s14 =	rddreg [dreg:$0x5];
	[sflag:s19] =	ssyncadd.s32 $0xFFFFC000  }
0x29: {  	[spmem:s14] =	stream.linear.scatter [tilespmem:s18], [sflag:$0x3], $0x4000, $0x38;
	[tilespmem:$0x1E000] =	vst v63  }
0x2a: {  	_ =	swait.ge [sflag:s19], $0x4000  }
0x2b: {  	[sflag:s19] =	ssyncset.done $0x0  }
0x2c: {  	s15 =	rddreg [dreg:$0x6];
	[sflag:s19] =	ssyncadd.s32 $0xFFFFC000  }
0x2d: {  	[spmem:s15] =	stream.linear.scatter [tilespmem:s18], [sflag:$0x3], $0x4000, $0x38;
	[tilespmem:$0x1E000] =	vst v63  }
0x2e: {  	_ =	swait.ge [sflag:s19], $0x4000  }
0x2f: {  	[sflag:s19] =	ssyncset.done $0x0  }
0x30: {  	s4 =	rddreg [dreg:$0x7];
	[sflag:s19] =	ssyncadd.s32 $0xFFFFC000  }
0x31: {  	[spmem:s4] =	stream.linear.scatter [tilespmem:s18], [sflag:$0x3], $0x4000, $0x38;
	[tilespmem:$0x1E000] =	vst v63  }
0x32: {  	_ =	swait.ge [sflag:s19], $0x4000  }
0x33: {  	[sflag:s19] =	ssyncset.done $0x0  }
0x34: {  	[sflag:s19] =	ssyncadd.s32 $0xFFFFC000  }
0x35: {  	[bflag:$0x0] =	sbarrier.arrive $0xFFFF  }
0x36: {  	s9 =	rddreg [dreg:$0x8]  }
0x37: {  	[tilespmem:s3], [sflag:$0x3] =	stream.linear.gather [hbm4b:s9+s3], $0x800, $0x38;
	[tilespmem:$0x1E000] =	vst v63  }
0x38: {  	_ =	swait.ge [sflag:s19], $0x800  }
0x39: {  	[sflag:s19] =	ssyncset.done $0x0  }
0x3a: {  	s10 =	rddreg [dreg:$0x9];
	[sflag:s19] =	ssyncadd.s32 $0xFFFFF800  }
0x3b: {  	[tilespmem:s20], [sflag:$0x3] =	stream.linear.gather [hbm4b:s10+s3], $0x800, $0x38;
	[tilespmem:$0x1E000] =	vst v63  }
0x3c: {  	_ =	swait.ge [sflag:s19], $0x800  }
0x3d: {  	[sflag:s19] =	ssyncset.done $0x0  }
0x3e: {  	s11 =	simm.s32 $0x2;
	s4 =	simm.s32 $0x80;
	[sflag:s19] =	ssyncadd.s32 $0xFFFFF800  }
0x3f: {  	[tilespmem:s18], [sflag:$0x1] =	stream.indirect.gather [hbm4b:s5+s4], $0x80, s3, s4, $0xb8;
	[tilespmem:$0x1E000] =	vst v63  }
0x40: {  	s0 =	sand.u32 $0xF, s11  }
0x41: {  	[tilespmem:s21], [sflag:$0x1] =	stream.indirect.gather [hbm4b:s5+s4], $0x80, s4, s4, $0xb8;
	[tilespmem:$0x1E000] =	vst v63  }
0x42: {  	p1 =	sne.s32 s0, $0x0;
	_ =	swait.ge [sflag:s22], $0x4000  }
0x43: {  	s30 =	simm.s32 @!p1 $0x0;
	s10 =	sadd.s32 @!p1 $0x0, s8;
	[sflag:s22] =	ssyncset.done $0x0  }
0x44: {  	s9 =	simm.s32 @!p1 $0x0;
	s10 =	sshrl.u32 @!p1 s10, $0x3;
	[sflag:s22] =	ssyncadd.s32 $0xFFFFC000  }
0x45: {  	[spmem:s2] =	stream.indirect.scatter.add.f32 [tilespmem:s18], [sflag:$0x2], $0x80, s20, s4, $0xb8;
	[tilespmem:$0x1E000] =	vst v63  }
0x46: {  	s31 =	simm.s32 @!p1 $0x3;
	s9 =	sand.u32 @!p1 $0x800, s9;
	s28 =	sadd.s32 @!p1 s6, s10  }
0x47: {  	[tilespmem:s9], [sflag:$0x3] =	stream.linear.gather @!p1 [hbm4b:s28+s30], $0x800, $0x38;
	[tilespmem:$0x1E000] =	vst v63  }
0x48: {  	_ =	swait.ge @!p1 [sflag:s31], $0x800  }
0x49: {  	s13 =	simm.s32 $0x1;
	s12 =	sshll.u32 s0, $0x7;
	[sflag:s31] =	ssyncset.done @!p1 $0x0  }
0x4a: {  	s10 =	sadd.s32 @!p1 s1, s10;
	s9 =	sor.u32 @!p1 $0x1000, s9;
	[sflag:s31] =	ssyncadd.s32 @!p1 $0xFFFFF800  }
0x4b: {  	[tilespmem:s9], [sflag:$0x3] =	stream.linear.gather @!p1 [hbm4b:s10+s30], $0x800, $0x38;
	[tilespmem:$0x1E000] =	vst v63  }
0x4c: {  	s0 =	simm.s32 $0x180;
	s28 =	simm.s32 $0x0;
	_ =	swait.ge @!p1 [sflag:s31], $0x800  }
0x4d: {  	s4 =	sand.u32 $0xF80, s4;
	s28 =	sand.u32 $0x800, s28;
	[sflag:s31] =	ssyncset.done @!p1 $0x0  }
0x4e: {  	s30 =	simm.s32 $0x100;
	s9 =	sand.u32 $0x1, s13;
	[sflag:s31] =	ssyncadd.s32 @!p1 $0xFFFFF800  }
0x4f: {  	s10 =	sor.u32 s12, s28;
	s9 =	sshll.u32 s9, $0xE;
	_ =	swait.ge [sflag:s23], $0x4000  }
0x50: {  	s11 =	sxor.u32 $0x4000, s9;
	s31 =	simm.s32 $0x3;
	[sflag:s23] =	ssyncset.done $0x0  }
0x51: {  	s14 =	sor.u32 $0x2000, s11;
	s15 =	sand.u32 $0xF, s31;
	[sflag:s23] =	ssyncadd.s32 $0xFFFFC000  }
0x52: {  	[tilespmem:s14], [sflag:$0x1] =	stream.indirect.gather [hbm4b:s5+s26], $0x80, s10, s26, $0xb8;
	[tilespmem:$0x1E000] =	vst v63  }
0x53: {  	s28 =	sor.u32 $0x1000, s4;
	p1 =	sne.s32 s15, $0x0;
	_ =	swait.ge [sflag:s22], $0x4000  }
0x54: {  	s4 =	sshll.u32 s15, $0x7;
	s10 =	simm.s32 $0x0;
	[sflag:s22] =	ssyncset.done $0x0  }
.LBB2_4:
0x55: {  	s11 =	sshll.u32 @!p1 s10, $0xB;
	s10 =	sshll.u32 s10, $0xB  }
0x56: {  	s12 =	smov.u32 s30;
	s30 =	smov.u32 s0;
	s0 =	sadd.s32 $0x80, s0  }
0x57: {  	s9 =	sor.u32 $0x2000, s9;
	s13 =	sadd.s32 @!p1 s8, s11;
	s11 =	sand.u32 @!p1 $0x800, s11  }
0x58: {  	s13 =	sshrl.u32 @!p1 s13, $0x3;
	s14 =	sor.u32 @!p1 $0x1000, s11;
	[sflag:s22] =	ssyncadd.s32 $0xFFFFC000  }
0x59: {  	[spmem:s2] =	stream.indirect.scatter.add.f32 [tilespmem:s9], [sflag:$0x2], $0x80, s28, s26, $0xb8;
	[tilespmem:$0x1E000] =	vst v63  }
0x5a: {  	s15 =	simm.s32 @!p1 $0x3;
	s9 =	sadd.s32 @!p1 s6, s13;
	s28 =	simm.s32 @!p1 $0x0  }
0x5b: {  	[tilespmem:s11], [sflag:$0x3] =	stream.linear.gather @!p1 [hbm4b:s9+s28], $0x800, $0x38;
	[tilespmem:$0x1E000] =	vst v63  }
0x5c: {  	p2 =	sne.s32 s0, $0x2780;
	s9 =	sadd.s32 @!p1 s1, s13;
	_ =	swait.ge @!p1 [sflag:s15], $0x800  }
0x5d: {  	[sflag:s15] =	ssyncset.done @!p1 $0x0  }
0x5e: {  	[sflag:s15] =	ssyncadd.s32 @!p1 $0xFFFFF800  }
0x5f: {  	[tilespmem:s14], [sflag:$0x3] =	stream.linear.gather @!p1 [hbm4b:s9+s28], $0x800, $0x38;
	[tilespmem:$0x1E000] =	vst v63  }
0x60: {  	s10 =	sand.u32 $0x800, s10;
	_ =	swait.ge @!p1 [sflag:s15], $0x800  }
0x61: {  	s9 =	sadd.s32 $0xFFFFFFFF, s31;
	s31 =	sadd.s32 $0x1, s31;
	[sflag:s15] =	ssyncset.done @!p1 $0x0  }
0x62: {  	s11 =	sand.u32 $0xF80, s12;
	s9 =	sand.u32 $0x1, s9;
	[sflag:s15] =	ssyncadd.s32 @!p1 $0xFFFFF800  }
0x63: {  	s28 =	sor.u32 $0x1000, s11;
	s9 =	sshll.u32 s9, $0xE;
	_ =	swait.ge [sflag:s23], $0x4000  }
.Ltmp1:
0x64: {  	s11 =	sxor.u32 $0x4000, s9;
	[sflag:s23] =	ssyncset.done $0x0;
	(pc) =	sbr.rel @p2 .LBB2_4-.Ltmp1, $4  }
0x65: {  	s4 =	sor.u32 s4, s10;
	s11 =	sor.u32 $0x2000, s11;
	[sflag:s23] =	ssyncadd.s32 $0xFFFFC000  }
0x66: {  	[tilespmem:s11], [sflag:$0x1] =	stream.indirect.gather [hbm4b:s5+s26], $0x80, s4, s26, $0xb8;
	[tilespmem:$0x1E000] =	vst v63  }
0x67: {  	s10 =	sshrl.u32 s31, $0x4;
	s4 =	sand.u32 $0xF, s31;
	_ =	swait.ge [sflag:s22], $0x4000  }
0x68: {  	p1 =	sne.s32 s4, $0x0;
	s4 =	sshll.u32 s4, $0x7;
	[sflag:s22] =	ssyncset.done $0x0  }
0x69: {  	s0 =	sshll.u32 @!p1 s10, $0xB  }
0x6a: {  	s9 =	sor.u32 $0x2000, s9;
	[sflag:s22] =	ssyncadd.s32 $0xFFFFC000;
	s11 =	sadd.s32 @!p1 s8, s0  }
0x6b: {  	[spmem:s2] =	stream.indirect.scatter.add.f32 [tilespmem:s9], [sflag:$0x2], $0x80, s28, s26, $0xb8;
	[tilespmem:$0x1E000] =	vst v63  }
0x6c: {  	s11 =	sshrl.u32 @!p1 s11, $0x3  }
0x6d: {  	s12 =	simm.s32 @!p1 $0x0;
	s0 =	sand.u32 @!p1 $0x800, s0;
	s9 =	sadd.s32 @!p1 s6, s11  }
0x6e: {  	[tilespmem:s0], [sflag:$0x3] =	stream.linear.gather @!p1 [hbm4b:s9+s12], $0x800, $0x38;
	[tilespmem:$0x1E000] =	vst v63  }
0x6f: {  	s9 =	simm.s32 @!p1 $0x3  }
0x70: {  	_ =	swait.ge @!p1 [sflag:s9], $0x800  }
0x71: {  	[sflag:s9] =	ssyncset.done @!p1 $0x0  }
0x72: {  	s11 =	sadd.s32 @!p1 s1, s11;
	s0 =	sor.u32 @!p1 $0x1000, s0;
	[sflag:s9] =	ssyncadd.s32 @!p1 $0xFFFFF800  }
0x73: {  	[tilespmem:s0], [sflag:$0x3] =	stream.linear.gather @!p1 [hbm4b:s11+s12], $0x800, $0x38;
	[tilespmem:$0x1E000] =	vst v63  }
0x74: {  	_ =	swait.ge @!p1 [sflag:s9], $0x800  }
0x75: {  	s11 =	sadd.s32 $0xFFFFFFFF, s31;
	[sflag:s9] =	ssyncset.done @!p1 $0x0  }
0x76: {  	s0 =	sand.u32 $0x1, s11;
	[sflag:s9] =	ssyncadd.s32 @!p1 $0xFFFFF800  }
0x77: {  	s12 =	sshll.u32 s10, $0xB;
	s0 =	sshll.u32 s0, $0xE;
	_ =	swait.ge [sflag:s23], $0x4000  }
0x78: {  	s13 =	sxor.u32 $0x4000, s0;
	s9 =	sand.u32 $0x800, s12;
	[sflag:s23] =	ssyncset.done $0x0  }
0x79: {  	s4 =	sor.u32 s4, s9;
	s14 =	sor.u32 $0x2000, s13;
	[sflag:s23] =	ssyncadd.s32 $0xFFFFC000  }
0x7a: {  	[tilespmem:s14], [sflag:$0x1] =	stream.indirect.gather [hbm4b:s5+s26], $0x80, s4, s26, $0xb8;
	[tilespmem:$0x1E000] =	vst v63  }
0x7b: {  	_ =	swait.ge [sflag:s22], $0x4000  }
0x7c: {  	s15 =	sand.u32 $0xF80, s30;
	[sflag:s22] =	ssyncset.done $0x0  }
0x7d: {  	s0 =	sor.u32 $0x2000, s0;
	s4 =	sor.u32 $0x1000, s15;
	[sflag:s22] =	ssyncadd.s32 $0xFFFFC000  }
0x7e: {  	[spmem:s2] =	stream.indirect.scatter.add.f32 [tilespmem:s0], [sflag:$0x2], $0x80, s4, s26, $0xb8;
	[tilespmem:$0x1E000] =	vst v63  }
0x7f: {  	_ =	swait.ge [sflag:s22], $0x4000  }
0x80: {  	[sflag:s22] =	ssyncset.done $0x0  }
0x81: {  	s28 =	simm.s32 $0x1780;
	[sflag:s22] =	ssyncadd.s32 $0xFFFFC000  }
0x82: {  	[spmem:s2] =	stream.indirect.scatter.add.f32 [tilespmem:s21], [sflag:$0x2], $0x80, s28, s26, $0xb8;
	[tilespmem:$0x1E000] =	vst v63  }
0x83: {  	_ =	swait.ge [sflag:s23], $0x4000  }
0x84: {  	[sflag:s23] =	ssyncset.done $0x0  }
0x85: {  	s30 =	stileid.u32;
	[sflag:s23] =	ssyncadd.s32 $0xFFFFC000  }
0x86: {  	s0 =	sshll.u32 s30, $0x6;
	[bflag:$0x0] =	sbarrier.arrive $0xFFFF  }
0x87: {  	s0 =	sor.u32 $0x1C03, s0;
	s31 =	rddreg [dreg:$0xa]  }
0x88: {  	[hbm:s31], [sflag:s0] =	dma.local [spmem:s24], $0x2700  }
0x89: {  	_ =	swait.ge [sflag:s19], $0x2700  }
0x8a: {  	s29 =	sadd.s32 $0x1, s29;
	[sflag:s19] =	ssyncset.done $0x0  }
0x8b: {  	p1 =	sne.s32 s29, s17;
	[sflag:s19] =	ssyncadd.s32 $0xFFFFD900  }
0x8c: {  	[hbm:s16], [sflag:s0] =	dma.local @!p0 [spmem:s25], $0x100  }
.Ltmp2:
0x8d: {  	_ = 	snop;
	(pc) =	sbr.rel @p1 .LBB2_1-.Ltmp2, $4  }
0x8e: {  	s0 =	simm.s32 @!p0 $0x3  }
0x8f: {  	_ =	swait.ge @!p0 [sflag:s0], $0x100  }
0x90: {  	[sflag:s0] =	ssyncset.done @!p0 $0x0  }
0x91: {  	[sflag:s0] =	ssyncadd.s32 @!p0 $0xFFFFFF00  }
0x92: {  	_ =	sfence.sel $0x180000  }
0x93: {  	[bflag:$0x0] =	sbarrier.arrive $0xFFFF  }
0x94: {  	_ =	strace $0x90000050  }
0x95: {  	[bflag:$0x2] =	sbarrier.arrive $0xFFFF  }
0x96: {  	s0 =	rddreg [dreg:$0x3]  }
0x97: {  	s0 =	sadd.s32 @!p0 $0x100000, s0  }
0x98: {  	[sflag:s0] =	ssyncadd.tile.s32 @!p0 $0x1;
	_ =	shalt  }
.Lfunc_end2:
_tile_overlayer_lowered:
.L_overlay_start_2:
0x99: {  	(tag) =	ssettag $0x2  }
0x9a: {  	s0 =	rddreg [dreg:$0x0];
	s2 =	stileid.u32  }
0x9b: {  	s1 =	rddreg [dreg:$0x1];
	p0 =	sne.s32 s2, $0x0  }
0x9c: {  	s3 =	rddreg [dreg:$0x2];
	[bflag:$0x3] =	sbarrier.arrive $0xFFFF;
	s2 =	simm.s32 @!p0 $0x1C03  }
0x9d: {  	[timem:s3], [sflag:s2] =	dma.local @!p0 [hbm:s0], s1  }
0x9e: {  	s0 =	simm.s32 @!p0 $0x3  }
0x9f: {  	_ =	swait.ge @!p0 [sflag:s0], s1  }
0xa0: {  	s1 =	ssub.s32 @!p0 $0x0, s1;
	[sflag:s0] =	ssyncset.done @!p0 $0x0  }
0xa1: {  	[sflag:s0] =	ssyncadd.s32 @!p0 s1  }
0xa2: {  	[bflag:$0x3] =	sbarrier.arrive $0xFFFF  }
0xa3: {  	_ =	shalt  }

// kernel: kernel.25.cloned.1.call-start
scs
__scs_entry_jumppad:
0x0: {  	(pc) =	sbr.rel $0x88, $3  }
0x1: {  	(tag) =	ssettag $0x0;
	lr =	simm.s32 $0x1  }
0x2: {  	[smem:$0x3F95] =	sst lr;
	_ =	strace $0xD0000000  }
0x3: {  	_ = 	snop  }
0x4: {  	_ = 	snop  }
0x5: {  	_ = 	snop  }
0x6: {  	_ = 	snop  }
0x7: {  	_ = 	snop  }
__scs_overlays_trampoline_lowered:
0x8: {  	[smem:$0x3FA4] =	sst s0  }
0x9: {  	[smem:$0x3FA5] =	sst s1  }
0xa: {  	[smem:$0x3FA6] =	sst s2  }
0xb: {  	[smem:$0x3FA7] =	sst s3  }
0xc: {  	[smem:$0x3FA8] =	sst s4  }
0xd: {  	[smem:$0x3FA9] =	sst s5  }
0xe: {  	[smem:$0x3FAA] =	sst s6  }
0xf: {  	[smem:$0x3FAB] =	sst s7  }
0x10: {  	[smem:$0x3FAC] =	sst s8  }
0x11: {  	[smem:$0x3FAD] =	sst s9;
	s0 =	simm.s32 @!p0 $0x0  }
0x12: {  	s1 =	sld [smem:$0x3F93];
	s0 =	simm.s32 @p0 $0x1  }
0x13: {  	[smem:$0x3FAE] =	sst s0;
	s0 =	simm.s32 @!p1 $0x0  }
0x14: {  	s2 =	sld [smem:$0x3F92];
	s0 =	simm.s32 @p1 $0x1  }
0x15: {  	[smem:$0x3FAF] =	sst s0;
	s0 =	simm.s32 @!p2 $0x0  }
0x16: {  	s3 =	sld [smem:$0x3FDB];
	s0 =	simm.s32 @p2 $0x1  }
0x17: {  	s4 =	simm.s32 $0x1BF5;
	[smem:$0x3FB1] =	sst s0  }
0x18: {  	s0 =	sld [smem:$0x3F94];
	_ =	swait.ge [sflag:s4], $0x0  }
0x19: {  	s7 =	sld [smem:$0x3F95]  }
0x1a: {  	s8 =	sadd.s32 $0xFFFFE003, lr  }
0x1b: {  	s9 =	sadd.s32 $0xFFFFFEF7, lr;
	s5 =	simm.s32 $0xFFFFFFFF;
	p2 =	slt.u32 s8, $0xFFFFF086  }
0x1c: {  	p1 =	slt.u32 s9, $0xF7A;
	s5 =	simm.s32 @!p2 $0x0  }
0x1d: {  	s5 =	simm.s32 @p1 $0x1;
	p0 =	seq.s32 s7, s2  }
0x1e: {  	s7 =	smul.u32 @!p0 $0xF7A, s2;
	p2 =	seq.s32 @!p0 s5, $0x0  }
0x1f: {  	s9 =	smul.u32 $0xF7A, s1;
	s8 =	simm.s32 @!p0 $0x1BF5;
	p2 =	por !p2, p0  }
0x20: {  	[sflag:s8] =	ssyncset.s32 @!p0 $0xFFFFF086;
	s6 =	sadd.s32 @!p0 s3, s7;
	s7 =	simm.s32 @!p0 $0x108  }
0x21: {  	s3 =	sadd.s32 s3, s9;
	s6 =	sadd.s32 @!p0 $0x88, s6;
	s7 =	simm.s32 @p2 $0x1082  }
0x22: {  	[simem:s7], [sflag:s8] =	dma.local @!p0 [hbm:s6], $0xF7A  }
0x23: {  	s9 =	sor.u32 $0xD0000000, s2;
	s6 =	simm.s32 $0x108;
	_ =	swait.ge @!p0 [sflag:s8], $0x0  }
0x24: {  	s3 =	sadd.s32 $0x88, s3;
	s6 =	simm.s32 @!p1 $0x1082;
	[sflag:s4] =	ssyncset.s32 $0xFFFFF086  }
0x25: {  	[simem:s6], [sflag:s4] =	dma.local [hbm:s3], $0xF7A  }
0x26: {  	[smem:$0x3F95] =	sst s1;
	(tag) =	ssettag s2;
	_ =	strace s9  }
0x27: {  	s1 =	sld [smem:$0x3FA5]  }
0x28: {  	s2 =	sld [smem:$0x3FA6]  }
0x29: {  	s4 =	sld [smem:$0x3FA8]  }
0x2a: {  	p0 =	seq.s32 s5, $0x0;
	s5 =	sld [smem:$0x3FA9]  }
0x2b: {  	s6 =	sld [smem:$0x3FAA]  }
0x2c: {  	s7 =	sld [smem:$0x3FAB]  }
0x2d: {  	s3 =	simm.s32 $0x108;
	s8 =	sld [smem:$0x3FAC]  }
0x2e: {  	s3 =	simm.s32 @!p0 $0x1082;
	s9 =	sld [smem:$0x3FAD]  }
0x2f: {  	lr =	sadd.s32 s0, s3;
	s0 =	sld [smem:$0x3FA4]  }
0x30: {  	s3 =	sld [smem:$0x3FA7]  }
0x31: {  	[smem:$0x3FB0] =	sst s10  }
0x32: {  	s10 =	sld [smem:$0x3FAE];
	_ =	sdelay $0x3  }
0x33: {  	p0 =	seq.s32 s10, $0x1;
	s10 =	sld [smem:$0x3FB0];
	_ =	sdelay $0x3  }
0x34: {  	[smem:$0x3FB0] =	sst s10  }
0x35: {  	s10 =	sld [smem:$0x3FAF];
	_ =	sdelay $0x3  }
0x36: {  	p1 =	seq.s32 s10, $0x1;
	s10 =	sld [smem:$0x3FB0];
	_ =	sdelay $0x3  }
0x37: {  	[smem:$0x3FB0] =	sst s10  }
0x38: {  	s10 =	sld [smem:$0x3FB1]  }
0x39: {  	_ = 	snop;
	(pc) =	sbr.ind lr, $3  }
0x3a: {  	_ = 	snop  }
0x3b: {  	_ = 	snop  }
0x3c: {  	p2 =	seq.s32 s10, $0x1;
	s10 =	sld [smem:$0x3FB0]  }
0x3d: {  	_ =	shalt  }
0x3e: {  	_ =	shalt  }
0x3f: {  	_ =	shalt  }
0x40: {  	_ =	shalt  }
0x41: {  	_ =	shalt  }
0x42: {  	_ =	shalt  }
0x43: {  	_ =	shalt  }
0x44: {  	_ =	shalt  }
0x45: {  	_ =	shalt  }
0x46: {  	_ =	shalt  }
0x47: {  	_ =	shalt  }
0x48: {  	_ =	shalt  }
0x49: {  	_ =	shalt  }
0x4a: {  	_ =	shalt  }
0x4b: {  	_ =	shalt  }
0x4c: {  	_ =	shalt  }
0x4d: {  	_ =	shalt  }
0x4e: {  	_ =	shalt  }
0x4f: {  	_ =	shalt  }
0x50: {  	_ =	shalt  }
0x51: {  	_ =	shalt  }
0x52: {  	_ =	shalt  }
0x53: {  	_ =	shalt  }
0x54: {  	_ =	shalt  }
0x55: {  	_ =	shalt  }
0x56: {  	_ =	shalt  }
0x57: {  	_ =	shalt  }
0x58: {  	_ =	shalt  }
0x59: {  	_ =	shalt  }
0x5a: {  	_ =	shalt  }
0x5b: {  	_ =	shalt  }
0x5c: {  	_ =	shalt  }
0x5d: {  	_ =	shalt  }
0x5e: {  	_ =	shalt  }
0x5f: {  	_ =	shalt  }
0x60: {  	_ =	shalt  }
0x61: {  	_ =	shalt  }
0x62: {  	_ =	shalt  }
0x63: {  	_ =	shalt  }
0x64: {  	_ =	shalt  }
0x65: {  	_ =	shalt  }
0x66: {  	_ =	shalt  }
0x67: {  	_ =	shalt  }
0x68: {  	_ =	shalt  }
0x69: {  	_ =	shalt  }
0x6a: {  	_ =	shalt  }
0x6b: {  	_ =	shalt  }
0x6c: {  	_ =	shalt  }
0x6d: {  	_ =	shalt  }
0x6e: {  	_ =	shalt  }
0x6f: {  	_ =	shalt  }
0x70: {  	_ =	shalt  }
0x71: {  	_ =	shalt  }
0x72: {  	_ =	shalt  }
0x73: {  	_ =	shalt  }
0x74: {  	_ =	shalt  }
0x75: {  	_ =	shalt  }
0x76: {  	_ =	shalt  }
0x77: {  	_ =	shalt  }
0x78: {  	_ =	shalt  }
0x79: {  	_ =	shalt  }
0x7a: {  	_ =	shalt  }
0x7b: {  	_ =	shalt  }
0x7c: {  	_ =	shalt  }
0x7d: {  	_ =	shalt  }
0x7e: {  	_ =	shalt  }
0x7f: {  	_ =	shalt  }
0x80: {  	_ =	shalt  }
0x81: {  	_ =	shalt  }
0x82: {  	_ =	shalt  }
0x83: {  	_ =	shalt  }
0x84: {  	_ =	shalt  }
0x85: {  	_ =	shalt  }
0x86: {  	_ =	shalt  }
0x87: {  	_ =	shalt  }
.Lfunc_end0:
.L_simem_size_0:
called_computation.4_lowered:
.L_overlay_start_0:
0x88: {  	s2 =	sld [smem:$0x3FD9]  }
0x89: {  	s3 =	sld [smem:$0x3FFE];
	_ =	sdelay $0x1  }
0x8a: {  	s1 =	srdreg.scid  }
0x8b: {  	s0 =	sand.u32 $0x1, s1  }
0x8c: {  	s16 =	sshll.u32 s0, $0xA;
	s2 =	sadd.s32 s3, s2  }
0x8d: {  	s2 =	sadd.s32 s2, s16  }
0x8e: {  	[smem:$0x3FBC] =	sst s2  }
0x8f: {  	_ = 	snop  }
0x90: {  	(tm) =	ssettm $0x1  }
0x91: {  	s17 =	sld [smem:$0x3FFB];
	_ =	sdelay $0x3  }
0x92: {  	_ =	strace s17  }
0x93: {  	s2 =	sld [smem:$0x3FFC];
	_ =	sdelay $0x3  }
0x94: {  	_ =	strace s2  }
0x95: {  	s2 =	sld [smem:$0x3FFD];
	_ =	sdelay $0x3  }
0x96: {  	_ =	strace s2  }
0x97: {  	_ =	strace $0x8FFFFFFF  }
0x98: {  	s18 =	sld [smem:$0x3FDB];
	_ =	sdelay $0x1  }
0x99: {  	s19 =	simm.s32 $_scs_section_size  }
0x9a: {  	s4 =	simm.s32 $_size__tile_overlayer_lowered;
	s5 =	simm.s32 $_tile_overlayer_lowered  }
0x9b: {  	s22 =	simm.s32 $0x1BFF;
	s21 =	sshll.u32 s5, $0x1;
	s2 =	sadd.s32 s19, s18  }
0x9c: {  	s6 =	simm.s32 $0x0;
	s20 =	sshll.u32 s4, $0x1;
	s4 =	sadd.s32 s21, s2  }
0x9d: {  	[timem:s6], [sflag:s22] =	dma.local [hbm:s4], s20  }
0x9e: {  	_ =	swait.ge [sflag:s22], s20  }
0x9f: {  	s3 =	ssub.s32 $0x0, s20;
	[sflag:s22] =	ssyncset.done $0x0  }
0xa0: {  	[sflag:s22] =	ssyncadd.s32 s3;
	_ =	sdelay $0x1  }
0xa1: {  	s23 =	simm.s32 $0x1B8B  }
0xa2: {  	_ =	swait.ge [sflag:s23], $0x1  }
0xa3: {  	[sflag:s23] =	ssyncset.done $0x0  }
0xa4: {  	s25 =	simm.s32 $0x1B8E;
	s24 =	sld [smem:$0x3FFE];
	[sflag:s23] =	ssyncadd.s32 $0xFFFFFFFF  }
0xa5: {  	s26 =	simm.s32 $execute0_lowered;
	[smem:$0x3FD2] =	sst s25  }
0xa6: {  	s4 =	sshll.u32 s26, $0x1;
	_ =	strace $0x80000052;
	[dreg:$0x1] =	wrdreg $0xFFFFFFFF  }
0xa7: {  	s28 =	simm.s32 $_size_execute0_lowered;
	s2 =	sadd.s32 s2, s4;
	[dreg:$0x0] =	wrdreg $0x0  }
0xa8: {  	s4 =	sshll.u32 s28, $0x1;
	[dreg:$0x2] =	wrdreg s2  }
0xa9: {  	[dreg:$0x3] =	wrdreg s4  }
0xaa: {  	[dreg:$0x4] =	wrdreg $0xC0  }
0xab: {  	_ =	task [dreg:s6], $0x5FFFF  }
0xac: {  	[dreg:$0x1] =	wrdreg $0xFFFFFFFF  }
0xad: {  	[dreg:$0x0] =	wrdreg $0x60  }
0xae: {  	[dreg:$0x2] =	wrdreg s24  }
0xaf: {  	[dreg:$0x3] =	wrdreg $0xA0000  }
0xb0: {  	[dreg:$0x4] =	wrdreg $0x9  }
0xb1: {  	_ =	task.clear_ibuf [dreg:s6], $0x5FFFF;
	_ =	strace $0x90000052  }
0xb2: {  	s29 =	simm.s32 $0x9;
	_ =	strace $0x80000054  }
0xb3: {  	_ =	swait.ge [sflag:s29], $0x1  }
0xb4: {  	[sflag:s29] =	ssyncadd.s32 $0xFFFFFFFF  }
0xb5: {  	_ =	strace $0x90000054  }
0xb6: {  	_ =	sfence  }
0xb7: {  	s30 =	sld [smem:$0x0];
	_ =	sdelay $0x2  }
0xb8: {  	s31 =	sshll.u32 s1, $0xD;
	s1 =	sshrl.u32 s1, $0x2  }
0xb9: {  	s3 =	sand.u32 $0x4000, s31;
	s1 =	sadd.s32 s1, s30  }
0xba: {  	s0 =	sor.u32 s3, s0;
	s1 =	sshll.u32 s1, $0x11  }
0xbb: {  	s0 =	sor.u32 s1, s0  }
0xbc: {  	s0 =	sadd.s32 $0x8F2B, s0  }
0xbd: {  	[sflag:s0] =	ssyncadd.remote.s32 $0x1  }
0xbe: {  	_ =	sfence.sel $0xFFFF  }
0xbf: {  	[dreg:$0x0] =	wrdreg $0xFFFFFFFF;
	(pc) =	sbr.abs _section_cstart, $3  }
0xc0: {  	[dreg:$0x1] =	wrdreg $0xFFFFFFFF  }
0xc1: {  	_ =	task.clear_ibuf [dreg:s6], $0x2FFFF;
	_ =	strace $0x9FFFFFFF  }
0xc2: {  	(tm) =	ssettm $0x7FFFFFFF  }
0xc3: {  	_ =	shalt  }
tec
execute0_lowered:
.L_overlay_start_1:
0x0: {  	(tag) =	ssettag $0x1  }
0x1: {  	s0 =	rddreg [dreg:$0x0]  }
0x2: {  	s1 =	rddreg [dreg:$0x1]  }
0x3: {  	s2 =	simm.s32 $0x0;
	s4 =	srdreg.scid;
	s11 =	stileid.u32  }
0x4: {  	s18 =	simm.s32 $0x2000;
	s19 =	simm.s32 $0x3;
	s20 =	simm.s32 $0x1000  }
0x5: {  	s21 =	simm.s32 $0x6000;
	s22 =	simm.s32 $0x1;
	s29 =	simm.s32 $0x0  }
0x6: {  	[smem:$0x7FF] =	sst s2;
	s3 =	sadd.s32 $0x5BC00, s0;
	s7 =	smul.u32 $0x50000, s11  }
0x7: {  	s5 =	sadd.s32 $0x120000, s0;
	s4 =	sand.u32 $0x1, s4;
	s26 =	smul.u32 $0x13800, s11  }
0x8: {  	s6 =	sadd.s32 $0xBDE00, s0;
	s0 =	sadd.s32 $0x134000, s0;
	s15 =	smul.u32 $0x4E000, s11  }
0x9: {  	p0 =	sne.s32 s11, $0x0;
	_ =	strace $0x80000053;
	s8 =	sshll.u32 s4, $0x4  }
0xa: {  	s9 =	ssub.s32 $0x2, s4;
	s4 =	smul.u32 $0x138800, s4;
	s8 =	sor.u32 s11, s8  }
0xb: {  	s7 =	sshrl.u32 s7, $0x2;
	s10 =	sshrl.u32 s9, $0x1;
	s16 =	sshrl.u32 s15, $0x2  }
0xc: {  	s7 =	sadd.s32 s7, s1;
	s8 =	smul.u32 $0x5000, s8;
	s9 =	ssub.s32 s9, s10  }
0xd: {  	s10 =	sadd.s32 s26, s4;
	s4 =	sshrl.u32 s4, $0x3;
	s23 =	sadd.s32 $0x4000, s7  }
0xe: {  	s31 =	sadd.s32 s16, s1;
	s24 =	sadd.s32 $0x8000, s7;
	[dreg:$0x3] =	wrdreg s23  }
0xf: {  	s26 =	simm.s32 $0x80;
	s25 =	sadd.s32 $0xC000, s7;
	[dreg:$0x4] =	wrdreg s24  }
0x10: {  	s12 =	sadd.s32 $0x10000, s7;
	s10 =	sshrl.u32 s10, $0x3;
	[dreg:$0x5] =	wrdreg s25  }
0x11: {  	s17 =	smax.u32 s9, $0x1;
	[dreg:$0x6] =	wrdreg s12;
	s14 =	sshrl.u32 s8, $0x3  }
0x12: {  	s10 =	sadd.s32 s0, s10;
	s0 =	sadd.s32 s0, s4;
	s23 =	simm.s32 $0x2  }
0x13: {  	s28 =	sadd.s32 s5, s14;
	s30 =	sadd.s32 s6, s14;
	[dreg:$0x9] =	wrdreg s10  }
0x14: {  	s16 =	sadd.s32 $0x27000, s0;
	s0 =	sadd.s32 $0x138000, s1;
	[dreg:$0x7] =	wrdreg s28  }
0x15: {  	v0 =	vimm.f32 $0.0e+00;
	s24 =	sshrl.u32 s31, $0x3;
	[dreg:$0x8] =	wrdreg s30;
	s25 =	sshrl.u32 @!p0 s0, $0x3  }
.LBB2_1:
0x16: {  	s0 =	sand.u32 $0xFE00, s2  }
0x17: {  	s4 =	sand.u32 $0x70, s2;
	s9 =	sshrl.u32 s0, $0x2  }
0x18: {  	s0 =	simm.s32 $0x40;
	s9 =	sor.u32 s4, s9;
	s4 =	simm.s32 $0x0  }
.LBB2_2:
0x19: {  	p1 =	sne.s32 s0, $0xFFC0  }
0x1a: {  	[tilespmem:s9+$0x2000] =	vst v0;
	s4 =	sadd.s32 $0x10, s4;
	s9 =	smov.u32 s0;
	s0 =	sadd.s32 $0x40, s0  }
.Ltmp0:
0x1b: {  	(pc) =	sbr.rel @p1 .LBB2_2-.Ltmp0, $4  }
0x1c: {  	_ = 	snop  }
0x1d: {  	s9 =	sand.u32 $0xFE00, s9  }
0x1e: {  	s10 =	sand.u32 $0x70, s4;
	s9 =	sshrl.u32 s9, $0x2  }
0x1f: {  	s9 =	sor.u32 s10, s9  }
0x20: {  	[tilespmem:s9+$0x2000] =	vst v0  }
0x21: {  	[spmem:s7] =	stream.linear.scatter [tilespmem:s18], [sflag:$0x3], $0x4000, $0x38;
	[tilespmem:$0x1E000] =	vst v63  }
0x22: {  	_ =	swait.ge [sflag:s19], $0x4000  }
0x23: {  	[sflag:s19] =	ssyncset.done $0x0  }
0x24: {  	s0 =	rddreg [dreg:$0x3];
	[sflag:s19] =	ssyncadd.s32 $0xFFFFC000  }
0x25: {  	[spmem:s0] =	stream.linear.scatter [tilespmem:s18], [sflag:$0x3], $0x4000, $0x38;
	[tilespmem:$0x1E000] =	vst v63  }
0x26: {  	_ =	swait.ge [sflag:s19], $0x4000  }
0x27: {  	[sflag:s19] =	ssyncset.done $0x0  }
0x28: {  	s14 =	rddreg [dreg:$0x4];
	[sflag:s19] =	ssyncadd.s32 $0xFFFFC000  }
0x29: {  	[spmem:s14] =	stream.linear.scatter [tilespmem:s18], [sflag:$0x3], $0x4000, $0x38;
	[tilespmem:$0x1E000] =	vst v63  }
0x2a: {  	_ =	swait.ge [sflag:s19], $0x4000  }
0x2b: {  	[sflag:s19] =	ssyncset.done $0x0  }
0x2c: {  	s15 =	rddreg [dreg:$0x5];
	[sflag:s19] =	ssyncadd.s32 $0xFFFFC000  }
0x2d: {  	[spmem:s15] =	stream.linear.scatter [tilespmem:s18], [sflag:$0x3], $0x4000, $0x38;
	[tilespmem:$0x1E000] =	vst v63  }
0x2e: {  	_ =	swait.ge [sflag:s19], $0x4000  }
0x2f: {  	[sflag:s19] =	ssyncset.done $0x0  }
0x30: {  	s4 =	rddreg [dreg:$0x6];
	[sflag:s19] =	ssyncadd.s32 $0xFFFFC000  }
0x31: {  	[spmem:s4] =	stream.linear.scatter [tilespmem:s18], [sflag:$0x3], $0x4000, $0x38;
	[tilespmem:$0x1E000] =	vst v63  }
0x32: {  	_ =	swait.ge [sflag:s19], $0x4000  }
0x33: {  	[sflag:s19] =	ssyncset.done $0x0  }
0x34: {  	[sflag:s19] =	ssyncadd.s32 $0xFFFFC000  }
0x35: {  	[bflag:$0x0] =	sbarrier.arrive $0xFFFF  }
0x36: {  	s9 =	rddreg [dreg:$0x7]  }
0x37: {  	[tilespmem:s2], [sflag:$0x3] =	stream.linear.gather [hbm4b:s9+s2], $0x800, $0x38;
	[tilespmem:$0x1E000] =	vst v63  }
0x38: {  	_ =	swait.ge [sflag:s19], $0x800  }
0x39: {  	[sflag:s19] =	ssyncset.done $0x0  }
0x3a: {  	s10 =	rddreg [dreg:$0x8];
	[sflag:s19] =	ssyncadd.s32 $0xFFFFF800  }
0x3b: {  	[tilespmem:s20], [sflag:$0x3] =	stream.linear.gather [hbm4b:s10+s2], $0x800, $0x38;
	[tilespmem:$0x1E000] =	vst v63  }
0x3c: {  	_ =	swait.ge [sflag:s19], $0x800  }
0x3d: {  	[sflag:s19] =	ssyncset.done $0x0  }
0x3e: {  	s11 =	simm.s32 $0x2;
	s4 =	simm.s32 $0x80;
	[sflag:s19] =	ssyncadd.s32 $0xFFFFF800  }
0x3f: {  	[tilespmem:s18], [sflag:$0x1] =	stream.indirect.gather [hbm4b:s3+s4], $0x80, s2, s4, $0xb8;
	[tilespmem:$0x1E000] =	vst v63  }
0x40: {  	s0 =	sand.u32 $0xF, s11  }
0x41: {  	[tilespmem:s21], [sflag:$0x1] =	stream.indirect.gather [hbm4b:s3+s4], $0x80, s4, s4, $0xb8;
	[tilespmem:$0x1E000] =	vst v63  }
0x42: {  	p1 =	sne.s32 s0, $0x0;
	_ =	swait.ge [sflag:s22], $0x4000  }
0x43: {  	s30 =	simm.s32 @!p1 $0x0;
	s10 =	sadd.s32 @!p1 $0x0, s8;
	[sflag:s22] =	ssyncset.done $0x0  }
0x44: {  	s9 =	simm.s32 @!p1 $0x0;
	s10 =	sshrl.u32 @!p1 s10, $0x3;
	[sflag:s22] =	ssyncadd.s32 $0xFFFFC000  }
0x45: {  	[spmem:s1] =	stream.indirect.scatter.add.f32 [tilespmem:s18], [sflag:$0x2], $0x80, s20, s4, $0xb8;
	[tilespmem:$0x1E000] =	vst v63  }
0x46: {  	s31 =	simm.s32 @!p1 $0x3;
	s9 =	sand.u32 @!p1 $0x800, s9;
	s28 =	sadd.s32 @!p1 s5, s10  }
0x47: {  	[tilespmem:s9], [sflag:$0x3] =	stream.linear.gather @!p1 [hbm4b:s28+s30], $0x800, $0x38;
	[tilespmem:$0x1E000] =	vst v63  }
0x48: {  	_ =	swait.ge @!p1 [sflag:s31], $0x800  }
0x49: {  	s13 =	simm.s32 $0x1;
	s12 =	sshll.u32 s0, $0x7;
	[sflag:s31] =	ssyncset.done @!p1 $0x0  }
0x4a: {  	s10 =	sadd.s32 @!p1 s6, s10;
	s9 =	sor.u32 @!p1 $0x1000, s9;
	[sflag:s31] =	ssyncadd.s32 @!p1 $0xFFFFF800  }
0x4b: {  	[tilespmem:s9], [sflag:$0x3] =	stream.linear.gather @!p1 [hbm4b:s10+s30], $0x800, $0x38;
	[tilespmem:$0x1E000] =	vst v63  }
0x4c: {  	s0 =	simm.s32 $0x180;
	s28 =	simm.s32 $0x0;
	_ =	swait.ge @!p1 [sflag:s31], $0x800  }
0x4d: {  	s4 =	sand.u32 $0xF80, s4;
	s28 =	sand.u32 $0x800, s28;
	[sflag:s31] =	ssyncset.done @!p1 $0x0  }
0x4e: {  	s30 =	simm.s32 $0x100;
	s9 =	sand.u32 $0x1, s13;
	[sflag:s31] =	ssyncadd.s32 @!p1 $0xFFFFF800  }
0x4f: {  	s10 =	sor.u32 s12, s28;
	s9 =	sshll.u32 s9, $0xE;
	_ =	swait.ge [sflag:s23], $0x4000  }
0x50: {  	s11 =	sxor.u32 $0x4000, s9;
	s31 =	simm.s32 $0x3;
	[sflag:s23] =	ssyncset.done $0x0  }
0x51: {  	s14 =	sor.u32 $0x2000, s11;
	s15 =	sand.u32 $0xF, s31;
	[sflag:s23] =	ssyncadd.s32 $0xFFFFC000  }
0x52: {  	[tilespmem:s14], [sflag:$0x1] =	stream.indirect.gather [hbm4b:s3+s26], $0x80, s10, s26, $0xb8;
	[tilespmem:$0x1E000] =	vst v63  }
0x53: {  	s28 =	sor.u32 $0x1000, s4;
	p1 =	sne.s32 s15, $0x0;
	_ =	swait.ge [sflag:s22], $0x4000  }
0x54: {  	s4 =	sshll.u32 s15, $0x7;
	s10 =	simm.s32 $0x0;
	[sflag:s22] =	ssyncset.done $0x0  }
.LBB2_4:
0x55: {  	s11 =	sshll.u32 @!p1 s10, $0xB;
	s10 =	sshll.u32 s10, $0xB  }
0x56: {  	s12 =	smov.u32 s30;
	s30 =	smov.u32 s0;
	s0 =	sadd.s32 $0x80, s0  }
0x57: {  	s9 =	sor.u32 $0x2000, s9;
	s13 =	sadd.s32 @!p1 s8, s11;
	s11 =	sand.u32 @!p1 $0x800, s11  }
0x58: {  	s13 =	sshrl.u32 @!p1 s13, $0x3;
	s14 =	sor.u32 @!p1 $0x1000, s11;
	[sflag:s22] =	ssyncadd.s32 $0xFFFFC000  }
0x59: {  	[spmem:s1] =	stream.indirect.scatter.add.f32 [tilespmem:s9], [sflag:$0x2], $0x80, s28, s26, $0xb8;
	[tilespmem:$0x1E000] =	vst v63  }
0x5a: {  	s15 =	simm.s32 @!p1 $0x3;
	s9 =	sadd.s32 @!p1 s5, s13;
	s28 =	simm.s32 @!p1 $0x0  }
0x5b: {  	[tilespmem:s11], [sflag:$0x3] =	stream.linear.gather @!p1 [hbm4b:s9+s28], $0x800, $0x38;
	[tilespmem:$0x1E000] =	vst v63  }
0x5c: {  	p2 =	sne.s32 s0, $0x4F80;
	s9 =	sadd.s32 @!p1 s6, s13;
	_ =	swait.ge @!p1 [sflag:s15], $0x800  }
0x5d: {  	[sflag:s15] =	ssyncset.done @!p1 $0x0  }
0x5e: {  	[sflag:s15] =	ssyncadd.s32 @!p1 $0xFFFFF800  }
0x5f: {  	[tilespmem:s14], [sflag:$0x3] =	stream.linear.gather @!p1 [hbm4b:s9+s28], $0x800, $0x38;
	[tilespmem:$0x1E000] =	vst v63  }
0x60: {  	s10 =	sand.u32 $0x800, s10;
	_ =	swait.ge @!p1 [sflag:s15], $0x800  }
0x61: {  	s9 =	sadd.s32 $0xFFFFFFFF, s31;
	s31 =	sadd.s32 $0x1, s31;
	[sflag:s15] =	ssyncset.done @!p1 $0x0  }
0x62: {  	s11 =	sand.u32 $0xF80, s12;
	s9 =	sand.u32 $0x1, s9;
	[sflag:s15] =	ssyncadd.s32 @!p1 $0xFFFFF800  }
0x63: {  	s28 =	sor.u32 $0x1000, s11;
	s9 =	sshll.u32 s9, $0xE;
	_ =	swait.ge [sflag:s23], $0x4000  }
.Ltmp1:
0x64: {  	s11 =	sxor.u32 $0x4000, s9;
	[sflag:s23] =	ssyncset.done $0x0;
	(pc) =	sbr.rel @p2 .LBB2_4-.Ltmp1, $4  }
0x65: {  	s4 =	sor.u32 s4, s10;
	s11 =	sor.u32 $0x2000, s11;
	[sflag:s23] =	ssyncadd.s32 $0xFFFFC000  }
0x66: {  	[tilespmem:s11], [sflag:$0x1] =	stream.indirect.gather [hbm4b:s3+s26], $0x80, s4, s26, $0xb8;
	[tilespmem:$0x1E000] =	vst v63  }
0x67: {  	s10 =	sshrl.u32 s31, $0x4;
	s4 =	sand.u32 $0xF, s31;
	_ =	swait.ge [sflag:s22], $0x4000  }
0x68: {  	p1 =	sne.s32 s4, $0x0;
	s4 =	sshll.u32 s4, $0x7;
	[sflag:s22] =	ssyncset.done $0x0  }
0x69: {  	s0 =	sshll.u32 @!p1 s10, $0xB  }
0x6a: {  	s9 =	sor.u32 $0x2000, s9;
	[sflag:s22] =	ssyncadd.s32 $0xFFFFC000;
	s11 =	sadd.s32 @!p1 s8, s0  }
0x6b: {  	[spmem:s1] =	stream.indirect.scatter.add.f32 [tilespmem:s9], [sflag:$0x2], $0x80, s28, s26, $0xb8;
	[tilespmem:$0x1E000] =	vst v63  }
0x6c: {  	s11 =	sshrl.u32 @!p1 s11, $0x3  }
0x6d: {  	s12 =	simm.s32 @!p1 $0x0;
	s0 =	sand.u32 @!p1 $0x800, s0;
	s9 =	sadd.s32 @!p1 s5, s11  }
0x6e: {  	[tilespmem:s0], [sflag:$0x3] =	stream.linear.gather @!p1 [hbm4b:s9+s12], $0x800, $0x38;
	[tilespmem:$0x1E000] =	vst v63  }
0x6f: {  	s9 =	simm.s32 @!p1 $0x3  }
0x70: {  	_ =	swait.ge @!p1 [sflag:s9], $0x800  }
0x71: {  	[sflag:s9] =	ssyncset.done @!p1 $0x0  }
0x72: {  	s11 =	sadd.s32 @!p1 s6, s11;
	s0 =	sor.u32 @!p1 $0x1000, s0;
	[sflag:s9] =	ssyncadd.s32 @!p1 $0xFFFFF800  }
0x73: {  	[tilespmem:s0], [sflag:$0x3] =	stream.linear.gather @!p1 [hbm4b:s11+s12], $0x800, $0x38;
	[tilespmem:$0x1E000] =	vst v63  }
0x74: {  	_ =	swait.ge @!p1 [sflag:s9], $0x800  }
0x75: {  	s11 =	sadd.s32 $0xFFFFFFFF, s31;
	[sflag:s9] =	ssyncset.done @!p1 $0x0  }
0x76: {  	s0 =	sand.u32 $0x1, s11;
	[sflag:s9] =	ssyncadd.s32 @!p1 $0xFFFFF800  }
0x77: {  	s12 =	sshll.u32 s10, $0xB;
	s0 =	sshll.u32 s0, $0xE;
	_ =	swait.ge [sflag:s23], $0x4000  }
0x78: {  	s13 =	sxor.u32 $0x4000, s0;
	s9 =	sand.u32 $0x800, s12;
	[sflag:s23] =	ssyncset.done $0x0  }
0x79: {  	s4 =	sor.u32 s4, s9;
	s14 =	sor.u32 $0x2000, s13;
	[sflag:s23] =	ssyncadd.s32 $0xFFFFC000  }
0x7a: {  	[tilespmem:s14], [sflag:$0x1] =	stream.indirect.gather [hbm4b:s3+s26], $0x80, s4, s26, $0xb8;
	[tilespmem:$0x1E000] =	vst v63  }
0x7b: {  	_ =	swait.ge [sflag:s22], $0x4000  }
0x7c: {  	s15 =	sand.u32 $0xF80, s30;
	[sflag:s22] =	ssyncset.done $0x0  }
0x7d: {  	s0 =	sor.u32 $0x2000, s0;
	s4 =	sor.u32 $0x1000, s15;
	[sflag:s22] =	ssyncadd.s32 $0xFFFFC000  }
0x7e: {  	[spmem:s1] =	stream.indirect.scatter.add.f32 [tilespmem:s0], [sflag:$0x2], $0x80, s4, s26, $0xb8;
	[tilespmem:$0x1E000] =	vst v63  }
0x7f: {  	_ =	swait.ge [sflag:s22], $0x4000  }
0x80: {  	[sflag:s22] =	ssyncset.done $0x0  }
0x81: {  	s28 =	simm.s32 $0x1F80;
	[sflag:s22] =	ssyncadd.s32 $0xFFFFC000  }
0x82: {  	[spmem:s1] =	stream.indirect.scatter.add.f32 [tilespmem:s21], [sflag:$0x2], $0x80, s28, s26, $0xb8;
	[tilespmem:$0x1E000] =	vst v63  }
0x83: {  	_ =	swait.ge [sflag:s23], $0x4000  }
0x84: {  	[sflag:s23] =	ssyncset.done $0x0  }
0x85: {  	s30 =	stileid.u32;
	[sflag:s23] =	ssyncadd.s32 $0xFFFFC000  }
0x86: {  	s0 =	sshll.u32 s30, $0x6;
	[bflag:$0x0] =	sbarrier.arrive $0xFFFF  }
0x87: {  	s0 =	sor.u32 $0x1C03, s0;
	s31 =	rddreg [dreg:$0x9]  }
0x88: {  	[hbm:s31], [sflag:s0] =	dma.local [spmem:s24], $0x2700  }
0x89: {  	_ =	swait.ge [sflag:s19], $0x2700  }
0x8a: {  	s29 =	sadd.s32 $0x1, s29;
	[sflag:s19] =	ssyncset.done $0x0  }
0x8b: {  	p1 =	sne.s32 s29, s17;
	[sflag:s19] =	ssyncadd.s32 $0xFFFFD900  }
0x8c: {  	[hbm:s16], [sflag:s0] =	dma.local @!p0 [spmem:s25], $0x100  }
.Ltmp2:
0x8d: {  	_ = 	snop;
	(pc) =	sbr.rel @p1 .LBB2_1-.Ltmp2, $4  }
0x8e: {  	s0 =	simm.s32 @!p0 $0x3  }
0x8f: {  	_ =	swait.ge @!p0 [sflag:s0], $0x100  }
0x90: {  	[sflag:s0] =	ssyncset.done @!p0 $0x0  }
0x91: {  	[sflag:s0] =	ssyncadd.s32 @!p0 $0xFFFFFF00  }
0x92: {  	_ =	sfence.sel $0x180000  }
0x93: {  	[bflag:$0x0] =	sbarrier.arrive $0xFFFF  }
0x94: {  	_ =	strace $0x90000053  }
0x95: {  	[bflag:$0x2] =	sbarrier.arrive $0xFFFF  }
0x96: {  	s0 =	rddreg [dreg:$0x2]  }
0x97: {  	s0 =	sadd.s32 @!p0 $0x100000, s0  }
0x98: {  	[sflag:s0] =	ssyncadd.tile.s32 @!p0 $0x1;
	_ =	shalt  }
.Lfunc_end2:
_tile_overlayer_lowered:
.L_overlay_start_2:
0x99: {  	(tag) =	ssettag $0x2  }
0x9a: {  	s0 =	rddreg [dreg:$0x0];
	s2 =	stileid.u32  }
0x9b: {  	s1 =	rddreg [dreg:$0x1];
	p0 =	sne.s32 s2, $0x0  }
0x9c: {  	s3 =	rddreg [dreg:$0x2];
	[bflag:$0x3] =	sbarrier.arrive $0xFFFF;
	s2 =	simm.s32 @!p0 $0x1C03  }
0x9d: {  	[timem:s3], [sflag:s2] =	dma.local @!p0 [hbm:s0], s1  }
0x9e: {  	s0 =	simm.s32 @!p0 $0x3  }
0x9f: {  	_ =	swait.ge @!p0 [sflag:s0], s1  }
0xa0: {  	s1 =	ssub.s32 @!p0 $0x0, s1;
	[sflag:s0] =	ssyncset.done @!p0 $0x0  }
0xa1: {  	[sflag:s0] =	ssyncadd.s32 @!p0 s1  }
0xa2: {  	[bflag:$0x3] =	sbarrier.arrive $0xFFFF  }
0xa3: {  	_ =	shalt  }

</sc_bundles>
